<compile_context>
chip_gen: v7x
topology: tpu7x:2x2x1
jax: 0.10.2.dev20260603
libtpu: 0.0.44.dev20260713+nightly
codegen_flags: <defaults>
</compile_context>

<pallas_src>
import jax
import jax.numpy as jnp
from jax import lax
from jax.experimental import pallas as pl
from jax.experimental.pallas import tpu as pltpu
from jax.experimental.pallas import tpu_sc as plsc

N, E, D, H, G = 10000, 320000, 128, 128, 64

NC, NS = 2, 16
NW = NC * NS
E_PER = E // NW
K = 125
CHUNKS = E_PER // K
N_PAD = 10240
ROWS_PER_TILE = N_PAD // NS
IDXB = 16
NGROUPS = CHUNKS // IDXB
DEPTH = 2
ZB = 40

_MESH = plsc.VectorSubcoreMesh(core_axis_name="c", subcore_axis_name="s")


def _make_sc_aggregate():

    def body(x_hbm, src_hbm, dst_hbm, zrow_hbm, aggr_out,
             sidx, didx, bufs, gsems, ssems, aggr_sh):
        c = lax.axis_index("c")
        s = lax.axis_index("s")
        wid = s * NC + c
        row0 = s * ROWS_PER_TILE
        stage = bufs.at[0, pl.ds(0, ZB)]

        pltpu.sync_copy(zrow_hbm, stage)

        @pl.loop(0, ROWS_PER_TILE // ZB)
        def _zero(i):
            pltpu.sync_copy(stage, aggr_sh.at[pl.ds(row0 + i * ZB, ZB)])

        plsc.subcore_barrier()

        @pl.loop(0, NGROUPS)
        def _group(g):
            pltpu.sync_copy(src_hbm.at[wid, g], sidx)
            pltpu.sync_copy(dst_hbm.at[wid, g], didx)

            @pl.loop(0, IDXB // DEPTH)
            def _round(p):
                j = p * DEPTH
                gathers = [
                    pltpu.async_copy(x_hbm.at[sidx.at[j + i]],
                                     bufs.at[i], gsems.at[i])
                    for i in range(DEPTH)
                ]
                scatters = []
                for i in range(DEPTH):
                    gathers[i].wait()
                    scatters.append(
                        pltpu.async_copy(bufs.at[i],
                                         aggr_sh.at[didx.at[j + i]],
                                         ssems.at[i], add=True))
                for cp in scatters:
                    cp.wait()

        plsc.subcore_barrier()

        @pl.loop(0, ROWS_PER_TILE // ZB)
        def _writeout(i):
            r0 = row0 + i * ZB
            pltpu.sync_copy(aggr_sh.at[pl.ds(r0, ZB)], stage)
            pltpu.sync_copy(stage, aggr_out.at[c, pl.ds(r0, ZB)])

    return pl.kernel(
        body,
        out_type=jax.ShapeDtypeStruct((NC, N_PAD, D), jnp.float32),
        mesh=_MESH,
        scratch_types=[pltpu.VMEM((IDXB, K), jnp.int32),
                       pltpu.VMEM((IDXB, K), jnp.int32),
                       pltpu.VMEM((DEPTH, K, D), jnp.float32),
                       pltpu.SemaphoreType.DMA((DEPTH,)),
                       pltpu.SemaphoreType.DMA((DEPTH,)),
                       pltpu.VMEM_SHARED((N_PAD, D), jnp.float32)])


def _make_sc_counts():

    def body(dst_hbm, zrow_hbm, ones_hbm, cnt_out,
             didx, ones_v, ssems, cnt_sh):
        c = lax.axis_index("c")
        s = lax.axis_index("s")
        wid = s * NC + c
        row0 = s * ROWS_PER_TILE
        stage = ones_v.at[pl.ds(0, ZB)]

        pltpu.sync_copy(zrow_hbm, stage)

        @pl.loop(0, ROWS_PER_TILE // ZB)
        def _zero(i):
            pltpu.sync_copy(stage, cnt_sh.at[pl.ds(row0 + i * ZB, ZB)])

        pltpu.sync_copy(ones_hbm, ones_v)
        plsc.subcore_barrier()

        @pl.loop(0, NGROUPS)
        def _group(g):
            pltpu.sync_copy(dst_hbm.at[wid, g], didx)

            @pl.loop(0, IDXB // DEPTH)
            def _round(p):
                j = p * DEPTH
                scatters = [
                    pltpu.async_copy(ones_v, cnt_sh.at[didx.at[j + i]],
                                     ssems.at[i], add=True)
                    for i in range(DEPTH)
                ]
                for cp in scatters:
                    cp.wait()

        plsc.subcore_barrier()

        @pl.loop(0, ROWS_PER_TILE // ZB)
        def _writeout(i):
            r0 = row0 + i * ZB
            pltpu.sync_copy(cnt_sh.at[pl.ds(r0, ZB)], stage)
            pltpu.sync_copy(stage, cnt_out.at[c, pl.ds(r0, ZB)])

    return pl.kernel(
        body,
        out_type=jax.ShapeDtypeStruct((NC, N_PAD, D), jnp.float32),
        mesh=_MESH,
        scratch_types=[pltpu.VMEM((IDXB, K), jnp.int32),
                       pltpu.VMEM((K, D), jnp.float32),
                       pltpu.SemaphoreType.DMA((DEPTH,)),
                       pltpu.VMEM_SHARED((N_PAD, D), jnp.float32)])


BLK = 1000


def _layer_body(x_ref, agg_ref, cnt_ref, wl_ref, wr_ref, bl_ref, o_ref):
    a = agg_ref[0] + agg_ref[1]
    cs = cnt_ref[0, :, 0:1] + cnt_ref[1, :, 0:1]
    rc = 1.0 / jnp.maximum(cs, 1.0)
    mean = a * rc
    h = (jnp.dot(mean, wl_ref[...], preferred_element_type=jnp.float32)
         + jnp.dot(x_ref[...], wr_ref[...], preferred_element_type=jnp.float32)
         + bl_ref[...])
    o_ref[...] = jnp.where(h >= 0, h, 0.1 * h)


_tc_layer = pl.pallas_call(
    _layer_body,
    grid=(N // BLK,),
    in_specs=[
        pl.BlockSpec((BLK, D), lambda i: (i, 0)),
        pl.BlockSpec((NC, BLK, D), lambda i: (0, i, 0)),
        pl.BlockSpec((NC, BLK, D), lambda i: (0, i, 0)),
        pl.BlockSpec((D, H), lambda i: (0, 0)),
        pl.BlockSpec((D, H), lambda i: (0, 0)),
        pl.BlockSpec((1, H), lambda i: (0, 0)),
    ],
    out_specs=pl.BlockSpec((BLK, H), lambda i: (i, 0)),
    out_shape=jax.ShapeDtypeStruct((N, H), jnp.float32),
)


def _pool_body(x_ref, b_ref, wo_ref, bo_ref, o_ref):
    bt = jnp.broadcast_to(b_ref[...], (G, N))
    gids = lax.broadcasted_iota(jnp.int32, (G, N), 0).astype(jnp.float32)
    mask = (bt == gids).astype(jnp.float32)
    pooled = jnp.dot(mask, x_ref[...], preferred_element_type=jnp.float32)
    cnt = jnp.sum(mask, axis=1, keepdims=True)
    pooled = pooled / jnp.maximum(cnt, 1.0)
    o_ref[...] = (jnp.dot(pooled, wo_ref[...],
                          preferred_element_type=jnp.float32) + bo_ref[...])


_tc_pool = pl.pallas_call(
    _pool_body,
    out_shape=jax.ShapeDtypeStruct((G, H), jnp.float32),
)


def kernel(node_features, edge_index, batch,
           W_l0, b_l0, W_r0, W_l1, b_l1, W_r1, W_l2, b_l2, W_r2,
           W_out, b_out):
    src = edge_index[0].reshape(NW, NGROUPS, IDXB, K)
    dst = edge_index[1].reshape(NW, NGROUPS, IDXB, K)
    zrow = jnp.zeros((ZB, D), jnp.float32)
    ones = jnp.ones((K, D), jnp.float32)

    sc_aggr = _make_sc_aggregate()
    sc_cnt = _make_sc_counts()

    x = node_features
    cnt = sc_cnt(dst, zrow, ones)
    aggr = sc_aggr(x, src, dst, zrow)
    x = _tc_layer(x, aggr, cnt, W_l0.T, W_r0.T, b_l0.reshape(1, H))
    aggr = sc_aggr(x, src, dst, zrow)
    x = _tc_layer(x, aggr, cnt, W_l1.T, W_r1.T, b_l1.reshape(1, H))
    aggr = sc_aggr(x, src, dst, zrow)
    x = _tc_layer(x, aggr, cnt, W_l2.T, W_r2.T, b_l2.reshape(1, H))

    wo = jnp.zeros((H, H), jnp.float32).at[:, 0].set(W_out[0])
    bo = jnp.broadcast_to(b_out[None, :], (1, H))
    out = _tc_pool(x, batch.astype(jnp.float32).reshape(1, N), wo, bo)
    return out[:, 0]

# --- scband reference (transcript-rebuilt; emitter-appended) ---
"""Pipeline reference for scband-anticipatory-gnn-67808943669808 (READ-ONLY COPY).

The authoritative reference and input builder live on the scoring server;
editing this copy changes nothing except your own understanding.
"""

import jax, jax.numpy as jnp
import numpy as np

N, E, D, H, G = 10000, 320000, 128, 128, 64


def _linear_init(key, out_dim, in_dim):
    bound = 1.0 / np.sqrt(in_dim)
    return jax.random.uniform(key, (out_dim, in_dim), dtype=jnp.float32, minval=-bound, maxval=bound)


def setup_inputs(seed: int = 0) -> dict:
    key = jax.random.key(seed)
    ks = jax.random.split(key, 16)
    inp = {}
    inp['node_features'] = jax.random.normal(ks[0], (N, D), dtype=jnp.float32)
    inp['edge_index'] = jax.random.randint(ks[1], (2, E), 0, N, dtype=jnp.int32)
    inp['batch'] = jnp.sort(jax.random.randint(ks[2], (N,), 0, G, dtype=jnp.int32))
    dims = [D, H, H, H]
    k_idx = 3
    for i in range(3):
        in_dim, out_dim = dims[i], dims[i + 1]
        inp[f'W_l{i}'] = _linear_init(ks[k_idx], out_dim, in_dim); k_idx += 1
        inp[f'b_l{i}'] = jnp.zeros((out_dim,), dtype=jnp.float32)
        inp[f'W_r{i}'] = _linear_init(ks[k_idx], out_dim, in_dim); k_idx += 1
    inp['W_out'] = _linear_init(ks[k_idx], 1, H); k_idx += 1
    bound = 1.0 / np.sqrt(H)
    inp['b_out'] = jax.random.uniform(ks[k_idx], (1,), dtype=jnp.float32, minval=-bound, maxval=bound)
    return inp


def _leaky_relu(x):
    return jnp.where(x >= 0, x, 0.1 * x)


def _sage_conv(x, edge_index, W_l, b_l, W_r):
    # PyG SAGEConv (aggr='mean'): out = lin_l(mean_{j in N(i)} x_j) + lin_r(x_i)
    src, dst = edge_index[0], edge_index[1]
    n = x.shape[0]
    msg = x[src]  # gather
    aggr = jax.ops.segment_sum(msg, dst, num_segments=n)  # scatter-add
    cnt = jax.ops.segment_sum(jnp.ones((msg.shape[0], 1), dtype=x.dtype), dst, num_segments=n)
    mean = aggr / jnp.clip(cnt, 1.0, None)
    return mean @ W_l.T + b_l + x @ W_r.T


def reference(node_features, edge_index, batch, W_l0, b_l0, W_r0, W_l1, b_l1, W_r1, W_l2, b_l2, W_r2, W_out, b_out):
    x = node_features
    for (Wl, bl, Wr) in ((W_l0, b_l0, W_r0), (W_l1, b_l1, W_r1), (W_l2, b_l2, W_r2)):
        x = _leaky_relu(_sage_conv(x, edge_index, Wl, bl, Wr))
    num_graphs = G
    pooled = jax.ops.segment_sum(x, batch, num_segments=num_graphs)
    counts = jax.ops.segment_sum(jnp.ones((batch.shape[0], 1), dtype=x.dtype), batch, num_segments=num_graphs)
    pooled = pooled / jnp.clip(counts, 1.0, None)
    out = pooled @ W_out.T + b_out
    return out.squeeze(-1)

if __name__ == "__main__":
    import jax
    _d = setup_inputs()
    print(jax.jit(kernel)(*tuple(_d.values())))

</pallas_src>

<mosaic_0001>
#map = affine_map<(d0, d1) -> (0, 0)>
#map1 = affine_map<(d0, d1) -> (0, 0, 0, 0)>
#map2 = affine_map<(d0, d1) -> (0, 0, 0)>
module attributes {stable_mosaic.version = 14 : i64} {
  func.func @body(%arg0: i32, %arg1: i32, %arg2: memref<10000x128xf32, #tpu.memory_space<hbm>>, %arg3: memref<32x5x16x125xi32, #tpu.memory_space<hbm>>, %arg4: memref<32x5x16x125xi32, #tpu.memory_space<hbm>>, %arg5: memref<40x128xf32, #tpu.memory_space<hbm>>, %arg6: memref<2x10240x128xf32, #tpu.memory_space<hbm>>, %arg7: memref<16x125xi32, #tpu.memory_space<vmem>>, %arg8: memref<16x125xi32, #tpu.memory_space<vmem>>, %arg9: memref<2x125x128xf32, #tpu.memory_space<vmem>>, %arg10: memref<2x!tpu.dma_semaphore, #tpu.memory_space<semaphore_mem>>, %arg11: memref<2x!tpu.dma_semaphore, #tpu.memory_space<semaphore_mem>>, %arg12: memref<10240x128xf32, #tpu.memory_space<vmem_shared>>) attributes {dimension_semantics = [#tpu.dimension_semantics<core_parallel>, #tpu.dimension_semantics<subcore_parallel>], iteration_bounds = array<i64: 2, 16>, scalar_prefetch = 0 : i64, scratch_operands = 6 : i64, tpu.core_type = #tpu.core_type<sc_vector_subcore>, window_params = [{transform_indices = #map}, {transform_indices = #map1}, {transform_indices = #map1}, {transform_indices = #map}, {transform_indices = #map2}]} {
    %mul3A = arith.constant 2 : i32
    %mul3A_0 = arith.muli %arg1, %mul3A : i32
    %add3A = arith.addi %mul3A_0, %arg0 : i32
    %mul3A_1 = arith.constant 640 : i32
    %mul3A_2 = arith.muli %arg1, %mul3A_1 : i32
    %run_scoped3A = arith.constant 0 : i32
    "tpu.region"() ({
      %run_scoped3A_20 = tpu.sem_alloc : memref<!tpu.dma_semaphore, #tpu.memory_space<semaphore_mem>>
      %dma_start3A = arith.constant 0 : i32
      %dma_start3A_21 = arith.constant 0 : i32
      %dma_start3A_22 = tpu.memref_slice %arg9[%run_scoped3A, %dma_start3A, %dma_start3A_21] : memref<2x125x128xf32, #tpu.memory_space<vmem>> -> memref<1x40x128xf32, #tpu.memory_space<vmem>>
      %dma_start3A_23 = tpu.memref_squeeze %dma_start3A_22 : memref<1x40x128xf32, #tpu.memory_space<vmem>> -> memref<40x128xf32, #tpu.memory_space<vmem>>
      %dma_start3A_24 = arith.constant 0 : i32
      %dma_start3A_25 = arith.constant 0 : i32
      %dma_start3A_26 = tpu.memref_slice %arg9[%run_scoped3A, %dma_start3A_24, %dma_start3A_25] : memref<2x125x128xf32, #tpu.memory_space<vmem>> -> memref<1x40x128xf32, #tpu.memory_space<vmem>>
      %dma_start3A_27 = tpu.memref_squeeze %dma_start3A_26 : memref<1x40x128xf32, #tpu.memory_space<vmem>> -> memref<40x128xf32, #tpu.memory_space<vmem>>
      tpu.enqueue_dma source(%arg5 : memref<40x128xf32, #tpu.memory_space<hbm>>) target(%dma_start3A_27 : memref<40x128xf32, #tpu.memory_space<vmem>>) target_semaphore(%run_scoped3A_20 : memref<!tpu.dma_semaphore, #tpu.memory_space<semaphore_mem>>)
      %dma_wait3A = arith.constant 0 : i32
      %dma_wait3A_28 = arith.constant 0 : i32
      %dma_wait3A_29 = tpu.memref_slice %arg9[%run_scoped3A, %dma_wait3A, %dma_wait3A_28] : memref<2x125x128xf32, #tpu.memory_space<vmem>> -> memref<1x40x128xf32, #tpu.memory_space<vmem>>
      %dma_wait3A_30 = tpu.memref_squeeze %dma_wait3A_29 : memref<1x40x128xf32, #tpu.memory_space<vmem>> -> memref<40x128xf32, #tpu.memory_space<vmem>>
      %dma_wait3A_31 = arith.constant 0 : i32
      %dma_wait3A_32 = arith.constant 0 : i32
      %dma_wait3A_33 = tpu.memref_slice %arg9[%run_scoped3A, %dma_wait3A_31, %dma_wait3A_32] : memref<2x125x128xf32, #tpu.memory_space<vmem>> -> memref<1x40x128xf32, #tpu.memory_space<vmem>>
      %dma_wait3A_34 = tpu.memref_squeeze %dma_wait3A_33 : memref<1x40x128xf32, #tpu.memory_space<vmem>> -> memref<40x128xf32, #tpu.memory_space<vmem>>
      tpu.wait_dma2 semaphore(%run_scoped3A_20 : memref<!tpu.dma_semaphore, #tpu.memory_space<semaphore_mem>>) src(%arg5 : memref<40x128xf32, #tpu.memory_space<hbm>>) dst(%dma_wait3A_34 : memref<40x128xf32, #tpu.memory_space<vmem>>)
      tpu.yield
    }) : () -> ()
    %scan3A = arith.constant 0 : i32
    %scan3A_3 = arith.constant 0 : i32
    %scan3A_4 = arith.constant 16 : i32
    %scan3A_5 = arith.addi %scan3A_3, %scan3A_4 : i32
    %scan3A_6 = arith.constant 1 : i32
    scf.for %scan3A_20 = %scan3A_3 to %scan3A_5 step %scan3A_6  : i32 {
      %mul3A_21 = arith.constant 1 : i32
      %mul3A_22 = arith.muli %scan3A_20, %mul3A_21 : i32
      %add3A_23 = arith.constant 0 : i32
      %add3A_24 = arith.addi %add3A_23, %mul3A_22 : i32
      %mul3A_25 = arith.constant 40 : i32
      %mul3A_26 = arith.muli %add3A_24, %mul3A_25 : i32
      %add3A_27 = arith.addi %mul3A_2, %mul3A_26 : i32
      "tpu.region"() ({
        %run_scoped3A_28 = tpu.sem_alloc : memref<!tpu.dma_semaphore, #tpu.memory_space<semaphore_mem>>
        %dma_start3A = arith.constant 0 : i32
        %dma_start3A_29 = arith.constant 0 : i32
        %dma_start3A_30 = tpu.memref_slice %arg9[%scan3A, %dma_start3A, %dma_start3A_29] : memref<2x125x128xf32, #tpu.memory_space<vmem>> -> memref<1x40x128xf32, #tpu.memory_space<vmem>>
        %dma_start3A_31 = tpu.memref_squeeze %dma_start3A_30 : memref<1x40x128xf32, #tpu.memory_space<vmem>> -> memref<40x128xf32, #tpu.memory_space<vmem>>
        %dma_start3A_32 = arith.constant 0 : i32
        %dma_start3A_33 = tpu.memref_slice %arg12[%add3A_27, %dma_start3A_32] : memref<10240x128xf32, #tpu.memory_space<vmem_shared>> -> memref<40x128xf32, #tpu.memory_space<vmem_shared>>
        %dma_start3A_34 = arith.constant 0 : i32
        %dma_start3A_35 = tpu.memref_slice %arg12[%add3A_27, %dma_start3A_34] : memref<10240x128xf32, #tpu.memory_space<vmem_shared>> -> memref<40x128xf32, #tpu.memory_space<vmem_shared>>
        %dma_start3A_36 = arith.constant 0 : i32
        %dma_start3A_37 = arith.constant 0 : i32
        %dma_start3A_38 = tpu.memref_slice %arg9[%scan3A, %dma_start3A_36, %dma_start3A_37] : memref<2x125x128xf32, #tpu.memory_space<vmem>> -> memref<1x40x128xf32, #tpu.memory_space<vmem>>
        %dma_start3A_39 = tpu.memref_squeeze %dma_start3A_38 : memref<1x40x128xf32, #tpu.memory_space<vmem>> -> memref<40x128xf32, #tpu.memory_space<vmem>>
        tpu.enqueue_dma source(%dma_start3A_39 : memref<40x128xf32, #tpu.memory_space<vmem>>) target(%dma_start3A_35 : memref<40x128xf32, #tpu.memory_space<vmem_shared>>) target_semaphore(%run_scoped3A_28 : memref<!tpu.dma_semaphore, #tpu.memory_space<semaphore_mem>>)
        %dma_wait3A = arith.constant 0 : i32
        %dma_wait3A_40 = arith.constant 0 : i32
        %dma_wait3A_41 = tpu.memref_slice %arg9[%scan3A, %dma_wait3A, %dma_wait3A_40] : memref<2x125x128xf32, #tpu.memory_space<vmem>> -> memref<1x40x128xf32, #tpu.memory_space<vmem>>
        %dma_wait3A_42 = tpu.memref_squeeze %dma_wait3A_41 : memref<1x40x128xf32, #tpu.memory_space<vmem>> -> memref<40x128xf32, #tpu.memory_space<vmem>>
        %dma_wait3A_43 = arith.constant 0 : i32
        %dma_wait3A_44 = tpu.memref_slice %arg12[%add3A_27, %dma_wait3A_43] : memref<10240x128xf32, #tpu.memory_space<vmem_shared>> -> memref<40x128xf32, #tpu.memory_space<vmem_shared>>
        %dma_wait3A_45 = arith.constant 0 : i32
        %dma_wait3A_46 = tpu.memref_slice %arg12[%add3A_27, %dma_wait3A_45] : memref<10240x128xf32, #tpu.memory_space<vmem_shared>> -> memref<40x128xf32, #tpu.memory_space<vmem_shared>>
        %dma_wait3A_47 = arith.constant 0 : i32
        %dma_wait3A_48 = arith.constant 0 : i32
        %dma_wait3A_49 = tpu.memref_slice %arg9[%scan3A, %dma_wait3A_47, %dma_wait3A_48] : memref<2x125x128xf32, #tpu.memory_space<vmem>> -> memref<1x40x128xf32, #tpu.memory_space<vmem>>
        %dma_wait3A_50 = tpu.memref_squeeze %dma_wait3A_49 : memref<1x40x128xf32, #tpu.memory_space<vmem>> -> memref<40x128xf32, #tpu.memory_space<vmem>>
        tpu.wait_dma2 semaphore(%run_scoped3A_28 : memref<!tpu.dma_semaphore, #tpu.memory_space<semaphore_mem>>) src(%dma_wait3A_50 : memref<40x128xf32, #tpu.memory_space<vmem>>) dst(%dma_wait3A_46 : memref<40x128xf32, #tpu.memory_space<vmem_shared>>)
        tpu.yield
      }) : () -> ()
    }
    %scan3A_7 = arith.constant 16 : i32
    %barrier3A = arith.constant 0 : index
    tpu.barrier barrier_id(%barrier3A)
    %scan3A_8 = arith.constant 0 : i32
    %scan3A_9 = arith.constant 5 : i32
    %scan3A_10 = arith.addi %scan3A_8, %scan3A_9 : i32
    %scan3A_11 = arith.constant 1 : i32
    scf.for %scan3A_20 = %scan3A_8 to %scan3A_10 step %scan3A_11  : i32 {
      %mul3A_21 = arith.constant 1 : i32
      %mul3A_22 = arith.muli %scan3A_20, %mul3A_21 : i32
      %add3A_23 = arith.constant 0 : i32
      %add3A_24 = arith.addi %add3A_23, %mul3A_22 : i32
      "tpu.region"() ({
        %run_scoped3A_30 = tpu.sem_alloc : memref<!tpu.dma_semaphore, #tpu.memory_space<semaphore_mem>>
        %dma_start3A = arith.constant 0 : i32
        %dma_start3A_31 = arith.constant 0 : i32
        %dma_start3A_32 = tpu.memref_slice %arg3[%add3A, %add3A_24, %dma_start3A, %dma_start3A_31] : memref<32x5x16x125xi32, #tpu.memory_space<hbm>> -> memref<1x1x16x125xi32, #tpu.memory_space<hbm>>
        %dma_start3A_33 = tpu.memref_squeeze %dma_start3A_32 : memref<1x1x16x125xi32, #tpu.memory_space<hbm>> -> memref<16x125xi32, #tpu.memory_space<hbm>>
        %dma_start3A_34 = arith.constant 0 : i32
        %dma_start3A_35 = arith.constant 0 : i32
        %dma_start3A_36 = tpu.memref_slice %arg3[%add3A, %add3A_24, %dma_start3A_34, %dma_start3A_35] : memref<32x5x16x125xi32, #tpu.memory_space<hbm>> -> memref<1x1x16x125xi32, #tpu.memory_space<hbm>>
        %dma_start3A_37 = tpu.memref_squeeze %dma_start3A_36 : memref<1x1x16x125xi32, #tpu.memory_space<hbm>> -> memref<16x125xi32, #tpu.memory_space<hbm>>
        tpu.enqueue_dma source(%dma_start3A_37 : memref<16x125xi32, #tpu.memory_space<hbm>>) target(%arg7 : memref<16x125xi32, #tpu.memory_space<vmem>>) target_semaphore(%run_scoped3A_30 : memref<!tpu.dma_semaphore, #tpu.memory_space<semaphore_mem>>)
        %dma_wait3A = arith.constant 0 : i32
        %dma_wait3A_38 = arith.constant 0 : i32
        %dma_wait3A_39 = tpu.memref_slice %arg3[%add3A, %add3A_24, %dma_wait3A, %dma_wait3A_38] : memref<32x5x16x125xi32, #tpu.memory_space<hbm>> -> memref<1x1x16x125xi32, #tpu.memory_space<hbm>>
        %dma_wait3A_40 = tpu.memref_squeeze %dma_wait3A_39 : memref<1x1x16x125xi32, #tpu.memory_space<hbm>> -> memref<16x125xi32, #tpu.memory_space<hbm>>
        %dma_wait3A_41 = arith.constant 0 : i32
        %dma_wait3A_42 = arith.constant 0 : i32
        %dma_wait3A_43 = tpu.memref_slice %arg3[%add3A, %add3A_24, %dma_wait3A_41, %dma_wait3A_42] : memref<32x5x16x125xi32, #tpu.memory_space<hbm>> -> memref<1x1x16x125xi32, #tpu.memory_space<hbm>>
        %dma_wait3A_44 = tpu.memref_squeeze %dma_wait3A_43 : memref<1x1x16x125xi32, #tpu.memory_space<hbm>> -> memref<16x125xi32, #tpu.memory_space<hbm>>
        tpu.wait_dma2 semaphore(%run_scoped3A_30 : memref<!tpu.dma_semaphore, #tpu.memory_space<semaphore_mem>>) src(%dma_wait3A_44 : memref<16x125xi32, #tpu.memory_space<hbm>>) dst(%arg7 : memref<16x125xi32, #tpu.memory_space<vmem>>)
        tpu.yield
      }) : () -> ()
      "tpu.region"() ({
        %run_scoped3A_30 = tpu.sem_alloc : memref<!tpu.dma_semaphore, #tpu.memory_space<semaphore_mem>>
        %dma_start3A = arith.constant 0 : i32
        %dma_start3A_31 = arith.constant 0 : i32
        %dma_start3A_32 = tpu.memref_slice %arg4[%add3A, %add3A_24, %dma_start3A, %dma_start3A_31] : memref<32x5x16x125xi32, #tpu.memory_space<hbm>> -> memref<1x1x16x125xi32, #tpu.memory_space<hbm>>
        %dma_start3A_33 = tpu.memref_squeeze %dma_start3A_32 : memref<1x1x16x125xi32, #tpu.memory_space<hbm>> -> memref<16x125xi32, #tpu.memory_space<hbm>>
        %dma_start3A_34 = arith.constant 0 : i32
        %dma_start3A_35 = arith.constant 0 : i32
        %dma_start3A_36 = tpu.memref_slice %arg4[%add3A, %add3A_24, %dma_start3A_34, %dma_start3A_35] : memref<32x5x16x125xi32, #tpu.memory_space<hbm>> -> memref<1x1x16x125xi32, #tpu.memory_space<hbm>>
        %dma_start3A_37 = tpu.memref_squeeze %dma_start3A_36 : memref<1x1x16x125xi32, #tpu.memory_space<hbm>> -> memref<16x125xi32, #tpu.memory_space<hbm>>
        tpu.enqueue_dma source(%dma_start3A_37 : memref<16x125xi32, #tpu.memory_space<hbm>>) target(%arg8 : memref<16x125xi32, #tpu.memory_space<vmem>>) target_semaphore(%run_scoped3A_30 : memref<!tpu.dma_semaphore, #tpu.memory_space<semaphore_mem>>)
        %dma_wait3A = arith.constant 0 : i32
        %dma_wait3A_38 = arith.constant 0 : i32
        %dma_wait3A_39 = tpu.memref_slice %arg4[%add3A, %add3A_24, %dma_wait3A, %dma_wait3A_38] : memref<32x5x16x125xi32, #tpu.memory_space<hbm>> -> memref<1x1x16x125xi32, #tpu.memory_space<hbm>>
        %dma_wait3A_40 = tpu.memref_squeeze %dma_wait3A_39 : memref<1x1x16x125xi32, #tpu.memory_space<hbm>> -> memref<16x125xi32, #tpu.memory_space<hbm>>
        %dma_wait3A_41 = arith.constant 0 : i32
        %dma_wait3A_42 = arith.constant 0 : i32
        %dma_wait3A_43 = tpu.memref_slice %arg4[%add3A, %add3A_24, %dma_wait3A_41, %dma_wait3A_42] : memref<32x5x16x125xi32, #tpu.memory_space<hbm>> -> memref<1x1x16x125xi32, #tpu.memory_space<hbm>>
        %dma_wait3A_44 = tpu.memref_squeeze %dma_wait3A_43 : memref<1x1x16x125xi32, #tpu.memory_space<hbm>> -> memref<16x125xi32, #tpu.memory_space<hbm>>
        tpu.wait_dma2 semaphore(%run_scoped3A_30 : memref<!tpu.dma_semaphore, #tpu.memory_space<semaphore_mem>>) src(%dma_wait3A_44 : memref<16x125xi32, #tpu.memory_space<hbm>>) dst(%arg8 : memref<16x125xi32, #tpu.memory_space<vmem>>)
        tpu.yield
      }) : () -> ()
      %scan3A_25 = arith.constant 0 : i32
      %scan3A_26 = arith.constant 8 : i32
      %scan3A_27 = arith.addi %scan3A_25, %scan3A_26 : i32
      %scan3A_28 = arith.constant 1 : i32
      scf.for %scan3A_30 = %scan3A_25 to %scan3A_27 step %scan3A_28  : i32 {
        %mul3A_31 = arith.constant 1 : i32
        %mul3A_32 = arith.muli %scan3A_30, %mul3A_31 : i32
        %add3A_33 = arith.constant 0 : i32
        %add3A_34 = arith.addi %add3A_33, %mul3A_32 : i32
        %mul3A_35 = arith.constant 2 : i32
        %mul3A_36 = arith.muli %add3A_34, %mul3A_35 : i32
        %add3A_37 = arith.constant 0 : i32
        %add3A_38 = arith.addi %mul3A_36, %add3A_37 : i32
        %dma_start3A = arith.constant 0 : i32
        %dma_start3A_39 = arith.constant 0 : i32
        %dma_start3A_40 = arith.constant 0 : i32
        %dma_start3A_41 = arith.constant 0 : i32
        %dma_start3A_42 = tpu.memref_slice %arg9[%dma_start3A, %dma_start3A_40, %dma_start3A_41] : memref<2x125x128xf32, #tpu.memory_space<vmem>> -> memref<1x125x128xf32, #tpu.memory_space<vmem>>
        %dma_start3A_43 = tpu.memref_squeeze %dma_start3A_42 : memref<1x125x128xf32, #tpu.memory_space<vmem>> -> memref<125x128xf32, #tpu.memory_space<vmem>>
        %dma_start3A_44 = arith.constant 0 : i32
        %dma_start3A_45 = tpu.memref_slice %arg7[%add3A_38, %dma_start3A_44] : memref<16x125xi32, #tpu.memory_space<vmem>> -> memref<1x125xi32, #tpu.memory_space<vmem>>
        %dma_start3A_46 = tpu.memref_squeeze %dma_start3A_45 : memref<1x125xi32, #tpu.memory_space<vmem>> -> memref<125xi32, #tpu.memory_space<vmem>>
        %dma_start3A_47 = arith.constant 0 : i32
        %dma_start3A_48 = arith.constant 0 : i32
        %dma_start3A_49 = tpu.memref_slice %arg2[%dma_start3A_47, %dma_start3A_48] : memref<10000x128xf32, #tpu.memory_space<hbm>> -> memref<10000x128xf32, #tpu.memory_space<hbm>>
        %dma_start3A_50 = tpu.memref_slice %arg10[%dma_start3A_39] : memref<2x!tpu.dma_semaphore, #tpu.memory_space<semaphore_mem>> -> memref<1x!tpu.dma_semaphore, #tpu.memory_space<semaphore_mem>>
        %dma_start3A_51 = tpu.memref_squeeze %dma_start3A_50 : memref<1x!tpu.dma_semaphore, #tpu.memory_space<semaphore_mem>> -> memref<!tpu.dma_semaphore, #tpu.memory_space<semaphore_mem>>
        tpu.enqueue_indirect_dma source(%dma_start3A_49 : memref<10000x128xf32, #tpu.memory_space<hbm>>) target(%dma_start3A_43 : memref<125x128xf32, #tpu.memory_space<vmem>>) offsets(%dma_start3A_46 : memref<125xi32, #tpu.memory_space<vmem>>) semaphore(%dma_start3A_51 : memref<!tpu.dma_semaphore, #tpu.memory_space<semaphore_mem>>)
        %add3A_52 = arith.constant 1 : i32
        %add3A_53 = arith.addi %mul3A_36, %add3A_52 : i32
        %dma_start3A_54 = arith.constant 1 : i32
        %dma_start3A_55 = arith.constant 1 : i32
        %dma_start3A_56 = arith.constant 0 : i32
        %dma_start3A_57 = arith.constant 0 : i32
        %dma_start3A_58 = tpu.memref_slice %arg9[%dma_start3A_54, %dma_start3A_56, %dma_start3A_57] : memref<2x125x128xf32, #tpu.memory_space<vmem>> -> memref<1x125x128xf32, #tpu.memory_space<vmem>>
        %dma_start3A_59 = tpu.memref_squeeze %dma_start3A_58 : memref<1x125x128xf32, #tpu.memory_space<vmem>> -> memref<125x128xf32, #tpu.memory_space<vmem>>
        %dma_start3A_60 = arith.constant 0 : i32
        %dma_start3A_61 = tpu.memref_slice %arg7[%add3A_53, %dma_start3A_60] : memref<16x125xi32, #tpu.memory_space<vmem>> -> memref<1x125xi32, #tpu.memory_space<vmem>>
        %dma_start3A_62 = tpu.memref_squeeze %dma_start3A_61 : memref<1x125xi32, #tpu.memory_space<vmem>> -> memref<125xi32, #tpu.memory_space<vmem>>
        %dma_start3A_63 = arith.constant 0 : i32
        %dma_start3A_64 = arith.constant 0 : i32
        %dma_start3A_65 = tpu.memref_slice %arg2[%dma_start3A_63, %dma_start3A_64] : memref<10000x128xf32, #tpu.memory_space<hbm>> -> memref<10000x128xf32, #tpu.memory_space<hbm>>
        %dma_start3A_66 = tpu.memref_slice %arg10[%dma_start3A_55] : memref<2x!tpu.dma_semaphore, #tpu.memory_space<semaphore_mem>> -> memref<1x!tpu.dma_semaphore, #tpu.memory_space<semaphore_mem>>
        %dma_start3A_67 = tpu.memref_squeeze %dma_start3A_66 : memref<1x!tpu.dma_semaphore, #tpu.memory_space<semaphore_mem>> -> memref<!tpu.dma_semaphore, #tpu.memory_space<semaphore_mem>>
        tpu.enqueue_indirect_dma source(%dma_start3A_65 : memref<10000x128xf32, #tpu.memory_space<hbm>>) target(%dma_start3A_59 : memref<125x128xf32, #tpu.memory_space<vmem>>) offsets(%dma_start3A_62 : memref<125xi32, #tpu.memory_space<vmem>>) semaphore(%dma_start3A_67 : memref<!tpu.dma_semaphore, #tpu.memory_space<semaphore_mem>>)
        %dma_wait3A = arith.constant 0 : i32
        %dma_wait3A_68 = arith.constant 0 : i32
        %dma_wait3A_69 = arith.constant 0 : i32
        %dma_wait3A_70 = arith.constant 0 : i32
        %dma_wait3A_71 = tpu.memref_slice %arg9[%dma_wait3A, %dma_wait3A_69, %dma_wait3A_70] : memref<2x125x128xf32, #tpu.memory_space<vmem>> -> memref<1x125x128xf32, #tpu.memory_space<vmem>>
        %dma_wait3A_72 = tpu.memref_squeeze %dma_wait3A_71 : memref<1x125x128xf32, #tpu.memory_space<vmem>> -> memref<125x128xf32, #tpu.memory_space<vmem>>
        %dma_wait3A_73 = arith.constant 0 : i32
        %dma_wait3A_74 = tpu.memref_slice %arg7[%add3A_38, %dma_wait3A_73] : memref<16x125xi32, #tpu.memory_space<vmem>> -> memref<1x125xi32, #tpu.memory_space<vmem>>
        %dma_wait3A_75 = tpu.memref_squeeze %dma_wait3A_74 : memref<1x125xi32, #tpu.memory_space<vmem>> -> memref<125xi32, #tpu.memory_space<vmem>>
        %dma_wait3A_76 = arith.constant 0 : i32
        %dma_wait3A_77 = arith.constant 0 : i32
        %dma_wait3A_78 = tpu.memref_slice %arg2[%dma_wait3A_76, %dma_wait3A_77] : memref<10000x128xf32, #tpu.memory_space<hbm>> -> memref<10000x128xf32, #tpu.memory_space<hbm>>
        %dma_wait3A_79 = tpu.memref_slice %arg10[%dma_wait3A_68] : memref<2x!tpu.dma_semaphore, #tpu.memory_space<semaphore_mem>> -> memref<1x!tpu.dma_semaphore, #tpu.memory_space<semaphore_mem>>
        %dma_wait3A_80 = tpu.memref_squeeze %dma_wait3A_79 : memref<1x!tpu.dma_semaphore, #tpu.memory_space<semaphore_mem>> -> memref<!tpu.dma_semaphore, #tpu.memory_space<semaphore_mem>>
        tpu.wait_indirect_dma semaphore(%dma_wait3A_80 : memref<!tpu.dma_semaphore, #tpu.memory_space<semaphore_mem>>) src(%dma_wait3A_78 : memref<10000x128xf32, #tpu.memory_space<hbm>>) dst(%dma_wait3A_72 : memref<125x128xf32, #tpu.memory_space<vmem>>)
        %add3A_81 = arith.constant 0 : i32
        %add3A_82 = arith.addi %mul3A_36, %add3A_81 : i32
        %dma_start3A_83 = arith.constant 0 : i32
        %dma_start3A_84 = arith.constant 0 : i32
        %dma_start3A_85 = arith.constant 0 : i32
        %dma_start3A_86 = arith.constant 0 : i32
        %dma_start3A_87 = tpu.memref_slice %arg9[%dma_start3A_83, %dma_start3A_85, %dma_start3A_86] : memref<2x125x128xf32, #tpu.memory_space<vmem>> -> memref<1x125x128xf32, #tpu.memory_space<vmem>>
        %dma_start3A_88 = tpu.memref_squeeze %dma_start3A_87 : memref<1x125x128xf32, #tpu.memory_space<vmem>> -> memref<125x128xf32, #tpu.memory_space<vmem>>
        %dma_start3A_89 = arith.constant 0 : i32
        %dma_start3A_90 = tpu.memref_slice %arg8[%add3A_82, %dma_start3A_89] : memref<16x125xi32, #tpu.memory_space<vmem>> -> memref<1x125xi32, #tpu.memory_space<vmem>>
        %dma_start3A_91 = tpu.memref_squeeze %dma_start3A_90 : memref<1x125xi32, #tpu.memory_space<vmem>> -> memref<125xi32, #tpu.memory_space<vmem>>
        %dma_start3A_92 = arith.constant 0 : i32
        %dma_start3A_93 = arith.constant 0 : i32
        %dma_start3A_94 = tpu.memref_slice %arg12[%dma_start3A_92, %dma_start3A_93] : memref<10240x128xf32, #tpu.memory_space<vmem_shared>> -> memref<10240x128xf32, #tpu.memory_space<vmem_shared>>
        %dma_start3A_95 = tpu.memref_slice %arg11[%dma_start3A_84] : memref<2x!tpu.dma_semaphore, #tpu.memory_space<semaphore_mem>> -> memref<1x!tpu.dma_semaphore, #tpu.memory_space<semaphore_mem>>
        %dma_start3A_96 = tpu.memref_squeeze %dma_start3A_95 : memref<1x!tpu.dma_semaphore, #tpu.memory_space<semaphore_mem>> -> memref<!tpu.dma_semaphore, #tpu.memory_space<semaphore_mem>>
        tpu.enqueue_indirect_dma source(%dma_start3A_88 : memref<125x128xf32, #tpu.memory_space<vmem>>) target(%dma_start3A_94 : memref<10240x128xf32, #tpu.memory_space<vmem_shared>>) offsets(%dma_start3A_91 : memref<125xi32, #tpu.memory_space<vmem>>) semaphore(%dma_start3A_96 : memref<!tpu.dma_semaphore, #tpu.memory_space<semaphore_mem>>) {add = true}
        %dma_wait3A_97 = arith.constant 1 : i32
        %dma_wait3A_98 = arith.constant 1 : i32
        %dma_wait3A_99 = arith.constant 0 : i32
        %dma_wait3A_100 = arith.constant 0 : i32
        %dma_wait3A_101 = tpu.memref_slice %arg9[%dma_wait3A_97, %dma_wait3A_99, %dma_wait3A_100] : memref<2x125x128xf32, #tpu.memory_space<vmem>> -> memref<1x125x128xf32, #tpu.memory_space<vmem>>
        %dma_wait3A_102 = tpu.memref_squeeze %dma_wait3A_101 : memref<1x125x128xf32, #tpu.memory_space<vmem>> -> memref<125x128xf32, #tpu.memory_space<vmem>>
        %dma_wait3A_103 = arith.constant 0 : i32
        %dma_wait3A_104 = tpu.memref_slice %arg7[%add3A_53, %dma_wait3A_103] : memref<16x125xi32, #tpu.memory_space<vmem>> -> memref<1x125xi32, #tpu.memory_space<vmem>>
        %dma_wait3A_105 = tpu.memref_squeeze %dma_wait3A_104 : memref<1x125xi32, #tpu.memory_space<vmem>> -> memref<125xi32, #tpu.memory_space<vmem>>
        %dma_wait3A_106 = arith.constant 0 : i32
        %dma_wait3A_107 = arith.constant 0 : i32
        %dma_wait3A_108 = tpu.memref_slice %arg2[%dma_wait3A_106, %dma_wait3A_107] : memref<10000x128xf32, #tpu.memory_space<hbm>> -> memref<10000x128xf32, #tpu.memory_space<hbm>>
        %dma_wait3A_109 = tpu.memref_slice %arg10[%dma_wait3A_98] : memref<2x!tpu.dma_semaphore, #tpu.memory_space<semaphore_mem>> -> memref<1x!tpu.dma_semaphore, #tpu.memory_space<semaphore_mem>>
        %dma_wait3A_110 = tpu.memref_squeeze %dma_wait3A_109 : memref<1x!tpu.dma_semaphore, #tpu.memory_space<semaphore_mem>> -> memref<!tpu.dma_semaphore, #tpu.memory_space<semaphore_mem>>
        tpu.wait_indirect_dma semaphore(%dma_wait3A_110 : memref<!tpu.dma_semaphore, #tpu.memory_space<semaphore_mem>>) src(%dma_wait3A_108 : memref<10000x128xf32, #tpu.memory_space<hbm>>) dst(%dma_wait3A_102 : memref<125x128xf32, #tpu.memory_space<vmem>>)
        %add3A_111 = arith.constant 1 : i32
        %add3A_112 = arith.addi %mul3A_36, %add3A_111 : i32
        %dma_start3A_113 = arith.constant 1 : i32
        %dma_start3A_114 = arith.constant 1 : i32
        %dma_start3A_115 = arith.constant 0 : i32
        %dma_start3A_116 = arith.constant 0 : i32
        %dma_start3A_117 = tpu.memref_slice %arg9[%dma_start3A_113, %dma_start3A_115, %dma_start3A_116] : memref<2x125x128xf32, #tpu.memory_space<vmem>> -> memref<1x125x128xf32, #tpu.memory_space<vmem>>
        %dma_start3A_118 = tpu.memref_squeeze %dma_start3A_117 : memref<1x125x128xf32, #tpu.memory_space<vmem>> -> memref<125x128xf32, #tpu.memory_space<vmem>>
        %dma_start3A_119 = arith.constant 0 : i32
        %dma_start3A_120 = tpu.memref_slice %arg8[%add3A_112, %dma_start3A_119] : memref<16x125xi32, #tpu.memory_space<vmem>> -> memref<1x125xi32, #tpu.memory_space<vmem>>
        %dma_start3A_121 = tpu.memref_squeeze %dma_start3A_120 : memref<1x125xi32, #tpu.memory_space<vmem>> -> memref<125xi32, #tpu.memory_space<vmem>>
        %dma_start3A_122 = arith.constant 0 : i32
        %dma_start3A_123 = arith.constant 0 : i32
        %dma_start3A_124 = tpu.memref_slice %arg12[%dma_start3A_122, %dma_start3A_123] : memref<10240x128xf32, #tpu.memory_space<vmem_shared>> -> memref<10240x128xf32, #tpu.memory_space<vmem_shared>>
        %dma_start3A_125 = tpu.memref_slice %arg11[%dma_start3A_114] : memref<2x!tpu.dma_semaphore, #tpu.memory_space<semaphore_mem>> -> memref<1x!tpu.dma_semaphore, #tpu.memory_space<semaphore_mem>>
        %dma_start3A_126 = tpu.memref_squeeze %dma_start3A_125 : memref<1x!tpu.dma_semaphore, #tpu.memory_space<semaphore_mem>> -> memref<!tpu.dma_semaphore, #tpu.memory_space<semaphore_mem>>
        tpu.enqueue_indirect_dma source(%dma_start3A_118 : memref<125x128xf32, #tpu.memory_space<vmem>>) target(%dma_start3A_124 : memref<10240x128xf32, #tpu.memory_space<vmem_shared>>) offsets(%dma_start3A_121 : memref<125xi32, #tpu.memory_space<vmem>>) semaphore(%dma_start3A_126 : memref<!tpu.dma_semaphore, #tpu.memory_space<semaphore_mem>>) {add = true}
        %dma_wait3A_127 = arith.constant 0 : i32
        %dma_wait3A_128 = arith.constant 0 : i32
        %dma_wait3A_129 = arith.constant 0 : i32
        %dma_wait3A_130 = arith.constant 0 : i32
        %dma_wait3A_131 = tpu.memref_slice %arg9[%dma_wait3A_127, %dma_wait3A_129, %dma_wait3A_130] : memref<2x125x128xf32, #tpu.memory_space<vmem>> -> memref<1x125x128xf32, #tpu.memory_space<vmem>>
        %dma_wait3A_132 = tpu.memref_squeeze %dma_wait3A_131 : memref<1x125x128xf32, #tpu.memory_space<vmem>> -> memref<125x128xf32, #tpu.memory_space<vmem>>
        %dma_wait3A_133 = arith.constant 0 : i32
        %dma_wait3A_134 = tpu.memref_slice %arg8[%add3A_82, %dma_wait3A_133] : memref<16x125xi32, #tpu.memory_space<vmem>> -> memref<1x125xi32, #tpu.memory_space<vmem>>
        %dma_wait3A_135 = tpu.memref_squeeze %dma_wait3A_134 : memref<1x125xi32, #tpu.memory_space<vmem>> -> memref<125xi32, #tpu.memory_space<vmem>>
        %dma_wait3A_136 = arith.constant 0 : i32
        %dma_wait3A_137 = arith.constant 0 : i32
        %dma_wait3A_138 = tpu.memref_slice %arg12[%dma_wait3A_136, %dma_wait3A_137] : memref<10240x128xf32, #tpu.memory_space<vmem_shared>> -> memref<10240x128xf32, #tpu.memory_space<vmem_shared>>
        %dma_wait3A_139 = tpu.memref_slice %arg11[%dma_wait3A_128] : memref<2x!tpu.dma_semaphore, #tpu.memory_space<semaphore_mem>> -> memref<1x!tpu.dma_semaphore, #tpu.memory_space<semaphore_mem>>
        %dma_wait3A_140 = tpu.memref_squeeze %dma_wait3A_139 : memref<1x!tpu.dma_semaphore, #tpu.memory_space<semaphore_mem>> -> memref<!tpu.dma_semaphore, #tpu.memory_space<semaphore_mem>>
        tpu.wait_indirect_dma semaphore(%dma_wait3A_140 : memref<!tpu.dma_semaphore, #tpu.memory_space<semaphore_mem>>) src(%dma_wait3A_132 : memref<125x128xf32, #tpu.memory_space<vmem>>) dst(%dma_wait3A_138 : memref<10240x128xf32, #tpu.memory_space<vmem_shared>>)
        %dma_wait3A_141 = arith.constant 1 : i32
        %dma_wait3A_142 = arith.constant 1 : i32
        %dma_wait3A_143 = arith.constant 0 : i32
        %dma_wait3A_144 = arith.constant 0 : i32
        %dma_wait3A_145 = tpu.memref_slice %arg9[%dma_wait3A_141, %dma_wait3A_143, %dma_wait3A_144] : memref<2x125x128xf32, #tpu.memory_space<vmem>> -> memref<1x125x128xf32, #tpu.memory_space<vmem>>
        %dma_wait3A_146 = tpu.memref_squeeze %dma_wait3A_145 : memref<1x125x128xf32, #tpu.memory_space<vmem>> -> memref<125x128xf32, #tpu.memory_space<vmem>>
        %dma_wait3A_147 = arith.constant 0 : i32
        %dma_wait3A_148 = tpu.memref_slice %arg8[%add3A_112, %dma_wait3A_147] : memref<16x125xi32, #tpu.memory_space<vmem>> -> memref<1x125xi32, #tpu.memory_space<vmem>>
        %dma_wait3A_149 = tpu.memref_squeeze %dma_wait3A_148 : memref<1x125xi32, #tpu.memory_space<vmem>> -> memref<125xi32, #tpu.memory_space<vmem>>
        %dma_wait3A_150 = arith.constant 0 : i32
        %dma_wait3A_151 = arith.constant 0 : i32
        %dma_wait3A_152 = tpu.memref_slice %arg12[%dma_wait3A_150, %dma_wait3A_151] : memref<10240x128xf32, #tpu.memory_space<vmem_shared>> -> memref<10240x128xf32, #tpu.memory_space<vmem_shared>>
        %dma_wait3A_153 = tpu.memref_slice %arg11[%dma_wait3A_142] : memref<2x!tpu.dma_semaphore, #tpu.memory_space<semaphore_mem>> -> memref<1x!tpu.dma_semaphore, #tpu.memory_space<semaphore_mem>>
        %dma_wait3A_154 = tpu.memref_squeeze %dma_wait3A_153 : memref<1x!tpu.dma_semaphore, #tpu.memory_space<semaphore_mem>> -> memref<!tpu.dma_semaphore, #tpu.memory_space<semaphore_mem>>
        tpu.wait_indirect_dma semaphore(%dma_wait3A_154 : memref<!tpu.dma_semaphore, #tpu.memory_space<semaphore_mem>>) src(%dma_wait3A_146 : memref<125x128xf32, #tpu.memory_space<vmem>>) dst(%dma_wait3A_152 : memref<10240x128xf32, #tpu.memory_space<vmem_shared>>)
      }
      %scan3A_29 = arith.constant 8 : i32
    }
    %scan3A_12 = arith.constant 5 : i32
    %barrier3A_13 = arith.constant 0 : index
    tpu.barrier barrier_id(%barrier3A_13)
    %scan3A_14 = arith.constant 0 : i32
    %scan3A_15 = arith.constant 0 : i32
    %scan3A_16 = arith.constant 16 : i32
    %scan3A_17 = arith.addi %scan3A_15, %scan3A_16 : i32
    %scan3A_18 = arith.constant 1 : i32
    scf.for %scan3A_20 = %scan3A_15 to %scan3A_17 step %scan3A_18  : i32 {
      %mul3A_21 = arith.constant 1 : i32
      %mul3A_22 = arith.muli %scan3A_20, %mul3A_21 : i32
      %add3A_23 = arith.constant 0 : i32
      %add3A_24 = arith.addi %add3A_23, %mul3A_22 : i32
      %mul3A_25 = arith.constant 40 : i32
      %mul3A_26 = arith.muli %add3A_24, %mul3A_25 : i32
      %add3A_27 = arith.addi %mul3A_2, %mul3A_26 : i32
      "tpu.region"() ({
        %run_scoped3A_28 = tpu.sem_alloc : memref<!tpu.dma_semaphore, #tpu.memory_space<semaphore_mem>>
        %dma_start3A = arith.constant 0 : i32
        %dma_start3A_29 = arith.constant 0 : i32
        %dma_start3A_30 = tpu.memref_slice %arg9[%scan3A_14, %dma_start3A, %dma_start3A_29] : memref<2x125x128xf32, #tpu.memory_space<vmem>> -> memref<1x40x128xf32, #tpu.memory_space<vmem>>
        %dma_start3A_31 = tpu.memref_squeeze %dma_start3A_30 : memref<1x40x128xf32, #tpu.memory_space<vmem>> -> memref<40x128xf32, #tpu.memory_space<vmem>>
        %dma_start3A_32 = arith.constant 0 : i32
        %dma_start3A_33 = tpu.memref_slice %arg12[%add3A_27, %dma_start3A_32] : memref<10240x128xf32, #tpu.memory_space<vmem_shared>> -> memref<40x128xf32, #tpu.memory_space<vmem_shared>>
        %dma_start3A_34 = arith.constant 0 : i32
        %dma_start3A_35 = arith.constant 0 : i32
        %dma_start3A_36 = tpu.memref_slice %arg9[%scan3A_14, %dma_start3A_34, %dma_start3A_35] : memref<2x125x128xf32, #tpu.memory_space<vmem>> -> memref<1x40x128xf32, #tpu.memory_space<vmem>>
        %dma_start3A_37 = tpu.memref_squeeze %dma_start3A_36 : memref<1x40x128xf32, #tpu.memory_space<vmem>> -> memref<40x128xf32, #tpu.memory_space<vmem>>
        %dma_start3A_38 = arith.constant 0 : i32
        %dma_start3A_39 = tpu.memref_slice %arg12[%add3A_27, %dma_start3A_38] : memref<10240x128xf32, #tpu.memory_space<vmem_shared>> -> memref<40x128xf32, #tpu.memory_space<vmem_shared>>
        tpu.enqueue_dma source(%dma_start3A_39 : memref<40x128xf32, #tpu.memory_space<vmem_shared>>) target(%dma_start3A_37 : memref<40x128xf32, #tpu.memory_space<vmem>>) target_semaphore(%run_scoped3A_28 : memref<!tpu.dma_semaphore, #tpu.memory_space<semaphore_mem>>)
        %dma_wait3A = arith.constant 0 : i32
        %dma_wait3A_40 = arith.constant 0 : i32
        %dma_wait3A_41 = tpu.memref_slice %arg9[%scan3A_14, %dma_wait3A, %dma_wait3A_40] : memref<2x125x128xf32, #tpu.memory_space<vmem>> -> memref<1x40x128xf32, #tpu.memory_space<vmem>>
        %dma_wait3A_42 = tpu.memref_squeeze %dma_wait3A_41 : memref<1x40x128xf32, #tpu.memory_space<vmem>> -> memref<40x128xf32, #tpu.memory_space<vmem>>
        %dma_wait3A_43 = arith.constant 0 : i32
        %dma_wait3A_44 = tpu.memref_slice %arg12[%add3A_27, %dma_wait3A_43] : memref<10240x128xf32, #tpu.memory_space<vmem_shared>> -> memref<40x128xf32, #tpu.memory_space<vmem_shared>>
        %dma_wait3A_45 = arith.constant 0 : i32
        %dma_wait3A_46 = arith.constant 0 : i32
        %dma_wait3A_47 = tpu.memref_slice %arg9[%scan3A_14, %dma_wait3A_45, %dma_wait3A_46] : memref<2x125x128xf32, #tpu.memory_space<vmem>> -> memref<1x40x128xf32, #tpu.memory_space<vmem>>
        %dma_wait3A_48 = tpu.memref_squeeze %dma_wait3A_47 : memref<1x40x128xf32, #tpu.memory_space<vmem>> -> memref<40x128xf32, #tpu.memory_space<vmem>>
        %dma_wait3A_49 = arith.constant 0 : i32
        %dma_wait3A_50 = tpu.memref_slice %arg12[%add3A_27, %dma_wait3A_49] : memref<10240x128xf32, #tpu.memory_space<vmem_shared>> -> memref<40x128xf32, #tpu.memory_space<vmem_shared>>
        tpu.wait_dma2 semaphore(%run_scoped3A_28 : memref<!tpu.dma_semaphore, #tpu.memory_space<semaphore_mem>>) src(%dma_wait3A_50 : memref<40x128xf32, #tpu.memory_space<vmem_shared>>) dst(%dma_wait3A_48 : memref<40x128xf32, #tpu.memory_space<vmem>>)
        tpu.yield
      }) : () -> ()
      "tpu.region"() ({
        %run_scoped3A_28 = tpu.sem_alloc : memref<!tpu.dma_semaphore, #tpu.memory_space<semaphore_mem>>
        %dma_start3A = arith.constant 0 : i32
        %dma_start3A_29 = arith.constant 0 : i32
        %dma_start3A_30 = tpu.memref_slice %arg9[%scan3A_14, %dma_start3A, %dma_start3A_29] : memref<2x125x128xf32, #tpu.memory_space<vmem>> -> memref<1x40x128xf32, #tpu.memory_space<vmem>>
        %dma_start3A_31 = tpu.memref_squeeze %dma_start3A_30 : memref<1x40x128xf32, #tpu.memory_space<vmem>> -> memref<40x128xf32, #tpu.memory_space<vmem>>
        %dma_start3A_32 = arith.constant 0 : i32
        %dma_start3A_33 = tpu.memref_slice %arg6[%arg0, %add3A_27, %dma_start3A_32] : memref<2x10240x128xf32, #tpu.memory_space<hbm>> -> memref<1x40x128xf32, #tpu.memory_space<hbm>>
        %dma_start3A_34 = tpu.memref_squeeze %dma_start3A_33 : memref<1x40x128xf32, #tpu.memory_space<hbm>> -> memref<40x128xf32, #tpu.memory_space<hbm>>
        %dma_start3A_35 = arith.constant 0 : i32
        %dma_start3A_36 = tpu.memref_slice %arg6[%arg0, %add3A_27, %dma_start3A_35] : memref<2x10240x128xf32, #tpu.memory_space<hbm>> -> memref<1x40x128xf32, #tpu.memory_space<hbm>>
        %dma_start3A_37 = tpu.memref_squeeze %dma_start3A_36 : memref<1x40x128xf32, #tpu.memory_space<hbm>> -> memref<40x128xf32, #tpu.memory_space<hbm>>
        %dma_start3A_38 = arith.constant 0 : i32
        %dma_start3A_39 = arith.constant 0 : i32
        %dma_start3A_40 = tpu.memref_slice %arg9[%scan3A_14, %dma_start3A_38, %dma_start3A_39] : memref<2x125x128xf32, #tpu.memory_space<vmem>> -> memref<1x40x128xf32, #tpu.memory_space<vmem>>
        %dma_start3A_41 = tpu.memref_squeeze %dma_start3A_40 : memref<1x40x128xf32, #tpu.memory_space<vmem>> -> memref<40x128xf32, #tpu.memory_space<vmem>>
        tpu.enqueue_dma source(%dma_start3A_41 : memref<40x128xf32, #tpu.memory_space<vmem>>) target(%dma_start3A_37 : memref<40x128xf32, #tpu.memory_space<hbm>>) target_semaphore(%run_scoped3A_28 : memref<!tpu.dma_semaphore, #tpu.memory_space<semaphore_mem>>)
        %dma_wait3A = arith.constant 0 : i32
        %dma_wait3A_42 = arith.constant 0 : i32
        %dma_wait3A_43 = tpu.memref_slice %arg9[%scan3A_14, %dma_wait3A, %dma_wait3A_42] : memref<2x125x128xf32, #tpu.memory_space<vmem>> -> memref<1x40x128xf32, #tpu.memory_space<vmem>>
        %dma_wait3A_44 = tpu.memref_squeeze %dma_wait3A_43 : memref<1x40x128xf32, #tpu.memory_space<vmem>> -> memref<40x128xf32, #tpu.memory_space<vmem>>
        %dma_wait3A_45 = arith.constant 0 : i32
        %dma_wait3A_46 = tpu.memref_slice %arg6[%arg0, %add3A_27, %dma_wait3A_45] : memref<2x10240x128xf32, #tpu.memory_space<hbm>> -> memref<1x40x128xf32, #tpu.memory_space<hbm>>
        %dma_wait3A_47 = tpu.memref_squeeze %dma_wait3A_46 : memref<1x40x128xf32, #tpu.memory_space<hbm>> -> memref<40x128xf32, #tpu.memory_space<hbm>>
        %dma_wait3A_48 = arith.constant 0 : i32
        %dma_wait3A_49 = tpu.memref_slice %arg6[%arg0, %add3A_27, %dma_wait3A_48] : memref<2x10240x128xf32, #tpu.memory_space<hbm>> -> memref<1x40x128xf32, #tpu.memory_space<hbm>>
        %dma_wait3A_50 = tpu.memref_squeeze %dma_wait3A_49 : memref<1x40x128xf32, #tpu.memory_space<hbm>> -> memref<40x128xf32, #tpu.memory_space<hbm>>
        %dma_wait3A_51 = arith.constant 0 : i32
        %dma_wait3A_52 = arith.constant 0 : i32
        %dma_wait3A_53 = tpu.memref_slice %arg9[%scan3A_14, %dma_wait3A_51, %dma_wait3A_52] : memref<2x125x128xf32, #tpu.memory_space<vmem>> -> memref<1x40x128xf32, #tpu.memory_space<vmem>>
        %dma_wait3A_54 = tpu.memref_squeeze %dma_wait3A_53 : memref<1x40x128xf32, #tpu.memory_space<vmem>> -> memref<40x128xf32, #tpu.memory_space<vmem>>
        tpu.wait_dma2 semaphore(%run_scoped3A_28 : memref<!tpu.dma_semaphore, #tpu.memory_space<semaphore_mem>>) src(%dma_wait3A_54 : memref<40x128xf32, #tpu.memory_space<vmem>>) dst(%dma_wait3A_50 : memref<40x128xf32, #tpu.memory_space<hbm>>)
        tpu.yield
      }) : () -> ()
    }
    %scan3A_19 = arith.constant 16 : i32
    return
  }
}

#map = affine_map<(d0, d1) -> (0, 0)>
#map1 = affine_map<(d0, d1) -> (0, 0, 0, 0)>
#map2 = affine_map<(d0, d1) -> (0, 0, 0)>
module attributes {stable_mosaic.version = 14 : i64} {
  func.func @body(%arg0: i32, %arg1: i32, %arg2: memref<10000x128xf32, #tpu.memory_space<hbm>>, %arg3: memref<32x5x16x125xi32, #tpu.memory_space<hbm>>, %arg4: memref<32x5x16x125xi32, #tpu.memory_space<hbm>>, %arg5: memref<40x128xf32, #tpu.memory_space<hbm>>, %arg6: memref<2x10240x128xf32, #tpu.memory_space<hbm>>, %arg7: memref<16x125xi32, #tpu.memory_space<vmem>>, %arg8: memref<16x125xi32, #tpu.memory_space<vmem>>, %arg9: memref<2x125x128xf32, #tpu.memory_space<vmem>>, %arg10: memref<2x!tpu.dma_semaphore, #tpu.memory_space<semaphore_mem>>, %arg11: memref<2x!tpu.dma_semaphore, #tpu.memory_space<semaphore_mem>>, %arg12: memref<10240x128xf32, #tpu.memory_space<vmem_shared>>) attributes {dimension_semantics = [#tpu.dimension_semantics<core_parallel>, #tpu.dimension_semantics<subcore_parallel>], iteration_bounds = array<i64: 2, 16>, scalar_prefetch = 0 : i64, scratch_operands = 6 : i64, tpu.core_type = #tpu.core_type<sc_vector_subcore>, window_params = [{transform_indices = #map}, {transform_indices = #map1}, {transform_indices = #map1}, {transform_indices = #map}, {transform_indices = #map2}]} {
    %mul3A = arith.constant 2 : i32
    %mul3A_0 = arith.muli %arg1, %mul3A : i32
    %add3A = arith.addi %mul3A_0, %arg0 : i32
    %mul3A_1 = arith.constant 640 : i32
    %mul3A_2 = arith.muli %arg1, %mul3A_1 : i32
    %run_scoped3A = arith.constant 0 : i32
    "tpu.region"() ({
      %run_scoped3A_20 = tpu.sem_alloc : memref<!tpu.dma_semaphore, #tpu.memory_space<semaphore_mem>>
      %dma_start3A = arith.constant 0 : i32
      %dma_start3A_21 = arith.constant 0 : i32
      %dma_start3A_22 = tpu.memref_slice %arg9[%run_scoped3A, %dma_start3A, %dma_start3A_21] : memref<2x125x128xf32, #tpu.memory_space<vmem>> -> memref<1x40x128xf32, #tpu.memory_space<vmem>>
      %dma_start3A_23 = tpu.memref_squeeze %dma_start3A_22 : memref<1x40x128xf32, #tpu.memory_space<vmem>> -> memref<40x128xf32, #tpu.memory_space<vmem>>
      %dma_start3A_24 = arith.constant 0 : i32
      %dma_start3A_25 = arith.constant 0 : i32
      %dma_start3A_26 = tpu.memref_slice %arg9[%run_scoped3A, %dma_start3A_24, %dma_start3A_25] : memref<2x125x128xf32, #tpu.memory_space<vmem>> -> memref<1x40x128xf32, #tpu.memory_space<vmem>>
      %dma_start3A_27 = tpu.memref_squeeze %dma_start3A_26 : memref<1x40x128xf32, #tpu.memory_space<vmem>> -> memref<40x128xf32, #tpu.memory_space<vmem>>
      tpu.enqueue_dma source(%arg5 : memref<40x128xf32, #tpu.memory_space<hbm>>) target(%dma_start3A_27 : memref<40x128xf32, #tpu.memory_space<vmem>>) target_semaphore(%run_scoped3A_20 : memref<!tpu.dma_semaphore, #tpu.memory_space<semaphore_mem>>)
      %dma_wait3A = arith.constant 0 : i32
      %dma_wait3A_28 = arith.constant 0 : i32
      %dma_wait3A_29 = tpu.memref_slice %arg9[%run_scoped3A, %dma_wait3A, %dma_wait3A_28] : memref<2x125x128xf32, #tpu.memory_space<vmem>> -> memref<1x40x128xf32, #tpu.memory_space<vmem>>
      %dma_wait3A_30 = tpu.memref_squeeze %dma_wait3A_29 : memref<1x40x128xf32, #tpu.memory_space<vmem>> -> memref<40x128xf32, #tpu.memory_space<vmem>>
      %dma_wait3A_31 = arith.constant 0 : i32
      %dma_wait3A_32 = arith.constant 0 : i32
      %dma_wait3A_33 = tpu.memref_slice %arg9[%run_scoped3A, %dma_wait3A_31, %dma_wait3A_32] : memref<2x125x128xf32, #tpu.memory_space<vmem>> -> memref<1x40x128xf32, #tpu.memory_space<vmem>>
      %dma_wait3A_34 = tpu.memref_squeeze %dma_wait3A_33 : memref<1x40x128xf32, #tpu.memory_space<vmem>> -> memref<40x128xf32, #tpu.memory_space<vmem>>
      tpu.wait_dma2 semaphore(%run_scoped3A_20 : memref<!tpu.dma_semaphore, #tpu.memory_space<semaphore_mem>>) src(%arg5 : memref<40x128xf32, #tpu.memory_space<hbm>>) dst(%dma_wait3A_34 : memref<40x128xf32, #tpu.memory_space<vmem>>)
      tpu.yield
    }) : () -> ()
    %scan3A = arith.constant 0 : i32
    %scan3A_3 = arith.constant 0 : i32
    %scan3A_4 = arith.constant 16 : i32
    %scan3A_5 = arith.addi %scan3A_3, %scan3A_4 : i32
    %scan3A_6 = arith.constant 1 : i32
    scf.for %scan3A_20 = %scan3A_3 to %scan3A_5 step %scan3A_6  : i32 {
      %mul3A_21 = arith.constant 1 : i32
      %mul3A_22 = arith.muli %scan3A_20, %mul3A_21 : i32
      %add3A_23 = arith.constant 0 : i32
      %add3A_24 = arith.addi %add3A_23, %mul3A_22 : i32
      %mul3A_25 = arith.constant 40 : i32
      %mul3A_26 = arith.muli %add3A_24, %mul3A_25 : i32
      %add3A_27 = arith.addi %mul3A_2, %mul3A_26 : i32
      "tpu.region"() ({
        %run_scoped3A_28 = tpu.sem_alloc : memref<!tpu.dma_semaphore, #tpu.memory_space<semaphore_mem>>
        %dma_start3A = arith.constant 0 : i32
        %dma_start3A_29 = arith.constant 0 : i32
        %dma_start3A_30 = tpu.memref_slice %arg9[%scan3A, %dma_start3A, %dma_start3A_29] : memref<2x125x128xf32, #tpu.memory_space<vmem>> -> memref<1x40x128xf32, #tpu.memory_space<vmem>>
        %dma_start3A_31 = tpu.memref_squeeze %dma_start3A_30 : memref<1x40x128xf32, #tpu.memory_space<vmem>> -> memref<40x128xf32, #tpu.memory_space<vmem>>
        %dma_start3A_32 = arith.constant 0 : i32
        %dma_start3A_33 = tpu.memref_slice %arg12[%add3A_27, %dma_start3A_32] : memref<10240x128xf32, #tpu.memory_space<vmem_shared>> -> memref<40x128xf32, #tpu.memory_space<vmem_shared>>
        %dma_start3A_34 = arith.constant 0 : i32
        %dma_start3A_35 = tpu.memref_slice %arg12[%add3A_27, %dma_start3A_34] : memref<10240x128xf32, #tpu.memory_space<vmem_shared>> -> memref<40x128xf32, #tpu.memory_space<vmem_shared>>
        %dma_start3A_36 = arith.constant 0 : i32
        %dma_start3A_37 = arith.constant 0 : i32
        %dma_start3A_38 = tpu.memref_slice %arg9[%scan3A, %dma_start3A_36, %dma_start3A_37] : memref<2x125x128xf32, #tpu.memory_space<vmem>> -> memref<1x40x128xf32, #tpu.memory_space<vmem>>
        %dma_start3A_39 = tpu.memref_squeeze %dma_start3A_38 : memref<1x40x128xf32, #tpu.memory_space<vmem>> -> memref<40x128xf32, #tpu.memory_space<vmem>>
        tpu.enqueue_dma source(%dma_start3A_39 : memref<40x128xf32, #tpu.memory_space<vmem>>) target(%dma_start3A_35 : memref<40x128xf32, #tpu.memory_space<vmem_shared>>) target_semaphore(%run_scoped3A_28 : memref<!tpu.dma_semaphore, #tpu.memory_space<semaphore_mem>>)
        %dma_wait3A = arith.constant 0 : i32
        %dma_wait3A_40 = arith.constant 0 : i32
        %dma_wait3A_41 = tpu.memref_slice %arg9[%scan3A, %dma_wait3A, %dma_wait3A_40] : memref<2x125x128xf32, #tpu.memory_space<vmem>> -> memref<1x40x128xf32, #tpu.memory_space<vmem>>
        %dma_wait3A_42 = tpu.memref_squeeze %dma_wait3A_41 : memref<1x40x128xf32, #tpu.memory_space<vmem>> -> memref<40x128xf32, #tpu.memory_space<vmem>>
        %dma_wait3A_43 = arith.constant 0 : i32
        %dma_wait3A_44 = tpu.memref_slice %arg12[%add3A_27, %dma_wait3A_43] : memref<10240x128xf32, #tpu.memory_space<vmem_shared>> -> memref<40x128xf32, #tpu.memory_space<vmem_shared>>
        %dma_wait3A_45 = arith.constant 0 : i32
        %dma_wait3A_46 = tpu.memref_slice %arg12[%add3A_27, %dma_wait3A_45] : memref<10240x128xf32, #tpu.memory_space<vmem_shared>> -> memref<40x128xf32, #tpu.memory_space<vmem_shared>>
        %dma_wait3A_47 = arith.constant 0 : i32
        %dma_wait3A_48 = arith.constant 0 : i32
        %dma_wait3A_49 = tpu.memref_slice %arg9[%scan3A, %dma_wait3A_47, %dma_wait3A_48] : memref<2x125x128xf32, #tpu.memory_space<vmem>> -> memref<1x40x128xf32, #tpu.memory_space<vmem>>
        %dma_wait3A_50 = tpu.memref_squeeze %dma_wait3A_49 : memref<1x40x128xf32, #tpu.memory_space<vmem>> -> memref<40x128xf32, #tpu.memory_space<vmem>>
        tpu.wait_dma2 semaphore(%run_scoped3A_28 : memref<!tpu.dma_semaphore, #tpu.memory_space<semaphore_mem>>) src(%dma_wait3A_50 : memref<40x128xf32, #tpu.memory_space<vmem>>) dst(%dma_wait3A_46 : memref<40x128xf32, #tpu.memory_space<vmem_shared>>)
        tpu.yield
      }) : () -> ()
    }
    %scan3A_7 = arith.constant 16 : i32
    %barrier3A = arith.constant 0 : index
    tpu.barrier barrier_id(%barrier3A)
    %scan3A_8 = arith.constant 0 : i32
    %scan3A_9 = arith.constant 5 : i32
    %scan3A_10 = arith.addi %scan3A_8, %scan3A_9 : i32
    %scan3A_11 = arith.constant 1 : i32
    scf.for %scan3A_20 = %scan3A_8 to %scan3A_10 step %scan3A_11  : i32 {
      %mul3A_21 = arith.constant 1 : i32
      %mul3A_22 = arith.muli %scan3A_20, %mul3A_21 : i32
      %add3A_23 = arith.constant 0 : i32
      %add3A_24 = arith.addi %add3A_23, %mul3A_22 : i32
      "tpu.region"() ({
        %run_scoped3A_30 = tpu.sem_alloc : memref<!tpu.dma_semaphore, #tpu.memory_space<semaphore_mem>>
        %dma_start3A = arith.constant 0 : i32
        %dma_start3A_31 = arith.constant 0 : i32
        %dma_start3A_32 = tpu.memref_slice %arg3[%add3A, %add3A_24, %dma_start3A, %dma_start3A_31] : memref<32x5x16x125xi32, #tpu.memory_space<hbm>> -> memref<1x1x16x125xi32, #tpu.memory_space<hbm>>
        %dma_start3A_33 = tpu.memref_squeeze %dma_start3A_32 : memref<1x1x16x125xi32, #tpu.memory_space<hbm>> -> memref<16x125xi32, #tpu.memory_space<hbm>>
        %dma_start3A_34 = arith.constant 0 : i32
        %dma_start3A_35 = arith.constant 0 : i32
        %dma_start3A_36 = tpu.memref_slice %arg3[%add3A, %add3A_24, %dma_start3A_34, %dma_start3A_35] : memref<32x5x16x125xi32, #tpu.memory_space<hbm>> -> memref<1x1x16x125xi32, #tpu.memory_space<hbm>>
        %dma_start3A_37 = tpu.memref_squeeze %dma_start3A_36 : memref<1x1x16x125xi32, #tpu.memory_space<hbm>> -> memref<16x125xi32, #tpu.memory_space<hbm>>
        tpu.enqueue_dma source(%dma_start3A_37 : memref<16x125xi32, #tpu.memory_space<hbm>>) target(%arg7 : memref<16x125xi32, #tpu.memory_space<vmem>>) target_semaphore(%run_scoped3A_30 : memref<!tpu.dma_semaphore, #tpu.memory_space<semaphore_mem>>)
        %dma_wait3A = arith.constant 0 : i32
        %dma_wait3A_38 = arith.constant 0 : i32
        %dma_wait3A_39 = tpu.memref_slice %arg3[%add3A, %add3A_24, %dma_wait3A, %dma_wait3A_38] : memref<32x5x16x125xi32, #tpu.memory_space<hbm>> -> memref<1x1x16x125xi32, #tpu.memory_space<hbm>>
        %dma_wait3A_40 = tpu.memref_squeeze %dma_wait3A_39 : memref<1x1x16x125xi32, #tpu.memory_space<hbm>> -> memref<16x125xi32, #tpu.memory_space<hbm>>
        %dma_wait3A_41 = arith.constant 0 : i32
        %dma_wait3A_42 = arith.constant 0 : i32
        %dma_wait3A_43 = tpu.memref_slice %arg3[%add3A, %add3A_24, %dma_wait3A_41, %dma_wait3A_42] : memref<32x5x16x125xi32, #tpu.memory_space<hbm>> -> memref<1x1x16x125xi32, #tpu.memory_space<hbm>>
        %dma_wait3A_44 = tpu.memref_squeeze %dma_wait3A_43 : memref<1x1x16x125xi32, #tpu.memory_space<hbm>> -> memref<16x125xi32, #tpu.memory_space<hbm>>
        tpu.wait_dma2 semaphore(%run_scoped3A_30 : memref<!tpu.dma_semaphore, #tpu.memory_space<semaphore_mem>>) src(%dma_wait3A_44 : memref<16x125xi32, #tpu.memory_space<hbm>>) dst(%arg7 : memref<16x125xi32, #tpu.memory_space<vmem>>)
        tpu.yield
      }) : () -> ()
      "tpu.region"() ({
        %run_scoped3A_30 = tpu.sem_alloc : memref<!tpu.dma_semaphore, #tpu.memory_space<semaphore_mem>>
        %dma_start3A = arith.constant 0 : i32
        %dma_start3A_31 = arith.constant 0 : i32
        %dma_start3A_32 = tpu.memref_slice %arg4[%add3A, %add3A_24, %dma_start3A, %dma_start3A_31] : memref<32x5x16x125xi32, #tpu.memory_space<hbm>> -> memref<1x1x16x125xi32, #tpu.memory_space<hbm>>
        %dma_start3A_33 = tpu.memref_squeeze %dma_start3A_32 : memref<1x1x16x125xi32, #tpu.memory_space<hbm>> -> memref<16x125xi32, #tpu.memory_space<hbm>>
        %dma_start3A_34 = arith.constant 0 : i32
        %dma_start3A_35 = arith.constant 0 : i32
        %dma_start3A_36 = tpu.memref_slice %arg4[%add3A, %add3A_24, %dma_start3A_34, %dma_start3A_35] : memref<32x5x16x125xi32, #tpu.memory_space<hbm>> -> memref<1x1x16x125xi32, #tpu.memory_space<hbm>>
        %dma_start3A_37 = tpu.memref_squeeze %dma_start3A_36 : memref<1x1x16x125xi32, #tpu.memory_space<hbm>> -> memref<16x125xi32, #tpu.memory_space<hbm>>
        tpu.enqueue_dma source(%dma_start3A_37 : memref<16x125xi32, #tpu.memory_space<hbm>>) target(%arg8 : memref<16x125xi32, #tpu.memory_space<vmem>>) target_semaphore(%run_scoped3A_30 : memref<!tpu.dma_semaphore, #tpu.memory_space<semaphore_mem>>)
        %dma_wait3A = arith.constant 0 : i32
        %dma_wait3A_38 = arith.constant 0 : i32
        %dma_wait3A_39 = tpu.memref_slice %arg4[%add3A, %add3A_24, %dma_wait3A, %dma_wait3A_38] : memref<32x5x16x125xi32, #tpu.memory_space<hbm>> -> memref<1x1x16x125xi32, #tpu.memory_space<hbm>>
        %dma_wait3A_40 = tpu.memref_squeeze %dma_wait3A_39 : memref<1x1x16x125xi32, #tpu.memory_space<hbm>> -> memref<16x125xi32, #tpu.memory_space<hbm>>
        %dma_wait3A_41 = arith.constant 0 : i32
        %dma_wait3A_42 = arith.constant 0 : i32
        %dma_wait3A_43 = tpu.memref_slice %arg4[%add3A, %add3A_24, %dma_wait3A_41, %dma_wait3A_42] : memref<32x5x16x125xi32, #tpu.memory_space<hbm>> -> memref<1x1x16x125xi32, #tpu.memory_space<hbm>>
        %dma_wait3A_44 = tpu.memref_squeeze %dma_wait3A_43 : memref<1x1x16x125xi32, #tpu.memory_space<hbm>> -> memref<16x125xi32, #tpu.memory_space<hbm>>
        tpu.wait_dma2 semaphore(%run_scoped3A_30 : memref<!tpu.dma_semaphore, #tpu.memory_space<semaphore_mem>>) src(%dma_wait3A_44 : memref<16x125xi32, #tpu.memory_space<hbm>>) dst(%arg8 : memref<16x125xi32, #tpu.memory_space<vmem>>)
        tpu.yield
      }) : () -> ()
      %scan3A_25 = arith.constant 0 : i32
      %scan3A_26 = arith.constant 8 : i32
      %scan3A_27 = arith.addi %scan3A_25, %scan3A_26 : i32
      %scan3A_28 = arith.constant 1 : i32
      scf.for %scan3A_30 = %scan3A_25 to %scan3A_27 step %scan3A_28  : i32 {
        %mul3A_31 = arith.constant 1 : i32
        %mul3A_32 = arith.muli %scan3A_30, %mul3A_31 : i32
        %add3A_33 = arith.constant 0 : i32
        %add3A_34 = arith.addi %add3A_33, %mul3A_32 : i32
        %mul3A_35 = arith.constant 2 : i32
        %mul3A_36 = arith.muli %add3A_34, %mul3A_35 : i32
        %add3A_37 = arith.constant 0 : i32
        %add3A_38 = arith.addi %mul3A_36, %add3A_37 : i32
        %dma_start3A = arith.constant 0 : i32
        %dma_start3A_39 = arith.constant 0 : i32
        %dma_start3A_40 = arith.constant 0 : i32
        %dma_start3A_41 = arith.constant 0 : i32
        %dma_start3A_42 = tpu.memref_slice %arg9[%dma_start3A, %dma_start3A_40, %dma_start3A_41] : memref<2x125x128xf32, #tpu.memory_space<vmem>> -> memref<1x125x128xf32, #tpu.memory_space<vmem>>
        %dma_start3A_43 = tpu.memref_squeeze %dma_start3A_42 : memref<1x125x128xf32, #tpu.memory_space<vmem>> -> memref<125x128xf32, #tpu.memory_space<vmem>>
        %dma_start3A_44 = arith.constant 0 : i32
        %dma_start3A_45 = tpu.memref_slice %arg7[%add3A_38, %dma_start3A_44] : memref<16x125xi32, #tpu.memory_space<vmem>> -> memref<1x125xi32, #tpu.memory_space<vmem>>
        %dma_start3A_46 = tpu.memref_squeeze %dma_start3A_45 : memref<1x125xi32, #tpu.memory_space<vmem>> -> memref<125xi32, #tpu.memory_space<vmem>>
        %dma_start3A_47 = arith.constant 0 : i32
        %dma_start3A_48 = arith.constant 0 : i32
        %dma_start3A_49 = tpu.memref_slice %arg2[%dma_start3A_47, %dma_start3A_48] : memref<10000x128xf32, #tpu.memory_space<hbm>> -> memref<10000x128xf32, #tpu.memory_space<hbm>>
        %dma_start3A_50 = tpu.memref_slice %arg10[%dma_start3A_39] : memref<2x!tpu.dma_semaphore, #tpu.memory_space<semaphore_mem>> -> memref<1x!tpu.dma_semaphore, #tpu.memory_space<semaphore_mem>>
        %dma_start3A_51 = tpu.memref_squeeze %dma_start3A_50 : memref<1x!tpu.dma_semaphore, #tpu.memory_space<semaphore_mem>> -> memref<!tpu.dma_semaphore, #tpu.memory_space<semaphore_mem>>
        tpu.enqueue_indirect_dma source(%dma_start3A_49 : memref<10000x128xf32, #tpu.memory_space<hbm>>) target(%dma_start3A_43 : memref<125x128xf32, #tpu.memory_space<vmem>>) offsets(%dma_start3A_46 : memref<125xi32, #tpu.memory_space<vmem>>) semaphore(%dma_start3A_51 : memref<!tpu.dma_semaphore, #tpu.memory_space<semaphore_mem>>)
        %add3A_52 = arith.constant 1 : i32
        %add3A_53 = arith.addi %mul3A_36, %add3A_52 : i32
        %dma_start3A_54 = arith.constant 1 : i32
        %dma_start3A_55 = arith.constant 1 : i32
        %dma_start3A_56 = arith.constant 0 : i32
        %dma_start3A_57 = arith.constant 0 : i32
        %dma_start3A_58 = tpu.memref_slice %arg9[%dma_start3A_54, %dma_start3A_56, %dma_start3A_57] : memref<2x125x128xf32, #tpu.memory_space<vmem>> -> memref<1x125x128xf32, #tpu.memory_space<vmem>>
        %dma_start3A_59 = tpu.memref_squeeze %dma_start3A_58 : memref<1x125x128xf32, #tpu.memory_space<vmem>> -> memref<125x128xf32, #tpu.memory_space<vmem>>
        %dma_start3A_60 = arith.constant 0 : i32
        %dma_start3A_61 = tpu.memref_slice %arg7[%add3A_53, %dma_start3A_60] : memref<16x125xi32, #tpu.memory_space<vmem>> -> memref<1x125xi32, #tpu.memory_space<vmem>>
        %dma_start3A_62 = tpu.memref_squeeze %dma_start3A_61 : memref<1x125xi32, #tpu.memory_space<vmem>> -> memref<125xi32, #tpu.memory_space<vmem>>
        %dma_start3A_63 = arith.constant 0 : i32
        %dma_start3A_64 = arith.constant 0 : i32
        %dma_start3A_65 = tpu.memref_slice %arg2[%dma_start3A_63, %dma_start3A_64] : memref<10000x128xf32, #tpu.memory_space<hbm>> -> memref<10000x128xf32, #tpu.memory_space<hbm>>
        %dma_start3A_66 = tpu.memref_slice %arg10[%dma_start3A_55] : memref<2x!tpu.dma_semaphore, #tpu.memory_space<semaphore_mem>> -> memref<1x!tpu.dma_semaphore, #tpu.memory_space<semaphore_mem>>
        %dma_start3A_67 = tpu.memref_squeeze %dma_start3A_66 : memref<1x!tpu.dma_semaphore, #tpu.memory_space<semaphore_mem>> -> memref<!tpu.dma_semaphore, #tpu.memory_space<semaphore_mem>>
        tpu.enqueue_indirect_dma source(%dma_start3A_65 : memref<10000x128xf32, #tpu.memory_space<hbm>>) target(%dma_start3A_59 : memref<125x128xf32, #tpu.memory_space<vmem>>) offsets(%dma_start3A_62 : memref<125xi32, #tpu.memory_space<vmem>>) semaphore(%dma_start3A_67 : memref<!tpu.dma_semaphore, #tpu.memory_space<semaphore_mem>>)
        %dma_wait3A = arith.constant 0 : i32
        %dma_wait3A_68 = arith.constant 0 : i32
        %dma_wait3A_69 = arith.constant 0 : i32
        %dma_wait3A_70 = arith.constant 0 : i32
        %dma_wait3A_71 = tpu.memref_slice %arg9[%dma_wait3A, %dma_wait3A_69, %dma_wait3A_70] : memref<2x125x128xf32, #tpu.memory_space<vmem>> -> memref<1x125x128xf32, #tpu.memory_space<vmem>>
        %dma_wait3A_72 = tpu.memref_squeeze %dma_wait3A_71 : memref<1x125x128xf32, #tpu.memory_space<vmem>> -> memref<125x128xf32, #tpu.memory_space<vmem>>
        %dma_wait3A_73 = arith.constant 0 : i32
        %dma_wait3A_74 = tpu.memref_slice %arg7[%add3A_38, %dma_wait3A_73] : memref<16x125xi32, #tpu.memory_space<vmem>> -> memref<1x125xi32, #tpu.memory_space<vmem>>
        %dma_wait3A_75 = tpu.memref_squeeze %dma_wait3A_74 : memref<1x125xi32, #tpu.memory_space<vmem>> -> memref<125xi32, #tpu.memory_space<vmem>>
        %dma_wait3A_76 = arith.constant 0 : i32
        %dma_wait3A_77 = arith.constant 0 : i32
        %dma_wait3A_78 = tpu.memref_slice %arg2[%dma_wait3A_76, %dma_wait3A_77] : memref<10000x128xf32, #tpu.memory_space<hbm>> -> memref<10000x128xf32, #tpu.memory_space<hbm>>
        %dma_wait3A_79 = tpu.memref_slice %arg10[%dma_wait3A_68] : memref<2x!tpu.dma_semaphore, #tpu.memory_space<semaphore_mem>> -> memref<1x!tpu.dma_semaphore, #tpu.memory_space<semaphore_mem>>
        %dma_wait3A_80 = tpu.memref_squeeze %dma_wait3A_79 : memref<1x!tpu.dma_semaphore, #tpu.memory_space<semaphore_mem>> -> memref<!tpu.dma_semaphore, #tpu.memory_space<semaphore_mem>>
        tpu.wait_indirect_dma semaphore(%dma_wait3A_80 : memref<!tpu.dma_semaphore, #tpu.memory_space<semaphore_mem>>) src(%dma_wait3A_78 : memref<10000x128xf32, #tpu.memory_space<hbm>>) dst(%dma_wait3A_72 : memref<125x128xf32, #tpu.memory_space<vmem>>)
        %add3A_81 = arith.constant 0 : i32
        %add3A_82 = arith.addi %mul3A_36, %add3A_81 : i32
        %dma_start3A_83 = arith.constant 0 : i32
        %dma_start3A_84 = arith.constant 0 : i32
        %dma_start3A_85 = arith.constant 0 : i32
        %dma_start3A_86 = arith.constant 0 : i32
        %dma_start3A_87 = tpu.memref_slice %arg9[%dma_start3A_83, %dma_start3A_85, %dma_start3A_86] : memref<2x125x128xf32, #tpu.memory_space<vmem>> -> memref<1x125x128xf32, #tpu.memory_space<vmem>>
        %dma_start3A_88 = tpu.memref_squeeze %dma_start3A_87 : memref<1x125x128xf32, #tpu.memory_space<vmem>> -> memref<125x128xf32, #tpu.memory_space<vmem>>
        %dma_start3A_89 = arith.constant 0 : i32
        %dma_start3A_90 = tpu.memref_slice %arg8[%add3A_82, %dma_start3A_89] : memref<16x125xi32, #tpu.memory_space<vmem>> -> memref<1x125xi32, #tpu.memory_space<vmem>>
        %dma_start3A_91 = tpu.memref_squeeze %dma_start3A_90 : memref<1x125xi32, #tpu.memory_space<vmem>> -> memref<125xi32, #tpu.memory_space<vmem>>
        %dma_start3A_92 = arith.constant 0 : i32
        %dma_start3A_93 = arith.constant 0 : i32
        %dma_start3A_94 = tpu.memref_slice %arg12[%dma_start3A_92, %dma_start3A_93] : memref<10240x128xf32, #tpu.memory_space<vmem_shared>> -> memref<10240x128xf32, #tpu.memory_space<vmem_shared>>
        %dma_start3A_95 = tpu.memref_slice %arg11[%dma_start3A_84] : memref<2x!tpu.dma_semaphore, #tpu.memory_space<semaphore_mem>> -> memref<1x!tpu.dma_semaphore, #tpu.memory_space<semaphore_mem>>
        %dma_start3A_96 = tpu.memref_squeeze %dma_start3A_95 : memref<1x!tpu.dma_semaphore, #tpu.memory_space<semaphore_mem>> -> memref<!tpu.dma_semaphore, #tpu.memory_space<semaphore_mem>>
        tpu.enqueue_indirect_dma source(%dma_start3A_88 : memref<125x128xf32, #tpu.memory_space<vmem>>) target(%dma_start3A_94 : memref<10240x128xf32, #tpu.memory_space<vmem_shared>>) offsets(%dma_start3A_91 : memref<125xi32, #tpu.memory_space<vmem>>) semaphore(%dma_start3A_96 : memref<!tpu.dma_semaphore, #tpu.memory_space<semaphore_mem>>) {add = true}
        %dma_wait3A_97 = arith.constant 1 : i32
        %dma_wait3A_98 = arith.constant 1 : i32
        %dma_wait3A_99 = arith.constant 0 : i32
        %dma_wait3A_100 = arith.constant 0 : i32
        %dma_wait3A_101 = tpu.memref_slice %arg9[%dma_wait3A_97, %dma_wait3A_99, %dma_wait3A_100] : memref<2x125x128xf32, #tpu.memory_space<vmem>> -> memref<1x125x128xf32, #tpu.memory_space<vmem>>
        %dma_wait3A_102 = tpu.memref_squeeze %dma_wait3A_101 : memref<1x125x128xf32, #tpu.memory_space<vmem>> -> memref<125x128xf32, #tpu.memory_space<vmem>>
        %dma_wait3A_103 = arith.constant 0 : i32
        %dma_wait3A_104 = tpu.memref_slice %arg7[%add3A_53, %dma_wait3A_103] : memref<16x125xi32, #tpu.memory_space<vmem>> -> memref<1x125xi32, #tpu.memory_space<vmem>>
        %dma_wait3A_105 = tpu.memref_squeeze %dma_wait3A_104 : memref<1x125xi32, #tpu.memory_space<vmem>> -> memref<125xi32, #tpu.memory_space<vmem>>
        %dma_wait3A_106 = arith.constant 0 : i32
        %dma_wait3A_107 = arith.constant 0 : i32
        %dma_wait3A_108 = tpu.memref_slice %arg2[%dma_wait3A_106, %dma_wait3A_107] : memref<10000x128xf32, #tpu.memory_space<hbm>> -> memref<10000x128xf32, #tpu.memory_space<hbm>>
        %dma_wait3A_109 = tpu.memref_slice %arg10[%dma_wait3A_98] : memref<2x!tpu.dma_semaphore, #tpu.memory_space<semaphore_mem>> -> memref<1x!tpu.dma_semaphore, #tpu.memory_space<semaphore_mem>>
        %dma_wait3A_110 = tpu.memref_squeeze %dma_wait3A_109 : memref<1x!tpu.dma_semaphore, #tpu.memory_space<semaphore_mem>> -> memref<!tpu.dma_semaphore, #tpu.memory_space<semaphore_mem>>
        tpu.wait_indirect_dma semaphore(%dma_wait3A_110 : memref<!tpu.dma_semaphore, #tpu.memory_space<semaphore_mem>>) src(%dma_wait3A_108 : memref<10000x128xf32, #tpu.memory_space<hbm>>) dst(%dma_wait3A_102 : memref<125x128xf32, #tpu.memory_space<vmem>>)
        %add3A_111 = arith.constant 1 : i32
        %add3A_112 = arith.addi %mul3A_36, %add3A_111 : i32
        %dma_start3A_113 = arith.constant 1 : i32
        %dma_start3A_114 = arith.constant 1 : i32
        %dma_start3A_115 = arith.constant 0 : i32
        %dma_start3A_116 = arith.constant 0 : i32
        %dma_start3A_117 = tpu.memref_slice %arg9[%dma_start3A_113, %dma_start3A_115, %dma_start3A_116] : memref<2x125x128xf32, #tpu.memory_space<vmem>> -> memref<1x125x128xf32, #tpu.memory_space<vmem>>
        %dma_start3A_118 = tpu.memref_squeeze %dma_start3A_117 : memref<1x125x128xf32, #tpu.memory_space<vmem>> -> memref<125x128xf32, #tpu.memory_space<vmem>>
        %dma_start3A_119 = arith.constant 0 : i32
        %dma_start3A_120 = tpu.memref_slice %arg8[%add3A_112, %dma_start3A_119] : memref<16x125xi32, #tpu.memory_space<vmem>> -> memref<1x125xi32, #tpu.memory_space<vmem>>
        %dma_start3A_121 = tpu.memref_squeeze %dma_start3A_120 : memref<1x125xi32, #tpu.memory_space<vmem>> -> memref<125xi32, #tpu.memory_space<vmem>>
        %dma_start3A_122 = arith.constant 0 : i32
        %dma_start3A_123 = arith.constant 0 : i32
        %dma_start3A_124 = tpu.memref_slice %arg12[%dma_start3A_122, %dma_start3A_123] : memref<10240x128xf32, #tpu.memory_space<vmem_shared>> -> memref<10240x128xf32, #tpu.memory_space<vmem_shared>>
        %dma_start3A_125 = tpu.memref_slice %arg11[%dma_start3A_114] : memref<2x!tpu.dma_semaphore, #tpu.memory_space<semaphore_mem>> -> memref<1x!tpu.dma_semaphore, #tpu.memory_space<semaphore_mem>>
        %dma_start3A_126 = tpu.memref_squeeze %dma_start3A_125 : memref<1x!tpu.dma_semaphore, #tpu.memory_space<semaphore_mem>> -> memref<!tpu.dma_semaphore, #tpu.memory_space<semaphore_mem>>
        tpu.enqueue_indirect_dma source(%dma_start3A_118 : memref<125x128xf32, #tpu.memory_space<vmem>>) target(%dma_start3A_124 : memref<10240x128xf32, #tpu.memory_space<vmem_shared>>) offsets(%dma_start3A_121 : memref<125xi32, #tpu.memory_space<vmem>>) semaphore(%dma_start3A_126 : memref<!tpu.dma_semaphore, #tpu.memory_space<semaphore_mem>>) {add = true}
        %dma_wait3A_127 = arith.constant 0 : i32
        %dma_wait3A_128 = arith.constant 0 : i32
        %dma_wait3A_129 = arith.constant 0 : i32
        %dma_wait3A_130 = arith.constant 0 : i32
        %dma_wait3A_131 = tpu.memref_slice %arg9[%dma_wait3A_127, %dma_wait3A_129, %dma_wait3A_130] : memref<2x125x128xf32, #tpu.memory_space<vmem>> -> memref<1x125x128xf32, #tpu.memory_space<vmem>>
        %dma_wait3A_132 = tpu.memref_squeeze %dma_wait3A_131 : memref<1x125x128xf32, #tpu.memory_space<vmem>> -> memref<125x128xf32, #tpu.memory_space<vmem>>
        %dma_wait3A_133 = arith.constant 0 : i32
        %dma_wait3A_134 = tpu.memref_slice %arg8[%add3A_82, %dma_wait3A_133] : memref<16x125xi32, #tpu.memory_space<vmem>> -> memref<1x125xi32, #tpu.memory_space<vmem>>
        %dma_wait3A_135 = tpu.memref_squeeze %dma_wait3A_134 : memref<1x125xi32, #tpu.memory_space<vmem>> -> memref<125xi32, #tpu.memory_space<vmem>>
        %dma_wait3A_136 = arith.constant 0 : i32
        %dma_wait3A_137 = arith.constant 0 : i32
        %dma_wait3A_138 = tpu.memref_slice %arg12[%dma_wait3A_136, %dma_wait3A_137] : memref<10240x128xf32, #tpu.memory_space<vmem_shared>> -> memref<10240x128xf32, #tpu.memory_space<vmem_shared>>
        %dma_wait3A_139 = tpu.memref_slice %arg11[%dma_wait3A_128] : memref<2x!tpu.dma_semaphore, #tpu.memory_space<semaphore_mem>> -> memref<1x!tpu.dma_semaphore, #tpu.memory_space<semaphore_mem>>
        %dma_wait3A_140 = tpu.memref_squeeze %dma_wait3A_139 : memref<1x!tpu.dma_semaphore, #tpu.memory_space<semaphore_mem>> -> memref<!tpu.dma_semaphore, #tpu.memory_space<semaphore_mem>>
        tpu.wait_indirect_dma semaphore(%dma_wait3A_140 : memref<!tpu.dma_semaphore, #tpu.memory_space<semaphore_mem>>) src(%dma_wait3A_132 : memref<125x128xf32, #tpu.memory_space<vmem>>) dst(%dma_wait3A_138 : memref<10240x128xf32, #tpu.memory_space<vmem_shared>>)
        %dma_wait3A_141 = arith.constant 1 : i32
        %dma_wait3A_142 = arith.constant 1 : i32
        %dma_wait3A_143 = arith.constant 0 : i32
        %dma_wait3A_144 = arith.constant 0 : i32
        %dma_wait3A_145 = tpu.memref_slice %arg9[%dma_wait3A_141, %dma_wait3A_143, %dma_wait3A_144] : memref<2x125x128xf32, #tpu.memory_space<vmem>> -> memref<1x125x128xf32, #tpu.memory_space<vmem>>
        %dma_wait3A_146 = tpu.memref_squeeze %dma_wait3A_145 : memref<1x125x128xf32, #tpu.memory_space<vmem>> -> memref<125x128xf32, #tpu.memory_space<vmem>>
        %dma_wait3A_147 = arith.constant 0 : i32
        %dma_wait3A_148 = tpu.memref_slice %arg8[%add3A_112, %dma_wait3A_147] : memref<16x125xi32, #tpu.memory_space<vmem>> -> memref<1x125xi32, #tpu.memory_space<vmem>>
        %dma_wait3A_149 = tpu.memref_squeeze %dma_wait3A_148 : memref<1x125xi32, #tpu.memory_space<vmem>> -> memref<125xi32, #tpu.memory_space<vmem>>
        %dma_wait3A_150 = arith.constant 0 : i32
        %dma_wait3A_151 = arith.constant 0 : i32
        %dma_wait3A_152 = tpu.memref_slice %arg12[%dma_wait3A_150, %dma_wait3A_151] : memref<10240x128xf32, #tpu.memory_space<vmem_shared>> -> memref<10240x128xf32, #tpu.memory_space<vmem_shared>>
        %dma_wait3A_153 = tpu.memref_slice %arg11[%dma_wait3A_142] : memref<2x!tpu.dma_semaphore, #tpu.memory_space<semaphore_mem>> -> memref<1x!tpu.dma_semaphore, #tpu.memory_space<semaphore_mem>>
        %dma_wait3A_154 = tpu.memref_squeeze %dma_wait3A_153 : memref<1x!tpu.dma_semaphore, #tpu.memory_space<semaphore_mem>> -> memref<!tpu.dma_semaphore, #tpu.memory_space<semaphore_mem>>
        tpu.wait_indirect_dma semaphore(%dma_wait3A_154 : memref<!tpu.dma_semaphore, #tpu.memory_space<semaphore_mem>>) src(%dma_wait3A_146 : memref<125x128xf32, #tpu.memory_space<vmem>>) dst(%dma_wait3A_152 : memref<10240x128xf32, #tpu.memory_space<vmem_shared>>)
      }
      %scan3A_29 = arith.constant 8 : i32
    }
    %scan3A_12 = arith.constant 5 : i32
    %barrier3A_13 = arith.constant 0 : index
    tpu.barrier barrier_id(%barrier3A_13)
    %scan3A_14 = arith.constant 0 : i32
    %scan3A_15 = arith.constant 0 : i32
    %scan3A_16 = arith.constant 16 : i32
    %scan3A_17 = arith.addi %scan3A_15, %scan3A_16 : i32
    %scan3A_18 = arith.constant 1 : i32
    scf.for %scan3A_20 = %scan3A_15 to %scan3A_17 step %scan3A_18  : i32 {
      %mul3A_21 = arith.constant 1 : i32
      %mul3A_22 = arith.muli %scan3A_20, %mul3A_21 : i32
      %add3A_23 = arith.constant 0 : i32
      %add3A_24 = arith.addi %add3A_23, %mul3A_22 : i32
      %mul3A_25 = arith.constant 40 : i32
      %mul3A_26 = arith.muli %add3A_24, %mul3A_25 : i32
      %add3A_27 = arith.addi %mul3A_2, %mul3A_26 : i32
      "tpu.region"() ({
        %run_scoped3A_28 = tpu.sem_alloc : memref<!tpu.dma_semaphore, #tpu.memory_space<semaphore_mem>>
        %dma_start3A = arith.constant 0 : i32
        %dma_start3A_29 = arith.constant 0 : i32
        %dma_start3A_30 = tpu.memref_slice %arg9[%scan3A_14, %dma_start3A, %dma_start3A_29] : memref<2x125x128xf32, #tpu.memory_space<vmem>> -> memref<1x40x128xf32, #tpu.memory_space<vmem>>
        %dma_start3A_31 = tpu.memref_squeeze %dma_start3A_30 : memref<1x40x128xf32, #tpu.memory_space<vmem>> -> memref<40x128xf32, #tpu.memory_space<vmem>>
        %dma_start3A_32 = arith.constant 0 : i32
        %dma_start3A_33 = tpu.memref_slice %arg12[%add3A_27, %dma_start3A_32] : memref<10240x128xf32, #tpu.memory_space<vmem_shared>> -> memref<40x128xf32, #tpu.memory_space<vmem_shared>>
        %dma_start3A_34 = arith.constant 0 : i32
        %dma_start3A_35 = arith.constant 0 : i32
        %dma_start3A_36 = tpu.memref_slice %arg9[%scan3A_14, %dma_start3A_34, %dma_start3A_35] : memref<2x125x128xf32, #tpu.memory_space<vmem>> -> memref<1x40x128xf32, #tpu.memory_space<vmem>>
        %dma_start3A_37 = tpu.memref_squeeze %dma_start3A_36 : memref<1x40x128xf32, #tpu.memory_space<vmem>> -> memref<40x128xf32, #tpu.memory_space<vmem>>
        %dma_start3A_38 = arith.constant 0 : i32
        %dma_start3A_39 = tpu.memref_slice %arg12[%add3A_27, %dma_start3A_38] : memref<10240x128xf32, #tpu.memory_space<vmem_shared>> -> memref<40x128xf32, #tpu.memory_space<vmem_shared>>
        tpu.enqueue_dma source(%dma_start3A_39 : memref<40x128xf32, #tpu.memory_space<vmem_shared>>) target(%dma_start3A_37 : memref<40x128xf32, #tpu.memory_space<vmem>>) target_semaphore(%run_scoped3A_28 : memref<!tpu.dma_semaphore, #tpu.memory_space<semaphore_mem>>)
        %dma_wait3A = arith.constant 0 : i32
        %dma_wait3A_40 = arith.constant 0 : i32
        %dma_wait3A_41 = tpu.memref_slice %arg9[%scan3A_14, %dma_wait3A, %dma_wait3A_40] : memref<2x125x128xf32, #tpu.memory_space<vmem>> -> memref<1x40x128xf32, #tpu.memory_space<vmem>>
        %dma_wait3A_42 = tpu.memref_squeeze %dma_wait3A_41 : memref<1x40x128xf32, #tpu.memory_space<vmem>> -> memref<40x128xf32, #tpu.memory_space<vmem>>
        %dma_wait3A_43 = arith.constant 0 : i32
        %dma_wait3A_44 = tpu.memref_slice %arg12[%add3A_27, %dma_wait3A_43] : memref<10240x128xf32, #tpu.memory_space<vmem_shared>> -> memref<40x128xf32, #tpu.memory_space<vmem_shared>>
        %dma_wait3A_45 = arith.constant 0 : i32
        %dma_wait3A_46 = arith.constant 0 : i32
        %dma_wait3A_47 = tpu.memref_slice %arg9[%scan3A_14, %dma_wait3A_45, %dma_wait3A_46] : memref<2x125x128xf32, #tpu.memory_space<vmem>> -> memref<1x40x128xf32, #tpu.memory_space<vmem>>
        %dma_wait3A_48 = tpu.memref_squeeze %dma_wait3A_47 : memref<1x40x128xf32, #tpu.memory_space<vmem>> -> memref<40x128xf32, #tpu.memory_space<vmem>>
        %dma_wait3A_49 = arith.constant 0 : i32
        %dma_wait3A_50 = tpu.memref_slice %arg12[%add3A_27, %dma_wait3A_49] : memref<10240x128xf32, #tpu.memory_space<vmem_shared>> -> memref<40x128xf32, #tpu.memory_space<vmem_shared>>
        tpu.wait_dma2 semaphore(%run_scoped3A_28 : memref<!tpu.dma_semaphore, #tpu.memory_space<semaphore_mem>>) src(%dma_wait3A_50 : memref<40x128xf32, #tpu.memory_space<vmem_shared>>) dst(%dma_wait3A_48 : memref<40x128xf32, #tpu.memory_space<vmem>>)
        tpu.yield
      }) : () -> ()
      "tpu.region"() ({
        %run_scoped3A_28 = tpu.sem_alloc : memref<!tpu.dma_semaphore, #tpu.memory_space<semaphore_mem>>
        %dma_start3A = arith.constant 0 : i32
        %dma_start3A_29 = arith.constant 0 : i32
        %dma_start3A_30 = tpu.memref_slice %arg9[%scan3A_14, %dma_start3A, %dma_start3A_29] : memref<2x125x128xf32, #tpu.memory_space<vmem>> -> memref<1x40x128xf32, #tpu.memory_space<vmem>>
        %dma_start3A_31 = tpu.memref_squeeze %dma_start3A_30 : memref<1x40x128xf32, #tpu.memory_space<vmem>> -> memref<40x128xf32, #tpu.memory_space<vmem>>
        %dma_start3A_32 = arith.constant 0 : i32
        %dma_start3A_33 = tpu.memref_slice %arg6[%arg0, %add3A_27, %dma_start3A_32] : memref<2x10240x128xf32, #tpu.memory_space<hbm>> -> memref<1x40x128xf32, #tpu.memory_space<hbm>>
        %dma_start3A_34 = tpu.memref_squeeze %dma_start3A_33 : memref<1x40x128xf32, #tpu.memory_space<hbm>> -> memref<40x128xf32, #tpu.memory_space<hbm>>
        %dma_start3A_35 = arith.constant 0 : i32
        %dma_start3A_36 = tpu.memref_slice %arg6[%arg0, %add3A_27, %dma_start3A_35] : memref<2x10240x128xf32, #tpu.memory_space<hbm>> -> memref<1x40x128xf32, #tpu.memory_space<hbm>>
        %dma_start3A_37 = tpu.memref_squeeze %dma_start3A_36 : memref<1x40x128xf32, #tpu.memory_space<hbm>> -> memref<40x128xf32, #tpu.memory_space<hbm>>
        %dma_start3A_38 = arith.constant 0 : i32
        %dma_start3A_39 = arith.constant 0 : i32
        %dma_start3A_40 = tpu.memref_slice %arg9[%scan3A_14, %dma_start3A_38, %dma_start3A_39] : memref<2x125x128xf32, #tpu.memory_space<vmem>> -> memref<1x40x128xf32, #tpu.memory_space<vmem>>
        %dma_start3A_41 = tpu.memref_squeeze %dma_start3A_40 : memref<1x40x128xf32, #tpu.memory_space<vmem>> -> memref<40x128xf32, #tpu.memory_space<vmem>>
        tpu.enqueue_dma source(%dma_start3A_41 : memref<40x128xf32, #tpu.memory_space<vmem>>) target(%dma_start3A_37 : memref<40x128xf32, #tpu.memory_space<hbm>>) target_semaphore(%run_scoped3A_28 : memref<!tpu.dma_semaphore, #tpu.memory_space<semaphore_mem>>)
        %dma_wait3A = arith.constant 0 : i32
        %dma_wait3A_42 = arith.constant 0 : i32
        %dma_wait3A_43 = tpu.memref_slice %arg9[%scan3A_14, %dma_wait3A, %dma_wait3A_42] : memref<2x125x128xf32, #tpu.memory_space<vmem>> -> memref<1x40x128xf32, #tpu.memory_space<vmem>>
        %dma_wait3A_44 = tpu.memref_squeeze %dma_wait3A_43 : memref<1x40x128xf32, #tpu.memory_space<vmem>> -> memref<40x128xf32, #tpu.memory_space<vmem>>
        %dma_wait3A_45 = arith.constant 0 : i32
        %dma_wait3A_46 = tpu.memref_slice %arg6[%arg0, %add3A_27, %dma_wait3A_45] : memref<2x10240x128xf32, #tpu.memory_space<hbm>> -> memref<1x40x128xf32, #tpu.memory_space<hbm>>
        %dma_wait3A_47 = tpu.memref_squeeze %dma_wait3A_46 : memref<1x40x128xf32, #tpu.memory_space<hbm>> -> memref<40x128xf32, #tpu.memory_space<hbm>>
        %dma_wait3A_48 = arith.constant 0 : i32
        %dma_wait3A_49 = tpu.memref_slice %arg6[%arg0, %add3A_27, %dma_wait3A_48] : memref<2x10240x128xf32, #tpu.memory_space<hbm>> -> memref<1x40x128xf32, #tpu.memory_space<hbm>>
        %dma_wait3A_50 = tpu.memref_squeeze %dma_wait3A_49 : memref<1x40x128xf32, #tpu.memory_space<hbm>> -> memref<40x128xf32, #tpu.memory_space<hbm>>
        %dma_wait3A_51 = arith.constant 0 : i32
        %dma_wait3A_52 = arith.constant 0 : i32
        %dma_wait3A_53 = tpu.memref_slice %arg9[%scan3A_14, %dma_wait3A_51, %dma_wait3A_52] : memref<2x125x128xf32, #tpu.memory_space<vmem>> -> memref<1x40x128xf32, #tpu.memory_space<vmem>>
        %dma_wait3A_54 = tpu.memref_squeeze %dma_wait3A_53 : memref<1x40x128xf32, #tpu.memory_space<vmem>> -> memref<40x128xf32, #tpu.memory_space<vmem>>
        tpu.wait_dma2 semaphore(%run_scoped3A_28 : memref<!tpu.dma_semaphore, #tpu.memory_space<semaphore_mem>>) src(%dma_wait3A_54 : memref<40x128xf32, #tpu.memory_space<vmem>>) dst(%dma_wait3A_50 : memref<40x128xf32, #tpu.memory_space<hbm>>)
        tpu.yield
      }) : () -> ()
    }
    %scan3A_19 = arith.constant 16 : i32
    return
  }
}

#map = affine_map<(d0, d1) -> (0, 0)>
#map1 = affine_map<(d0, d1) -> (0, 0, 0, 0)>
#map2 = affine_map<(d0, d1) -> (0, 0, 0)>
module attributes {stable_mosaic.version = 14 : i64} {
  func.func @body(%arg0: i32, %arg1: i32, %arg2: memref<10000x128xf32, #tpu.memory_space<hbm>>, %arg3: memref<32x5x16x125xi32, #tpu.memory_space<hbm>>, %arg4: memref<32x5x16x125xi32, #tpu.memory_space<hbm>>, %arg5: memref<40x128xf32, #tpu.memory_space<hbm>>, %arg6: memref<2x10240x128xf32, #tpu.memory_space<hbm>>, %arg7: memref<16x125xi32, #tpu.memory_space<vmem>>, %arg8: memref<16x125xi32, #tpu.memory_space<vmem>>, %arg9: memref<2x125x128xf32, #tpu.memory_space<vmem>>, %arg10: memref<2x!tpu.dma_semaphore, #tpu.memory_space<semaphore_mem>>, %arg11: memref<2x!tpu.dma_semaphore, #tpu.memory_space<semaphore_mem>>, %arg12: memref<10240x128xf32, #tpu.memory_space<vmem_shared>>) attributes {dimension_semantics = [#tpu.dimension_semantics<core_parallel>, #tpu.dimension_semantics<subcore_parallel>], iteration_bounds = array<i64: 2, 16>, scalar_prefetch = 0 : i64, scratch_operands = 6 : i64, tpu.core_type = #tpu.core_type<sc_vector_subcore>, window_params = [{transform_indices = #map}, {transform_indices = #map1}, {transform_indices = #map1}, {transform_indices = #map}, {transform_indices = #map2}]} {
    %mul3A = arith.constant 2 : i32
    %mul3A_0 = arith.muli %arg1, %mul3A : i32
    %add3A = arith.addi %mul3A_0, %arg0 : i32
    %mul3A_1 = arith.constant 640 : i32
    %mul3A_2 = arith.muli %arg1, %mul3A_1 : i32
    %run_scoped3A = arith.constant 0 : i32
    "tpu.region"() ({
      %run_scoped3A_20 = tpu.sem_alloc : memref<!tpu.dma_semaphore, #tpu.memory_space<semaphore_mem>>
      %dma_start3A = arith.constant 0 : i32
      %dma_start3A_21 = arith.constant 0 : i32
      %dma_start3A_22 = tpu.memref_slice %arg9[%run_scoped3A, %dma_start3A, %dma_start3A_21] : memref<2x125x128xf32, #tpu.memory_space<vmem>> -> memref<1x40x128xf32, #tpu.memory_space<vmem>>
      %dma_start3A_23 = tpu.memref_squeeze %dma_start3A_22 : memref<1x40x128xf32, #tpu.memory_space<vmem>> -> memref<40x128xf32, #tpu.memory_space<vmem>>
      %dma_start3A_24 = arith.constant 0 : i32
      %dma_start3A_25 = arith.constant 0 : i32
      %dma_start3A_26 = tpu.memref_slice %arg9[%run_scoped3A, %dma_start3A_24, %dma_start3A_25] : memref<2x125x128xf32, #tpu.memory_space<vmem>> -> memref<1x40x128xf32, #tpu.memory_space<vmem>>
      %dma_start3A_27 = tpu.memref_squeeze %dma_start3A_26 : memref<1x40x128xf32, #tpu.memory_space<vmem>> -> memref<40x128xf32, #tpu.memory_space<vmem>>
      tpu.enqueue_dma source(%arg5 : memref<40x128xf32, #tpu.memory_space<hbm>>) target(%dma_start3A_27 : memref<40x128xf32, #tpu.memory_space<vmem>>) target_semaphore(%run_scoped3A_20 : memref<!tpu.dma_semaphore, #tpu.memory_space<semaphore_mem>>)
      %dma_wait3A = arith.constant 0 : i32
      %dma_wait3A_28 = arith.constant 0 : i32
      %dma_wait3A_29 = tpu.memref_slice %arg9[%run_scoped3A, %dma_wait3A, %dma_wait3A_28] : memref<2x125x128xf32, #tpu.memory_space<vmem>> -> memref<1x40x128xf32, #tpu.memory_space<vmem>>
      %dma_wait3A_30 = tpu.memref_squeeze %dma_wait3A_29 : memref<1x40x128xf32, #tpu.memory_space<vmem>> -> memref<40x128xf32, #tpu.memory_space<vmem>>
      %dma_wait3A_31 = arith.constant 0 : i32
      %dma_wait3A_32 = arith.constant 0 : i32
      %dma_wait3A_33 = tpu.memref_slice %arg9[%run_scoped3A, %dma_wait3A_31, %dma_wait3A_32] : memref<2x125x128xf32, #tpu.memory_space<vmem>> -> memref<1x40x128xf32, #tpu.memory_space<vmem>>
      %dma_wait3A_34 = tpu.memref_squeeze %dma_wait3A_33 : memref<1x40x128xf32, #tpu.memory_space<vmem>> -> memref<40x128xf32, #tpu.memory_space<vmem>>
      tpu.wait_dma2 semaphore(%run_scoped3A_20 : memref<!tpu.dma_semaphore, #tpu.memory_space<semaphore_mem>>) src(%arg5 : memref<40x128xf32, #tpu.memory_space<hbm>>) dst(%dma_wait3A_34 : memref<40x128xf32, #tpu.memory_space<vmem>>)
      tpu.yield
    }) : () -> ()
    %scan3A = arith.constant 0 : i32
    %scan3A_3 = arith.constant 0 : i32
    %scan3A_4 = arith.constant 16 : i32
    %scan3A_5 = arith.addi %scan3A_3, %scan3A_4 : i32
    %scan3A_6 = arith.constant 1 : i32
    scf.for %scan3A_20 = %scan3A_3 to %scan3A_5 step %scan3A_6  : i32 {
      %mul3A_21 = arith.constant 1 : i32
      %mul3A_22 = arith.muli %scan3A_20, %mul3A_21 : i32
      %add3A_23 = arith.constant 0 : i32
      %add3A_24 = arith.addi %add3A_23, %mul3A_22 : i32
      %mul3A_25 = arith.constant 40 : i32
      %mul3A_26 = arith.muli %add3A_24, %mul3A_25 : i32
      %add3A_27 = arith.addi %mul3A_2, %mul3A_26 : i32
      "tpu.region"() ({
        %run_scoped3A_28 = tpu.sem_alloc : memref<!tpu.dma_semaphore, #tpu.memory_space<semaphore_mem>>
        %dma_start3A = arith.constant 0 : i32
        %dma_start3A_29 = arith.constant 0 : i32
        %dma_start3A_30 = tpu.memref_slice %arg9[%scan3A, %dma_start3A, %dma_start3A_29] : memref<2x125x128xf32, #tpu.memory_space<vmem>> -> memref<1x40x128xf32, #tpu.memory_space<vmem>>
        %dma_start3A_31 = tpu.memref_squeeze %dma_start3A_30 : memref<1x40x128xf32, #tpu.memory_space<vmem>> -> memref<40x128xf32, #tpu.memory_space<vmem>>
        %dma_start3A_32 = arith.constant 0 : i32
        %dma_start3A_33 = tpu.memref_slice %arg12[%add3A_27, %dma_start3A_32] : memref<10240x128xf32, #tpu.memory_space<vmem_shared>> -> memref<40x128xf32, #tpu.memory_space<vmem_shared>>
        %dma_start3A_34 = arith.constant 0 : i32
        %dma_start3A_35 = tpu.memref_slice %arg12[%add3A_27, %dma_start3A_34] : memref<10240x128xf32, #tpu.memory_space<vmem_shared>> -> memref<40x128xf32, #tpu.memory_space<vmem_shared>>
        %dma_start3A_36 = arith.constant 0 : i32
        %dma_start3A_37 = arith.constant 0 : i32
        %dma_start3A_38 = tpu.memref_slice %arg9[%scan3A, %dma_start3A_36, %dma_start3A_37] : memref<2x125x128xf32, #tpu.memory_space<vmem>> -> memref<1x40x128xf32, #tpu.memory_space<vmem>>
        %dma_start3A_39 = tpu.memref_squeeze %dma_start3A_38 : memref<1x40x128xf32, #tpu.memory_space<vmem>> -> memref<40x128xf32, #tpu.memory_space<vmem>>
        tpu.enqueue_dma source(%dma_start3A_39 : memref<40x128xf32, #tpu.memory_space<vmem>>) target(%dma_start3A_35 : memref<40x128xf32, #tpu.memory_space<vmem_shared>>) target_semaphore(%run_scoped3A_28 : memref<!tpu.dma_semaphore, #tpu.memory_space<semaphore_mem>>)
        %dma_wait3A = arith.constant 0 : i32
        %dma_wait3A_40 = arith.constant 0 : i32
        %dma_wait3A_41 = tpu.memref_slice %arg9[%scan3A, %dma_wait3A, %dma_wait3A_40] : memref<2x125x128xf32, #tpu.memory_space<vmem>> -> memref<1x40x128xf32, #tpu.memory_space<vmem>>
        %dma_wait3A_42 = tpu.memref_squeeze %dma_wait3A_41 : memref<1x40x128xf32, #tpu.memory_space<vmem>> -> memref<40x128xf32, #tpu.memory_space<vmem>>
        %dma_wait3A_43 = arith.constant 0 : i32
        %dma_wait3A_44 = tpu.memref_slice %arg12[%add3A_27, %dma_wait3A_43] : memref<10240x128xf32, #tpu.memory_space<vmem_shared>> -> memref<40x128xf32, #tpu.memory_space<vmem_shared>>
        %dma_wait3A_45 = arith.constant 0 : i32
        %dma_wait3A_46 = tpu.memref_slice %arg12[%add3A_27, %dma_wait3A_45] : memref<10240x128xf32, #tpu.memory_space<vmem_shared>> -> memref<40x128xf32, #tpu.memory_space<vmem_shared>>
        %dma_wait3A_47 = arith.constant 0 : i32
        %dma_wait3A_48 = arith.constant 0 : i32
        %dma_wait3A_49 = tpu.memref_slice %arg9[%scan3A, %dma_wait3A_47, %dma_wait3A_48] : memref<2x125x128xf32, #tpu.memory_space<vmem>> -> memref<1x40x128xf32, #tpu.memory_space<vmem>>
        %dma_wait3A_50 = tpu.memref_squeeze %dma_wait3A_49 : memref<1x40x128xf32, #tpu.memory_space<vmem>> -> memref<40x128xf32, #tpu.memory_space<vmem>>
        tpu.wait_dma2 semaphore(%run_scoped3A_28 : memref<!tpu.dma_semaphore, #tpu.memory_space<semaphore_mem>>) src(%dma_wait3A_50 : memref<40x128xf32, #tpu.memory_space<vmem>>) dst(%dma_wait3A_46 : memref<40x128xf32, #tpu.memory_space<vmem_shared>>)
        tpu.yield
      }) : () -> ()
    }
    %scan3A_7 = arith.constant 16 : i32
    %barrier3A = arith.constant 0 : index
    tpu.barrier barrier_id(%barrier3A)
    %scan3A_8 = arith.constant 0 : i32
    %scan3A_9 = arith.constant 5 : i32
    %scan3A_10 = arith.addi %scan3A_8, %scan3A_9 : i32
    %scan3A_11 = arith.constant 1 : i32
    scf.for %scan3A_20 = %scan3A_8 to %scan3A_10 step %scan3A_11  : i32 {
      %mul3A_21 = arith.constant 1 : i32
      %mul3A_22 = arith.muli %scan3A_20, %mul3A_21 : i32
      %add3A_23 = arith.constant 0 : i32
      %add3A_24 = arith.addi %add3A_23, %mul3A_22 : i32
      "tpu.region"() ({
        %run_scoped3A_30 = tpu.sem_alloc : memref<!tpu.dma_semaphore, #tpu.memory_space<semaphore_mem>>
        %dma_start3A = arith.constant 0 : i32
        %dma_start3A_31 = arith.constant 0 : i32
        %dma_start3A_32 = tpu.memref_slice %arg3[%add3A, %add3A_24, %dma_start3A, %dma_start3A_31] : memref<32x5x16x125xi32, #tpu.memory_space<hbm>> -> memref<1x1x16x125xi32, #tpu.memory_space<hbm>>
        %dma_start3A_33 = tpu.memref_squeeze %dma_start3A_32 : memref<1x1x16x125xi32, #tpu.memory_space<hbm>> -> memref<16x125xi32, #tpu.memory_space<hbm>>
        %dma_start3A_34 = arith.constant 0 : i32
        %dma_start3A_35 = arith.constant 0 : i32
        %dma_start3A_36 = tpu.memref_slice %arg3[%add3A, %add3A_24, %dma_start3A_34, %dma_start3A_35] : memref<32x5x16x125xi32, #tpu.memory_space<hbm>> -> memref<1x1x16x125xi32, #tpu.memory_space<hbm>>
        %dma_start3A_37 = tpu.memref_squeeze %dma_start3A_36 : memref<1x1x16x125xi32, #tpu.memory_space<hbm>> -> memref<16x125xi32, #tpu.memory_space<hbm>>
        tpu.enqueue_dma source(%dma_start3A_37 : memref<16x125xi32, #tpu.memory_space<hbm>>) target(%arg7 : memref<16x125xi32, #tpu.memory_space<vmem>>) target_semaphore(%run_scoped3A_30 : memref<!tpu.dma_semaphore, #tpu.memory_space<semaphore_mem>>)
        %dma_wait3A = arith.constant 0 : i32
        %dma_wait3A_38 = arith.constant 0 : i32
        %dma_wait3A_39 = tpu.memref_slice %arg3[%add3A, %add3A_24, %dma_wait3A, %dma_wait3A_38] : memref<32x5x16x125xi32, #tpu.memory_space<hbm>> -> memref<1x1x16x125xi32, #tpu.memory_space<hbm>>
        %dma_wait3A_40 = tpu.memref_squeeze %dma_wait3A_39 : memref<1x1x16x125xi32, #tpu.memory_space<hbm>> -> memref<16x125xi32, #tpu.memory_space<hbm>>
        %dma_wait3A_41 = arith.constant 0 : i32
        %dma_wait3A_42 = arith.constant 0 : i32
        %dma_wait3A_43 = tpu.memref_slice %arg3[%add3A, %add3A_24, %dma_wait3A_41, %dma_wait3A_42] : memref<32x5x16x125xi32, #tpu.memory_space<hbm>> -> memref<1x1x16x125xi32, #tpu.memory_space<hbm>>
        %dma_wait3A_44 = tpu.memref_squeeze %dma_wait3A_43 : memref<1x1x16x125xi32, #tpu.memory_space<hbm>> -> memref<16x125xi32, #tpu.memory_space<hbm>>
        tpu.wait_dma2 semaphore(%run_scoped3A_30 : memref<!tpu.dma_semaphore, #tpu.memory_space<semaphore_mem>>) src(%dma_wait3A_44 : memref<16x125xi32, #tpu.memory_space<hbm>>) dst(%arg7 : memref<16x125xi32, #tpu.memory_space<vmem>>)
        tpu.yield
      }) : () -> ()
      "tpu.region"() ({
        %run_scoped3A_30 = tpu.sem_alloc : memref<!tpu.dma_semaphore, #tpu.memory_space<semaphore_mem>>
        %dma_start3A = arith.constant 0 : i32
        %dma_start3A_31 = arith.constant 0 : i32
        %dma_start3A_32 = tpu.memref_slice %arg4[%add3A, %add3A_24, %dma_start3A, %dma_start3A_31] : memref<32x5x16x125xi32, #tpu.memory_space<hbm>> -> memref<1x1x16x125xi32, #tpu.memory_space<hbm>>
        %dma_start3A_33 = tpu.memref_squeeze %dma_start3A_32 : memref<1x1x16x125xi32, #tpu.memory_space<hbm>> -> memref<16x125xi32, #tpu.memory_space<hbm>>
        %dma_start3A_34 = arith.constant 0 : i32
        %dma_start3A_35 = arith.constant 0 : i32
        %dma_start3A_36 = tpu.memref_slice %arg4[%add3A, %add3A_24, %dma_start3A_34, %dma_start3A_35] : memref<32x5x16x125xi32, #tpu.memory_space<hbm>> -> memref<1x1x16x125xi32, #tpu.memory_space<hbm>>
        %dma_start3A_37 = tpu.memref_squeeze %dma_start3A_36 : memref<1x1x16x125xi32, #tpu.memory_space<hbm>> -> memref<16x125xi32, #tpu.memory_space<hbm>>
        tpu.enqueue_dma source(%dma_start3A_37 : memref<16x125xi32, #tpu.memory_space<hbm>>) target(%arg8 : memref<16x125xi32, #tpu.memory_space<vmem>>) target_semaphore(%run_scoped3A_30 : memref<!tpu.dma_semaphore, #tpu.memory_space<semaphore_mem>>)
        %dma_wait3A = arith.constant 0 : i32
        %dma_wait3A_38 = arith.constant 0 : i32
        %dma_wait3A_39 = tpu.memref_slice %arg4[%add3A, %add3A_24, %dma_wait3A, %dma_wait3A_38] : memref<32x5x16x125xi32, #tpu.memory_space<hbm>> -> memref<1x1x16x125xi32, #tpu.memory_space<hbm>>
        %dma_wait3A_40 = tpu.memref_squeeze %dma_wait3A_39 : memref<1x1x16x125xi32, #tpu.memory_space<hbm>> -> memref<16x125xi32, #tpu.memory_space<hbm>>
        %dma_wait3A_41 = arith.constant 0 : i32
        %dma_wait3A_42 = arith.constant 0 : i32
        %dma_wait3A_43 = tpu.memref_slice %arg4[%add3A, %add3A_24, %dma_wait3A_41, %dma_wait3A_42] : memref<32x5x16x125xi32, #tpu.memory_space<hbm>> -> memref<1x1x16x125xi32, #tpu.memory_space<hbm>>
        %dma_wait3A_44 = tpu.memref_squeeze %dma_wait3A_43 : memref<1x1x16x125xi32, #tpu.memory_space<hbm>> -> memref<16x125xi32, #tpu.memory_space<hbm>>
        tpu.wait_dma2 semaphore(%run_scoped3A_30 : memref<!tpu.dma_semaphore, #tpu.memory_space<semaphore_mem>>) src(%dma_wait3A_44 : memref<16x125xi32, #tpu.memory_space<hbm>>) dst(%arg8 : memref<16x125xi32, #tpu.memory_space<vmem>>)
        tpu.yield
      }) : () -> ()
      %scan3A_25 = arith.constant 0 : i32
      %scan3A_26 = arith.constant 8 : i32
      %scan3A_27 = arith.addi %scan3A_25, %scan3A_26 : i32
      %scan3A_28 = arith.constant 1 : i32
      scf.for %scan3A_30 = %scan3A_25 to %scan3A_27 step %scan3A_28  : i32 {
        %mul3A_31 = arith.constant 1 : i32
        %mul3A_32 = arith.muli %scan3A_30, %mul3A_31 : i32
        %add3A_33 = arith.constant 0 : i32
        %add3A_34 = arith.addi %add3A_33, %mul3A_32 : i32
        %mul3A_35 = arith.constant 2 : i32
        %mul3A_36 = arith.muli %add3A_34, %mul3A_35 : i32
        %add3A_37 = arith.constant 0 : i32
        %add3A_38 = arith.addi %mul3A_36, %add3A_37 : i32
        %dma_start3A = arith.constant 0 : i32
        %dma_start3A_39 = arith.constant 0 : i32
        %dma_start3A_40 = arith.constant 0 : i32
        %dma_start3A_41 = arith.constant 0 : i32
        %dma_start3A_42 = tpu.memref_slice %arg9[%dma_start3A, %dma_start3A_40, %dma_start3A_41] : memref<2x125x128xf32, #tpu.memory_space<vmem>> -> memref<1x125x128xf32, #tpu.memory_space<vmem>>
        %dma_start3A_43 = tpu.memref_squeeze %dma_start3A_42 : memref<1x125x128xf32, #tpu.memory_space<vmem>> -> memref<125x128xf32, #tpu.memory_space<vmem>>
        %dma_start3A_44 = arith.constant 0 : i32
        %dma_start3A_45 = tpu.memref_slice %arg7[%add3A_38, %dma_start3A_44] : memref<16x125xi32, #tpu.memory_space<vmem>> -> memref<1x125xi32, #tpu.memory_space<vmem>>
        %dma_start3A_46 = tpu.memref_squeeze %dma_start3A_45 : memref<1x125xi32, #tpu.memory_space<vmem>> -> memref<125xi32, #tpu.memory_space<vmem>>
        %dma_start3A_47 = arith.constant 0 : i32
        %dma_start3A_48 = arith.constant 0 : i32
        %dma_start3A_49 = tpu.memref_slice %arg2[%dma_start3A_47, %dma_start3A_48] : memref<10000x128xf32, #tpu.memory_space<hbm>> -> memref<10000x128xf32, #tpu.memory_space<hbm>>
        %dma_start3A_50 = tpu.memref_slice %arg10[%dma_start3A_39] : memref<2x!tpu.dma_semaphore, #tpu.memory_space<semaphore_mem>> -> memref<1x!tpu.dma_semaphore, #tpu.memory_space<semaphore_mem>>
        %dma_start3A_51 = tpu.memref_squeeze %dma_start3A_50 : memref<1x!tpu.dma_semaphore, #tpu.memory_space<semaphore_mem>> -> memref<!tpu.dma_semaphore, #tpu.memory_space<semaphore_mem>>
        tpu.enqueue_indirect_dma source(%dma_start3A_49 : memref<10000x128xf32, #tpu.memory_space<hbm>>) target(%dma_start3A_43 : memref<125x128xf32, #tpu.memory_space<vmem>>) offsets(%dma_start3A_46 : memref<125xi32, #tpu.memory_space<vmem>>) semaphore(%dma_start3A_51 : memref<!tpu.dma_semaphore, #tpu.memory_space<semaphore_mem>>)
        %add3A_52 = arith.constant 1 : i32
        %add3A_53 = arith.addi %mul3A_36, %add3A_52 : i32
        %dma_start3A_54 = arith.constant 1 : i32
        %dma_start3A_55 = arith.constant 1 : i32
        %dma_start3A_56 = arith.constant 0 : i32
        %dma_start3A_57 = arith.constant 0 : i32
        %dma_start3A_58 = tpu.memref_slice %arg9[%dma_start3A_54, %dma_start3A_56, %dma_start3A_57] : memref<2x125x128xf32, #tpu.memory_space<vmem>> -> memref<1x125x128xf32, #tpu.memory_space<vmem>>
        %dma_start3A_59 = tpu.memref_squeeze %dma_start3A_58 : memref<1x125x128xf32, #tpu.memory_space<vmem>> -> memref<125x128xf32, #tpu.memory_space<vmem>>
        %dma_start3A_60 = arith.constant 0 : i32
        %dma_start3A_61 = tpu.memref_slice %arg7[%add3A_53, %dma_start3A_60] : memref<16x125xi32, #tpu.memory_space<vmem>> -> memref<1x125xi32, #tpu.memory_space<vmem>>
        %dma_start3A_62 = tpu.memref_squeeze %dma_start3A_61 : memref<1x125xi32, #tpu.memory_space<vmem>> -> memref<125xi32, #tpu.memory_space<vmem>>
        %dma_start3A_63 = arith.constant 0 : i32
        %dma_start3A_64 = arith.constant 0 : i32
        %dma_start3A_65 = tpu.memref_slice %arg2[%dma_start3A_63, %dma_start3A_64] : memref<10000x128xf32, #tpu.memory_space<hbm>> -> memref<10000x128xf32, #tpu.memory_space<hbm>>
        %dma_start3A_66 = tpu.memref_slice %arg10[%dma_start3A_55] : memref<2x!tpu.dma_semaphore, #tpu.memory_space<semaphore_mem>> -> memref<1x!tpu.dma_semaphore, #tpu.memory_space<semaphore_mem>>
        %dma_start3A_67 = tpu.memref_squeeze %dma_start3A_66 : memref<1x!tpu.dma_semaphore, #tpu.memory_space<semaphore_mem>> -> memref<!tpu.dma_semaphore, #tpu.memory_space<semaphore_mem>>
        tpu.enqueue_indirect_dma source(%dma_start3A_65 : memref<10000x128xf32, #tpu.memory_space<hbm>>) target(%dma_start3A_59 : memref<125x128xf32, #tpu.memory_space<vmem>>) offsets(%dma_start3A_62 : memref<125xi32, #tpu.memory_space<vmem>>) semaphore(%dma_start3A_67 : memref<!tpu.dma_semaphore, #tpu.memory_space<semaphore_mem>>)
        %dma_wait3A = arith.constant 0 : i32
        %dma_wait3A_68 = arith.constant 0 : i32
        %dma_wait3A_69 = arith.constant 0 : i32
        %dma_wait3A_70 = arith.constant 0 : i32
        %dma_wait3A_71 = tpu.memref_slice %arg9[%dma_wait3A, %dma_wait3A_69, %dma_wait3A_70] : memref<2x125x128xf32, #tpu.memory_space<vmem>> -> memref<1x125x128xf32, #tpu.memory_space<vmem>>
        %dma_wait3A_72 = tpu.memref_squeeze %dma_wait3A_71 : memref<1x125x128xf32, #tpu.memory_space<vmem>> -> memref<125x128xf32, #tpu.memory_space<vmem>>
        %dma_wait3A_73 = arith.constant 0 : i32
        %dma_wait3A_74 = tpu.memref_slice %arg7[%add3A_38, %dma_wait3A_73] : memref<16x125xi32, #tpu.memory_space<vmem>> -> memref<1x125xi32, #tpu.memory_space<vmem>>
        %dma_wait3A_75 = tpu.memref_squeeze %dma_wait3A_74 : memref<1x125xi32, #tpu.memory_space<vmem>> -> memref<125xi32, #tpu.memory_space<vmem>>
        %dma_wait3A_76 = arith.constant 0 : i32
        %dma_wait3A_77 = arith.constant 0 : i32
        %dma_wait3A_78 = tpu.memref_slice %arg2[%dma_wait3A_76, %dma_wait3A_77] : memref<10000x128xf32, #tpu.memory_space<hbm>> -> memref<10000x128xf32, #tpu.memory_space<hbm>>
        %dma_wait3A_79 = tpu.memref_slice %arg10[%dma_wait3A_68] : memref<2x!tpu.dma_semaphore, #tpu.memory_space<semaphore_mem>> -> memref<1x!tpu.dma_semaphore, #tpu.memory_space<semaphore_mem>>
        %dma_wait3A_80 = tpu.memref_squeeze %dma_wait3A_79 : memref<1x!tpu.dma_semaphore, #tpu.memory_space<semaphore_mem>> -> memref<!tpu.dma_semaphore, #tpu.memory_space<semaphore_mem>>
        tpu.wait_indirect_dma semaphore(%dma_wait3A_80 : memref<!tpu.dma_semaphore, #tpu.memory_space<semaphore_mem>>) src(%dma_wait3A_78 : memref<10000x128xf32, #tpu.memory_space<hbm>>) dst(%dma_wait3A_72 : memref<125x128xf32, #tpu.memory_space<vmem>>)
        %add3A_81 = arith.constant 0 : i32
        %add3A_82 = arith.addi %mul3A_36, %add3A_81 : i32
        %dma_start3A_83 = arith.constant 0 : i32
        %dma_start3A_84 = arith.constant 0 : i32
        %dma_start3A_85 = arith.constant 0 : i32
        %dma_start3A_86 = arith.constant 0 : i32
        %dma_start3A_87 = tpu.memref_slice %arg9[%dma_start3A_83, %dma_start3A_85, %dma_start3A_86] : memref<2x125x128xf32, #tpu.memory_space<vmem>> -> memref<1x125x128xf32, #tpu.memory_space<vmem>>
        %dma_start3A_88 = tpu.memref_squeeze %dma_start3A_87 : memref<1x125x128xf32, #tpu.memory_space<vmem>> -> memref<125x128xf32, #tpu.memory_space<vmem>>
        %dma_start3A_89 = arith.constant 0 : i32
        %dma_start3A_90 = tpu.memref_slice %arg8[%add3A_82, %dma_start3A_89] : memref<16x125xi32, #tpu.memory_space<vmem>> -> memref<1x125xi32, #tpu.memory_space<vmem>>
        %dma_start3A_91 = tpu.memref_squeeze %dma_start3A_90 : memref<1x125xi32, #tpu.memory_space<vmem>> -> memref<125xi32, #tpu.memory_space<vmem>>
        %dma_start3A_92 = arith.constant 0 : i32
        %dma_start3A_93 = arith.constant 0 : i32
        %dma_start3A_94 = tpu.memref_slice %arg12[%dma_start3A_92, %dma_start3A_93] : memref<10240x128xf32, #tpu.memory_space<vmem_shared>> -> memref<10240x128xf32, #tpu.memory_space<vmem_shared>>
        %dma_start3A_95 = tpu.memref_slice %arg11[%dma_start3A_84] : memref<2x!tpu.dma_semaphore, #tpu.memory_space<semaphore_mem>> -> memref<1x!tpu.dma_semaphore, #tpu.memory_space<semaphore_mem>>
        %dma_start3A_96 = tpu.memref_squeeze %dma_start3A_95 : memref<1x!tpu.dma_semaphore, #tpu.memory_space<semaphore_mem>> -> memref<!tpu.dma_semaphore, #tpu.memory_space<semaphore_mem>>
        tpu.enqueue_indirect_dma source(%dma_start3A_88 : memref<125x128xf32, #tpu.memory_space<vmem>>) target(%dma_start3A_94 : memref<10240x128xf32, #tpu.memory_space<vmem_shared>>) offsets(%dma_start3A_91 : memref<125xi32, #tpu.memory_space<vmem>>) semaphore(%dma_start3A_96 : memref<!tpu.dma_semaphore, #tpu.memory_space<semaphore_mem>>) {add = true}
        %dma_wait3A_97 = arith.constant 1 : i32
        %dma_wait3A_98 = arith.constant 1 : i32
        %dma_wait3A_99 = arith.constant 0 : i32
        %dma_wait3A_100 = arith.constant 0 : i32
        %dma_wait3A_101 = tpu.memref_slice %arg9[%dma_wait3A_97, %dma_wait3A_99, %dma_wait3A_100] : memref<2x125x128xf32, #tpu.memory_space<vmem>> -> memref<1x125x128xf32, #tpu.memory_space<vmem>>
        %dma_wait3A_102 = tpu.memref_squeeze %dma_wait3A_101 : memref<1x125x128xf32, #tpu.memory_space<vmem>> -> memref<125x128xf32, #tpu.memory_space<vmem>>
        %dma_wait3A_103 = arith.constant 0 : i32
        %dma_wait3A_104 = tpu.memref_slice %arg7[%add3A_53, %dma_wait3A_103] : memref<16x125xi32, #tpu.memory_space<vmem>> -> memref<1x125xi32, #tpu.memory_space<vmem>>
        %dma_wait3A_105 = tpu.memref_squeeze %dma_wait3A_104 : memref<1x125xi32, #tpu.memory_space<vmem>> -> memref<125xi32, #tpu.memory_space<vmem>>
        %dma_wait3A_106 = arith.constant 0 : i32
        %dma_wait3A_107 = arith.constant 0 : i32
        %dma_wait3A_108 = tpu.memref_slice %arg2[%dma_wait3A_106, %dma_wait3A_107] : memref<10000x128xf32, #tpu.memory_space<hbm>> -> memref<10000x128xf32, #tpu.memory_space<hbm>>
        %dma_wait3A_109 = tpu.memref_slice %arg10[%dma_wait3A_98] : memref<2x!tpu.dma_semaphore, #tpu.memory_space<semaphore_mem>> -> memref<1x!tpu.dma_semaphore, #tpu.memory_space<semaphore_mem>>
        %dma_wait3A_110 = tpu.memref_squeeze %dma_wait3A_109 : memref<1x!tpu.dma_semaphore, #tpu.memory_space<semaphore_mem>> -> memref<!tpu.dma_semaphore, #tpu.memory_space<semaphore_mem>>
        tpu.wait_indirect_dma semaphore(%dma_wait3A_110 : memref<!tpu.dma_semaphore, #tpu.memory_space<semaphore_mem>>) src(%dma_wait3A_108 : memref<10000x128xf32, #tpu.memory_space<hbm>>) dst(%dma_wait3A_102 : memref<125x128xf32, #tpu.memory_space<vmem>>)
        %add3A_111 = arith.constant 1 : i32
        %add3A_112 = arith.addi %mul3A_36, %add3A_111 : i32
        %dma_start3A_113 = arith.constant 1 : i32
        %dma_start3A_114 = arith.constant 1 : i32
        %dma_start3A_115 = arith.constant 0 : i32
        %dma_start3A_116 = arith.constant 0 : i32
        %dma_start3A_117 = tpu.memref_slice %arg9[%dma_start3A_113, %dma_start3A_115, %dma_start3A_116] : memref<2x125x128xf32, #tpu.memory_space<vmem>> -> memref<1x125x128xf32, #tpu.memory_space<vmem>>
        %dma_start3A_118 = tpu.memref_squeeze %dma_start3A_117 : memref<1x125x128xf32, #tpu.memory_space<vmem>> -> memref<125x128xf32, #tpu.memory_space<vmem>>
        %dma_start3A_119 = arith.constant 0 : i32
        %dma_start3A_120 = tpu.memref_slice %arg8[%add3A_112, %dma_start3A_119] : memref<16x125xi32, #tpu.memory_space<vmem>> -> memref<1x125xi32, #tpu.memory_space<vmem>>
        %dma_start3A_121 = tpu.memref_squeeze %dma_start3A_120 : memref<1x125xi32, #tpu.memory_space<vmem>> -> memref<125xi32, #tpu.memory_space<vmem>>
        %dma_start3A_122 = arith.constant 0 : i32
        %dma_start3A_123 = arith.constant 0 : i32
        %dma_start3A_124 = tpu.memref_slice %arg12[%dma_start3A_122, %dma_start3A_123] : memref<10240x128xf32, #tpu.memory_space<vmem_shared>> -> memref<10240x128xf32, #tpu.memory_space<vmem_shared>>
        %dma_start3A_125 = tpu.memref_slice %arg11[%dma_start3A_114] : memref<2x!tpu.dma_semaphore, #tpu.memory_space<semaphore_mem>> -> memref<1x!tpu.dma_semaphore, #tpu.memory_space<semaphore_mem>>
        %dma_start3A_126 = tpu.memref_squeeze %dma_start3A_125 : memref<1x!tpu.dma_semaphore, #tpu.memory_space<semaphore_mem>> -> memref<!tpu.dma_semaphore, #tpu.memory_space<semaphore_mem>>
        tpu.enqueue_indirect_dma source(%dma_start3A_118 : memref<125x128xf32, #tpu.memory_space<vmem>>) target(%dma_start3A_124 : memref<10240x128xf32, #tpu.memory_space<vmem_shared>>) offsets(%dma_start3A_121 : memref<125xi32, #tpu.memory_space<vmem>>) semaphore(%dma_start3A_126 : memref<!tpu.dma_semaphore, #tpu.memory_space<semaphore_mem>>) {add = true}
        %dma_wait3A_127 = arith.constant 0 : i32
        %dma_wait3A_128 = arith.constant 0 : i32
        %dma_wait3A_129 = arith.constant 0 : i32
        %dma_wait3A_130 = arith.constant 0 : i32
        %dma_wait3A_131 = tpu.memref_slice %arg9[%dma_wait3A_127, %dma_wait3A_129, %dma_wait3A_130] : memref<2x125x128xf32, #tpu.memory_space<vmem>> -> memref<1x125x128xf32, #tpu.memory_space<vmem>>
        %dma_wait3A_132 = tpu.memref_squeeze %dma_wait3A_131 : memref<1x125x128xf32, #tpu.memory_space<vmem>> -> memref<125x128xf32, #tpu.memory_space<vmem>>
        %dma_wait3A_133 = arith.constant 0 : i32
        %dma_wait3A_134 = tpu.memref_slice %arg8[%add3A_82, %dma_wait3A_133] : memref<16x125xi32, #tpu.memory_space<vmem>> -> memref<1x125xi32, #tpu.memory_space<vmem>>
        %dma_wait3A_135 = tpu.memref_squeeze %dma_wait3A_134 : memref<1x125xi32, #tpu.memory_space<vmem>> -> memref<125xi32, #tpu.memory_space<vmem>>
        %dma_wait3A_136 = arith.constant 0 : i32
        %dma_wait3A_137 = arith.constant 0 : i32
        %dma_wait3A_138 = tpu.memref_slice %arg12[%dma_wait3A_136, %dma_wait3A_137] : memref<10240x128xf32, #tpu.memory_space<vmem_shared>> -> memref<10240x128xf32, #tpu.memory_space<vmem_shared>>
        %dma_wait3A_139 = tpu.memref_slice %arg11[%dma_wait3A_128] : memref<2x!tpu.dma_semaphore, #tpu.memory_space<semaphore_mem>> -> memref<1x!tpu.dma_semaphore, #tpu.memory_space<semaphore_mem>>
        %dma_wait3A_140 = tpu.memref_squeeze %dma_wait3A_139 : memref<1x!tpu.dma_semaphore, #tpu.memory_space<semaphore_mem>> -> memref<!tpu.dma_semaphore, #tpu.memory_space<semaphore_mem>>
        tpu.wait_indirect_dma semaphore(%dma_wait3A_140 : memref<!tpu.dma_semaphore, #tpu.memory_space<semaphore_mem>>) src(%dma_wait3A_132 : memref<125x128xf32, #tpu.memory_space<vmem>>) dst(%dma_wait3A_138 : memref<10240x128xf32, #tpu.memory_space<vmem_shared>>)
        %dma_wait3A_141 = arith.constant 1 : i32
        %dma_wait3A_142 = arith.constant 1 : i32
        %dma_wait3A_143 = arith.constant 0 : i32
        %dma_wait3A_144 = arith.constant 0 : i32
        %dma_wait3A_145 = tpu.memref_slice %arg9[%dma_wait3A_141, %dma_wait3A_143, %dma_wait3A_144] : memref<2x125x128xf32, #tpu.memory_space<vmem>> -> memref<1x125x128xf32, #tpu.memory_space<vmem>>
        %dma_wait3A_146 = tpu.memref_squeeze %dma_wait3A_145 : memref<1x125x128xf32, #tpu.memory_space<vmem>> -> memref<125x128xf32, #tpu.memory_space<vmem>>
        %dma_wait3A_147 = arith.constant 0 : i32
        %dma_wait3A_148 = tpu.memref_slice %arg8[%add3A_112, %dma_wait3A_147] : memref<16x125xi32, #tpu.memory_space<vmem>> -> memref<1x125xi32, #tpu.memory_space<vmem>>
        %dma_wait3A_149 = tpu.memref_squeeze %dma_wait3A_148 : memref<1x125xi32, #tpu.memory_space<vmem>> -> memref<125xi32, #tpu.memory_space<vmem>>
        %dma_wait3A_150 = arith.constant 0 : i32
        %dma_wait3A_151 = arith.constant 0 : i32
        %dma_wait3A_152 = tpu.memref_slice %arg12[%dma_wait3A_150, %dma_wait3A_151] : memref<10240x128xf32, #tpu.memory_space<vmem_shared>> -> memref<10240x128xf32, #tpu.memory_space<vmem_shared>>
        %dma_wait3A_153 = tpu.memref_slice %arg11[%dma_wait3A_142] : memref<2x!tpu.dma_semaphore, #tpu.memory_space<semaphore_mem>> -> memref<1x!tpu.dma_semaphore, #tpu.memory_space<semaphore_mem>>
        %dma_wait3A_154 = tpu.memref_squeeze %dma_wait3A_153 : memref<1x!tpu.dma_semaphore, #tpu.memory_space<semaphore_mem>> -> memref<!tpu.dma_semaphore, #tpu.memory_space<semaphore_mem>>
        tpu.wait_indirect_dma semaphore(%dma_wait3A_154 : memref<!tpu.dma_semaphore, #tpu.memory_space<semaphore_mem>>) src(%dma_wait3A_146 : memref<125x128xf32, #tpu.memory_space<vmem>>) dst(%dma_wait3A_152 : memref<10240x128xf32, #tpu.memory_space<vmem_shared>>)
      }
      %scan3A_29 = arith.constant 8 : i32
    }
    %scan3A_12 = arith.constant 5 : i32
    %barrier3A_13 = arith.constant 0 : index
    tpu.barrier barrier_id(%barrier3A_13)
    %scan3A_14 = arith.constant 0 : i32
    %scan3A_15 = arith.constant 0 : i32
    %scan3A_16 = arith.constant 16 : i32
    %scan3A_17 = arith.addi %scan3A_15, %scan3A_16 : i32
    %scan3A_18 = arith.constant 1 : i32
    scf.for %scan3A_20 = %scan3A_15 to %scan3A_17 step %scan3A_18  : i32 {
      %mul3A_21 = arith.constant 1 : i32
      %mul3A_22 = arith.muli %scan3A_20, %mul3A_21 : i32
      %add3A_23 = arith.constant 0 : i32
      %add3A_24 = arith.addi %add3A_23, %mul3A_22 : i32
      %mul3A_25 = arith.constant 40 : i32
      %mul3A_26 = arith.muli %add3A_24, %mul3A_25 : i32
      %add3A_27 = arith.addi %mul3A_2, %mul3A_26 : i32
      "tpu.region"() ({
        %run_scoped3A_28 = tpu.sem_alloc : memref<!tpu.dma_semaphore, #tpu.memory_space<semaphore_mem>>
        %dma_start3A = arith.constant 0 : i32
        %dma_start3A_29 = arith.constant 0 : i32
        %dma_start3A_30 = tpu.memref_slice %arg9[%scan3A_14, %dma_start3A, %dma_start3A_29] : memref<2x125x128xf32, #tpu.memory_space<vmem>> -> memref<1x40x128xf32, #tpu.memory_space<vmem>>
        %dma_start3A_31 = tpu.memref_squeeze %dma_start3A_30 : memref<1x40x128xf32, #tpu.memory_space<vmem>> -> memref<40x128xf32, #tpu.memory_space<vmem>>
        %dma_start3A_32 = arith.constant 0 : i32
        %dma_start3A_33 = tpu.memref_slice %arg12[%add3A_27, %dma_start3A_32] : memref<10240x128xf32, #tpu.memory_space<vmem_shared>> -> memref<40x128xf32, #tpu.memory_space<vmem_shared>>
        %dma_start3A_34 = arith.constant 0 : i32
        %dma_start3A_35 = arith.constant 0 : i32
        %dma_start3A_36 = tpu.memref_slice %arg9[%scan3A_14, %dma_start3A_34, %dma_start3A_35] : memref<2x125x128xf32, #tpu.memory_space<vmem>> -> memref<1x40x128xf32, #tpu.memory_space<vmem>>
        %dma_start3A_37 = tpu.memref_squeeze %dma_start3A_36 : memref<1x40x128xf32, #tpu.memory_space<vmem>> -> memref<40x128xf32, #tpu.memory_space<vmem>>
        %dma_start3A_38 = arith.constant 0 : i32
        %dma_start3A_39 = tpu.memref_slice %arg12[%add3A_27, %dma_start3A_38] : memref<10240x128xf32, #tpu.memory_space<vmem_shared>> -> memref<40x128xf32, #tpu.memory_space<vmem_shared>>
        tpu.enqueue_dma source(%dma_start3A_39 : memref<40x128xf32, #tpu.memory_space<vmem_shared>>) target(%dma_start3A_37 : memref<40x128xf32, #tpu.memory_space<vmem>>) target_semaphore(%run_scoped3A_28 : memref<!tpu.dma_semaphore, #tpu.memory_space<semaphore_mem>>)
        %dma_wait3A = arith.constant 0 : i32
        %dma_wait3A_40 = arith.constant 0 : i32
        %dma_wait3A_41 = tpu.memref_slice %arg9[%scan3A_14, %dma_wait3A, %dma_wait3A_40] : memref<2x125x128xf32, #tpu.memory_space<vmem>> -> memref<1x40x128xf32, #tpu.memory_space<vmem>>
        %dma_wait3A_42 = tpu.memref_squeeze %dma_wait3A_41 : memref<1x40x128xf32, #tpu.memory_space<vmem>> -> memref<40x128xf32, #tpu.memory_space<vmem>>
        %dma_wait3A_43 = arith.constant 0 : i32
        %dma_wait3A_44 = tpu.memref_slice %arg12[%add3A_27, %dma_wait3A_43] : memref<10240x128xf32, #tpu.memory_space<vmem_shared>> -> memref<40x128xf32, #tpu.memory_space<vmem_shared>>
        %dma_wait3A_45 = arith.constant 0 : i32
        %dma_wait3A_46 = arith.constant 0 : i32
        %dma_wait3A_47 = tpu.memref_slice %arg9[%scan3A_14, %dma_wait3A_45, %dma_wait3A_46] : memref<2x125x128xf32, #tpu.memory_space<vmem>> -> memref<1x40x128xf32, #tpu.memory_space<vmem>>
        %dma_wait3A_48 = tpu.memref_squeeze %dma_wait3A_47 : memref<1x40x128xf32, #tpu.memory_space<vmem>> -> memref<40x128xf32, #tpu.memory_space<vmem>>
        %dma_wait3A_49 = arith.constant 0 : i32
        %dma_wait3A_50 = tpu.memref_slice %arg12[%add3A_27, %dma_wait3A_49] : memref<10240x128xf32, #tpu.memory_space<vmem_shared>> -> memref<40x128xf32, #tpu.memory_space<vmem_shared>>
        tpu.wait_dma2 semaphore(%run_scoped3A_28 : memref<!tpu.dma_semaphore, #tpu.memory_space<semaphore_mem>>) src(%dma_wait3A_50 : memref<40x128xf32, #tpu.memory_space<vmem_shared>>) dst(%dma_wait3A_48 : memref<40x128xf32, #tpu.memory_space<vmem>>)
        tpu.yield
      }) : () -> ()
      "tpu.region"() ({
        %run_scoped3A_28 = tpu.sem_alloc : memref<!tpu.dma_semaphore, #tpu.memory_space<semaphore_mem>>
        %dma_start3A = arith.constant 0 : i32
        %dma_start3A_29 = arith.constant 0 : i32
        %dma_start3A_30 = tpu.memref_slice %arg9[%scan3A_14, %dma_start3A, %dma_start3A_29] : memref<2x125x128xf32, #tpu.memory_space<vmem>> -> memref<1x40x128xf32, #tpu.memory_space<vmem>>
        %dma_start3A_31 = tpu.memref_squeeze %dma_start3A_30 : memref<1x40x128xf32, #tpu.memory_space<vmem>> -> memref<40x128xf32, #tpu.memory_space<vmem>>
        %dma_start3A_32 = arith.constant 0 : i32
        %dma_start3A_33 = tpu.memref_slice %arg6[%arg0, %add3A_27, %dma_start3A_32] : memref<2x10240x128xf32, #tpu.memory_space<hbm>> -> memref<1x40x128xf32, #tpu.memory_space<hbm>>
        %dma_start3A_34 = tpu.memref_squeeze %dma_start3A_33 : memref<1x40x128xf32, #tpu.memory_space<hbm>> -> memref<40x128xf32, #tpu.memory_space<hbm>>
        %dma_start3A_35 = arith.constant 0 : i32
        %dma_start3A_36 = tpu.memref_slice %arg6[%arg0, %add3A_27, %dma_start3A_35] : memref<2x10240x128xf32, #tpu.memory_space<hbm>> -> memref<1x40x128xf32, #tpu.memory_space<hbm>>
        %dma_start3A_37 = tpu.memref_squeeze %dma_start3A_36 : memref<1x40x128xf32, #tpu.memory_space<hbm>> -> memref<40x128xf32, #tpu.memory_space<hbm>>
        %dma_start3A_38 = arith.constant 0 : i32
        %dma_start3A_39 = arith.constant 0 : i32
        %dma_start3A_40 = tpu.memref_slice %arg9[%scan3A_14, %dma_start3A_38, %dma_start3A_39] : memref<2x125x128xf32, #tpu.memory_space<vmem>> -> memref<1x40x128xf32, #tpu.memory_space<vmem>>
        %dma_start3A_41 = tpu.memref_squeeze %dma_start3A_40 : memref<1x40x128xf32, #tpu.memory_space<vmem>> -> memref<40x128xf32, #tpu.memory_space<vmem>>
        tpu.enqueue_dma source(%dma_start3A_41 : memref<40x128xf32, #tpu.memory_space<vmem>>) target(%dma_start3A_37 : memref<40x128xf32, #tpu.memory_space<hbm>>) target_semaphore(%run_scoped3A_28 : memref<!tpu.dma_semaphore, #tpu.memory_space<semaphore_mem>>)
        %dma_wait3A = arith.constant 0 : i32
        %dma_wait3A_42 = arith.constant 0 : i32
        %dma_wait3A_43 = tpu.memref_slice %arg9[%scan3A_14, %dma_wait3A, %dma_wait3A_42] : memref<2x125x128xf32, #tpu.memory_space<vmem>> -> memref<1x40x128xf32, #tpu.memory_space<vmem>>
        %dma_wait3A_44 = tpu.memref_squeeze %dma_wait3A_43 : memref<1x40x128xf32, #tpu.memory_space<vmem>> -> memref<40x128xf32, #tpu.memory_space<vmem>>
        %dma_wait3A_45 = arith.constant 0 : i32
        %dma_wait3A_46 = tpu.memref_slice %arg6[%arg0, %add3A_27, %dma_wait3A_45] : memref<2x10240x128xf32, #tpu.memory_space<hbm>> -> memref<1x40x128xf32, #tpu.memory_space<hbm>>
        %dma_wait3A_47 = tpu.memref_squeeze %dma_wait3A_46 : memref<1x40x128xf32, #tpu.memory_space<hbm>> -> memref<40x128xf32, #tpu.memory_space<hbm>>
        %dma_wait3A_48 = arith.constant 0 : i32
        %dma_wait3A_49 = tpu.memref_slice %arg6[%arg0, %add3A_27, %dma_wait3A_48] : memref<2x10240x128xf32, #tpu.memory_space<hbm>> -> memref<1x40x128xf32, #tpu.memory_space<hbm>>
        %dma_wait3A_50 = tpu.memref_squeeze %dma_wait3A_49 : memref<1x40x128xf32, #tpu.memory_space<hbm>> -> memref<40x128xf32, #tpu.memory_space<hbm>>
        %dma_wait3A_51 = arith.constant 0 : i32
        %dma_wait3A_52 = arith.constant 0 : i32
        %dma_wait3A_53 = tpu.memref_slice %arg9[%scan3A_14, %dma_wait3A_51, %dma_wait3A_52] : memref<2x125x128xf32, #tpu.memory_space<vmem>> -> memref<1x40x128xf32, #tpu.memory_space<vmem>>
        %dma_wait3A_54 = tpu.memref_squeeze %dma_wait3A_53 : memref<1x40x128xf32, #tpu.memory_space<vmem>> -> memref<40x128xf32, #tpu.memory_space<vmem>>
        tpu.wait_dma2 semaphore(%run_scoped3A_28 : memref<!tpu.dma_semaphore, #tpu.memory_space<semaphore_mem>>) src(%dma_wait3A_54 : memref<40x128xf32, #tpu.memory_space<vmem>>) dst(%dma_wait3A_50 : memref<40x128xf32, #tpu.memory_space<hbm>>)
        tpu.yield
      }) : () -> ()
    }
    %scan3A_19 = arith.constant 16 : i32
    return
  }
}

#map = affine_map<(d0, d1) -> (0, 0, 0, 0)>
#map1 = affine_map<(d0, d1) -> (0, 0)>
#map2 = affine_map<(d0, d1) -> (0, 0, 0)>
module attributes {stable_mosaic.version = 14 : i64} {
  func.func @body(%arg0: i32, %arg1: i32, %arg2: memref<32x5x16x125xi32, #tpu.memory_space<hbm>>, %arg3: memref<40x128xf32, #tpu.memory_space<hbm>>, %arg4: memref<125x128xf32, #tpu.memory_space<hbm>>, %arg5: memref<2x10240x128xf32, #tpu.memory_space<hbm>>, %arg6: memref<16x125xi32, #tpu.memory_space<vmem>>, %arg7: memref<125x128xf32, #tpu.memory_space<vmem>>, %arg8: memref<2x!tpu.dma_semaphore, #tpu.memory_space<semaphore_mem>>, %arg9: memref<10240x128xf32, #tpu.memory_space<vmem_shared>>) attributes {dimension_semantics = [#tpu.dimension_semantics<core_parallel>, #tpu.dimension_semantics<subcore_parallel>], iteration_bounds = array<i64: 2, 16>, scalar_prefetch = 0 : i64, scratch_operands = 4 : i64, tpu.core_type = #tpu.core_type<sc_vector_subcore>, window_params = [{transform_indices = #map}, {transform_indices = #map1}, {transform_indices = #map1}, {transform_indices = #map2}]} {
    %mul3A = arith.constant 2 : i32
    %mul3A_0 = arith.muli %arg1, %mul3A : i32
    %add3A = arith.addi %mul3A_0, %arg0 : i32
    %mul3A_1 = arith.constant 640 : i32
    %mul3A_2 = arith.muli %arg1, %mul3A_1 : i32
    "tpu.region"() ({
      %run_scoped3A = tpu.sem_alloc : memref<!tpu.dma_semaphore, #tpu.memory_space<semaphore_mem>>
      %dma_start3A = arith.constant 0 : i32
      %dma_start3A_18 = arith.constant 0 : i32
      %dma_start3A_19 = tpu.memref_slice %arg7[%dma_start3A, %dma_start3A_18] : memref<125x128xf32, #tpu.memory_space<vmem>> -> memref<40x128xf32, #tpu.memory_space<vmem>>
      %dma_start3A_20 = arith.constant 0 : i32
      %dma_start3A_21 = arith.constant 0 : i32
      %dma_start3A_22 = tpu.memref_slice %arg7[%dma_start3A_20, %dma_start3A_21] : memref<125x128xf32, #tpu.memory_space<vmem>> -> memref<40x128xf32, #tpu.memory_space<vmem>>
      tpu.enqueue_dma source(%arg3 : memref<40x128xf32, #tpu.memory_space<hbm>>) target(%dma_start3A_22 : memref<40x128xf32, #tpu.memory_space<vmem>>) target_semaphore(%run_scoped3A : memref<!tpu.dma_semaphore, #tpu.memory_space<semaphore_mem>>)
      %dma_wait3A = arith.constant 0 : i32
      %dma_wait3A_23 = arith.constant 0 : i32
      %dma_wait3A_24 = tpu.memref_slice %arg7[%dma_wait3A, %dma_wait3A_23] : memref<125x128xf32, #tpu.memory_space<vmem>> -> memref<40x128xf32, #tpu.memory_space<vmem>>
      %dma_wait3A_25 = arith.constant 0 : i32
      %dma_wait3A_26 = arith.constant 0 : i32
      %dma_wait3A_27 = tpu.memref_slice %arg7[%dma_wait3A_25, %dma_wait3A_26] : memref<125x128xf32, #tpu.memory_space<vmem>> -> memref<40x128xf32, #tpu.memory_space<vmem>>
      tpu.wait_dma2 semaphore(%run_scoped3A : memref<!tpu.dma_semaphore, #tpu.memory_space<semaphore_mem>>) src(%arg3 : memref<40x128xf32, #tpu.memory_space<hbm>>) dst(%dma_wait3A_27 : memref<40x128xf32, #tpu.memory_space<vmem>>)
      tpu.yield
    }) : () -> ()
    %scan3A = arith.constant 0 : i32
    %scan3A_3 = arith.constant 16 : i32
    %scan3A_4 = arith.addi %scan3A, %scan3A_3 : i32
    %scan3A_5 = arith.constant 1 : i32
    scf.for %scan3A_18 = %scan3A to %scan3A_4 step %scan3A_5  : i32 {
      %mul3A_19 = arith.constant 1 : i32
      %mul3A_20 = arith.muli %scan3A_18, %mul3A_19 : i32
      %add3A_21 = arith.constant 0 : i32
      %add3A_22 = arith.addi %add3A_21, %mul3A_20 : i32
      %mul3A_23 = arith.constant 40 : i32
      %mul3A_24 = arith.muli %add3A_22, %mul3A_23 : i32
      %add3A_25 = arith.addi %mul3A_2, %mul3A_24 : i32
      "tpu.region"() ({
        %run_scoped3A = tpu.sem_alloc : memref<!tpu.dma_semaphore, #tpu.memory_space<semaphore_mem>>
        %dma_start3A = arith.constant 0 : i32
        %dma_start3A_26 = arith.constant 0 : i32
        %dma_start3A_27 = tpu.memref_slice %arg7[%dma_start3A, %dma_start3A_26] : memref<125x128xf32, #tpu.memory_space<vmem>> -> memref<40x128xf32, #tpu.memory_space<vmem>>
        %dma_start3A_28 = arith.constant 0 : i32
        %dma_start3A_29 = tpu.memref_slice %arg9[%add3A_25, %dma_start3A_28] : memref<10240x128xf32, #tpu.memory_space<vmem_shared>> -> memref<40x128xf32, #tpu.memory_space<vmem_shared>>
        %dma_start3A_30 = arith.constant 0 : i32
        %dma_start3A_31 = tpu.memref_slice %arg9[%add3A_25, %dma_start3A_30] : memref<10240x128xf32, #tpu.memory_space<vmem_shared>> -> memref<40x128xf32, #tpu.memory_space<vmem_shared>>
        %dma_start3A_32 = arith.constant 0 : i32
        %dma_start3A_33 = arith.constant 0 : i32
        %dma_start3A_34 = tpu.memref_slice %arg7[%dma_start3A_32, %dma_start3A_33] : memref<125x128xf32, #tpu.memory_space<vmem>> -> memref<40x128xf32, #tpu.memory_space<vmem>>
        tpu.enqueue_dma source(%dma_start3A_34 : memref<40x128xf32, #tpu.memory_space<vmem>>) target(%dma_start3A_31 : memref<40x128xf32, #tpu.memory_space<vmem_shared>>) target_semaphore(%run_scoped3A : memref<!tpu.dma_semaphore, #tpu.memory_space<semaphore_mem>>)
        %dma_wait3A = arith.constant 0 : i32
        %dma_wait3A_35 = arith.constant 0 : i32
        %dma_wait3A_36 = tpu.memref_slice %arg7[%dma_wait3A, %dma_wait3A_35] : memref<125x128xf32, #tpu.memory_space<vmem>> -> memref<40x128xf32, #tpu.memory_space<vmem>>
        %dma_wait3A_37 = arith.constant 0 : i32
        %dma_wait3A_38 = tpu.memref_slice %arg9[%add3A_25, %dma_wait3A_37] : memref<10240x128xf32, #tpu.memory_space<vmem_shared>> -> memref<40x128xf32, #tpu.memory_space<vmem_shared>>
        %dma_wait3A_39 = arith.constant 0 : i32
        %dma_wait3A_40 = tpu.memref_slice %arg9[%add3A_25, %dma_wait3A_39] : memref<10240x128xf32, #tpu.memory_space<vmem_shared>> -> memref<40x128xf32, #tpu.memory_space<vmem_shared>>
        %dma_wait3A_41 = arith.constant 0 : i32
        %dma_wait3A_42 = arith.constant 0 : i32
        %dma_wait3A_43 = tpu.memref_slice %arg7[%dma_wait3A_41, %dma_wait3A_42] : memref<125x128xf32, #tpu.memory_space<vmem>> -> memref<40x128xf32, #tpu.memory_space<vmem>>
        tpu.wait_dma2 semaphore(%run_scoped3A : memref<!tpu.dma_semaphore, #tpu.memory_space<semaphore_mem>>) src(%dma_wait3A_43 : memref<40x128xf32, #tpu.memory_space<vmem>>) dst(%dma_wait3A_40 : memref<40x128xf32, #tpu.memory_space<vmem_shared>>)
        tpu.yield
      }) : () -> ()
    }
    %scan3A_6 = arith.constant 16 : i32
    "tpu.region"() ({
      %run_scoped3A = tpu.sem_alloc : memref<!tpu.dma_semaphore, #tpu.memory_space<semaphore_mem>>
      tpu.enqueue_dma source(%arg4 : memref<125x128xf32, #tpu.memory_space<hbm>>) target(%arg7 : memref<125x128xf32, #tpu.memory_space<vmem>>) target_semaphore(%run_scoped3A : memref<!tpu.dma_semaphore, #tpu.memory_space<semaphore_mem>>)
      tpu.wait_dma2 semaphore(%run_scoped3A : memref<!tpu.dma_semaphore, #tpu.memory_space<semaphore_mem>>) src(%arg4 : memref<125x128xf32, #tpu.memory_space<hbm>>) dst(%arg7 : memref<125x128xf32, #tpu.memory_space<vmem>>)
      tpu.yield
    }) : () -> ()
    %barrier3A = arith.constant 0 : index
    tpu.barrier barrier_id(%barrier3A)
    %scan3A_7 = arith.constant 0 : i32
    %scan3A_8 = arith.constant 5 : i32
    %scan3A_9 = arith.addi %scan3A_7, %scan3A_8 : i32
    %scan3A_10 = arith.constant 1 : i32
    scf.for %scan3A_18 = %scan3A_7 to %scan3A_9 step %scan3A_10  : i32 {
      %mul3A_19 = arith.constant 1 : i32
      %mul3A_20 = arith.muli %scan3A_18, %mul3A_19 : i32
      %add3A_21 = arith.constant 0 : i32
      %add3A_22 = arith.addi %add3A_21, %mul3A_20 : i32
      "tpu.region"() ({
        %run_scoped3A = tpu.sem_alloc : memref<!tpu.dma_semaphore, #tpu.memory_space<semaphore_mem>>
        %dma_start3A = arith.constant 0 : i32
        %dma_start3A_28 = arith.constant 0 : i32
        %dma_start3A_29 = tpu.memref_slice %arg2[%add3A, %add3A_22, %dma_start3A, %dma_start3A_28] : memref<32x5x16x125xi32, #tpu.memory_space<hbm>> -> memref<1x1x16x125xi32, #tpu.memory_space<hbm>>
        %dma_start3A_30 = tpu.memref_squeeze %dma_start3A_29 : memref<1x1x16x125xi32, #tpu.memory_space<hbm>> -> memref<16x125xi32, #tpu.memory_space<hbm>>
        %dma_start3A_31 = arith.constant 0 : i32
        %dma_start3A_32 = arith.constant 0 : i32
        %dma_start3A_33 = tpu.memref_slice %arg2[%add3A, %add3A_22, %dma_start3A_31, %dma_start3A_32] : memref<32x5x16x125xi32, #tpu.memory_space<hbm>> -> memref<1x1x16x125xi32, #tpu.memory_space<hbm>>
        %dma_start3A_34 = tpu.memref_squeeze %dma_start3A_33 : memref<1x1x16x125xi32, #tpu.memory_space<hbm>> -> memref<16x125xi32, #tpu.memory_space<hbm>>
        tpu.enqueue_dma source(%dma_start3A_34 : memref<16x125xi32, #tpu.memory_space<hbm>>) target(%arg6 : memref<16x125xi32, #tpu.memory_space<vmem>>) target_semaphore(%run_scoped3A : memref<!tpu.dma_semaphore, #tpu.memory_space<semaphore_mem>>)
        %dma_wait3A = arith.constant 0 : i32
        %dma_wait3A_35 = arith.constant 0 : i32
        %dma_wait3A_36 = tpu.memref_slice %arg2[%add3A, %add3A_22, %dma_wait3A, %dma_wait3A_35] : memref<32x5x16x125xi32, #tpu.memory_space<hbm>> -> memref<1x1x16x125xi32, #tpu.memory_space<hbm>>
        %dma_wait3A_37 = tpu.memref_squeeze %dma_wait3A_36 : memref<1x1x16x125xi32, #tpu.memory_space<hbm>> -> memref<16x125xi32, #tpu.memory_space<hbm>>
        %dma_wait3A_38 = arith.constant 0 : i32
        %dma_wait3A_39 = arith.constant 0 : i32
        %dma_wait3A_40 = tpu.memref_slice %arg2[%add3A, %add3A_22, %dma_wait3A_38, %dma_wait3A_39] : memref<32x5x16x125xi32, #tpu.memory_space<hbm>> -> memref<1x1x16x125xi32, #tpu.memory_space<hbm>>
        %dma_wait3A_41 = tpu.memref_squeeze %dma_wait3A_40 : memref<1x1x16x125xi32, #tpu.memory_space<hbm>> -> memref<16x125xi32, #tpu.memory_space<hbm>>
        tpu.wait_dma2 semaphore(%run_scoped3A : memref<!tpu.dma_semaphore, #tpu.memory_space<semaphore_mem>>) src(%dma_wait3A_41 : memref<16x125xi32, #tpu.memory_space<hbm>>) dst(%arg6 : memref<16x125xi32, #tpu.memory_space<vmem>>)
        tpu.yield
      }) : () -> ()
      %scan3A_23 = arith.constant 0 : i32
      %scan3A_24 = arith.constant 8 : i32
      %scan3A_25 = arith.addi %scan3A_23, %scan3A_24 : i32
      %scan3A_26 = arith.constant 1 : i32
      scf.for %scan3A_28 = %scan3A_23 to %scan3A_25 step %scan3A_26  : i32 {
        %mul3A_29 = arith.constant 1 : i32
        %mul3A_30 = arith.muli %scan3A_28, %mul3A_29 : i32
        %add3A_31 = arith.constant 0 : i32
        %add3A_32 = arith.addi %add3A_31, %mul3A_30 : i32
        %mul3A_33 = arith.constant 2 : i32
        %mul3A_34 = arith.muli %add3A_32, %mul3A_33 : i32
        %add3A_35 = arith.constant 0 : i32
        %add3A_36 = arith.addi %mul3A_34, %add3A_35 : i32
        %dma_start3A = arith.constant 0 : i32
        %dma_start3A_37 = arith.constant 0 : i32
        %dma_start3A_38 = tpu.memref_slice %arg6[%add3A_36, %dma_start3A_37] : memref<16x125xi32, #tpu.memory_space<vmem>> -> memref<1x125xi32, #tpu.memory_space<vmem>>
        %dma_start3A_39 = tpu.memref_squeeze %dma_start3A_38 : memref<1x125xi32, #tpu.memory_space<vmem>> -> memref<125xi32, #tpu.memory_space<vmem>>
        %dma_start3A_40 = arith.constant 0 : i32
        %dma_start3A_41 = arith.constant 0 : i32
        %dma_start3A_42 = tpu.memref_slice %arg9[%dma_start3A_40, %dma_start3A_41] : memref<10240x128xf32, #tpu.memory_space<vmem_shared>> -> memref<10240x128xf32, #tpu.memory_space<vmem_shared>>
        %dma_start3A_43 = tpu.memref_slice %arg8[%dma_start3A] : memref<2x!tpu.dma_semaphore, #tpu.memory_space<semaphore_mem>> -> memref<1x!tpu.dma_semaphore, #tpu.memory_space<semaphore_mem>>
        %dma_start3A_44 = tpu.memref_squeeze %dma_start3A_43 : memref<1x!tpu.dma_semaphore, #tpu.memory_space<semaphore_mem>> -> memref<!tpu.dma_semaphore, #tpu.memory_space<semaphore_mem>>
        tpu.enqueue_indirect_dma source(%arg7 : memref<125x128xf32, #tpu.memory_space<vmem>>) target(%dma_start3A_42 : memref<10240x128xf32, #tpu.memory_space<vmem_shared>>) offsets(%dma_start3A_39 : memref<125xi32, #tpu.memory_space<vmem>>) semaphore(%dma_start3A_44 : memref<!tpu.dma_semaphore, #tpu.memory_space<semaphore_mem>>) {add = true}
        %add3A_45 = arith.constant 1 : i32
        %add3A_46 = arith.addi %mul3A_34, %add3A_45 : i32
        %dma_start3A_47 = arith.constant 1 : i32
        %dma_start3A_48 = arith.constant 0 : i32
        %dma_start3A_49 = tpu.memref_slice %arg6[%add3A_46, %dma_start3A_48] : memref<16x125xi32, #tpu.memory_space<vmem>> -> memref<1x125xi32, #tpu.memory_space<vmem>>
        %dma_start3A_50 = tpu.memref_squeeze %dma_start3A_49 : memref<1x125xi32, #tpu.memory_space<vmem>> -> memref<125xi32, #tpu.memory_space<vmem>>
        %dma_start3A_51 = arith.constant 0 : i32
        %dma_start3A_52 = arith.constant 0 : i32
        %dma_start3A_53 = tpu.memref_slice %arg9[%dma_start3A_51, %dma_start3A_52] : memref<10240x128xf32, #tpu.memory_space<vmem_shared>> -> memref<10240x128xf32, #tpu.memory_space<vmem_shared>>
        %dma_start3A_54 = tpu.memref_slice %arg8[%dma_start3A_47] : memref<2x!tpu.dma_semaphore, #tpu.memory_space<semaphore_mem>> -> memref<1x!tpu.dma_semaphore, #tpu.memory_space<semaphore_mem>>
        %dma_start3A_55 = tpu.memref_squeeze %dma_start3A_54 : memref<1x!tpu.dma_semaphore, #tpu.memory_space<semaphore_mem>> -> memref<!tpu.dma_semaphore, #tpu.memory_space<semaphore_mem>>
        tpu.enqueue_indirect_dma source(%arg7 : memref<125x128xf32, #tpu.memory_space<vmem>>) target(%dma_start3A_53 : memref<10240x128xf32, #tpu.memory_space<vmem_shared>>) offsets(%dma_start3A_50 : memref<125xi32, #tpu.memory_space<vmem>>) semaphore(%dma_start3A_55 : memref<!tpu.dma_semaphore, #tpu.memory_space<semaphore_mem>>) {add = true}
        %dma_wait3A = arith.constant 0 : i32
        %dma_wait3A_56 = arith.constant 0 : i32
        %dma_wait3A_57 = tpu.memref_slice %arg6[%add3A_36, %dma_wait3A_56] : memref<16x125xi32, #tpu.memory_space<vmem>> -> memref<1x125xi32, #tpu.memory_space<vmem>>
        %dma_wait3A_58 = tpu.memref_squeeze %dma_wait3A_57 : memref<1x125xi32, #tpu.memory_space<vmem>> -> memref<125xi32, #tpu.memory_space<vmem>>
        %dma_wait3A_59 = arith.constant 0 : i32
        %dma_wait3A_60 = arith.constant 0 : i32
        %dma_wait3A_61 = tpu.memref_slice %arg9[%dma_wait3A_59, %dma_wait3A_60] : memref<10240x128xf32, #tpu.memory_space<vmem_shared>> -> memref<10240x128xf32, #tpu.memory_space<vmem_shared>>
        %dma_wait3A_62 = tpu.memref_slice %arg8[%dma_wait3A] : memref<2x!tpu.dma_semaphore, #tpu.memory_space<semaphore_mem>> -> memref<1x!tpu.dma_semaphore, #tpu.memory_space<semaphore_mem>>
        %dma_wait3A_63 = tpu.memref_squeeze %dma_wait3A_62 : memref<1x!tpu.dma_semaphore, #tpu.memory_space<semaphore_mem>> -> memref<!tpu.dma_semaphore, #tpu.memory_space<semaphore_mem>>
        tpu.wait_indirect_dma semaphore(%dma_wait3A_63 : memref<!tpu.dma_semaphore, #tpu.memory_space<semaphore_mem>>) src(%arg7 : memref<125x128xf32, #tpu.memory_space<vmem>>) dst(%dma_wait3A_61 : memref<10240x128xf32, #tpu.memory_space<vmem_shared>>)
        %dma_wait3A_64 = arith.constant 1 : i32
        %dma_wait3A_65 = arith.constant 0 : i32
        %dma_wait3A_66 = tpu.memref_slice %arg6[%add3A_46, %dma_wait3A_65] : memref<16x125xi32, #tpu.memory_space<vmem>> -> memref<1x125xi32, #tpu.memory_space<vmem>>
        %dma_wait3A_67 = tpu.memref_squeeze %dma_wait3A_66 : memref<1x125xi32, #tpu.memory_space<vmem>> -> memref<125xi32, #tpu.memory_space<vmem>>
        %dma_wait3A_68 = arith.constant 0 : i32
        %dma_wait3A_69 = arith.constant 0 : i32
        %dma_wait3A_70 = tpu.memref_slice %arg9[%dma_wait3A_68, %dma_wait3A_69] : memref<10240x128xf32, #tpu.memory_space<vmem_shared>> -> memref<10240x128xf32, #tpu.memory_space<vmem_shared>>
        %dma_wait3A_71 = tpu.memref_slice %arg8[%dma_wait3A_64] : memref<2x!tpu.dma_semaphore, #tpu.memory_space<semaphore_mem>> -> memref<1x!tpu.dma_semaphore, #tpu.memory_space<semaphore_mem>>
        %dma_wait3A_72 = tpu.memref_squeeze %dma_wait3A_71 : memref<1x!tpu.dma_semaphore, #tpu.memory_space<semaphore_mem>> -> memref<!tpu.dma_semaphore, #tpu.memory_space<semaphore_mem>>
        tpu.wait_indirect_dma semaphore(%dma_wait3A_72 : memref<!tpu.dma_semaphore, #tpu.memory_space<semaphore_mem>>) src(%arg7 : memref<125x128xf32, #tpu.memory_space<vmem>>) dst(%dma_wait3A_70 : memref<10240x128xf32, #tpu.memory_space<vmem_shared>>)
      }
      %scan3A_27 = arith.constant 8 : i32
    }
    %scan3A_11 = arith.constant 5 : i32
    %barrier3A_12 = arith.constant 0 : index
    tpu.barrier barrier_id(%barrier3A_12)
    %scan3A_13 = arith.constant 0 : i32
    %scan3A_14 = arith.constant 16 : i32
    %scan3A_15 = arith.addi %scan3A_13, %scan3A_14 : i32
    %scan3A_16 = arith.constant 1 : i32
    scf.for %scan3A_18 = %scan3A_13 to %scan3A_15 step %scan3A_16  : i32 {
      %mul3A_19 = arith.constant 1 : i32
      %mul3A_20 = arith.muli %scan3A_18, %mul3A_19 : i32
      %add3A_21 = arith.constant 0 : i32
      %add3A_22 = arith.addi %add3A_21, %mul3A_20 : i32
      %mul3A_23 = arith.constant 40 : i32
      %mul3A_24 = arith.muli %add3A_22, %mul3A_23 : i32
      %add3A_25 = arith.addi %mul3A_2, %mul3A_24 : i32
      "tpu.region"() ({
        %run_scoped3A = tpu.sem_alloc : memref<!tpu.dma_semaphore, #tpu.memory_space<semaphore_mem>>
        %dma_start3A = arith.constant 0 : i32
        %dma_start3A_26 = arith.constant 0 : i32
        %dma_start3A_27 = tpu.memref_slice %arg7[%dma_start3A, %dma_start3A_26] : memref<125x128xf32, #tpu.memory_space<vmem>> -> memref<40x128xf32, #tpu.memory_space<vmem>>
        %dma_start3A_28 = arith.constant 0 : i32
        %dma_start3A_29 = tpu.memref_slice %arg9[%add3A_25, %dma_start3A_28] : memref<10240x128xf32, #tpu.memory_space<vmem_shared>> -> memref<40x128xf32, #tpu.memory_space<vmem_shared>>
        %dma_start3A_30 = arith.constant 0 : i32
        %dma_start3A_31 = arith.constant 0 : i32
        %dma_start3A_32 = tpu.memref_slice %arg7[%dma_start3A_30, %dma_start3A_31] : memref<125x128xf32, #tpu.memory_space<vmem>> -> memref<40x128xf32, #tpu.memory_space<vmem>>
        %dma_start3A_33 = arith.constant 0 : i32
        %dma_start3A_34 = tpu.memref_slice %arg9[%add3A_25, %dma_start3A_33] : memref<10240x128xf32, #tpu.memory_space<vmem_shared>> -> memref<40x128xf32, #tpu.memory_space<vmem_shared>>
        tpu.enqueue_dma source(%dma_start3A_34 : memref<40x128xf32, #tpu.memory_space<vmem_shared>>) target(%dma_start3A_32 : memref<40x128xf32, #tpu.memory_space<vmem>>) target_semaphore(%run_scoped3A : memref<!tpu.dma_semaphore, #tpu.memory_space<semaphore_mem>>)
        %dma_wait3A = arith.constant 0 : i32
        %dma_wait3A_35 = arith.constant 0 : i32
        %dma_wait3A_36 = tpu.memref_slice %arg7[%dma_wait3A, %dma_wait3A_35] : memref<125x128xf32, #tpu.memory_space<vmem>> -> memref<40x128xf32, #tpu.memory_space<vmem>>
        %dma_wait3A_37 = arith.constant 0 : i32
        %dma_wait3A_38 = tpu.memref_slice %arg9[%add3A_25, %dma_wait3A_37] : memref<10240x128xf32, #tpu.memory_space<vmem_shared>> -> memref<40x128xf32, #tpu.memory_space<vmem_shared>>
        %dma_wait3A_39 = arith.constant 0 : i32
        %dma_wait3A_40 = arith.constant 0 : i32
        %dma_wait3A_41 = tpu.memref_slice %arg7[%dma_wait3A_39, %dma_wait3A_40] : memref<125x128xf32, #tpu.memory_space<vmem>> -> memref<40x128xf32, #tpu.memory_space<vmem>>
        %dma_wait3A_42 = arith.constant 0 : i32
        %dma_wait3A_43 = tpu.memref_slice %arg9[%add3A_25, %dma_wait3A_42] : memref<10240x128xf32, #tpu.memory_space<vmem_shared>> -> memref<40x128xf32, #tpu.memory_space<vmem_shared>>
        tpu.wait_dma2 semaphore(%run_scoped3A : memref<!tpu.dma_semaphore, #tpu.memory_space<semaphore_mem>>) src(%dma_wait3A_43 : memref<40x128xf32, #tpu.memory_space<vmem_shared>>) dst(%dma_wait3A_41 : memref<40x128xf32, #tpu.memory_space<vmem>>)
        tpu.yield
      }) : () -> ()
      "tpu.region"() ({
        %run_scoped3A = tpu.sem_alloc : memref<!tpu.dma_semaphore, #tpu.memory_space<semaphore_mem>>
        %dma_start3A = arith.constant 0 : i32
        %dma_start3A_26 = arith.constant 0 : i32
        %dma_start3A_27 = tpu.memref_slice %arg7[%dma_start3A, %dma_start3A_26] : memref<125x128xf32, #tpu.memory_space<vmem>> -> memref<40x128xf32, #tpu.memory_space<vmem>>
        %dma_start3A_28 = arith.constant 0 : i32
        %dma_start3A_29 = tpu.memref_slice %arg5[%arg0, %add3A_25, %dma_start3A_28] : memref<2x10240x128xf32, #tpu.memory_space<hbm>> -> memref<1x40x128xf32, #tpu.memory_space<hbm>>
        %dma_start3A_30 = tpu.memref_squeeze %dma_start3A_29 : memref<1x40x128xf32, #tpu.memory_space<hbm>> -> memref<40x128xf32, #tpu.memory_space<hbm>>
        %dma_start3A_31 = arith.constant 0 : i32
        %dma_start3A_32 = tpu.memref_slice %arg5[%arg0, %add3A_25, %dma_start3A_31] : memref<2x10240x128xf32, #tpu.memory_space<hbm>> -> memref<1x40x128xf32, #tpu.memory_space<hbm>>
        %dma_start3A_33 = tpu.memref_squeeze %dma_start3A_32 : memref<1x40x128xf32, #tpu.memory_space<hbm>> -> memref<40x128xf32, #tpu.memory_space<hbm>>
        %dma_start3A_34 = arith.constant 0 : i32
        %dma_start3A_35 = arith.constant 0 : i32
        %dma_start3A_36 = tpu.memref_slice %arg7[%dma_start3A_34, %dma_start3A_35] : memref<125x128xf32, #tpu.memory_space<vmem>> -> memref<40x128xf32, #tpu.memory_space<vmem>>
        tpu.enqueue_dma source(%dma_start3A_36 : memref<40x128xf32, #tpu.memory_space<vmem>>) target(%dma_start3A_33 : memref<40x128xf32, #tpu.memory_space<hbm>>) target_semaphore(%run_scoped3A : memref<!tpu.dma_semaphore, #tpu.memory_space<semaphore_mem>>)
        %dma_wait3A = arith.constant 0 : i32
        %dma_wait3A_37 = arith.constant 0 : i32
        %dma_wait3A_38 = tpu.memref_slice %arg7[%dma_wait3A, %dma_wait3A_37] : memref<125x128xf32, #tpu.memory_space<vmem>> -> memref<40x128xf32, #tpu.memory_space<vmem>>
        %dma_wait3A_39 = arith.constant 0 : i32
        %dma_wait3A_40 = tpu.memref_slice %arg5[%arg0, %add3A_25, %dma_wait3A_39] : memref<2x10240x128xf32, #tpu.memory_space<hbm>> -> memref<1x40x128xf32, #tpu.memory_space<hbm>>
        %dma_wait3A_41 = tpu.memref_squeeze %dma_wait3A_40 : memref<1x40x128xf32, #tpu.memory_space<hbm>> -> memref<40x128xf32, #tpu.memory_space<hbm>>
        %dma_wait3A_42 = arith.constant 0 : i32
        %dma_wait3A_43 = tpu.memref_slice %arg5[%arg0, %add3A_25, %dma_wait3A_42] : memref<2x10240x128xf32, #tpu.memory_space<hbm>> -> memref<1x40x128xf32, #tpu.memory_space<hbm>>
        %dma_wait3A_44 = tpu.memref_squeeze %dma_wait3A_43 : memref<1x40x128xf32, #tpu.memory_space<hbm>> -> memref<40x128xf32, #tpu.memory_space<hbm>>
        %dma_wait3A_45 = arith.constant 0 : i32
        %dma_wait3A_46 = arith.constant 0 : i32
        %dma_wait3A_47 = tpu.memref_slice %arg7[%dma_wait3A_45, %dma_wait3A_46] : memref<125x128xf32, #tpu.memory_space<vmem>> -> memref<40x128xf32, #tpu.memory_space<vmem>>
        tpu.wait_dma2 semaphore(%run_scoped3A : memref<!tpu.dma_semaphore, #tpu.memory_space<semaphore_mem>>) src(%dma_wait3A_47 : memref<40x128xf32, #tpu.memory_space<vmem>>) dst(%dma_wait3A_44 : memref<40x128xf32, #tpu.memory_space<hbm>>)
        tpu.yield
      }) : () -> ()
    }
    %scan3A_17 = arith.constant 16 : i32
    return
  }
}

module attributes {stable_mosaic.version = 14 : i64} {
  func.func @_layer_body(%arg0: i32, %arg1: memref<1000x128xf32, #tpu.memory_space<vmem>>, %arg2: memref<2x1000x128xf32, #tpu.memory_space<vmem>>, %arg3: memref<2x1000x128xf32, #tpu.memory_space<vmem>>, %arg4: memref<128x128xf32, #tpu.memory_space<vmem>>, %arg5: memref<128x128xf32, #tpu.memory_space<vmem>>, %arg6: memref<1x128xf32, #tpu.memory_space<vmem>>, %arg7: memref<1000x128xf32, #tpu.memory_space<vmem>>) attributes {dimension_semantics = [#tpu.dimension_semantics<arbitrary>], iteration_bounds = array<i64: 10>, scalar_prefetch = 0 : i64, scratch_operands = 0 : i64, tpu.core_type = #tpu.core_type<tc>, window_params = [{transform_indices = @transform_0, window_bounds = array<i64: 1000, 128>}, {transform_indices = @transform_1, window_bounds = array<i64: 2, 1000, 128>}, {transform_indices = @transform_2, window_bounds = array<i64: 2, 1000, 128>}, {pipeline_mode = #tpu.pipeline_mode<synchronous>, transform_indices = @transform_3, window_bounds = array<i64: 128, 128>}, {pipeline_mode = #tpu.pipeline_mode<synchronous>, transform_indices = @transform_4, window_bounds = array<i64: 128, 128>}, {pipeline_mode = #tpu.pipeline_mode<synchronous>, transform_indices = @transform_5, window_bounds = array<i64: 1, 128>}, {transform_indices = @transform_6, window_bounds = array<i64: 1000, 128>}]} {
    %get3A = arith.constant 0 : index
    %get3A_0 = arith.constant 0 : index
    %get3A_1 = arith.constant 0 : index
    %get3A_2 = vector.load %arg2[%get3A, %get3A_0, %get3A_1] : memref<2x1000x128xf32, #tpu.memory_space<vmem>>, vector<1x1000x128xf32>
    %get3A_3 = vector.shape_cast %get3A_2 : vector<1x1000x128xf32> to vector<1000x128xf32>
    %get3A_4 = arith.constant 1 : index
    %get3A_5 = arith.constant 0 : index
    %get3A_6 = arith.constant 0 : index
    %get3A_7 = vector.load %arg2[%get3A_4, %get3A_5, %get3A_6] : memref<2x1000x128xf32, #tpu.memory_space<vmem>>, vector<1x1000x128xf32>
    %get3A_8 = vector.shape_cast %get3A_7 : vector<1x1000x128xf32> to vector<1000x128xf32>
    %add3A = arith.addf %get3A_3, %get3A_8 : vector<1000x128xf32>
    %get3A_9 = arith.constant 0 : index
    %get3A_10 = arith.constant 0 : index
    %get3A_11 = arith.constant 0 : index
    %get3A_12 = vector.load %arg3[%get3A_9, %get3A_10, %get3A_11] : memref<2x1000x128xf32, #tpu.memory_space<vmem>>, vector<1x1000x1xf32>
    %get3A_13 = vector.shape_cast %get3A_12 : vector<1x1000x1xf32> to vector<1000x1xf32>
    %get3A_14 = arith.constant 1 : index
    %get3A_15 = arith.constant 0 : index
    %get3A_16 = arith.constant 0 : index
    %get3A_17 = vector.load %arg3[%get3A_14, %get3A_15, %get3A_16] : memref<2x1000x128xf32, #tpu.memory_space<vmem>>, vector<1x1000x1xf32>
    %get3A_18 = vector.shape_cast %get3A_17 : vector<1x1000x1xf32> to vector<1000x1xf32>
    %add3A_19 = arith.addf %get3A_13, %get3A_18 : vector<1000x1xf32>
    %max3A = arith.constant 1.000000e+00 : f32
    %max3A_20 = vector.broadcast %max3A : f32 to vector<1000x1xf32>
    %max3A_21 = arith.maximumf %add3A_19, %max3A_20 : vector<1000x1xf32>
    %div3A = arith.constant 1.000000e+00 : f32
    %div3A_22 = vector.broadcast %div3A : f32 to vector<1000x1xf32>
    %div3A_23 = arith.divf %div3A_22, %max3A_21 : vector<1000x1xf32>
    %mul3A = vector.broadcast %div3A_23 : vector<1000x1xf32> to vector<1000x128xf32>
    %mul3A_24 = arith.mulf %add3A, %mul3A : vector<1000x128xf32>
    %get3A_25 = arith.constant 0 : index
    %get3A_26 = arith.constant 0 : index
    %get3A_27 = vector.load %arg4[%get3A_25, %get3A_26] : memref<128x128xf32, #tpu.memory_space<vmem>>, vector<128x128xf32>
    %dot_general3A = arith.constant dense<0.000000e+00> : vector<1000x128xf32>
    %dot_general3A_28 = tpu.matmul %mul3A_24, %get3A_27, %dot_general3A {dimension_numbers = #tpu.dot_dimension_numbers<[1], [0], [0], [1], [0, 0, 1, 1], [], []>, transpose_lhs_hint = false} : vector<1000x128xf32>, vector<128x128xf32>, vector<1000x128xf32> -> vector<1000x128xf32>
    %get3A_29 = arith.constant 0 : index
    %get3A_30 = arith.constant 0 : index
    %get3A_31 = vector.load %arg1[%get3A_29, %get3A_30] : memref<1000x128xf32, #tpu.memory_space<vmem>>, vector<1000x128xf32>
    %get3A_32 = arith.constant 0 : index
    %get3A_33 = arith.constant 0 : index
    %get3A_34 = vector.load %arg5[%get3A_32, %get3A_33] : memref<128x128xf32, #tpu.memory_space<vmem>>, vector<128x128xf32>
    %dot_general3A_35 = arith.constant dense<0.000000e+00> : vector<1000x128xf32>
    %dot_general3A_36 = tpu.matmul %get3A_31, %get3A_34, %dot_general3A_35 {dimension_numbers = #tpu.dot_dimension_numbers<[1], [0], [0], [1], [0, 0, 1, 1], [], []>, transpose_lhs_hint = false} : vector<1000x128xf32>, vector<128x128xf32>, vector<1000x128xf32> -> vector<1000x128xf32>
    %add3A_37 = arith.addf %dot_general3A_28, %dot_general3A_36 : vector<1000x128xf32>
    %get3A_38 = arith.constant 0 : index
    %get3A_39 = arith.constant 0 : index
    %get3A_40 = vector.load %arg6[%get3A_38, %get3A_39] : memref<1x128xf32, #tpu.memory_space<vmem>>, vector<1x128xf32>
    %add3A_41 = vector.broadcast %get3A_40 : vector<1x128xf32> to vector<1000x128xf32>
    %add3A_42 = arith.addf %add3A_37, %add3A_41 : vector<1000x128xf32>
    %ge3A = arith.constant 0.000000e+00 : f32
    %ge3A_43 = vector.broadcast %ge3A : f32 to vector<1000x128xf32>
    %ge3A_44 = arith.cmpf oge, %add3A_42, %ge3A_43 : vector<1000x128xf32>
    %mul3A_45 = arith.constant 1.000000e-01 : f32
    %mul3A_46 = vector.broadcast %mul3A_45 : f32 to vector<1000x128xf32>
    %mul3A_47 = arith.mulf %mul3A_46, %add3A_42 : vector<1000x128xf32>
    %select_n3A = arith.select %ge3A_44, %add3A_42, %mul3A_47 : vector<1000x128xi1>, vector<1000x128xf32>
    %swap3A = arith.constant 0 : index
    %swap3A_48 = arith.constant 0 : index
    %swap3A_49 = vector.load %arg7[%swap3A, %swap3A_48] : memref<1000x128xf32, #tpu.memory_space<vmem>>, vector<1000x128xf32>
    tpu.vector_store %arg7[%swap3A, %swap3A_48], %select_n3A {strides = array<i32>} : memref<1000x128xf32, #tpu.memory_space<vmem>>, vector<1000x128xf32>,
    return
  }
  func.func @transform_0(%arg0: i32) -> (i32, i32) {
    %c0_i32 = arith.constant 0 : i32
    %c0_i32_0 = arith.constant 0 : i32
    return %arg0, %c0_i32 : i32, i32
  }
  func.func @transform_1(%arg0: i32) -> (i32, i32, i32) {
    %c0_i32 = arith.constant 0 : i32
    %c0_i32_0 = arith.constant 0 : i32
    %c0_i32_1 = arith.constant 0 : i32
    return %c0_i32, %arg0, %c0_i32_0 : i32, i32, i32
  }
  func.func @transform_2(%arg0: i32) -> (i32, i32, i32) {
    %c0_i32 = arith.constant 0 : i32
    %c0_i32_0 = arith.constant 0 : i32
    %c0_i32_1 = arith.constant 0 : i32
    return %c0_i32, %arg0, %c0_i32_0 : i32, i32, i32
  }
  func.func @transform_3(%arg0: i32) -> (i32, i32) {
    %c0_i32 = arith.constant 0 : i32
    %c0_i32_0 = arith.constant 0 : i32
    %c0_i32_1 = arith.constant 0 : i32
    return %c0_i32, %c0_i32_0 : i32, i32
  }
  func.func @transform_4(%arg0: i32) -> (i32, i32) {
    %c0_i32 = arith.constant 0 : i32
    %c0_i32_0 = arith.constant 0 : i32
    %c0_i32_1 = arith.constant 0 : i32
    return %c0_i32, %c0_i32_0 : i32, i32
  }
  func.func @transform_5(%arg0: i32) -> (i32, i32) {
    %c0_i32 = arith.constant 0 : i32
    %c0_i32_0 = arith.constant 0 : i32
    %c0_i32_1 = arith.constant 0 : i32
    return %c0_i32, %c0_i32_0 : i32, i32
  }
  func.func @transform_6(%arg0: i32) -> (i32, i32) {
    %c0_i32 = arith.constant 0 : i32
    %c0_i32_0 = arith.constant 0 : i32
    return %arg0, %c0_i32 : i32, i32
  }
}

module attributes {stable_mosaic.version = 14 : i64} {
  func.func @_pool_body(%arg0: memref<10000x128xf32, #tpu.memory_space<vmem>>, %arg1: memref<1x10000xf32, #tpu.memory_space<vmem>>, %arg2: memref<128x128xf32, #tpu.memory_space<vmem>>, %arg3: memref<1x128xf32, #tpu.memory_space<vmem>>, %arg4: memref<64x128xf32, #tpu.memory_space<vmem>>) attributes {dimension_semantics = [], scalar_prefetch = 0 : i64, scratch_operands = 0 : i64, tpu.core_type = #tpu.core_type<tc>} {
    %get3A = arith.constant 0 : index
    %get3A_0 = arith.constant 0 : index
    %get3A_1 = vector.load %arg1[%get3A, %get3A_0] : memref<1x10000xf32, #tpu.memory_space<vmem>>, vector<1x10000xf32>
    %broadcast_in_dim3A = vector.shape_cast %get3A_1 : vector<1x10000xf32> to vector<1x10000xf32>
    %broadcast_in_dim3A_2 = vector.broadcast %broadcast_in_dim3A : vector<1x10000xf32> to vector<64x10000xf32>
    %iota3A = tpu.iota {dimensions = array<i32: 0>} : vector<64x10000xi32>
    %convert_element_type3A = arith.sitofp %iota3A : vector<64x10000xi32> to vector<64x10000xf32>
    %eq3A = arith.cmpf oeq, %broadcast_in_dim3A_2, %convert_element_type3A : vector<64x10000xf32>
    %convert_element_type3A_3 = arith.extui %eq3A : vector<64x10000xi1> to vector<64x10000xi32>
    %convert_element_type3A_4 = arith.sitofp %convert_element_type3A_3 : vector<64x10000xi32> to vector<64x10000xf32>
    %get3A_5 = arith.constant 0 : index
    %get3A_6 = arith.constant 0 : index
    %get3A_7 = vector.load %arg0[%get3A_5, %get3A_6] : memref<10000x128xf32, #tpu.memory_space<vmem>>, vector<10000x128xf32>
    %dot_general3A = arith.constant dense<0.000000e+00> : vector<64x128xf32>
    %dot_general3A_8 = tpu.matmul %convert_element_type3A_4, %get3A_7, %dot_general3A {dimension_numbers = #tpu.dot_dimension_numbers<[1], [0], [0], [1], [0, 0, 1, 1], [], []>, transpose_lhs_hint = false} : vector<64x10000xf32>, vector<10000x128xf32>, vector<64x128xf32> -> vector<64x128xf32>
    %reduce_sum3A = arith.constant dense<0.000000e+00> : vector<64xf32>
    %reduce_sum3A_9 = vector.multi_reduction <add>, %convert_element_type3A_4, %reduce_sum3A [1] : vector<64x10000xf32> to vector<64xf32>
    %broadcast_in_dim3A_10 = vector.shape_cast %reduce_sum3A_9 : vector<64xf32> to vector<64x1xf32>
    %max3A = arith.constant 1.000000e+00 : f32
    %max3A_11 = vector.broadcast %max3A : f32 to vector<64x1xf32>
    %max3A_12 = arith.maximumf %broadcast_in_dim3A_10, %max3A_11 : vector<64x1xf32>
    %div3A = vector.broadcast %max3A_12 : vector<64x1xf32> to vector<64x128xf32>
    %div3A_13 = arith.divf %dot_general3A_8, %div3A : vector<64x128xf32>
    %get3A_14 = arith.constant 0 : index
    %get3A_15 = arith.constant 0 : index
    %get3A_16 = vector.load %arg2[%get3A_14, %get3A_15] : memref<128x128xf32, #tpu.memory_space<vmem>>, vector<128x128xf32>
    %dot_general3A_17 = arith.constant dense<0.000000e+00> : vector<64x128xf32>
    %dot_general3A_18 = tpu.matmul %div3A_13, %get3A_16, %dot_general3A_17 {dimension_numbers = #tpu.dot_dimension_numbers<[1], [0], [0], [1], [0, 0, 1, 1], [], []>, transpose_lhs_hint = false} : vector<64x128xf32>, vector<128x128xf32>, vector<64x128xf32> -> vector<64x128xf32>
    %get3A_19 = arith.constant 0 : index
    %get3A_20 = arith.constant 0 : index
    %get3A_21 = vector.load %arg3[%get3A_19, %get3A_20] : memref<1x128xf32, #tpu.memory_space<vmem>>, vector<1x128xf32>
    %add3A = vector.broadcast %get3A_21 : vector<1x128xf32> to vector<64x128xf32>
    %add3A_22 = arith.addf %dot_general3A_18, %add3A : vector<64x128xf32>
    %swap3A = arith.constant 0 : index
    %swap3A_23 = arith.constant 0 : index
    %swap3A_24 = vector.load %arg4[%swap3A, %swap3A_23] : memref<64x128xf32, #tpu.memory_space<vmem>>, vector<64x128xf32>
    tpu.vector_store %arg4[%swap3A, %swap3A_23], %add3A_22 {strides = array<i32>} : memref<64x128xf32, #tpu.memory_space<vmem>>, vector<64x128xf32>,
    return
  }
}

</mosaic_0001>

<sc_bundles>
// kernel: kernel.10.cloned.1.call-start
scs
__scs_entry_jumppad:
0x0: {  	(pc) =	sbr.rel $0x88, $3  }
0x1: {  	(tag) =	ssettag $0x0;
	lr =	simm.s32 $0x1  }
0x2: {  	[smem:$0x3F93] =	sst lr;
	_ =	strace $0xD0000000  }
0x3: {  	_ = 	snop  }
0x4: {  	_ = 	snop  }
0x5: {  	_ = 	snop  }
0x6: {  	_ = 	snop  }
0x7: {  	_ = 	snop  }
__scs_overlays_trampoline_lowered:
0x8: {  	[smem:$0x3FA2] =	sst s0  }
0x9: {  	[smem:$0x3FA3] =	sst s1  }
0xa: {  	[smem:$0x3FA4] =	sst s2  }
0xb: {  	[smem:$0x3FA5] =	sst s3  }
0xc: {  	[smem:$0x3FA6] =	sst s4  }
0xd: {  	[smem:$0x3FA7] =	sst s5  }
0xe: {  	[smem:$0x3FA8] =	sst s6  }
0xf: {  	[smem:$0x3FA9] =	sst s7  }
0x10: {  	[smem:$0x3FAA] =	sst s8  }
0x11: {  	[smem:$0x3FAB] =	sst s9;
	s0 =	simm.s32 @!p0 $0x0  }
0x12: {  	s1 =	sld [smem:$0x3F91];
	s0 =	simm.s32 @p0 $0x1  }
0x13: {  	[smem:$0x3FAC] =	sst s0;
	s0 =	simm.s32 @!p1 $0x0  }
0x14: {  	s2 =	sld [smem:$0x3F90];
	s0 =	simm.s32 @p1 $0x1  }
0x15: {  	[smem:$0x3FAD] =	sst s0;
	s0 =	simm.s32 @!p2 $0x0  }
0x16: {  	s3 =	sld [smem:$0x3FDB];
	s0 =	simm.s32 @p2 $0x1  }
0x17: {  	s4 =	simm.s32 $0x1BF5;
	[smem:$0x3FAF] =	sst s0  }
0x18: {  	s0 =	sld [smem:$0x3F92];
	_ =	swait.ge [sflag:s4], $0x0  }
0x19: {  	s7 =	sld [smem:$0x3F93]  }
0x1a: {  	s8 =	sadd.s32 $0xFFFFE003, lr  }
0x1b: {  	s9 =	sadd.s32 $0xFFFFFEF7, lr;
	s5 =	simm.s32 $0xFFFFFFFF;
	p2 =	slt.u32 s8, $0xFFFFF086  }
0x1c: {  	p1 =	slt.u32 s9, $0xF7A;
	s5 =	simm.s32 @!p2 $0x0  }
0x1d: {  	s5 =	simm.s32 @p1 $0x1;
	p0 =	seq.s32 s7, s2  }
0x1e: {  	s7 =	smul.u32 @!p0 $0xF7A, s2;
	p2 =	seq.s32 @!p0 s5, $0x0  }
0x1f: {  	s9 =	smul.u32 $0xF7A, s1;
	s8 =	simm.s32 @!p0 $0x1BF5;
	p2 =	por !p2, p0  }
0x20: {  	[sflag:s8] =	ssyncset.s32 @!p0 $0xFFFFF086;
	s6 =	sadd.s32 @!p0 s3, s7;
	s7 =	simm.s32 @!p0 $0x108  }
0x21: {  	s3 =	sadd.s32 s3, s9;
	s6 =	sadd.s32 @!p0 $0x88, s6;
	s7 =	simm.s32 @p2 $0x1082  }
0x22: {  	[simem:s7], [sflag:s8] =	dma.local @!p0 [hbm:s6], $0xF7A  }
0x23: {  	s9 =	sor.u32 $0xD0000000, s2;
	s6 =	simm.s32 $0x108;
	_ =	swait.ge @!p0 [sflag:s8], $0x0  }
0x24: {  	s3 =	sadd.s32 $0x88, s3;
	s6 =	simm.s32 @!p1 $0x1082;
	[sflag:s4] =	ssyncset.s32 $0xFFFFF086  }
0x25: {  	[simem:s6], [sflag:s4] =	dma.local [hbm:s3], $0xF7A  }
0x26: {  	[smem:$0x3F93] =	sst s1;
	(tag) =	ssettag s2;
	_ =	strace s9  }
0x27: {  	s1 =	sld [smem:$0x3FA3]  }
0x28: {  	s2 =	sld [smem:$0x3FA4]  }
0x29: {  	s4 =	sld [smem:$0x3FA6]  }
0x2a: {  	p0 =	seq.s32 s5, $0x0;
	s5 =	sld [smem:$0x3FA7]  }
0x2b: {  	s6 =	sld [smem:$0x3FA8]  }
0x2c: {  	s7 =	sld [smem:$0x3FA9]  }
0x2d: {  	s3 =	simm.s32 $0x108;
	s8 =	sld [smem:$0x3FAA]  }
0x2e: {  	s3 =	simm.s32 @!p0 $0x1082;
	s9 =	sld [smem:$0x3FAB]  }
0x2f: {  	lr =	sadd.s32 s0, s3;
	s0 =	sld [smem:$0x3FA2]  }
0x30: {  	s3 =	sld [smem:$0x3FA5]  }
0x31: {  	[smem:$0x3FAE] =	sst s10  }
0x32: {  	s10 =	sld [smem:$0x3FAC];
	_ =	sdelay $0x3  }
0x33: {  	p0 =	seq.s32 s10, $0x1;
	s10 =	sld [smem:$0x3FAE];
	_ =	sdelay $0x3  }
0x34: {  	[smem:$0x3FAE] =	sst s10  }
0x35: {  	s10 =	sld [smem:$0x3FAD];
	_ =	sdelay $0x3  }
0x36: {  	p1 =	seq.s32 s10, $0x1;
	s10 =	sld [smem:$0x3FAE];
	_ =	sdelay $0x3  }
0x37: {  	[smem:$0x3FAE] =	sst s10  }
0x38: {  	s10 =	sld [smem:$0x3FAF]  }
0x39: {  	_ = 	snop;
	(pc) =	sbr.ind lr, $3  }
0x3a: {  	_ = 	snop  }
0x3b: {  	_ = 	snop  }
0x3c: {  	p2 =	seq.s32 s10, $0x1;
	s10 =	sld [smem:$0x3FAE]  }
0x3d: {  	_ =	shalt  }
0x3e: {  	_ =	shalt  }
0x3f: {  	_ =	shalt  }
0x40: {  	_ =	shalt  }
0x41: {  	_ =	shalt  }
0x42: {  	_ =	shalt  }
0x43: {  	_ =	shalt  }
0x44: {  	_ =	shalt  }
0x45: {  	_ =	shalt  }
0x46: {  	_ =	shalt  }
0x47: {  	_ =	shalt  }
0x48: {  	_ =	shalt  }
0x49: {  	_ =	shalt  }
0x4a: {  	_ =	shalt  }
0x4b: {  	_ =	shalt  }
0x4c: {  	_ =	shalt  }
0x4d: {  	_ =	shalt  }
0x4e: {  	_ =	shalt  }
0x4f: {  	_ =	shalt  }
0x50: {  	_ =	shalt  }
0x51: {  	_ =	shalt  }
0x52: {  	_ =	shalt  }
0x53: {  	_ =	shalt  }
0x54: {  	_ =	shalt  }
0x55: {  	_ =	shalt  }
0x56: {  	_ =	shalt  }
0x57: {  	_ =	shalt  }
0x58: {  	_ =	shalt  }
0x59: {  	_ =	shalt  }
0x5a: {  	_ =	shalt  }
0x5b: {  	_ =	shalt  }
0x5c: {  	_ =	shalt  }
0x5d: {  	_ =	shalt  }
0x5e: {  	_ =	shalt  }
0x5f: {  	_ =	shalt  }
0x60: {  	_ =	shalt  }
0x61: {  	_ =	shalt  }
0x62: {  	_ =	shalt  }
0x63: {  	_ =	shalt  }
0x64: {  	_ =	shalt  }
0x65: {  	_ =	shalt  }
0x66: {  	_ =	shalt  }
0x67: {  	_ =	shalt  }
0x68: {  	_ =	shalt  }
0x69: {  	_ =	shalt  }
0x6a: {  	_ =	shalt  }
0x6b: {  	_ =	shalt  }
0x6c: {  	_ =	shalt  }
0x6d: {  	_ =	shalt  }
0x6e: {  	_ =	shalt  }
0x6f: {  	_ =	shalt  }
0x70: {  	_ =	shalt  }
0x71: {  	_ =	shalt  }
0x72: {  	_ =	shalt  }
0x73: {  	_ =	shalt  }
0x74: {  	_ =	shalt  }
0x75: {  	_ =	shalt  }
0x76: {  	_ =	shalt  }
0x77: {  	_ =	shalt  }
0x78: {  	_ =	shalt  }
0x79: {  	_ =	shalt  }
0x7a: {  	_ =	shalt  }
0x7b: {  	_ =	shalt  }
0x7c: {  	_ =	shalt  }
0x7d: {  	_ =	shalt  }
0x7e: {  	_ =	shalt  }
0x7f: {  	_ =	shalt  }
0x80: {  	_ =	shalt  }
0x81: {  	_ =	shalt  }
0x82: {  	_ =	shalt  }
0x83: {  	_ =	shalt  }
0x84: {  	_ =	shalt  }
0x85: {  	_ =	shalt  }
0x86: {  	_ =	shalt  }
0x87: {  	_ =	shalt  }
.Lfunc_end0:
.L_simem_size_0:
called_computation_lowered:
.L_overlay_start_0:
0x88: {  	s2 =	sld [smem:$0x3FD9]  }
0x89: {  	s3 =	sld [smem:$0x3FFE];
	_ =	sdelay $0x1  }
0x8a: {  	s1 =	srdreg.scid  }
0x8b: {  	s0 =	sand.u32 $0x1, s1  }
0x8c: {  	s17 =	sshll.u32 s0, $0xA;
	s2 =	sadd.s32 s3, s2  }
0x8d: {  	s2 =	sadd.s32 s2, s17  }
0x8e: {  	[smem:$0x3FBA] =	sst s2  }
0x8f: {  	_ = 	snop  }
0x90: {  	(tm) =	ssettm $0x1  }
0x91: {  	s18 =	sld [smem:$0x3FFB];
	_ =	sdelay $0x3  }
0x92: {  	_ =	strace s18  }
0x93: {  	s2 =	sld [smem:$0x3FFC];
	_ =	sdelay $0x3  }
0x94: {  	_ =	strace s2  }
0x95: {  	s2 =	sld [smem:$0x3FFD];
	_ =	sdelay $0x3  }
0x96: {  	_ =	strace s2  }
0x97: {  	_ =	strace $0x8FFFFFFF  }
0x98: {  	s19 =	sld [smem:$0x3FDB];
	_ =	sdelay $0x1  }
0x99: {  	s20 =	simm.s32 $_scs_section_size  }
0x9a: {  	s4 =	simm.s32 $_size__tile_overlayer_lowered;
	s5 =	simm.s32 $_tile_overlayer_lowered  }
0x9b: {  	s6 =	simm.s32 $0x1BFF;
	s21 =	sshll.u32 s5, $0x1;
	s3 =	sadd.s32 s20, s19  }
0x9c: {  	s22 =	simm.s32 $0x0;
	s4 =	sshll.u32 s4, $0x1;
	s5 =	sadd.s32 s21, s3  }
0x9d: {  	[timem:s22], [sflag:s6] =	dma.local [hbm:s5], s4  }
0x9e: {  	_ =	swait.ge [sflag:s6], s4  }
0x9f: {  	s4 =	ssub.s32 $0x0, s4;
	[sflag:s6] =	ssyncset.done $0x0  }
0xa0: {  	[sflag:s6] =	ssyncadd.s32 s4;
	_ =	sdelay $0x1  }
0xa1: {  	s23 =	simm.s32 $0x1B8B  }
0xa2: {  	_ =	swait.ge [sflag:s23], $0x1  }
0xa3: {  	[sflag:s23] =	ssyncset.done $0x0  }
0xa4: {  	[sflag:s23] =	ssyncadd.s32 $0xFFFFFFFF  }
0xa5: {  	s4 =	sld [smem:$0x0]  }
0xa6: {  	s5 =	sand.u32 $0xFFFFFFFE, s1  }
0xa7: {  	p0 =	sne.s32 s1, s5  }
0xa8: {  	s5 =	sshll.u32 @p0 s5, $0xE  }
0xa9: {  	s5 =	sadd.s32 @p0 $0x11B8D, s5;
	s6 =	sshll.u32 @p0 s4, $0x11  }
0xaa: {  	s5 =	sor.u32 @p0 s6, s5  }
0xab: {  	[sflag:s5] =	ssyncadd.remote.s32 @p0 $0x1;
	_ =	sdelay $0x1  }
0xac: {  	s5 =	simm.s32 @p0 $0x1B8D  }
0xad: {  	_ =	swait.eq @p0 [sflag:s5], $0x1  }
0xae: {  	[sflag:s5] =	ssyncadd.s32 @p0 $0xFFFFFFFF  }
0xaf: {  	s6 =	sshll.u32 @!p0 s1, $0xE  }
0xb0: {  	s6 =	sor.u32 @!p0 $0x4000, s6;
	s5 =	simm.s32 @!p0 $0x1B8D  }
0xb1: {  	s4 =	sshll.u32 @!p0 s4, $0x11;
	s6 =	sadd.s32 @!p0 $0x11B8D, s6;
	_ =	swait.eq @!p0 [sflag:s5], $0x1  }
0xb2: {  	s4 =	sor.u32 @!p0 s4, s6;
	[sflag:s5] =	ssyncadd.s32 @!p0 $0xFFFFFFFF  }
0xb3: {  	s25 =	simm.s32 $0x1B8E;
	s24 =	sld [smem:$0x3FFE];
	[sflag:s4] =	ssyncadd.remote.s32 @!p0 $0x1  }
0xb4: {  	s26 =	simm.s32 $execute0_lowered;
	[smem:$0x3FD2] =	sst s25  }
0xb5: {  	s5 =	sshll.u32 s26, $0x1;
	_ =	strace $0x80000049;
	[dreg:$0x1] =	wrdreg $0xFFFFFFFF  }
0xb6: {  	s28 =	simm.s32 $_size_execute0_lowered;
	s3 =	sadd.s32 s3, s5;
	[dreg:$0x0] =	wrdreg $0x0  }
0xb7: {  	s5 =	sshll.u32 s28, $0x1;
	[dreg:$0x2] =	wrdreg s3  }
0xb8: {  	[dreg:$0x3] =	wrdreg s5  }
0xb9: {  	[dreg:$0x4] =	wrdreg $0xC0  }
0xba: {  	_ =	task [dreg:s22], $0x5FFFF  }
0xbb: {  	[dreg:$0x1] =	wrdreg $0xFFFFFFFF  }
0xbc: {  	[dreg:$0x0] =	wrdreg $0x60  }
0xbd: {  	[dreg:$0x2] =	wrdreg s24  }
0xbe: {  	[dreg:$0x3] =	wrdreg $0x48000  }
0xbf: {  	[dreg:$0x4] =	wrdreg $0x9  }
0xc0: {  	_ =	task.clear_ibuf [dreg:s22], $0x5FFFF;
	_ =	strace $0x90000049  }
0xc1: {  	s29 =	simm.s32 $0x9;
	_ =	strace $0x8000004B  }
0xc2: {  	_ =	swait.ge [sflag:s29], $0x1  }
0xc3: {  	[sflag:s29] =	ssyncadd.s32 $0xFFFFFFFF  }
0xc4: {  	_ =	strace $0x9000004B  }
0xc5: {  	_ =	sfence  }
0xc6: {  	s30 =	sld [smem:$0x0];
	_ =	sdelay $0x2  }
0xc7: {  	s31 =	sshll.u32 s1, $0xD;
	s1 =	sshrl.u32 s1, $0x2  }
0xc8: {  	s4 =	sand.u32 $0x4000, s31;
	s1 =	sadd.s32 s1, s30  }
0xc9: {  	s0 =	sor.u32 s4, s0;
	s1 =	sshll.u32 s1, $0x11  }
0xca: {  	s0 =	sor.u32 s1, s0  }
0xcb: {  	s0 =	sadd.s32 $0x8F2B, s0  }
0xcc: {  	[sflag:s0] =	ssyncadd.remote.s32 $0x1  }
0xcd: {  	_ =	sfence.sel $0xFFFF  }
0xce: {  	[dreg:$0x0] =	wrdreg $0xFFFFFFFF;
	(pc) =	sbr.abs _section_cstart, $3  }
0xcf: {  	[dreg:$0x1] =	wrdreg $0xFFFFFFFF  }
0xd0: {  	_ =	task.clear_ibuf [dreg:s22], $0x2FFFF;
	_ =	strace $0x9FFFFFFF  }
0xd1: {  	(tm) =	ssettm $0x7FFFFFFF  }
tec
execute0_lowered:
.L_overlay_start_1:
0x0: {  	(tag) =	ssettag $0x1  }
0x1: {  	s0 =	srdreg.scid;
	s7 =	stileid.u32  }
0x2: {  	s1 =	rddreg [dreg:$0x0];
	s4 =	smul.u32 $0x5000, s7  }
0x3: {  	s2 =	rddreg [dreg:$0x1];
	s6 =	smul.u32 $0x14000, s7  }
0x4: {  	s3 =	simm.s32 $0x0;
	s0 =	sand.u32 $0x1, s0;
	s7 =	smul.u32 $0x50000, s7  }
0x5: {  	[smem:$0x7FF] =	sst s3;
	s5 =	smul.u32 $0x2800, s0  }
0x6: {  	s8 =	sadd.s32 $0x16800, s1;
	s11 =	sadd.s32 $0x66C00, s1;
	s10 =	smul.u32 $0x140000, s0  }
0x7: {  	_ =	strace $0x8000004A;
	[dreg:$0x3] =	wrdreg s8;
	s0 =	ssub.s32 $0x2, s0  }
0x8: {  	[dreg:$0x4] =	wrdreg s11;
	s12 =	sshrl.u32 s0, $0x1  }
0x9: {  	s7 =	sshrl.u32 s7, $0x2;
	s4 =	sadd.s32 s5, s4;
	s0 =	ssub.s32 s0, s12  }
0xa: {  	s5 =	sadd.s32 s6, s10;
	s6 =	sadd.s32 s7, s2;
	s0 =	smax.u32 s0, $0x1  }
0xb: {  	s28 =	simm.s32 $0x7D;
	s13 =	sadd.s32 $0x1400, s6;
	[dreg:$0x5] =	wrdreg s0  }
0xc: {  	s29 =	simm.s32 $0x80;
	s14 =	sadd.s32 $0x2800, s6;
	[dreg:$0x6] =	wrdreg s13  }
0xd: {  	s30 =	simm.s32 $0x1;
	s15 =	sadd.s32 $0x3C00, s6;
	[dreg:$0x7] =	wrdreg s14  }
0xe: {  	s31 =	simm.s32 $0x2;
	s16 =	sadd.s32 $0x5000, s6;
	[dreg:$0x8] =	wrdreg s15  }
0xf: {  	s9 =	simm.s32 $0x400;
	s17 =	sadd.s32 $0x6400, s6;
	[dreg:$0x9] =	wrdreg s16  }
0x10: {  	s8 =	simm.s32 $0x380;
	s18 =	sadd.s32 $0x7800, s6;
	[dreg:$0xa] =	wrdreg s17  }
0x11: {  	s11 =	simm.s32 $0x500;
	s19 =	sadd.s32 $0x8C00, s6;
	[dreg:$0xb] =	wrdreg s18  }
0x12: {  	s7 =	simm.s32 $0x300;
	s20 =	sadd.s32 $0xA000, s6;
	[dreg:$0xc] =	wrdreg s19  }
0x13: {  	s10 =	simm.s32 $0x480;
	s21 =	sadd.s32 $0xB400, s6;
	[dreg:$0xd] =	wrdreg s20  }
0x14: {  	s12 =	simm.s32 $0x580;
	s22 =	sadd.s32 $0xC800, s6;
	[dreg:$0xe] =	wrdreg s21  }
0x15: {  	s4 =	sshrl.u32 s4, $0x3;
	s23 =	sadd.s32 $0xDC00, s6;
	[dreg:$0xf] =	wrdreg s22  }
0x16: {  	s5 =	sshrl.u32 s5, $0x3;
	s24 =	sadd.s32 $0xF000, s6;
	[dreg:$0x10] =	wrdreg s23  }
0x17: {  	s25 =	sadd.s32 $0x10400, s6;
	s26 =	sadd.s32 $0x11800, s6;
	[dreg:$0x11] =	wrdreg s24  }
0x18: {  	s4 =	sadd.s32 s4, s1;
	s1 =	sadd.s32 s5, s1;
	[dreg:$0x12] =	wrdreg s25  }
0x19: {  	[dreg:$0x13] =	wrdreg s26;
	s22 =	sadd.s32 $0x12C00, s6;
	s25 =	simm.s32 $0x800  }
0x1a: {  	s26 =	simm.s32 $0x3;
	s0 =	simm.s32 $0x180;
	s5 =	simm.s32 $0x280  }
0x1b: {  	s13 =	simm.s32 $0x600;
	s14 =	simm.s32 $0x680;
	s15 =	simm.s32 $0x700  }
0x1c: {  	s16 =	simm.s32 $0x780;
	s17 =	simm.s32 $0x0;
	s23 =	sadd.s32 $0x2800, s4  }
0x1d: {  	s24 =	sadd.s32 $0x67400, s1;
	s1 =	simm.s32 $0x100;
	s4 =	simm.s32 $0x200  }
.LBB2_1:
0x1e: {  	s18 =	rddreg [dreg:$0x3]  }
0x1f: {  	[tilespmem:s25], [sflag:$0x3] =	stream.linear.gather [hbm4b:s18+s3], $0x1400, $0x38;
	[tilespmem:$0x18800] =	vst v63  }
0x20: {  	_ =	swait.ge [sflag:s26], $0x1400  }
0x21: {  	[sflag:s26] =	ssyncset.done $0x0  }
0x22: {  	[sflag:s26] =	ssyncadd.s32 $0xFFFFEC00  }
0x23: {  	[spmem:s6] =	stream.linear.scatter [tilespmem:s25], [sflag:$0x3], $0x1400, $0x38;
	[tilespmem:$0x18800] =	vst v63  }
0x24: {  	_ =	swait.ge [sflag:s26], $0x1400  }
0x25: {  	[sflag:s26] =	ssyncset.done $0x0  }
0x26: {  	s21 =	rddreg [dreg:$0x6];
	[sflag:s26] =	ssyncadd.s32 $0xFFFFEC00  }
0x27: {  	[spmem:s21] =	stream.linear.scatter [tilespmem:s25], [sflag:$0x3], $0x1400, $0x38;
	[tilespmem:$0x18800] =	vst v63  }
0x28: {  	_ =	swait.ge [sflag:s26], $0x1400  }
0x29: {  	[sflag:s26] =	ssyncset.done $0x0  }
0x2a: {  	s19 =	rddreg [dreg:$0x7];
	[sflag:s26] =	ssyncadd.s32 $0xFFFFEC00  }
0x2b: {  	[spmem:s19] =	stream.linear.scatter [tilespmem:s25], [sflag:$0x3], $0x1400, $0x38;
	[tilespmem:$0x18800] =	vst v63  }
0x2c: {  	_ =	swait.ge [sflag:s26], $0x1400  }
0x2d: {  	[sflag:s26] =	ssyncset.done $0x0  }
0x2e: {  	s20 =	rddreg [dreg:$0x8];
	[sflag:s26] =	ssyncadd.s32 $0xFFFFEC00  }
0x2f: {  	[spmem:s20] =	stream.linear.scatter [tilespmem:s25], [sflag:$0x3], $0x1400, $0x38;
	[tilespmem:$0x18800] =	vst v63  }
0x30: {  	_ =	swait.ge [sflag:s26], $0x1400  }
0x31: {  	[sflag:s26] =	ssyncset.done $0x0  }
0x32: {  	s21 =	rddreg [dreg:$0x9];
	[sflag:s26] =	ssyncadd.s32 $0xFFFFEC00  }
0x33: {  	[spmem:s21] =	stream.linear.scatter [tilespmem:s25], [sflag:$0x3], $0x1400, $0x38;
	[tilespmem:$0x18800] =	vst v63  }
0x34: {  	_ =	swait.ge [sflag:s26], $0x1400  }
0x35: {  	[sflag:s26] =	ssyncset.done $0x0  }
0x36: {  	s19 =	rddreg [dreg:$0xa];
	[sflag:s26] =	ssyncadd.s32 $0xFFFFEC00  }
0x37: {  	[spmem:s19] =	stream.linear.scatter [tilespmem:s25], [sflag:$0x3], $0x1400, $0x38;
	[tilespmem:$0x18800] =	vst v63  }
0x38: {  	_ =	swait.ge [sflag:s26], $0x1400  }
0x39: {  	[sflag:s26] =	ssyncset.done $0x0  }
0x3a: {  	s20 =	rddreg [dreg:$0xb];
	[sflag:s26] =	ssyncadd.s32 $0xFFFFEC00  }
0x3b: {  	[spmem:s20] =	stream.linear.scatter [tilespmem:s25], [sflag:$0x3], $0x1400, $0x38;
	[tilespmem:$0x18800] =	vst v63  }
0x3c: {  	_ =	swait.ge [sflag:s26], $0x1400  }
0x3d: {  	[sflag:s26] =	ssyncset.done $0x0  }
0x3e: {  	s21 =	rddreg [dreg:$0xc];
	[sflag:s26] =	ssyncadd.s32 $0xFFFFEC00  }
0x3f: {  	[spmem:s21] =	stream.linear.scatter [tilespmem:s25], [sflag:$0x3], $0x1400, $0x38;
	[tilespmem:$0x18800] =	vst v63  }
0x40: {  	_ =	swait.ge [sflag:s26], $0x1400  }
0x41: {  	[sflag:s26] =	ssyncset.done $0x0  }
0x42: {  	s19 =	rddreg [dreg:$0xd];
	[sflag:s26] =	ssyncadd.s32 $0xFFFFEC00  }
0x43: {  	[spmem:s19] =	stream.linear.scatter [tilespmem:s25], [sflag:$0x3], $0x1400, $0x38;
	[tilespmem:$0x18800] =	vst v63  }
0x44: {  	_ =	swait.ge [sflag:s26], $0x1400  }
0x45: {  	[sflag:s26] =	ssyncset.done $0x0  }
0x46: {  	s20 =	rddreg [dreg:$0xe];
	[sflag:s26] =	ssyncadd.s32 $0xFFFFEC00  }
0x47: {  	[spmem:s20] =	stream.linear.scatter [tilespmem:s25], [sflag:$0x3], $0x1400, $0x38;
	[tilespmem:$0x18800] =	vst v63  }
0x48: {  	_ =	swait.ge [sflag:s26], $0x1400  }
0x49: {  	[sflag:s26] =	ssyncset.done $0x0  }
0x4a: {  	s21 =	rddreg [dreg:$0xf];
	[sflag:s26] =	ssyncadd.s32 $0xFFFFEC00  }
0x4b: {  	[spmem:s21] =	stream.linear.scatter [tilespmem:s25], [sflag:$0x3], $0x1400, $0x38;
	[tilespmem:$0x18800] =	vst v63  }
0x4c: {  	_ =	swait.ge [sflag:s26], $0x1400  }
0x4d: {  	[sflag:s26] =	ssyncset.done $0x0  }
0x4e: {  	s19 =	rddreg [dreg:$0x10];
	[sflag:s26] =	ssyncadd.s32 $0xFFFFEC00  }
0x4f: {  	[spmem:s19] =	stream.linear.scatter [tilespmem:s25], [sflag:$0x3], $0x1400, $0x38;
	[tilespmem:$0x18800] =	vst v63  }
0x50: {  	_ =	swait.ge [sflag:s26], $0x1400  }
0x51: {  	[sflag:s26] =	ssyncset.done $0x0  }
0x52: {  	s20 =	rddreg [dreg:$0x11];
	[sflag:s26] =	ssyncadd.s32 $0xFFFFEC00  }
0x53: {  	[spmem:s20] =	stream.linear.scatter [tilespmem:s25], [sflag:$0x3], $0x1400, $0x38;
	[tilespmem:$0x18800] =	vst v63  }
0x54: {  	_ =	swait.ge [sflag:s26], $0x1400  }
0x55: {  	[sflag:s26] =	ssyncset.done $0x0  }
0x56: {  	s21 =	rddreg [dreg:$0x12];
	[sflag:s26] =	ssyncadd.s32 $0xFFFFEC00  }
0x57: {  	[spmem:s21] =	stream.linear.scatter [tilespmem:s25], [sflag:$0x3], $0x1400, $0x38;
	[tilespmem:$0x18800] =	vst v63  }
0x58: {  	_ =	swait.ge [sflag:s26], $0x1400  }
0x59: {  	[sflag:s26] =	ssyncset.done $0x0  }
0x5a: {  	s19 =	rddreg [dreg:$0x13];
	[sflag:s26] =	ssyncadd.s32 $0xFFFFEC00  }
0x5b: {  	[spmem:s19] =	stream.linear.scatter [tilespmem:s25], [sflag:$0x3], $0x1400, $0x38;
	[tilespmem:$0x18800] =	vst v63  }
0x5c: {  	_ =	swait.ge [sflag:s26], $0x1400  }
0x5d: {  	[sflag:s26] =	ssyncset.done $0x0  }
0x5e: {  	[sflag:s26] =	ssyncadd.s32 $0xFFFFEC00  }
0x5f: {  	[spmem:s22] =	stream.linear.scatter [tilespmem:s25], [sflag:$0x3], $0x1400, $0x38;
	[tilespmem:$0x18800] =	vst v63  }
0x60: {  	_ =	swait.ge [sflag:s26], $0x1400  }
0x61: {  	[sflag:s26] =	ssyncset.done $0x0  }
0x62: {  	s20 =	rddreg [dreg:$0x4];
	[sflag:s26] =	ssyncadd.s32 $0xFFFFEC00  }
0x63: {  	[tilespmem:s25], [sflag:$0x3] =	stream.linear.gather [hbm4b:s20+s3], $0x3E80, $0x38;
	[tilespmem:$0x18800] =	vst v63  }
0x64: {  	_ =	swait.ge [sflag:s26], $0x3E80  }
0x65: {  	[sflag:s26] =	ssyncset.done $0x0  }
0x66: {  	[sflag:s26] =	ssyncadd.s32 $0xFFFFC180  }
0x67: {  	s21 =	sadd.s32 $0x0, s23;
	[bflag:$0x0] =	sbarrier.arrive $0xFFFF  }
0x68: {  	[tilespmem:s3], [sflag:$0x3] =	stream.linear.gather [hbm4b:s21+s3], $0x800, $0x38;
	[tilespmem:$0x18800] =	vst v63  }
0x69: {  	_ =	swait.ge [sflag:s26], $0x800  }
0x6a: {  	[sflag:s26] =	ssyncset.done $0x0  }
0x6b: {  	[sflag:s26] =	ssyncadd.s32 $0xFFFFF800  }
0x6c: {  	[spmem:s2] =	stream.indirect.scatter.add.f32 [tilespmem:s25], [sflag:$0x1], $0x80, s3, s28, $0xb8;
	[tilespmem:$0x18800] =	vst v63  }
0x6d: {  	_ = 	snop  }
0x6e: {  	[spmem:s2] =	stream.indirect.scatter.add.f32 [tilespmem:s25], [sflag:$0x2], $0x80, s29, s28, $0xb8;
	[tilespmem:$0x18800] =	vst v63  }
0x6f: {  	_ =	swait.ge [sflag:s30], $0x3E80  }
0x70: {  	[sflag:s30] =	ssyncset.done $0x0  }
0x71: {  	[sflag:s30] =	ssyncadd.s32 $0xFFFFC180  }
0x72: {  	_ =	swait.ge [sflag:s31], $0x3E80  }
0x73: {  	[sflag:s31] =	ssyncset.done $0x0  }
0x74: {  	[sflag:s31] =	ssyncadd.s32 $0xFFFFC180  }
0x75: {  	[spmem:s2] =	stream.indirect.scatter.add.f32 [tilespmem:s25], [sflag:$0x1], $0x80, s1, s28, $0xb8;
	[tilespmem:$0x18800] =	vst v63  }
0x76: {  	_ = 	snop  }
0x77: {  	[spmem:s2] =	stream.indirect.scatter.add.f32 [tilespmem:s25], [sflag:$0x2], $0x80, s0, s28, $0xb8;
	[tilespmem:$0x18800] =	vst v63  }
0x78: {  	_ =	swait.ge [sflag:s30], $0x3E80  }
0x79: {  	[sflag:s30] =	ssyncset.done $0x0  }
0x7a: {  	[sflag:s30] =	ssyncadd.s32 $0xFFFFC180  }
0x7b: {  	_ =	swait.ge [sflag:s31], $0x3E80  }
0x7c: {  	[sflag:s31] =	ssyncset.done $0x0  }
0x7d: {  	[sflag:s31] =	ssyncadd.s32 $0xFFFFC180  }
0x7e: {  	[spmem:s2] =	stream.indirect.scatter.add.f32 [tilespmem:s25], [sflag:$0x1], $0x80, s4, s28, $0xb8;
	[tilespmem:$0x18800] =	vst v63  }
0x7f: {  	_ = 	snop  }
0x80: {  	[spmem:s2] =	stream.indirect.scatter.add.f32 [tilespmem:s25], [sflag:$0x2], $0x80, s5, s28, $0xb8;
	[tilespmem:$0x18800] =	vst v63  }
0x81: {  	_ =	swait.ge [sflag:s30], $0x3E80  }
0x82: {  	[sflag:s30] =	ssyncset.done $0x0  }
0x83: {  	[sflag:s30] =	ssyncadd.s32 $0xFFFFC180  }
0x84: {  	_ =	swait.ge [sflag:s31], $0x3E80  }
0x85: {  	[sflag:s31] =	ssyncset.done $0x0  }
0x86: {  	[sflag:s31] =	ssyncadd.s32 $0xFFFFC180  }
0x87: {  	[spmem:s2] =	stream.indirect.scatter.add.f32 [tilespmem:s25], [sflag:$0x1], $0x80, s7, s28, $0xb8;
	[tilespmem:$0x18800] =	vst v63  }
0x88: {  	_ = 	snop  }
0x89: {  	[spmem:s2] =	stream.indirect.scatter.add.f32 [tilespmem:s25], [sflag:$0x2], $0x80, s8, s28, $0xb8;
	[tilespmem:$0x18800] =	vst v63  }
0x8a: {  	_ =	swait.ge [sflag:s30], $0x3E80  }
0x8b: {  	[sflag:s30] =	ssyncset.done $0x0  }
0x8c: {  	[sflag:s30] =	ssyncadd.s32 $0xFFFFC180  }
0x8d: {  	_ =	swait.ge [sflag:s31], $0x3E80  }
0x8e: {  	[sflag:s31] =	ssyncset.done $0x0  }
0x8f: {  	[sflag:s31] =	ssyncadd.s32 $0xFFFFC180  }
0x90: {  	[spmem:s2] =	stream.indirect.scatter.add.f32 [tilespmem:s25], [sflag:$0x1], $0x80, s9, s28, $0xb8;
	[tilespmem:$0x18800] =	vst v63  }
0x91: {  	_ = 	snop  }
0x92: {  	[spmem:s2] =	stream.indirect.scatter.add.f32 [tilespmem:s25], [sflag:$0x2], $0x80, s10, s28, $0xb8;
	[tilespmem:$0x18800] =	vst v63  }
0x93: {  	_ =	swait.ge [sflag:s30], $0x3E80  }
0x94: {  	[sflag:s30] =	ssyncset.done $0x0  }
0x95: {  	[sflag:s30] =	ssyncadd.s32 $0xFFFFC180  }
0x96: {  	_ =	swait.ge [sflag:s31], $0x3E80  }
0x97: {  	[sflag:s31] =	ssyncset.done $0x0  }
0x98: {  	[sflag:s31] =	ssyncadd.s32 $0xFFFFC180  }
0x99: {  	[spmem:s2] =	stream.indirect.scatter.add.f32 [tilespmem:s25], [sflag:$0x1], $0x80, s11, s28, $0xb8;
	[tilespmem:$0x18800] =	vst v63  }
0x9a: {  	_ = 	snop  }
0x9b: {  	[spmem:s2] =	stream.indirect.scatter.add.f32 [tilespmem:s25], [sflag:$0x2], $0x80, s12, s28, $0xb8;
	[tilespmem:$0x18800] =	vst v63  }
0x9c: {  	_ =	swait.ge [sflag:s30], $0x3E80  }
0x9d: {  	[sflag:s30] =	ssyncset.done $0x0  }
0x9e: {  	[sflag:s30] =	ssyncadd.s32 $0xFFFFC180  }
0x9f: {  	_ =	swait.ge [sflag:s31], $0x3E80  }
0xa0: {  	[sflag:s31] =	ssyncset.done $0x0  }
0xa1: {  	[sflag:s31] =	ssyncadd.s32 $0xFFFFC180  }
0xa2: {  	[spmem:s2] =	stream.indirect.scatter.add.f32 [tilespmem:s25], [sflag:$0x1], $0x80, s13, s28, $0xb8;
	[tilespmem:$0x18800] =	vst v63  }
0xa3: {  	_ = 	snop  }
0xa4: {  	[spmem:s2] =	stream.indirect.scatter.add.f32 [tilespmem:s25], [sflag:$0x2], $0x80, s14, s28, $0xb8;
	[tilespmem:$0x18800] =	vst v63  }
0xa5: {  	_ =	swait.ge [sflag:s30], $0x3E80  }
0xa6: {  	[sflag:s30] =	ssyncset.done $0x0  }
0xa7: {  	[sflag:s30] =	ssyncadd.s32 $0xFFFFC180  }
0xa8: {  	_ =	swait.ge [sflag:s31], $0x3E80  }
0xa9: {  	[sflag:s31] =	ssyncset.done $0x0  }
0xaa: {  	[sflag:s31] =	ssyncadd.s32 $0xFFFFC180  }
0xab: {  	[spmem:s2] =	stream.indirect.scatter.add.f32 [tilespmem:s25], [sflag:$0x1], $0x80, s15, s28, $0xb8;
	[tilespmem:$0x18800] =	vst v63  }
0xac: {  	_ = 	snop  }
0xad: {  	[spmem:s2] =	stream.indirect.scatter.add.f32 [tilespmem:s25], [sflag:$0x2], $0x80, s16, s28, $0xb8;
	[tilespmem:$0x18800] =	vst v63  }
0xae: {  	_ =	swait.ge [sflag:s30], $0x3E80  }
0xaf: {  	[sflag:s30] =	ssyncset.done $0x0  }
0xb0: {  	[sflag:s30] =	ssyncadd.s32 $0xFFFFC180  }
0xb1: {  	_ =	swait.ge [sflag:s31], $0x3E80  }
0xb2: {  	s18 =	simm.s32 $0x100;
	s19 =	simm.s32 $0x200;
	[sflag:s31] =	ssyncset.done $0x0  }
.LBB2_2:
0xb3: {  	s21 =	sadd.s32 s18, s23  }
0xb4: {  	[sflag:s31] =	ssyncadd.s32 $0xFFFFC180;
	s18 =	smov.u32 s19;
	s20 =	sadd.s32 $0x100, s19  }
0xb5: {  	[tilespmem:s3], [sflag:$0x3] =	stream.linear.gather [hbm4b:s21+s3], $0x800, $0x38;
	[tilespmem:$0x18800] =	vst v63  }
0xb6: {  	p0 =	sne.s32 s19, $0x400;
	_ =	swait.ge [sflag:s26], $0x800  }
0xb7: {  	[sflag:s26] =	ssyncset.done $0x0  }
0xb8: {  	[sflag:s26] =	ssyncadd.s32 $0xFFFFF800  }
0xb9: {  	[spmem:s2] =	stream.indirect.scatter.add.f32 [tilespmem:s25], [sflag:$0x1], $0x80, s3, s28, $0xb8;
	[tilespmem:$0x18800] =	vst v63  }
0xba: {  	_ = 	snop  }
0xbb: {  	[spmem:s2] =	stream.indirect.scatter.add.f32 [tilespmem:s25], [sflag:$0x2], $0x80, s29, s28, $0xb8;
	[tilespmem:$0x18800] =	vst v63  }
0xbc: {  	_ =	swait.ge [sflag:s30], $0x3E80  }
0xbd: {  	[sflag:s30] =	ssyncset.done $0x0  }
0xbe: {  	[sflag:s30] =	ssyncadd.s32 $0xFFFFC180  }
0xbf: {  	_ =	swait.ge [sflag:s31], $0x3E80  }
0xc0: {  	[sflag:s31] =	ssyncset.done $0x0  }
0xc1: {  	[sflag:s31] =	ssyncadd.s32 $0xFFFFC180  }
0xc2: {  	[spmem:s2] =	stream.indirect.scatter.add.f32 [tilespmem:s25], [sflag:$0x1], $0x80, s1, s28, $0xb8;
	[tilespmem:$0x18800] =	vst v63  }
0xc3: {  	_ = 	snop  }
0xc4: {  	[spmem:s2] =	stream.indirect.scatter.add.f32 [tilespmem:s25], [sflag:$0x2], $0x80, s0, s28, $0xb8;
	[tilespmem:$0x18800] =	vst v63  }
0xc5: {  	_ =	swait.ge [sflag:s30], $0x3E80  }
0xc6: {  	[sflag:s30] =	ssyncset.done $0x0  }
0xc7: {  	[sflag:s30] =	ssyncadd.s32 $0xFFFFC180  }
0xc8: {  	_ =	swait.ge [sflag:s31], $0x3E80  }
0xc9: {  	[sflag:s31] =	ssyncset.done $0x0  }
0xca: {  	[sflag:s31] =	ssyncadd.s32 $0xFFFFC180  }
0xcb: {  	[spmem:s2] =	stream.indirect.scatter.add.f32 [tilespmem:s25], [sflag:$0x1], $0x80, s4, s28, $0xb8;
	[tilespmem:$0x18800] =	vst v63  }
0xcc: {  	_ = 	snop  }
0xcd: {  	[spmem:s2] =	stream.indirect.scatter.add.f32 [tilespmem:s25], [sflag:$0x2], $0x80, s5, s28, $0xb8;
	[tilespmem:$0x18800] =	vst v63  }
0xce: {  	_ =	swait.ge [sflag:s30], $0x3E80  }
0xcf: {  	[sflag:s30] =	ssyncset.done $0x0  }
0xd0: {  	[sflag:s30] =	ssyncadd.s32 $0xFFFFC180  }
0xd1: {  	_ =	swait.ge [sflag:s31], $0x3E80  }
0xd2: {  	[sflag:s31] =	ssyncset.done $0x0  }
0xd3: {  	[sflag:s31] =	ssyncadd.s32 $0xFFFFC180  }
0xd4: {  	[spmem:s2] =	stream.indirect.scatter.add.f32 [tilespmem:s25], [sflag:$0x1], $0x80, s7, s28, $0xb8;
	[tilespmem:$0x18800] =	vst v63  }
0xd5: {  	_ = 	snop  }
0xd6: {  	[spmem:s2] =	stream.indirect.scatter.add.f32 [tilespmem:s25], [sflag:$0x2], $0x80, s8, s28, $0xb8;
	[tilespmem:$0x18800] =	vst v63  }
0xd7: {  	_ =	swait.ge [sflag:s30], $0x3E80  }
0xd8: {  	[sflag:s30] =	ssyncset.done $0x0  }
0xd9: {  	[sflag:s30] =	ssyncadd.s32 $0xFFFFC180  }
0xda: {  	_ =	swait.ge [sflag:s31], $0x3E80  }
0xdb: {  	[sflag:s31] =	ssyncset.done $0x0  }
0xdc: {  	[sflag:s31] =	ssyncadd.s32 $0xFFFFC180  }
0xdd: {  	[spmem:s2] =	stream.indirect.scatter.add.f32 [tilespmem:s25], [sflag:$0x1], $0x80, s9, s28, $0xb8;
	[tilespmem:$0x18800] =	vst v63  }
0xde: {  	_ = 	snop  }
0xdf: {  	[spmem:s2] =	stream.indirect.scatter.add.f32 [tilespmem:s25], [sflag:$0x2], $0x80, s10, s28, $0xb8;
	[tilespmem:$0x18800] =	vst v63  }
0xe0: {  	_ =	swait.ge [sflag:s30], $0x3E80  }
0xe1: {  	[sflag:s30] =	ssyncset.done $0x0  }
0xe2: {  	[sflag:s30] =	ssyncadd.s32 $0xFFFFC180  }
0xe3: {  	_ =	swait.ge [sflag:s31], $0x3E80  }
0xe4: {  	[sflag:s31] =	ssyncset.done $0x0  }
0xe5: {  	[sflag:s31] =	ssyncadd.s32 $0xFFFFC180  }
0xe6: {  	[spmem:s2] =	stream.indirect.scatter.add.f32 [tilespmem:s25], [sflag:$0x1], $0x80, s11, s28, $0xb8;
	[tilespmem:$0x18800] =	vst v63  }
0xe7: {  	_ = 	snop  }
0xe8: {  	[spmem:s2] =	stream.indirect.scatter.add.f32 [tilespmem:s25], [sflag:$0x2], $0x80, s12, s28, $0xb8;
	[tilespmem:$0x18800] =	vst v63  }
0xe9: {  	_ =	swait.ge [sflag:s30], $0x3E80  }
0xea: {  	[sflag:s30] =	ssyncset.done $0x0  }
0xeb: {  	[sflag:s30] =	ssyncadd.s32 $0xFFFFC180  }
0xec: {  	_ =	swait.ge [sflag:s31], $0x3E80  }
0xed: {  	[sflag:s31] =	ssyncset.done $0x0  }
0xee: {  	[sflag:s31] =	ssyncadd.s32 $0xFFFFC180  }
0xef: {  	[spmem:s2] =	stream.indirect.scatter.add.f32 [tilespmem:s25], [sflag:$0x1], $0x80, s13, s28, $0xb8;
	[tilespmem:$0x18800] =	vst v63  }
0xf0: {  	_ = 	snop  }
0xf1: {  	[spmem:s2] =	stream.indirect.scatter.add.f32 [tilespmem:s25], [sflag:$0x2], $0x80, s14, s28, $0xb8;
	[tilespmem:$0x18800] =	vst v63  }
0xf2: {  	_ =	swait.ge [sflag:s30], $0x3E80  }
0xf3: {  	[sflag:s30] =	ssyncset.done $0x0  }
0xf4: {  	[sflag:s30] =	ssyncadd.s32 $0xFFFFC180  }
0xf5: {  	_ =	swait.ge [sflag:s31], $0x3E80  }
0xf6: {  	[sflag:s31] =	ssyncset.done $0x0  }
0xf7: {  	[sflag:s31] =	ssyncadd.s32 $0xFFFFC180  }
0xf8: {  	[spmem:s2] =	stream.indirect.scatter.add.f32 [tilespmem:s25], [sflag:$0x1], $0x80, s15, s28, $0xb8;
	[tilespmem:$0x18800] =	vst v63  }
0xf9: {  	_ = 	snop  }
0xfa: {  	[spmem:s2] =	stream.indirect.scatter.add.f32 [tilespmem:s25], [sflag:$0x2], $0x80, s16, s28, $0xb8;
	[tilespmem:$0x18800] =	vst v63  }
.Ltmp0:
0xfb: {  	_ =	swait.ge [sflag:s30], $0x3E80;
	(pc) =	sbr.rel @p0 .LBB2_2-.Ltmp0, $4  }
0xfc: {  	[sflag:s30] =	ssyncset.done $0x0  }
0xfd: {  	[sflag:s30] =	ssyncadd.s32 $0xFFFFC180  }
0xfe: {  	_ =	swait.ge [sflag:s31], $0x3E80  }
0xff: {  	s19 =	smov.u32 s20;
	[sflag:s31] =	ssyncset.done $0x0  }
0x100: {  	s18 =	sadd.s32 s18, s23;
	[sflag:s31] =	ssyncadd.s32 $0xFFFFC180  }
0x101: {  	[tilespmem:s3], [sflag:$0x3] =	stream.linear.gather [hbm4b:s18+s3], $0x800, $0x38;
	[tilespmem:$0x18800] =	vst v63  }
0x102: {  	_ =	swait.ge [sflag:s26], $0x800  }
0x103: {  	[sflag:s26] =	ssyncset.done $0x0  }
0x104: {  	[sflag:s26] =	ssyncadd.s32 $0xFFFFF800  }
0x105: {  	[spmem:s2] =	stream.indirect.scatter.add.f32 [tilespmem:s25], [sflag:$0x1], $0x80, s3, s28, $0xb8;
	[tilespmem:$0x18800] =	vst v63  }
0x106: {  	_ = 	snop  }
0x107: {  	[spmem:s2] =	stream.indirect.scatter.add.f32 [tilespmem:s25], [sflag:$0x2], $0x80, s29, s28, $0xb8;
	[tilespmem:$0x18800] =	vst v63  }
0x108: {  	_ =	swait.ge [sflag:s30], $0x3E80  }
0x109: {  	[sflag:s30] =	ssyncset.done $0x0  }
0x10a: {  	[sflag:s30] =	ssyncadd.s32 $0xFFFFC180  }
0x10b: {  	_ =	swait.ge [sflag:s31], $0x3E80  }
0x10c: {  	[sflag:s31] =	ssyncset.done $0x0  }
0x10d: {  	[sflag:s31] =	ssyncadd.s32 $0xFFFFC180  }
0x10e: {  	[spmem:s2] =	stream.indirect.scatter.add.f32 [tilespmem:s25], [sflag:$0x1], $0x80, s1, s28, $0xb8;
	[tilespmem:$0x18800] =	vst v63  }
0x10f: {  	_ = 	snop  }
0x110: {  	[spmem:s2] =	stream.indirect.scatter.add.f32 [tilespmem:s25], [sflag:$0x2], $0x80, s0, s28, $0xb8;
	[tilespmem:$0x18800] =	vst v63  }
0x111: {  	_ =	swait.ge [sflag:s30], $0x3E80  }
0x112: {  	[sflag:s30] =	ssyncset.done $0x0  }
0x113: {  	[sflag:s30] =	ssyncadd.s32 $0xFFFFC180  }
0x114: {  	_ =	swait.ge [sflag:s31], $0x3E80  }
0x115: {  	[sflag:s31] =	ssyncset.done $0x0  }
0x116: {  	[sflag:s31] =	ssyncadd.s32 $0xFFFFC180  }
0x117: {  	[spmem:s2] =	stream.indirect.scatter.add.f32 [tilespmem:s25], [sflag:$0x1], $0x80, s4, s28, $0xb8;
	[tilespmem:$0x18800] =	vst v63  }
0x118: {  	_ = 	snop  }
0x119: {  	[spmem:s2] =	stream.indirect.scatter.add.f32 [tilespmem:s25], [sflag:$0x2], $0x80, s5, s28, $0xb8;
	[tilespmem:$0x18800] =	vst v63  }
0x11a: {  	_ =	swait.ge [sflag:s30], $0x3E80  }
0x11b: {  	[sflag:s30] =	ssyncset.done $0x0  }
0x11c: {  	[sflag:s30] =	ssyncadd.s32 $0xFFFFC180  }
0x11d: {  	_ =	swait.ge [sflag:s31], $0x3E80  }
0x11e: {  	[sflag:s31] =	ssyncset.done $0x0  }
0x11f: {  	[sflag:s31] =	ssyncadd.s32 $0xFFFFC180  }
0x120: {  	[spmem:s2] =	stream.indirect.scatter.add.f32 [tilespmem:s25], [sflag:$0x1], $0x80, s7, s28, $0xb8;
	[tilespmem:$0x18800] =	vst v63  }
0x121: {  	_ = 	snop  }
0x122: {  	[spmem:s2] =	stream.indirect.scatter.add.f32 [tilespmem:s25], [sflag:$0x2], $0x80, s8, s28, $0xb8;
	[tilespmem:$0x18800] =	vst v63  }
0x123: {  	_ =	swait.ge [sflag:s30], $0x3E80  }
0x124: {  	[sflag:s30] =	ssyncset.done $0x0  }
0x125: {  	[sflag:s30] =	ssyncadd.s32 $0xFFFFC180  }
0x126: {  	_ =	swait.ge [sflag:s31], $0x3E80  }
0x127: {  	[sflag:s31] =	ssyncset.done $0x0  }
0x128: {  	[sflag:s31] =	ssyncadd.s32 $0xFFFFC180  }
0x129: {  	[spmem:s2] =	stream.indirect.scatter.add.f32 [tilespmem:s25], [sflag:$0x1], $0x80, s9, s28, $0xb8;
	[tilespmem:$0x18800] =	vst v63  }
0x12a: {  	_ = 	snop  }
0x12b: {  	[spmem:s2] =	stream.indirect.scatter.add.f32 [tilespmem:s25], [sflag:$0x2], $0x80, s10, s28, $0xb8;
	[tilespmem:$0x18800] =	vst v63  }
0x12c: {  	_ =	swait.ge [sflag:s30], $0x3E80  }
0x12d: {  	[sflag:s30] =	ssyncset.done $0x0  }
0x12e: {  	[sflag:s30] =	ssyncadd.s32 $0xFFFFC180  }
0x12f: {  	_ =	swait.ge [sflag:s31], $0x3E80  }
0x130: {  	[sflag:s31] =	ssyncset.done $0x0  }
0x131: {  	[sflag:s31] =	ssyncadd.s32 $0xFFFFC180  }
0x132: {  	[spmem:s2] =	stream.indirect.scatter.add.f32 [tilespmem:s25], [sflag:$0x1], $0x80, s11, s28, $0xb8;
	[tilespmem:$0x18800] =	vst v63  }
0x133: {  	_ = 	snop  }
0x134: {  	[spmem:s2] =	stream.indirect.scatter.add.f32 [tilespmem:s25], [sflag:$0x2], $0x80, s12, s28, $0xb8;
	[tilespmem:$0x18800] =	vst v63  }
0x135: {  	_ =	swait.ge [sflag:s30], $0x3E80  }
0x136: {  	[sflag:s30] =	ssyncset.done $0x0  }
0x137: {  	[sflag:s30] =	ssyncadd.s32 $0xFFFFC180  }
0x138: {  	_ =	swait.ge [sflag:s31], $0x3E80  }
0x139: {  	[sflag:s31] =	ssyncset.done $0x0  }
0x13a: {  	[sflag:s31] =	ssyncadd.s32 $0xFFFFC180  }
0x13b: {  	[spmem:s2] =	stream.indirect.scatter.add.f32 [tilespmem:s25], [sflag:$0x1], $0x80, s13, s28, $0xb8;
	[tilespmem:$0x18800] =	vst v63  }
0x13c: {  	_ = 	snop  }
0x13d: {  	[spmem:s2] =	stream.indirect.scatter.add.f32 [tilespmem:s25], [sflag:$0x2], $0x80, s14, s28, $0xb8;
	[tilespmem:$0x18800] =	vst v63  }
0x13e: {  	_ =	swait.ge [sflag:s30], $0x3E80  }
0x13f: {  	[sflag:s30] =	ssyncset.done $0x0  }
0x140: {  	[sflag:s30] =	ssyncadd.s32 $0xFFFFC180  }
0x141: {  	_ =	swait.ge [sflag:s31], $0x3E80  }
0x142: {  	[sflag:s31] =	ssyncset.done $0x0  }
0x143: {  	[sflag:s31] =	ssyncadd.s32 $0xFFFFC180  }
0x144: {  	[spmem:s2] =	stream.indirect.scatter.add.f32 [tilespmem:s25], [sflag:$0x1], $0x80, s15, s28, $0xb8;
	[tilespmem:$0x18800] =	vst v63  }
0x145: {  	_ = 	snop  }
0x146: {  	[spmem:s2] =	stream.indirect.scatter.add.f32 [tilespmem:s25], [sflag:$0x2], $0x80, s16, s28, $0xb8;
	[tilespmem:$0x18800] =	vst v63  }
0x147: {  	_ =	swait.ge [sflag:s30], $0x3E80  }
0x148: {  	[sflag:s30] =	ssyncset.done $0x0  }
0x149: {  	[sflag:s30] =	ssyncadd.s32 $0xFFFFC180  }
0x14a: {  	_ =	swait.ge [sflag:s31], $0x3E80  }
0x14b: {  	[sflag:s31] =	ssyncset.done $0x0  }
0x14c: {  	[sflag:s31] =	ssyncadd.s32 $0xFFFFC180  }
0x14d: {  	[bflag:$0x0] =	sbarrier.arrive $0xFFFF  }
0x14e: {  	[tilespmem:s25], [sflag:$0x3] =	stream.linear.gather [spmem:s6], $0x1400, $0x38;
	[tilespmem:$0x18800] =	vst v63  }
0x14f: {  	_ =	swait.ge [sflag:s26], $0x1400  }
0x150: {  	[sflag:s26] =	ssyncset.done $0x0  }
0x151: {  	s21 =	sadd.s32 $0x0, s24;
	[sflag:s26] =	ssyncadd.s32 $0xFFFFEC00  }
0x152: {  	[hbm4b:s21+s3] =	stream.linear.scatter [tilespmem:s25], [sflag:$0x3], $0x1400, $0x38;
	[tilespmem:$0x18800] =	vst v63  }
0x153: {  	_ =	swait.ge [sflag:s26], $0x1400  }
0x154: {  	s19 =	smov.u32 s6;
	s18 =	simm.s32 $0x280;
	[sflag:s26] =	ssyncset.done $0x0  }
.LBB2_4:
0x155: {  	p0 =	sne.s32 s18, $0x2580;
	[sflag:s26] =	ssyncadd.s32 $0xFFFFEC00;
	s19 =	sadd.s32 $0x1400, s19  }
0x156: {  	[tilespmem:s25], [sflag:$0x3] =	stream.linear.gather [spmem:s19], $0x1400, $0x38;
	[tilespmem:$0x18800] =	vst v63  }
0x157: {  	s20 =	smov.u32 s18;
	s18 =	sadd.s32 $0x280, s18;
	_ =	swait.ge [sflag:s26], $0x1400  }
.Ltmp1:
0x158: {  	[sflag:s26] =	ssyncset.done $0x0;
	(pc) =	sbr.rel @p0 .LBB2_4-.Ltmp1, $4  }
0x159: {  	s20 =	sadd.s32 s20, s24;
	[sflag:s26] =	ssyncadd.s32 $0xFFFFEC00  }
0x15a: {  	[hbm4b:s20+s3] =	stream.linear.scatter [tilespmem:s25], [sflag:$0x3], $0x1400, $0x38;
	[tilespmem:$0x18800] =	vst v63  }
0x15b: {  	_ =	swait.ge [sflag:s26], $0x1400  }
0x15c: {  	[sflag:s26] =	ssyncset.done $0x0  }
0x15d: {  	s17 =	sadd.s32 $0x1, s17;
	s18 =	rddreg [dreg:$0x5]  }
0x15e: {  	p0 =	sne.s32 s17, s18  }
.Ltmp2:
0x15f: {  	_ = 	snop;
	(pc) =	sbr.rel @p0 .LBB2_1-.Ltmp2, $2  }
0x160: {  	_ =	sdelay $0x2  }
0x161: {  	[sflag:s26] =	ssyncadd.s32 $0xFFFFEC00  }
0x162: {  	_ =	sfence.sel $0x180000  }
0x163: {  	[bflag:$0x0] =	sbarrier.arrive $0xFFFF  }
0x164: {  	_ =	strace $0x9000004A  }
0x165: {  	s0 =	stileid.u32;
	[bflag:$0x2] =	sbarrier.arrive $0xFFFF  }
0x166: {  	p0 =	sne.s32 s0, $0x0;
	s0 =	rddreg [dreg:$0x2]  }
0x167: {  	s0 =	sadd.s32 @!p0 $0x100000, s0  }
0x168: {  	[sflag:s0] =	ssyncadd.tile.s32 @!p0 $0x1;
	_ =	shalt  }
.Lfunc_end2:
_tile_overlayer_lowered:
.L_overlay_start_2:
0x169: {  	(tag) =	ssettag $0x2  }
0x16a: {  	s0 =	rddreg [dreg:$0x0];
	s2 =	stileid.u32  }
0x16b: {  	s1 =	rddreg [dreg:$0x1];
	p0 =	sne.s32 s2, $0x0  }
0x16c: {  	s3 =	rddreg [dreg:$0x2];
	[bflag:$0x3] =	sbarrier.arrive $0xFFFF;
	s2 =	simm.s32 @!p0 $0x1C03  }
0x16d: {  	[timem:s3], [sflag:s2] =	dma.local @!p0 [hbm:s0], s1  }
0x16e: {  	s0 =	simm.s32 @!p0 $0x3  }
0x16f: {  	_ =	swait.ge @!p0 [sflag:s0], s1  }
0x170: {  	s1 =	ssub.s32 @!p0 $0x0, s1;
	[sflag:s0] =	ssyncset.done @!p0 $0x0  }
0x171: {  	[sflag:s0] =	ssyncadd.s32 @!p0 s1  }
0x172: {  	[bflag:$0x3] =	sbarrier.arrive $0xFFFF  }
0x173: {  	_ =	shalt  }

// kernel: kernel.13.cloned.1.call-start
scs
__scs_entry_jumppad:
0x0: {  	(pc) =	sbr.rel $0x88, $3  }
0x1: {  	(tag) =	ssettag $0x0;
	lr =	simm.s32 $0x1  }
0x2: {  	[smem:$0x3F93] =	sst lr;
	_ =	strace $0xD0000000  }
0x3: {  	_ = 	snop  }
0x4: {  	_ = 	snop  }
0x5: {  	_ = 	snop  }
0x6: {  	_ = 	snop  }
0x7: {  	_ = 	snop  }
__scs_overlays_trampoline_lowered:
0x8: {  	[smem:$0x3FA2] =	sst s0  }
0x9: {  	[smem:$0x3FA3] =	sst s1  }
0xa: {  	[smem:$0x3FA4] =	sst s2  }
0xb: {  	[smem:$0x3FA5] =	sst s3  }
0xc: {  	[smem:$0x3FA6] =	sst s4  }
0xd: {  	[smem:$0x3FA7] =	sst s5  }
0xe: {  	[smem:$0x3FA8] =	sst s6  }
0xf: {  	[smem:$0x3FA9] =	sst s7  }
0x10: {  	[smem:$0x3FAA] =	sst s8  }
0x11: {  	[smem:$0x3FAB] =	sst s9;
	s0 =	simm.s32 @!p0 $0x0  }
0x12: {  	s1 =	sld [smem:$0x3F91];
	s0 =	simm.s32 @p0 $0x1  }
0x13: {  	[smem:$0x3FAC] =	sst s0;
	s0 =	simm.s32 @!p1 $0x0  }
0x14: {  	s2 =	sld [smem:$0x3F90];
	s0 =	simm.s32 @p1 $0x1  }
0x15: {  	[smem:$0x3FAD] =	sst s0;
	s0 =	simm.s32 @!p2 $0x0  }
0x16: {  	s3 =	sld [smem:$0x3FDB];
	s0 =	simm.s32 @p2 $0x1  }
0x17: {  	s4 =	simm.s32 $0x1BF5;
	[smem:$0x3FAF] =	sst s0  }
0x18: {  	s0 =	sld [smem:$0x3F92];
	_ =	swait.ge [sflag:s4], $0x0  }
0x19: {  	s7 =	sld [smem:$0x3F93]  }
0x1a: {  	s8 =	sadd.s32 $0xFFFFE003, lr  }
0x1b: {  	s9 =	sadd.s32 $0xFFFFFEF7, lr;
	s5 =	simm.s32 $0xFFFFFFFF;
	p2 =	slt.u32 s8, $0xFFFFF086  }
0x1c: {  	p1 =	slt.u32 s9, $0xF7A;
	s5 =	simm.s32 @!p2 $0x0  }
0x1d: {  	s5 =	simm.s32 @p1 $0x1;
	p0 =	seq.s32 s7, s2  }
0x1e: {  	s7 =	smul.u32 @!p0 $0xF7A, s2;
	p2 =	seq.s32 @!p0 s5, $0x0  }
0x1f: {  	s9 =	smul.u32 $0xF7A, s1;
	s8 =	simm.s32 @!p0 $0x1BF5;
	p2 =	por !p2, p0  }
0x20: {  	[sflag:s8] =	ssyncset.s32 @!p0 $0xFFFFF086;
	s6 =	sadd.s32 @!p0 s3, s7;
	s7 =	simm.s32 @!p0 $0x108  }
0x21: {  	s3 =	sadd.s32 s3, s9;
	s6 =	sadd.s32 @!p0 $0x88, s6;
	s7 =	simm.s32 @p2 $0x1082  }
0x22: {  	[simem:s7], [sflag:s8] =	dma.local @!p0 [hbm:s6], $0xF7A  }
0x23: {  	s9 =	sor.u32 $0xD0000000, s2;
	s6 =	simm.s32 $0x108;
	_ =	swait.ge @!p0 [sflag:s8], $0x0  }
0x24: {  	s3 =	sadd.s32 $0x88, s3;
	s6 =	simm.s32 @!p1 $0x1082;
	[sflag:s4] =	ssyncset.s32 $0xFFFFF086  }
0x25: {  	[simem:s6], [sflag:s4] =	dma.local [hbm:s3], $0xF7A  }
0x26: {  	[smem:$0x3F93] =	sst s1;
	(tag) =	ssettag s2;
	_ =	strace s9  }
0x27: {  	s1 =	sld [smem:$0x3FA3]  }
0x28: {  	s2 =	sld [smem:$0x3FA4]  }
0x29: {  	s4 =	sld [smem:$0x3FA6]  }
0x2a: {  	p0 =	seq.s32 s5, $0x0;
	s5 =	sld [smem:$0x3FA7]  }
0x2b: {  	s6 =	sld [smem:$0x3FA8]  }
0x2c: {  	s7 =	sld [smem:$0x3FA9]  }
0x2d: {  	s3 =	simm.s32 $0x108;
	s8 =	sld [smem:$0x3FAA]  }
0x2e: {  	s3 =	simm.s32 @!p0 $0x1082;
	s9 =	sld [smem:$0x3FAB]  }
0x2f: {  	lr =	sadd.s32 s0, s3;
	s0 =	sld [smem:$0x3FA2]  }
0x30: {  	s3 =	sld [smem:$0x3FA5]  }
0x31: {  	[smem:$0x3FAE] =	sst s10  }
0x32: {  	s10 =	sld [smem:$0x3FAC];
	_ =	sdelay $0x3  }
0x33: {  	p0 =	seq.s32 s10, $0x1;
	s10 =	sld [smem:$0x3FAE];
	_ =	sdelay $0x3  }
0x34: {  	[smem:$0x3FAE] =	sst s10  }
0x35: {  	s10 =	sld [smem:$0x3FAD];
	_ =	sdelay $0x3  }
0x36: {  	p1 =	seq.s32 s10, $0x1;
	s10 =	sld [smem:$0x3FAE];
	_ =	sdelay $0x3  }
0x37: {  	[smem:$0x3FAE] =	sst s10  }
0x38: {  	s10 =	sld [smem:$0x3FAF]  }
0x39: {  	_ = 	snop;
	(pc) =	sbr.ind lr, $3  }
0x3a: {  	_ = 	snop  }
0x3b: {  	_ = 	snop  }
0x3c: {  	p2 =	seq.s32 s10, $0x1;
	s10 =	sld [smem:$0x3FAE]  }
0x3d: {  	_ =	shalt  }
0x3e: {  	_ =	shalt  }
0x3f: {  	_ =	shalt  }
0x40: {  	_ =	shalt  }
0x41: {  	_ =	shalt  }
0x42: {  	_ =	shalt  }
0x43: {  	_ =	shalt  }
0x44: {  	_ =	shalt  }
0x45: {  	_ =	shalt  }
0x46: {  	_ =	shalt  }
0x47: {  	_ =	shalt  }
0x48: {  	_ =	shalt  }
0x49: {  	_ =	shalt  }
0x4a: {  	_ =	shalt  }
0x4b: {  	_ =	shalt  }
0x4c: {  	_ =	shalt  }
0x4d: {  	_ =	shalt  }
0x4e: {  	_ =	shalt  }
0x4f: {  	_ =	shalt  }
0x50: {  	_ =	shalt  }
0x51: {  	_ =	shalt  }
0x52: {  	_ =	shalt  }
0x53: {  	_ =	shalt  }
0x54: {  	_ =	shalt  }
0x55: {  	_ =	shalt  }
0x56: {  	_ =	shalt  }
0x57: {  	_ =	shalt  }
0x58: {  	_ =	shalt  }
0x59: {  	_ =	shalt  }
0x5a: {  	_ =	shalt  }
0x5b: {  	_ =	shalt  }
0x5c: {  	_ =	shalt  }
0x5d: {  	_ =	shalt  }
0x5e: {  	_ =	shalt  }
0x5f: {  	_ =	shalt  }
0x60: {  	_ =	shalt  }
0x61: {  	_ =	shalt  }
0x62: {  	_ =	shalt  }
0x63: {  	_ =	shalt  }
0x64: {  	_ =	shalt  }
0x65: {  	_ =	shalt  }
0x66: {  	_ =	shalt  }
0x67: {  	_ =	shalt  }
0x68: {  	_ =	shalt  }
0x69: {  	_ =	shalt  }
0x6a: {  	_ =	shalt  }
0x6b: {  	_ =	shalt  }
0x6c: {  	_ =	shalt  }
0x6d: {  	_ =	shalt  }
0x6e: {  	_ =	shalt  }
0x6f: {  	_ =	shalt  }
0x70: {  	_ =	shalt  }
0x71: {  	_ =	shalt  }
0x72: {  	_ =	shalt  }
0x73: {  	_ =	shalt  }
0x74: {  	_ =	shalt  }
0x75: {  	_ =	shalt  }
0x76: {  	_ =	shalt  }
0x77: {  	_ =	shalt  }
0x78: {  	_ =	shalt  }
0x79: {  	_ =	shalt  }
0x7a: {  	_ =	shalt  }
0x7b: {  	_ =	shalt  }
0x7c: {  	_ =	shalt  }
0x7d: {  	_ =	shalt  }
0x7e: {  	_ =	shalt  }
0x7f: {  	_ =	shalt  }
0x80: {  	_ =	shalt  }
0x81: {  	_ =	shalt  }
0x82: {  	_ =	shalt  }
0x83: {  	_ =	shalt  }
0x84: {  	_ =	shalt  }
0x85: {  	_ =	shalt  }
0x86: {  	_ =	shalt  }
0x87: {  	_ =	shalt  }
.Lfunc_end0:
.L_simem_size_0:
called_computation.1_lowered:
.L_overlay_start_0:
0x88: {  	s2 =	sld [smem:$0x3FD9]  }
0x89: {  	s3 =	sld [smem:$0x3FFE];
	_ =	sdelay $0x1  }
0x8a: {  	s1 =	srdreg.scid  }
0x8b: {  	s0 =	sand.u32 $0x1, s1  }
0x8c: {  	s17 =	sshll.u32 s0, $0xA;
	s2 =	sadd.s32 s3, s2  }
0x8d: {  	s2 =	sadd.s32 s2, s17  }
0x8e: {  	[smem:$0x3FBA] =	sst s2  }
0x8f: {  	_ = 	snop  }
0x90: {  	s2 =	sld [smem:$0x3FC9];
	(tm) =	ssettm $0x1  }
0x91: {  	s18 =	sld [smem:$0x3FFB];
	_ =	sdelay $0x3  }
0x92: {  	_ =	strace s18  }
0x93: {  	s3 =	sld [smem:$0x3FFC];
	_ =	sdelay $0x3  }
0x94: {  	_ =	strace s3  }
0x95: {  	s3 =	sld [smem:$0x3FFD];
	_ =	sdelay $0x3  }
0x96: {  	_ =	strace s3  }
0x97: {  	_ =	strace $0x8FFFFFFF  }
0x98: {  	s19 =	sld [smem:$0x3FDB];
	_ =	sdelay $0x1  }
0x99: {  	s4 =	simm.s32 $_scs_section_size  }
0x9a: {  	s5 =	simm.s32 $_size__tile_overlayer_lowered;
	s6 =	simm.s32 $_tile_overlayer_lowered  }
0x9b: {  	s22 =	simm.s32 $0x1BFF;
	s21 =	sshll.u32 s6, $0x1;
	s3 =	sadd.s32 s4, s19  }
0x9c: {  	s7 =	simm.s32 $0x0;
	s20 =	sshll.u32 s5, $0x1;
	s5 =	sadd.s32 s21, s3  }
0x9d: {  	[timem:s7], [sflag:s22] =	dma.local [hbm:s5], s20  }
0x9e: {  	_ =	swait.ge [sflag:s22], s20  }
0x9f: {  	s4 =	ssub.s32 $0x0, s20;
	[sflag:s22] =	ssyncset.done $0x0  }
0xa0: {  	[sflag:s22] =	ssyncadd.s32 s4;
	_ =	sdelay $0x1  }
0xa1: {  	s23 =	simm.s32 $0x1B8B  }
0xa2: {  	_ =	swait.ge [sflag:s23], $0x1  }
0xa3: {  	[sflag:s23] =	ssyncset.done $0x0  }
0xa4: {  	s25 =	simm.s32 $0x1B8E;
	s24 =	sld [smem:$0x3FFE];
	[sflag:s23] =	ssyncadd.s32 $0xFFFFFFFF  }
0xa5: {  	s26 =	simm.s32 $execute0_lowered;
	[smem:$0x3FD2] =	sst s25  }
0xa6: {  	s5 =	sshll.u32 s26, $0x1;
	_ =	strace $0x80000046;
	[dreg:$0x1] =	wrdreg $0xFFFFFFFF  }
0xa7: {  	s28 =	simm.s32 $_size_execute0_lowered;
	s3 =	sadd.s32 s3, s5;
	[dreg:$0x0] =	wrdreg $0x0  }
0xa8: {  	s5 =	sshll.u32 s28, $0x1;
	[dreg:$0x2] =	wrdreg s3  }
0xa9: {  	[dreg:$0x3] =	wrdreg s5  }
0xaa: {  	[dreg:$0x4] =	wrdreg $0xC0  }
0xab: {  	_ =	task [dreg:s7], $0x5FFFF  }
0xac: {  	[dreg:$0x1] =	wrdreg $0xFFFFFFFF  }
0xad: {  	[dreg:$0x0] =	wrdreg $0x60  }
0xae: {  	[dreg:$0x2] =	wrdreg s2  }
0xaf: {  	[dreg:$0x3] =	wrdreg s24  }
0xb0: {  	[dreg:$0x4] =	wrdreg $0x90000  }
0xb1: {  	[dreg:$0x5] =	wrdreg $0xA  }
0xb2: {  	_ =	task.clear_ibuf [dreg:s7], $0x6FFFF;
	_ =	strace $0x90000046  }
0xb3: {  	s29 =	simm.s32 $0xA;
	_ =	strace $0x80000048  }
0xb4: {  	_ =	swait.ge [sflag:s29], $0x1  }
0xb5: {  	[sflag:s29] =	ssyncadd.s32 $0xFFFFFFFF  }
0xb6: {  	_ =	strace $0x90000048  }
0xb7: {  	_ =	sfence  }
0xb8: {  	s30 =	sld [smem:$0x0];
	_ =	sdelay $0x2  }
0xb9: {  	s31 =	sshll.u32 s1, $0xD;
	s1 =	sshrl.u32 s1, $0x2  }
0xba: {  	s3 =	sand.u32 $0x4000, s31;
	s1 =	sadd.s32 s1, s30  }
0xbb: {  	s0 =	sor.u32 s3, s0;
	s1 =	sshll.u32 s1, $0x11  }
0xbc: {  	s0 =	sor.u32 s1, s0  }
0xbd: {  	s0 =	sadd.s32 $0x8F2B, s0  }
0xbe: {  	[sflag:s0] =	ssyncadd.remote.s32 $0x1  }
0xbf: {  	_ =	sfence.sel $0xFFFF  }
0xc0: {  	[dreg:$0x0] =	wrdreg $0xFFFFFFFF;
	(pc) =	sbr.abs _section_cstart, $3  }
0xc1: {  	[dreg:$0x1] =	wrdreg $0xFFFFFFFF  }
0xc2: {  	_ =	task.clear_ibuf [dreg:s7], $0x2FFFF;
	_ =	strace $0x9FFFFFFF  }
0xc3: {  	(tm) =	ssettm $0x7FFFFFFF  }
tec
execute0_lowered:
.L_overlay_start_1:
0x0: {  	(tag) =	ssettag $0x1  }
0x1: {  	s1 =	rddreg [dreg:$0x0]  }
0x2: {  	s0 =	srdreg.scid;
	s2 =	rddreg [dreg:$0x1]  }
0x3: {  	s8 =	stileid.u32;
	s3 =	rddreg [dreg:$0x2];
	s4 =	simm.s32 $0x0  }
0x4: {  	s17 =	simm.s32 $0x80;
	[smem:$0x7FF] =	sst s4;
	s9 =	sadd.s32 $0x16800, s2  }
0x5: {  	s19 =	simm.s32 $0x880;
	_ =	strace $0x80000047;
	[dreg:$0x15] =	wrdreg s9  }
0x6: {  	s22 =	simm.s32 $0x100;
	s24 =	simm.s32 $0x180;
	[dreg:$0x6] =	wrdreg s17  }
0x7: {  	s26 =	simm.s32 $0x900;
	s28 =	simm.s32 $0x7D;
	[dreg:$0x7] =	wrdreg s19  }
0x8: {  	s29 =	simm.s32 $0x5000;
	s30 =	simm.s32 $0x1;
	[dreg:$0x8] =	wrdreg s22  }
0x9: {  	s31 =	simm.s32 $0x2;
	s0 =	sand.u32 $0x1, s0;
	[dreg:$0x9] =	wrdreg s24  }
0xa: {  	s5 =	smul.u32 $0x5000, s8;
	[dreg:$0xa] =	wrdreg s26;
	s9 =	simm.s32 $0x200  }
0xb: {  	s11 =	smul.u32 $0x14000, s8;
	s17 =	simm.s32 $0x300;
	[dreg:$0xc] =	wrdreg s9  }
0xc: {  	s8 =	smul.u32 $0x50000, s8;
	s19 =	simm.s32 $0x380;
	[dreg:$0x10] =	wrdreg s17  }
0xd: {  	s6 =	smul.u32 $0x2800, s0;
	s22 =	simm.s32 $0xB00;
	[dreg:$0x11] =	wrdreg s19  }
0xe: {  	s7 =	smul.u32 $0x140000, s0;
	s24 =	simm.s32 $0xB80;
	[dreg:$0x12] =	wrdreg s22  }
0xf: {  	s0 =	ssub.s32 $0x2, s0;
	s26 =	simm.s32 $0x400;
	[dreg:$0x13] =	wrdreg s24  }
0x10: {  	s12 =	sshrl.u32 s0, $0x1;
	s13 =	sshrl.u32 s8, $0x2;
	[dreg:$0x14] =	wrdreg s26  }
0x11: {  	s5 =	sadd.s32 s6, s5;
	s6 =	sadd.s32 s11, s7;
	s7 =	simm.s32 $0x980  }
0x12: {  	s24 =	simm.s32 $0x1000;
	s11 =	simm.s32 $0x280;
	[dreg:$0xb] =	wrdreg s7  }
0x13: {  	s21 =	sadd.s32 s13, s3;
	s13 =	simm.s32 $0xA00;
	[dreg:$0xd] =	wrdreg s11  }
0x14: {  	s26 =	simm.s32 $0x800;
	s0 =	ssub.s32 s0, s12;
	[dreg:$0xe] =	wrdreg s13  }
0x15: {  	s9 =	simm.s32 $0xC80;
	s0 =	smax.u32 s0, $0x1;
	[dreg:$0x17] =	wrdreg s21  }
0x16: {  	s17 =	simm.s32 $0xE80;
	s16 =	sadd.s32 $0x1400, s21;
	[dreg:$0x16] =	wrdreg s0  }
0x17: {  	s19 =	simm.s32 $0x780;
	s18 =	sadd.s32 $0x2800, s21;
	[dreg:$0x18] =	wrdreg s16  }
0x18: {  	s22 =	simm.s32 $0xF80;
	s20 =	sadd.s32 $0x3C00, s21;
	[dreg:$0x19] =	wrdreg s18  }
0x19: {  	s5 =	sshrl.u32 s5, $0x3;
	s23 =	sadd.s32 $0x5000, s21;
	[dreg:$0x1a] =	wrdreg s20  }
0x1a: {  	s6 =	sshrl.u32 s6, $0x3;
	s25 =	sadd.s32 $0x6400, s21;
	[dreg:$0x1b] =	wrdreg s23  }
0x1b: {  	s8 =	sadd.s32 $0x8C00, s21;
	s10 =	sadd.s32 $0xA000, s21;
	[dreg:$0x1c] =	wrdreg s25  }
0x1c: {  	s12 =	sadd.s32 $0xB400, s21;
	s11 =	simm.s32 $0x580;
	[dreg:$0x1e] =	wrdreg s8  }
0x1d: {  	s13 =	simm.s32 $0xD80;
	s5 =	sadd.s32 s5, s2;
	[dreg:$0x1f] =	wrdreg s10  }
0x1e: {  	s2 =	sadd.s32 s6, s2;
	s6 =	sadd.s32 $0x7800, s21;
	[smem:$0x7F7] =	sst s12  }
0x1f: {  	s7 =	simm.s32 $0x0;
	s16 =	sadd.s32 $0xDC00, s21;
	[dreg:$0x1d] =	wrdreg s6  }
0x20: {  	s18 =	sadd.s32 $0xF000, s21;
	s20 =	sadd.s32 $0x10400, s21;
	[smem:$0x7F9] =	sst s16  }
0x21: {  	s23 =	sadd.s32 $0x11800, s21;
	s25 =	sadd.s32 $0x12C00, s21;
	[smem:$0x7FA] =	sst s18  }
0x22: {  	s0 =	simm.s32 $0x4;
	s8 =	simm.s32 $0xC00;
	[smem:$0x7FB] =	sst s20  }
0x23: {  	s10 =	simm.s32 $0x500;
	s12 =	simm.s32 $0xD00;
	[smem:$0x7FC] =	sst s23  }
0x24: {  	s14 =	sadd.s32 $0x2800, s5;
	s15 =	sadd.s32 $0xC800, s5;
	[smem:$0x7FD] =	sst s25  }
0x25: {  	s23 =	sadd.s32 $0x16C00, s2;
	s25 =	simm.s32 $0x5;
	s2 =	simm.s32 $0x3  }
0x26: {  	s6 =	simm.s32 $0x480;
	s16 =	simm.s32 $0xE00;
	[dreg:$0x4] =	wrdreg s14  }
0x27: {  	s18 =	simm.s32 $0x700;
	[dreg:$0x5] =	wrdreg s15;
	s14 =	sadd.s32 $0xC800, s21  }
0x28: {  	s20 =	simm.s32 $0xF00;
	s15 =	simm.s32 $0xA80;
	[smem:$0x7F8] =	sst s14  }
0x29: {  	[dreg:$0xf] =	wrdreg s15;
	s14 =	simm.s32 $0x600;
	s15 =	simm.s32 $0x680  }
.LBB2_1:
0x2a: {  	[smem:$0x7F6] =	sst s7  }
0x2b: {  	s5 =	rddreg [dreg:$0x15]  }
0x2c: {  	[tilespmem:s24], [sflag:$0x5] =	stream.linear.gather [hbm4b:s5+s4], $0x1400, $0x38;
	[tilespmem:$0x1D000] =	vst v63  }
0x2d: {  	_ =	swait.ge [sflag:s25], $0x1400  }
0x2e: {  	[sflag:s25] =	ssyncset.done $0x0  }
0x2f: {  	[sflag:s25] =	ssyncadd.s32 $0xFFFFEC00  }
0x30: {  	[spmem:s21] =	stream.linear.scatter [tilespmem:s24], [sflag:$0x5], $0x1400, $0x38;
	[tilespmem:$0x1D000] =	vst v63  }
0x31: {  	_ =	swait.ge [sflag:s25], $0x1400  }
0x32: {  	[sflag:s25] =	ssyncset.done $0x0  }
0x33: {  	s7 =	rddreg [dreg:$0x18];
	[sflag:s25] =	ssyncadd.s32 $0xFFFFEC00  }
0x34: {  	[spmem:s7] =	stream.linear.scatter [tilespmem:s24], [sflag:$0x5], $0x1400, $0x38;
	[tilespmem:$0x1D000] =	vst v63  }
0x35: {  	_ =	swait.ge [sflag:s25], $0x1400  }
0x36: {  	[sflag:s25] =	ssyncset.done $0x0  }
0x37: {  	s21 =	rddreg [dreg:$0x19];
	[sflag:s25] =	ssyncadd.s32 $0xFFFFEC00  }
0x38: {  	[spmem:s21] =	stream.linear.scatter [tilespmem:s24], [sflag:$0x5], $0x1400, $0x38;
	[tilespmem:$0x1D000] =	vst v63  }
0x39: {  	_ =	swait.ge [sflag:s25], $0x1400  }
0x3a: {  	[sflag:s25] =	ssyncset.done $0x0  }
0x3b: {  	s7 =	rddreg [dreg:$0x1a];
	[sflag:s25] =	ssyncadd.s32 $0xFFFFEC00  }
0x3c: {  	[spmem:s7] =	stream.linear.scatter [tilespmem:s24], [sflag:$0x5], $0x1400, $0x38;
	[tilespmem:$0x1D000] =	vst v63  }
0x3d: {  	_ =	swait.ge [sflag:s25], $0x1400  }
0x3e: {  	[sflag:s25] =	ssyncset.done $0x0  }
0x3f: {  	s21 =	rddreg [dreg:$0x1b];
	[sflag:s25] =	ssyncadd.s32 $0xFFFFEC00  }
0x40: {  	[spmem:s21] =	stream.linear.scatter [tilespmem:s24], [sflag:$0x5], $0x1400, $0x38;
	[tilespmem:$0x1D000] =	vst v63  }
0x41: {  	_ =	swait.ge [sflag:s25], $0x1400  }
0x42: {  	[sflag:s25] =	ssyncset.done $0x0  }
0x43: {  	s7 =	rddreg [dreg:$0x1c];
	[sflag:s25] =	ssyncadd.s32 $0xFFFFEC00  }
0x44: {  	[spmem:s7] =	stream.linear.scatter [tilespmem:s24], [sflag:$0x5], $0x1400, $0x38;
	[tilespmem:$0x1D000] =	vst v63  }
0x45: {  	_ =	swait.ge [sflag:s25], $0x1400  }
0x46: {  	[sflag:s25] =	ssyncset.done $0x0  }
0x47: {  	s21 =	rddreg [dreg:$0x1d];
	[sflag:s25] =	ssyncadd.s32 $0xFFFFEC00  }
0x48: {  	[spmem:s21] =	stream.linear.scatter [tilespmem:s24], [sflag:$0x5], $0x1400, $0x38;
	[tilespmem:$0x1D000] =	vst v63  }
0x49: {  	_ =	swait.ge [sflag:s25], $0x1400  }
0x4a: {  	[sflag:s25] =	ssyncset.done $0x0  }
0x4b: {  	s7 =	rddreg [dreg:$0x1e];
	[sflag:s25] =	ssyncadd.s32 $0xFFFFEC00  }
0x4c: {  	[spmem:s7] =	stream.linear.scatter [tilespmem:s24], [sflag:$0x5], $0x1400, $0x38;
	[tilespmem:$0x1D000] =	vst v63  }
0x4d: {  	_ =	swait.ge [sflag:s25], $0x1400  }
0x4e: {  	[sflag:s25] =	ssyncset.done $0x0  }
0x4f: {  	s21 =	rddreg [dreg:$0x1f];
	[sflag:s25] =	ssyncadd.s32 $0xFFFFEC00  }
0x50: {  	[spmem:s21] =	stream.linear.scatter [tilespmem:s24], [sflag:$0x5], $0x1400, $0x38;
	[tilespmem:$0x1D000] =	vst v63  }
0x51: {  	_ =	swait.ge [sflag:s25], $0x1400  }
0x52: {  	s7 =	sld [smem:$0x7F7]  }
0x53: {  	[sflag:s25] =	ssyncset.done $0x0  }
0x54: {  	[sflag:s25] =	ssyncadd.s32 $0xFFFFEC00  }
0x55: {  	[spmem:s7] =	stream.linear.scatter [tilespmem:s24], [sflag:$0x5], $0x1400, $0x38;
	[tilespmem:$0x1D000] =	vst v63  }
0x56: {  	_ =	swait.ge [sflag:s25], $0x1400  }
0x57: {  	s21 =	sld [smem:$0x7F8]  }
0x58: {  	[sflag:s25] =	ssyncset.done $0x0  }
0x59: {  	[sflag:s25] =	ssyncadd.s32 $0xFFFFEC00  }
0x5a: {  	[spmem:s21] =	stream.linear.scatter [tilespmem:s24], [sflag:$0x5], $0x1400, $0x38;
	[tilespmem:$0x1D000] =	vst v63  }
0x5b: {  	_ =	swait.ge [sflag:s25], $0x1400  }
0x5c: {  	s7 =	sld [smem:$0x7F9]  }
0x5d: {  	[sflag:s25] =	ssyncset.done $0x0  }
0x5e: {  	[sflag:s25] =	ssyncadd.s32 $0xFFFFEC00  }
0x5f: {  	[spmem:s7] =	stream.linear.scatter [tilespmem:s24], [sflag:$0x5], $0x1400, $0x38;
	[tilespmem:$0x1D000] =	vst v63  }
0x60: {  	_ =	swait.ge [sflag:s25], $0x1400  }
0x61: {  	s21 =	sld [smem:$0x7FA]  }
0x62: {  	[sflag:s25] =	ssyncset.done $0x0  }
0x63: {  	[sflag:s25] =	ssyncadd.s32 $0xFFFFEC00  }
0x64: {  	[spmem:s21] =	stream.linear.scatter [tilespmem:s24], [sflag:$0x5], $0x1400, $0x38;
	[tilespmem:$0x1D000] =	vst v63  }
0x65: {  	_ =	swait.ge [sflag:s25], $0x1400  }
0x66: {  	s7 =	sld [smem:$0x7FB]  }
0x67: {  	[sflag:s25] =	ssyncset.done $0x0  }
0x68: {  	[sflag:s25] =	ssyncadd.s32 $0xFFFFEC00  }
0x69: {  	[spmem:s7] =	stream.linear.scatter [tilespmem:s24], [sflag:$0x5], $0x1400, $0x38;
	[tilespmem:$0x1D000] =	vst v63  }
0x6a: {  	_ =	swait.ge [sflag:s25], $0x1400  }
0x6b: {  	s21 =	sld [smem:$0x7FC]  }
0x6c: {  	[sflag:s25] =	ssyncset.done $0x0  }
0x6d: {  	[sflag:s25] =	ssyncadd.s32 $0xFFFFEC00  }
0x6e: {  	[spmem:s21] =	stream.linear.scatter [tilespmem:s24], [sflag:$0x5], $0x1400, $0x38;
	[tilespmem:$0x1D000] =	vst v63  }
0x6f: {  	_ =	swait.ge [sflag:s25], $0x1400  }
0x70: {  	s7 =	sld [smem:$0x7FD]  }
0x71: {  	[sflag:s25] =	ssyncset.done $0x0  }
0x72: {  	[sflag:s25] =	ssyncadd.s32 $0xFFFFEC00  }
0x73: {  	[spmem:s7] =	stream.linear.scatter [tilespmem:s24], [sflag:$0x5], $0x1400, $0x38;
	[tilespmem:$0x1D000] =	vst v63  }
0x74: {  	_ =	swait.ge [sflag:s25], $0x1400  }
0x75: {  	[sflag:s25] =	ssyncset.done $0x0  }
0x76: {  	[sflag:s25] =	ssyncadd.s32 $0xFFFFEC00  }
0x77: {  	[bflag:$0x0] =	sbarrier.arrive $0xFFFF  }
0x78: {  	s21 =	rddreg [dreg:$0x5]  }
0x79: {  	s7 =	sadd.s32 $0x0, s21  }
0x7a: {  	[tilespmem:s4], [sflag:$0x5] =	stream.linear.gather [hbm4b:s7+s4], $0x800, $0x38;
	[tilespmem:$0x1D000] =	vst v63  }
0x7b: {  	_ =	swait.ge [sflag:s25], $0x800  }
0x7c: {  	s5 =	rddreg [dreg:$0x4];
	[sflag:s25] =	ssyncset.done $0x0  }
0x7d: {  	[sflag:s25] =	ssyncadd.s32 $0xFFFFF800;
	s7 =	sadd.s32 $0x0, s5  }
0x7e: {  	[tilespmem:s26], [sflag:$0x5] =	stream.linear.gather [hbm4b:s7+s4], $0x800, $0x38;
	[tilespmem:$0x1D000] =	vst v63  }
0x7f: {  	_ =	swait.ge [sflag:s25], $0x800  }
0x80: {  	[sflag:s25] =	ssyncset.done $0x0  }
0x81: {  	[sflag:s25] =	ssyncadd.s32 $0xFFFFF800  }
0x82: {  	[tilespmem:s24], [sflag:$0x1] =	stream.indirect.gather [hbm4b:s1+s28], $0x80, s4, s28, $0xb8;
	[tilespmem:$0x1D000] =	vst v63  }
0x83: {  	s21 =	rddreg [dreg:$0x6]  }
0x84: {  	[tilespmem:s29], [sflag:$0x2] =	stream.indirect.gather [hbm4b:s1+s28], $0x80, s21, s28, $0xb8;
	[tilespmem:$0x1D000] =	vst v63  }
0x85: {  	_ =	swait.ge [sflag:s30], $0x3E80  }
0x86: {  	[sflag:s30] =	ssyncset.done $0x0  }
0x87: {  	[sflag:s30] =	ssyncadd.s32 $0xFFFFC180  }
0x88: {  	[spmem:s3] =	stream.indirect.scatter.add.f32 [tilespmem:s24], [sflag:$0x3], $0x80, s26, s28, $0xb8;
	[tilespmem:$0x1D000] =	vst v63  }
0x89: {  	_ =	swait.ge [sflag:s31], $0x3E80  }
0x8a: {  	[sflag:s31] =	ssyncset.done $0x0  }
0x8b: {  	s5 =	rddreg [dreg:$0x7];
	[sflag:s31] =	ssyncadd.s32 $0xFFFFC180  }
0x8c: {  	[spmem:s3] =	stream.indirect.scatter.add.f32 [tilespmem:s29], [sflag:$0x4], $0x80, s5, s28, $0xb8;
	[tilespmem:$0x1D000] =	vst v63  }
0x8d: {  	_ =	swait.ge [sflag:s2], $0x3E80  }
0x8e: {  	[sflag:s2] =	ssyncset.done $0x0  }
0x8f: {  	[sflag:s2] =	ssyncadd.s32 $0xFFFFC180  }
0x90: {  	_ =	swait.ge [sflag:s0], $0x3E80  }
0x91: {  	[sflag:s0] =	ssyncset.done $0x0  }
0x92: {  	s21 =	rddreg [dreg:$0x8];
	[sflag:s0] =	ssyncadd.s32 $0xFFFFC180  }
0x93: {  	[tilespmem:s24], [sflag:$0x1] =	stream.indirect.gather [hbm4b:s1+s28], $0x80, s21, s28, $0xb8;
	[tilespmem:$0x1D000] =	vst v63  }
0x94: {  	s5 =	rddreg [dreg:$0x9]  }
0x95: {  	[tilespmem:s29], [sflag:$0x2] =	stream.indirect.gather [hbm4b:s1+s28], $0x80, s5, s28, $0xb8;
	[tilespmem:$0x1D000] =	vst v63  }
0x96: {  	_ =	swait.ge [sflag:s30], $0x3E80  }
0x97: {  	[sflag:s30] =	ssyncset.done $0x0  }
0x98: {  	s21 =	rddreg [dreg:$0xa];
	[sflag:s30] =	ssyncadd.s32 $0xFFFFC180  }
0x99: {  	[spmem:s3] =	stream.indirect.scatter.add.f32 [tilespmem:s24], [sflag:$0x3], $0x80, s21, s28, $0xb8;
	[tilespmem:$0x1D000] =	vst v63  }
0x9a: {  	_ =	swait.ge [sflag:s31], $0x3E80  }
0x9b: {  	[sflag:s31] =	ssyncset.done $0x0  }
0x9c: {  	s5 =	rddreg [dreg:$0xb];
	[sflag:s31] =	ssyncadd.s32 $0xFFFFC180  }
0x9d: {  	[spmem:s3] =	stream.indirect.scatter.add.f32 [tilespmem:s29], [sflag:$0x4], $0x80, s5, s28, $0xb8;
	[tilespmem:$0x1D000] =	vst v63  }
0x9e: {  	_ =	swait.ge [sflag:s2], $0x3E80  }
0x9f: {  	[sflag:s2] =	ssyncset.done $0x0  }
0xa0: {  	[sflag:s2] =	ssyncadd.s32 $0xFFFFC180  }
0xa1: {  	_ =	swait.ge [sflag:s0], $0x3E80  }
0xa2: {  	[sflag:s0] =	ssyncset.done $0x0  }
0xa3: {  	s21 =	rddreg [dreg:$0xc];
	[sflag:s0] =	ssyncadd.s32 $0xFFFFC180  }
0xa4: {  	[tilespmem:s24], [sflag:$0x1] =	stream.indirect.gather [hbm4b:s1+s28], $0x80, s21, s28, $0xb8;
	[tilespmem:$0x1D000] =	vst v63  }
0xa5: {  	s5 =	rddreg [dreg:$0xd]  }
0xa6: {  	[tilespmem:s29], [sflag:$0x2] =	stream.indirect.gather [hbm4b:s1+s28], $0x80, s5, s28, $0xb8;
	[tilespmem:$0x1D000] =	vst v63  }
0xa7: {  	_ =	swait.ge [sflag:s30], $0x3E80  }
0xa8: {  	[sflag:s30] =	ssyncset.done $0x0  }
0xa9: {  	s21 =	rddreg [dreg:$0xe];
	[sflag:s30] =	ssyncadd.s32 $0xFFFFC180  }
0xaa: {  	[spmem:s3] =	stream.indirect.scatter.add.f32 [tilespmem:s24], [sflag:$0x3], $0x80, s21, s28, $0xb8;
	[tilespmem:$0x1D000] =	vst v63  }
0xab: {  	_ =	swait.ge [sflag:s31], $0x3E80  }
0xac: {  	[sflag:s31] =	ssyncset.done $0x0  }
0xad: {  	s5 =	rddreg [dreg:$0xf];
	[sflag:s31] =	ssyncadd.s32 $0xFFFFC180  }
0xae: {  	[spmem:s3] =	stream.indirect.scatter.add.f32 [tilespmem:s29], [sflag:$0x4], $0x80, s5, s28, $0xb8;
	[tilespmem:$0x1D000] =	vst v63  }
0xaf: {  	_ =	swait.ge [sflag:s2], $0x3E80  }
0xb0: {  	[sflag:s2] =	ssyncset.done $0x0  }
0xb1: {  	[sflag:s2] =	ssyncadd.s32 $0xFFFFC180  }
0xb2: {  	_ =	swait.ge [sflag:s0], $0x3E80  }
0xb3: {  	[sflag:s0] =	ssyncset.done $0x0  }
0xb4: {  	s21 =	rddreg [dreg:$0x10];
	[sflag:s0] =	ssyncadd.s32 $0xFFFFC180  }
0xb5: {  	[tilespmem:s24], [sflag:$0x1] =	stream.indirect.gather [hbm4b:s1+s28], $0x80, s21, s28, $0xb8;
	[tilespmem:$0x1D000] =	vst v63  }
0xb6: {  	s5 =	rddreg [dreg:$0x11]  }
0xb7: {  	[tilespmem:s29], [sflag:$0x2] =	stream.indirect.gather [hbm4b:s1+s28], $0x80, s5, s28, $0xb8;
	[tilespmem:$0x1D000] =	vst v63  }
0xb8: {  	_ =	swait.ge [sflag:s30], $0x3E80  }
0xb9: {  	[sflag:s30] =	ssyncset.done $0x0  }
0xba: {  	s21 =	rddreg [dreg:$0x12];
	[sflag:s30] =	ssyncadd.s32 $0xFFFFC180  }
0xbb: {  	[spmem:s3] =	stream.indirect.scatter.add.f32 [tilespmem:s24], [sflag:$0x3], $0x80, s21, s28, $0xb8;
	[tilespmem:$0x1D000] =	vst v63  }
0xbc: {  	_ =	swait.ge [sflag:s31], $0x3E80  }
0xbd: {  	[sflag:s31] =	ssyncset.done $0x0  }
0xbe: {  	s5 =	rddreg [dreg:$0x13];
	[sflag:s31] =	ssyncadd.s32 $0xFFFFC180  }
0xbf: {  	[spmem:s3] =	stream.indirect.scatter.add.f32 [tilespmem:s29], [sflag:$0x4], $0x80, s5, s28, $0xb8;
	[tilespmem:$0x1D000] =	vst v63  }
0xc0: {  	_ =	swait.ge [sflag:s2], $0x3E80  }
0xc1: {  	[sflag:s2] =	ssyncset.done $0x0  }
0xc2: {  	[sflag:s2] =	ssyncadd.s32 $0xFFFFC180  }
0xc3: {  	_ =	swait.ge [sflag:s0], $0x3E80  }
0xc4: {  	[sflag:s0] =	ssyncset.done $0x0  }
0xc5: {  	s21 =	rddreg [dreg:$0x14];
	[sflag:s0] =	ssyncadd.s32 $0xFFFFC180  }
0xc6: {  	[tilespmem:s24], [sflag:$0x1] =	stream.indirect.gather [hbm4b:s1+s28], $0x80, s21, s28, $0xb8;
	[tilespmem:$0x1D000] =	vst v63  }
0xc7: {  	_ = 	snop  }
0xc8: {  	[tilespmem:s29], [sflag:$0x2] =	stream.indirect.gather [hbm4b:s1+s28], $0x80, s6, s28, $0xb8;
	[tilespmem:$0x1D000] =	vst v63  }
0xc9: {  	_ =	swait.ge [sflag:s30], $0x3E80  }
0xca: {  	[sflag:s30] =	ssyncset.done $0x0  }
0xcb: {  	[sflag:s30] =	ssyncadd.s32 $0xFFFFC180  }
0xcc: {  	[spmem:s3] =	stream.indirect.scatter.add.f32 [tilespmem:s24], [sflag:$0x3], $0x80, s8, s28, $0xb8;
	[tilespmem:$0x1D000] =	vst v63  }
0xcd: {  	_ =	swait.ge [sflag:s31], $0x3E80  }
0xce: {  	[sflag:s31] =	ssyncset.done $0x0  }
0xcf: {  	[sflag:s31] =	ssyncadd.s32 $0xFFFFC180  }
0xd0: {  	[spmem:s3] =	stream.indirect.scatter.add.f32 [tilespmem:s29], [sflag:$0x4], $0x80, s9, s28, $0xb8;
	[tilespmem:$0x1D000] =	vst v63  }
0xd1: {  	_ =	swait.ge [sflag:s2], $0x3E80  }
0xd2: {  	[sflag:s2] =	ssyncset.done $0x0  }
0xd3: {  	[sflag:s2] =	ssyncadd.s32 $0xFFFFC180  }
0xd4: {  	_ =	swait.ge [sflag:s0], $0x3E80  }
0xd5: {  	[sflag:s0] =	ssyncset.done $0x0  }
0xd6: {  	[sflag:s0] =	ssyncadd.s32 $0xFFFFC180  }
0xd7: {  	[tilespmem:s24], [sflag:$0x1] =	stream.indirect.gather [hbm4b:s1+s28], $0x80, s10, s28, $0xb8;
	[tilespmem:$0x1D000] =	vst v63  }
0xd8: {  	_ = 	snop  }
0xd9: {  	[tilespmem:s29], [sflag:$0x2] =	stream.indirect.gather [hbm4b:s1+s28], $0x80, s11, s28, $0xb8;
	[tilespmem:$0x1D000] =	vst v63  }
0xda: {  	_ =	swait.ge [sflag:s30], $0x3E80  }
0xdb: {  	[sflag:s30] =	ssyncset.done $0x0  }
0xdc: {  	[sflag:s30] =	ssyncadd.s32 $0xFFFFC180  }
0xdd: {  	[spmem:s3] =	stream.indirect.scatter.add.f32 [tilespmem:s24], [sflag:$0x3], $0x80, s12, s28, $0xb8;
	[tilespmem:$0x1D000] =	vst v63  }
0xde: {  	_ =	swait.ge [sflag:s31], $0x3E80  }
0xdf: {  	[sflag:s31] =	ssyncset.done $0x0  }
0xe0: {  	[sflag:s31] =	ssyncadd.s32 $0xFFFFC180  }
0xe1: {  	[spmem:s3] =	stream.indirect.scatter.add.f32 [tilespmem:s29], [sflag:$0x4], $0x80, s13, s28, $0xb8;
	[tilespmem:$0x1D000] =	vst v63  }
0xe2: {  	_ =	swait.ge [sflag:s2], $0x3E80  }
0xe3: {  	[sflag:s2] =	ssyncset.done $0x0  }
0xe4: {  	[sflag:s2] =	ssyncadd.s32 $0xFFFFC180  }
0xe5: {  	_ =	swait.ge [sflag:s0], $0x3E80  }
0xe6: {  	[sflag:s0] =	ssyncset.done $0x0  }
0xe7: {  	[sflag:s0] =	ssyncadd.s32 $0xFFFFC180  }
0xe8: {  	[tilespmem:s24], [sflag:$0x1] =	stream.indirect.gather [hbm4b:s1+s28], $0x80, s14, s28, $0xb8;
	[tilespmem:$0x1D000] =	vst v63  }
0xe9: {  	_ = 	snop  }
0xea: {  	[tilespmem:s29], [sflag:$0x2] =	stream.indirect.gather [hbm4b:s1+s28], $0x80, s15, s28, $0xb8;
	[tilespmem:$0x1D000] =	vst v63  }
0xeb: {  	_ =	swait.ge [sflag:s30], $0x3E80  }
0xec: {  	[sflag:s30] =	ssyncset.done $0x0  }
0xed: {  	[sflag:s30] =	ssyncadd.s32 $0xFFFFC180  }
0xee: {  	[spmem:s3] =	stream.indirect.scatter.add.f32 [tilespmem:s24], [sflag:$0x3], $0x80, s16, s28, $0xb8;
	[tilespmem:$0x1D000] =	vst v63  }
0xef: {  	_ =	swait.ge [sflag:s31], $0x3E80  }
0xf0: {  	[sflag:s31] =	ssyncset.done $0x0  }
0xf1: {  	[sflag:s31] =	ssyncadd.s32 $0xFFFFC180  }
0xf2: {  	[spmem:s3] =	stream.indirect.scatter.add.f32 [tilespmem:s29], [sflag:$0x4], $0x80, s17, s28, $0xb8;
	[tilespmem:$0x1D000] =	vst v63  }
0xf3: {  	_ =	swait.ge [sflag:s2], $0x3E80  }
0xf4: {  	[sflag:s2] =	ssyncset.done $0x0  }
0xf5: {  	[sflag:s2] =	ssyncadd.s32 $0xFFFFC180  }
0xf6: {  	_ =	swait.ge [sflag:s0], $0x3E80  }
0xf7: {  	[sflag:s0] =	ssyncset.done $0x0  }
0xf8: {  	[sflag:s0] =	ssyncadd.s32 $0xFFFFC180  }
0xf9: {  	[tilespmem:s24], [sflag:$0x1] =	stream.indirect.gather [hbm4b:s1+s28], $0x80, s18, s28, $0xb8;
	[tilespmem:$0x1D000] =	vst v63  }
0xfa: {  	_ = 	snop  }
0xfb: {  	[tilespmem:s29], [sflag:$0x2] =	stream.indirect.gather [hbm4b:s1+s28], $0x80, s19, s28, $0xb8;
	[tilespmem:$0x1D000] =	vst v63  }
0xfc: {  	_ =	swait.ge [sflag:s30], $0x3E80  }
0xfd: {  	[sflag:s30] =	ssyncset.done $0x0  }
0xfe: {  	s7 =	simm.s32 $0x200;
	[sflag:s30] =	ssyncadd.s32 $0xFFFFC180  }
0xff: {  	[spmem:s3] =	stream.indirect.scatter.add.f32 [tilespmem:s24], [sflag:$0x3], $0x80, s20, s28, $0xb8;
	[tilespmem:$0x1D000] =	vst v63  }
0x100: {  	s6 =	simm.s32 $0x480;
	s8 =	simm.s32 $0xC00;
	_ =	swait.ge [sflag:s31], $0x3E80  }
0x101: {  	s9 =	simm.s32 $0xC80;
	s10 =	simm.s32 $0x500;
	[sflag:s31] =	ssyncset.done $0x0  }
0x102: {  	s11 =	simm.s32 $0x580;
	s12 =	simm.s32 $0xD00;
	[sflag:s31] =	ssyncadd.s32 $0xFFFFC180  }
0x103: {  	[spmem:s3] =	stream.indirect.scatter.add.f32 [tilespmem:s29], [sflag:$0x4], $0x80, s22, s28, $0xb8;
	[tilespmem:$0x1D000] =	vst v63  }
0x104: {  	s13 =	simm.s32 $0xD80;
	s14 =	simm.s32 $0x600;
	_ =	swait.ge [sflag:s2], $0x3E80  }
0x105: {  	s15 =	simm.s32 $0x680;
	s16 =	simm.s32 $0xE00;
	[sflag:s2] =	ssyncset.done $0x0  }
0x106: {  	s17 =	simm.s32 $0xE80;
	s18 =	simm.s32 $0x700;
	[sflag:s2] =	ssyncadd.s32 $0xFFFFC180  }
0x107: {  	s19 =	simm.s32 $0x780;
	s20 =	simm.s32 $0xF00;
	_ =	swait.ge [sflag:s0], $0x3E80  }
0x108: {  	s22 =	simm.s32 $0x100;
	s21 =	rddreg [dreg:$0x5];
	[sflag:s0] =	ssyncset.done $0x0  }
.LBB2_2:
0x109: {  	[sflag:s0] =	ssyncadd.s32 $0xFFFFC180;
	s21 =	sadd.s32 s22, s21  }
0x10a: {  	[tilespmem:s4], [sflag:$0x5] =	stream.linear.gather [hbm4b:s21+s4], $0x800, $0x38;
	[tilespmem:$0x1D000] =	vst v63  }
0x10b: {  	_ =	swait.ge [sflag:s25], $0x800  }
0x10c: {  	s21 =	rddreg [dreg:$0x4];
	[sflag:s25] =	ssyncset.done $0x0  }
0x10d: {  	[sflag:s25] =	ssyncadd.s32 $0xFFFFF800;
	s21 =	sadd.s32 s22, s21  }
0x10e: {  	[tilespmem:s26], [sflag:$0x5] =	stream.linear.gather [hbm4b:s21+s4], $0x800, $0x38;
	[tilespmem:$0x1D000] =	vst v63  }
0x10f: {  	_ =	swait.ge [sflag:s25], $0x800  }
0x110: {  	[sflag:s25] =	ssyncset.done $0x0  }
0x111: {  	[sflag:s25] =	ssyncadd.s32 $0xFFFFF800  }
0x112: {  	[tilespmem:s24], [sflag:$0x1] =	stream.indirect.gather [hbm4b:s1+s28], $0x80, s4, s28, $0xb8;
	[tilespmem:$0x1D000] =	vst v63  }
0x113: {  	s21 =	rddreg [dreg:$0x6]  }
0x114: {  	[tilespmem:s29], [sflag:$0x2] =	stream.indirect.gather [hbm4b:s1+s28], $0x80, s21, s28, $0xb8;
	[tilespmem:$0x1D000] =	vst v63  }
0x115: {  	_ =	swait.ge [sflag:s30], $0x3E80  }
0x116: {  	[sflag:s30] =	ssyncset.done $0x0  }
0x117: {  	[sflag:s30] =	ssyncadd.s32 $0xFFFFC180  }
0x118: {  	[spmem:s3] =	stream.indirect.scatter.add.f32 [tilespmem:s24], [sflag:$0x3], $0x80, s26, s28, $0xb8;
	[tilespmem:$0x1D000] =	vst v63  }
0x119: {  	_ =	swait.ge [sflag:s31], $0x3E80  }
0x11a: {  	[sflag:s31] =	ssyncset.done $0x0  }
0x11b: {  	s21 =	rddreg [dreg:$0x7];
	[sflag:s31] =	ssyncadd.s32 $0xFFFFC180  }
0x11c: {  	[spmem:s3] =	stream.indirect.scatter.add.f32 [tilespmem:s29], [sflag:$0x4], $0x80, s21, s28, $0xb8;
	[tilespmem:$0x1D000] =	vst v63  }
0x11d: {  	_ =	swait.ge [sflag:s2], $0x3E80  }
0x11e: {  	[sflag:s2] =	ssyncset.done $0x0  }
0x11f: {  	[sflag:s2] =	ssyncadd.s32 $0xFFFFC180  }
0x120: {  	_ =	swait.ge [sflag:s0], $0x3E80  }
0x121: {  	s5 =	smov.u32 s7;
	[sflag:s0] =	ssyncset.done $0x0  }
0x122: {  	s22 =	smov.u32 s5;
	s5 =	rddreg [dreg:$0x8];
	[sflag:s0] =	ssyncadd.s32 $0xFFFFC180  }
0x123: {  	[tilespmem:s24], [sflag:$0x1] =	stream.indirect.gather [hbm4b:s1+s28], $0x80, s5, s28, $0xb8;
	[tilespmem:$0x1D000] =	vst v63  }
0x124: {  	s21 =	rddreg [dreg:$0x9]  }
0x125: {  	[tilespmem:s29], [sflag:$0x2] =	stream.indirect.gather [hbm4b:s1+s28], $0x80, s21, s28, $0xb8;
	[tilespmem:$0x1D000] =	vst v63  }
0x126: {  	_ =	swait.ge [sflag:s30], $0x3E80  }
0x127: {  	[sflag:s30] =	ssyncset.done $0x0  }
0x128: {  	s21 =	rddreg [dreg:$0xa];
	[sflag:s30] =	ssyncadd.s32 $0xFFFFC180  }
0x129: {  	[spmem:s3] =	stream.indirect.scatter.add.f32 [tilespmem:s24], [sflag:$0x3], $0x80, s21, s28, $0xb8;
	[tilespmem:$0x1D000] =	vst v63  }
0x12a: {  	_ =	swait.ge [sflag:s31], $0x3E80  }
0x12b: {  	[sflag:s31] =	ssyncset.done $0x0  }
0x12c: {  	s21 =	rddreg [dreg:$0xb];
	[sflag:s31] =	ssyncadd.s32 $0xFFFFC180  }
0x12d: {  	[spmem:s3] =	stream.indirect.scatter.add.f32 [tilespmem:s29], [sflag:$0x4], $0x80, s21, s28, $0xb8;
	[tilespmem:$0x1D000] =	vst v63  }
0x12e: {  	_ =	swait.ge [sflag:s2], $0x3E80  }
0x12f: {  	[sflag:s2] =	ssyncset.done $0x0  }
0x130: {  	[sflag:s2] =	ssyncadd.s32 $0xFFFFC180  }
0x131: {  	_ =	swait.ge [sflag:s0], $0x3E80  }
0x132: {  	[sflag:s0] =	ssyncset.done $0x0  }
0x133: {  	s5 =	rddreg [dreg:$0xc];
	[sflag:s0] =	ssyncadd.s32 $0xFFFFC180  }
0x134: {  	[tilespmem:s24], [sflag:$0x1] =	stream.indirect.gather [hbm4b:s1+s28], $0x80, s5, s28, $0xb8;
	[tilespmem:$0x1D000] =	vst v63  }
0x135: {  	s21 =	rddreg [dreg:$0xd]  }
0x136: {  	[tilespmem:s29], [sflag:$0x2] =	stream.indirect.gather [hbm4b:s1+s28], $0x80, s21, s28, $0xb8;
	[tilespmem:$0x1D000] =	vst v63  }
0x137: {  	_ =	swait.ge [sflag:s30], $0x3E80  }
0x138: {  	[sflag:s30] =	ssyncset.done $0x0  }
0x139: {  	s21 =	rddreg [dreg:$0xe];
	[sflag:s30] =	ssyncadd.s32 $0xFFFFC180  }
0x13a: {  	[spmem:s3] =	stream.indirect.scatter.add.f32 [tilespmem:s24], [sflag:$0x3], $0x80, s21, s28, $0xb8;
	[tilespmem:$0x1D000] =	vst v63  }
0x13b: {  	_ =	swait.ge [sflag:s31], $0x3E80  }
0x13c: {  	[sflag:s31] =	ssyncset.done $0x0  }
0x13d: {  	s21 =	rddreg [dreg:$0xf];
	[sflag:s31] =	ssyncadd.s32 $0xFFFFC180  }
0x13e: {  	[spmem:s3] =	stream.indirect.scatter.add.f32 [tilespmem:s29], [sflag:$0x4], $0x80, s21, s28, $0xb8;
	[tilespmem:$0x1D000] =	vst v63  }
0x13f: {  	_ =	swait.ge [sflag:s2], $0x3E80  }
0x140: {  	[sflag:s2] =	ssyncset.done $0x0  }
0x141: {  	[sflag:s2] =	ssyncadd.s32 $0xFFFFC180  }
0x142: {  	_ =	swait.ge [sflag:s0], $0x3E80  }
0x143: {  	[sflag:s0] =	ssyncset.done $0x0  }
0x144: {  	s5 =	rddreg [dreg:$0x10];
	[sflag:s0] =	ssyncadd.s32 $0xFFFFC180  }
0x145: {  	[tilespmem:s24], [sflag:$0x1] =	stream.indirect.gather [hbm4b:s1+s28], $0x80, s5, s28, $0xb8;
	[tilespmem:$0x1D000] =	vst v63  }
0x146: {  	s21 =	rddreg [dreg:$0x11]  }
0x147: {  	[tilespmem:s29], [sflag:$0x2] =	stream.indirect.gather [hbm4b:s1+s28], $0x80, s21, s28, $0xb8;
	[tilespmem:$0x1D000] =	vst v63  }
0x148: {  	_ =	swait.ge [sflag:s30], $0x3E80  }
0x149: {  	[sflag:s30] =	ssyncset.done $0x0  }
0x14a: {  	s21 =	rddreg [dreg:$0x12];
	[sflag:s30] =	ssyncadd.s32 $0xFFFFC180  }
0x14b: {  	[spmem:s3] =	stream.indirect.scatter.add.f32 [tilespmem:s24], [sflag:$0x3], $0x80, s21, s28, $0xb8;
	[tilespmem:$0x1D000] =	vst v63  }
0x14c: {  	_ =	swait.ge [sflag:s31], $0x3E80  }
0x14d: {  	[sflag:s31] =	ssyncset.done $0x0  }
0x14e: {  	s21 =	rddreg [dreg:$0x13];
	[sflag:s31] =	ssyncadd.s32 $0xFFFFC180  }
0x14f: {  	[spmem:s3] =	stream.indirect.scatter.add.f32 [tilespmem:s29], [sflag:$0x4], $0x80, s21, s28, $0xb8;
	[tilespmem:$0x1D000] =	vst v63  }
0x150: {  	_ =	swait.ge [sflag:s2], $0x3E80  }
0x151: {  	[sflag:s2] =	ssyncset.done $0x0  }
0x152: {  	[sflag:s2] =	ssyncadd.s32 $0xFFFFC180  }
0x153: {  	_ =	swait.ge [sflag:s0], $0x3E80  }
0x154: {  	[sflag:s0] =	ssyncset.done $0x0  }
0x155: {  	s21 =	rddreg [dreg:$0x14];
	[sflag:s0] =	ssyncadd.s32 $0xFFFFC180  }
0x156: {  	[tilespmem:s24], [sflag:$0x1] =	stream.indirect.gather [hbm4b:s1+s28], $0x80, s21, s28, $0xb8;
	[tilespmem:$0x1D000] =	vst v63  }
0x157: {  	_ = 	snop  }
0x158: {  	[tilespmem:s29], [sflag:$0x2] =	stream.indirect.gather [hbm4b:s1+s28], $0x80, s6, s28, $0xb8;
	[tilespmem:$0x1D000] =	vst v63  }
0x159: {  	_ =	swait.ge [sflag:s30], $0x3E80  }
0x15a: {  	[sflag:s30] =	ssyncset.done $0x0  }
0x15b: {  	[sflag:s30] =	ssyncadd.s32 $0xFFFFC180  }
0x15c: {  	[spmem:s3] =	stream.indirect.scatter.add.f32 [tilespmem:s24], [sflag:$0x3], $0x80, s8, s28, $0xb8;
	[tilespmem:$0x1D000] =	vst v63  }
0x15d: {  	_ =	swait.ge [sflag:s31], $0x3E80  }
0x15e: {  	[sflag:s31] =	ssyncset.done $0x0  }
0x15f: {  	[sflag:s31] =	ssyncadd.s32 $0xFFFFC180  }
0x160: {  	[spmem:s3] =	stream.indirect.scatter.add.f32 [tilespmem:s29], [sflag:$0x4], $0x80, s9, s28, $0xb8;
	[tilespmem:$0x1D000] =	vst v63  }
0x161: {  	_ =	swait.ge [sflag:s2], $0x3E80  }
0x162: {  	[sflag:s2] =	ssyncset.done $0x0  }
0x163: {  	[sflag:s2] =	ssyncadd.s32 $0xFFFFC180  }
0x164: {  	_ =	swait.ge [sflag:s0], $0x3E80  }
0x165: {  	[sflag:s0] =	ssyncset.done $0x0  }
0x166: {  	[sflag:s0] =	ssyncadd.s32 $0xFFFFC180  }
0x167: {  	[tilespmem:s24], [sflag:$0x1] =	stream.indirect.gather [hbm4b:s1+s28], $0x80, s10, s28, $0xb8;
	[tilespmem:$0x1D000] =	vst v63  }
0x168: {  	_ = 	snop  }
0x169: {  	[tilespmem:s29], [sflag:$0x2] =	stream.indirect.gather [hbm4b:s1+s28], $0x80, s11, s28, $0xb8;
	[tilespmem:$0x1D000] =	vst v63  }
0x16a: {  	_ =	swait.ge [sflag:s30], $0x3E80  }
0x16b: {  	[sflag:s30] =	ssyncset.done $0x0  }
0x16c: {  	[sflag:s30] =	ssyncadd.s32 $0xFFFFC180  }
0x16d: {  	[spmem:s3] =	stream.indirect.scatter.add.f32 [tilespmem:s24], [sflag:$0x3], $0x80, s12, s28, $0xb8;
	[tilespmem:$0x1D000] =	vst v63  }
0x16e: {  	_ =	swait.ge [sflag:s31], $0x3E80  }
0x16f: {  	[sflag:s31] =	ssyncset.done $0x0  }
0x170: {  	[sflag:s31] =	ssyncadd.s32 $0xFFFFC180  }
0x171: {  	[spmem:s3] =	stream.indirect.scatter.add.f32 [tilespmem:s29], [sflag:$0x4], $0x80, s13, s28, $0xb8;
	[tilespmem:$0x1D000] =	vst v63  }
0x172: {  	_ =	swait.ge [sflag:s2], $0x3E80  }
0x173: {  	[sflag:s2] =	ssyncset.done $0x0  }
0x174: {  	[sflag:s2] =	ssyncadd.s32 $0xFFFFC180  }
0x175: {  	_ =	swait.ge [sflag:s0], $0x3E80  }
0x176: {  	[sflag:s0] =	ssyncset.done $0x0  }
0x177: {  	[sflag:s0] =	ssyncadd.s32 $0xFFFFC180  }
0x178: {  	[tilespmem:s24], [sflag:$0x1] =	stream.indirect.gather [hbm4b:s1+s28], $0x80, s14, s28, $0xb8;
	[tilespmem:$0x1D000] =	vst v63  }
0x179: {  	_ = 	snop  }
0x17a: {  	[tilespmem:s29], [sflag:$0x2] =	stream.indirect.gather [hbm4b:s1+s28], $0x80, s15, s28, $0xb8;
	[tilespmem:$0x1D000] =	vst v63  }
0x17b: {  	_ =	swait.ge [sflag:s30], $0x3E80  }
0x17c: {  	[sflag:s30] =	ssyncset.done $0x0  }
0x17d: {  	[sflag:s30] =	ssyncadd.s32 $0xFFFFC180  }
0x17e: {  	[spmem:s3] =	stream.indirect.scatter.add.f32 [tilespmem:s24], [sflag:$0x3], $0x80, s16, s28, $0xb8;
	[tilespmem:$0x1D000] =	vst v63  }
0x17f: {  	_ =	swait.ge [sflag:s31], $0x3E80  }
0x180: {  	[sflag:s31] =	ssyncset.done $0x0  }
0x181: {  	[sflag:s31] =	ssyncadd.s32 $0xFFFFC180  }
0x182: {  	[spmem:s3] =	stream.indirect.scatter.add.f32 [tilespmem:s29], [sflag:$0x4], $0x80, s17, s28, $0xb8;
	[tilespmem:$0x1D000] =	vst v63  }
0x183: {  	_ =	swait.ge [sflag:s2], $0x3E80  }
0x184: {  	[sflag:s2] =	ssyncset.done $0x0  }
0x185: {  	[sflag:s2] =	ssyncadd.s32 $0xFFFFC180  }
0x186: {  	_ =	swait.ge [sflag:s0], $0x3E80  }
0x187: {  	[sflag:s0] =	ssyncset.done $0x0  }
0x188: {  	[sflag:s0] =	ssyncadd.s32 $0xFFFFC180  }
0x189: {  	[tilespmem:s24], [sflag:$0x1] =	stream.indirect.gather [hbm4b:s1+s28], $0x80, s18, s28, $0xb8;
	[tilespmem:$0x1D000] =	vst v63  }
0x18a: {  	_ = 	snop  }
0x18b: {  	[tilespmem:s29], [sflag:$0x2] =	stream.indirect.gather [hbm4b:s1+s28], $0x80, s19, s28, $0xb8;
	[tilespmem:$0x1D000] =	vst v63  }
0x18c: {  	_ =	swait.ge [sflag:s30], $0x3E80  }
0x18d: {  	[sflag:s30] =	ssyncset.done $0x0  }
0x18e: {  	[sflag:s30] =	ssyncadd.s32 $0xFFFFC180  }
0x18f: {  	[spmem:s3] =	stream.indirect.scatter.add.f32 [tilespmem:s24], [sflag:$0x3], $0x80, s20, s28, $0xb8;
	[tilespmem:$0x1D000] =	vst v63  }
0x190: {  	_ =	swait.ge [sflag:s31], $0x3E80  }
0x191: {  	[sflag:s31] =	ssyncset.done $0x0  }
0x192: {  	p0 =	sne.s32 s7, $0x400;
	s21 =	simm.s32 $0xF80;
	[sflag:s31] =	ssyncadd.s32 $0xFFFFC180  }
0x193: {  	[spmem:s3] =	stream.indirect.scatter.add.f32 [tilespmem:s29], [sflag:$0x4], $0x80, s21, s28, $0xb8;
	[tilespmem:$0x1D000] =	vst v63  }
.Ltmp0:
0x194: {  	_ =	swait.ge [sflag:s2], $0x3E80;
	(pc) =	sbr.rel @p0 .LBB2_2-.Ltmp0, $4  }
0x195: {  	[sflag:s2] =	ssyncset.done $0x0  }
0x196: {  	[sflag:s2] =	ssyncadd.s32 $0xFFFFC180  }
0x197: {  	_ =	swait.ge [sflag:s0], $0x3E80  }
0x198: {  	s7 =	sadd.s32 $0x100, s7;
	s21 =	rddreg [dreg:$0x5];
	[sflag:s0] =	ssyncset.done $0x0  }
0x199: {  	[sflag:s0] =	ssyncadd.s32 $0xFFFFC180;
	s5 =	sadd.s32 s22, s21  }
0x19a: {  	[tilespmem:s4], [sflag:$0x5] =	stream.linear.gather [hbm4b:s5+s4], $0x800, $0x38;
	[tilespmem:$0x1D000] =	vst v63  }
0x19b: {  	_ =	swait.ge [sflag:s25], $0x800  }
0x19c: {  	s21 =	rddreg [dreg:$0x4];
	[sflag:s25] =	ssyncset.done $0x0  }
0x19d: {  	[sflag:s25] =	ssyncadd.s32 $0xFFFFF800;
	s5 =	sadd.s32 s22, s21  }
0x19e: {  	[tilespmem:s26], [sflag:$0x5] =	stream.linear.gather [hbm4b:s5+s4], $0x800, $0x38;
	[tilespmem:$0x1D000] =	vst v63  }
0x19f: {  	_ =	swait.ge [sflag:s25], $0x800  }
0x1a0: {  	[sflag:s25] =	ssyncset.done $0x0  }
0x1a1: {  	[sflag:s25] =	ssyncadd.s32 $0xFFFFF800  }
0x1a2: {  	[tilespmem:s24], [sflag:$0x1] =	stream.indirect.gather [hbm4b:s1+s28], $0x80, s4, s28, $0xb8;
	[tilespmem:$0x1D000] =	vst v63  }
0x1a3: {  	s7 =	rddreg [dreg:$0x6]  }
0x1a4: {  	[tilespmem:s29], [sflag:$0x2] =	stream.indirect.gather [hbm4b:s1+s28], $0x80, s7, s28, $0xb8;
	[tilespmem:$0x1D000] =	vst v63  }
0x1a5: {  	_ =	swait.ge [sflag:s30], $0x3E80  }
0x1a6: {  	[sflag:s30] =	ssyncset.done $0x0  }
0x1a7: {  	[sflag:s30] =	ssyncadd.s32 $0xFFFFC180  }
0x1a8: {  	[spmem:s3] =	stream.indirect.scatter.add.f32 [tilespmem:s24], [sflag:$0x3], $0x80, s26, s28, $0xb8;
	[tilespmem:$0x1D000] =	vst v63  }
0x1a9: {  	_ =	swait.ge [sflag:s31], $0x3E80  }
0x1aa: {  	[sflag:s31] =	ssyncset.done $0x0  }
0x1ab: {  	s21 =	rddreg [dreg:$0x7];
	[sflag:s31] =	ssyncadd.s32 $0xFFFFC180  }
0x1ac: {  	[spmem:s3] =	stream.indirect.scatter.add.f32 [tilespmem:s29], [sflag:$0x4], $0x80, s21, s28, $0xb8;
	[tilespmem:$0x1D000] =	vst v63  }
0x1ad: {  	_ =	swait.ge [sflag:s2], $0x3E80  }
0x1ae: {  	[sflag:s2] =	ssyncset.done $0x0  }
0x1af: {  	[sflag:s2] =	ssyncadd.s32 $0xFFFFC180  }
0x1b0: {  	_ =	swait.ge [sflag:s0], $0x3E80  }
0x1b1: {  	[sflag:s0] =	ssyncset.done $0x0  }
0x1b2: {  	s22 =	rddreg [dreg:$0x8];
	[sflag:s0] =	ssyncadd.s32 $0xFFFFC180  }
0x1b3: {  	[tilespmem:s24], [sflag:$0x1] =	stream.indirect.gather [hbm4b:s1+s28], $0x80, s22, s28, $0xb8;
	[tilespmem:$0x1D000] =	vst v63  }
0x1b4: {  	s7 =	rddreg [dreg:$0x9]  }
0x1b5: {  	[tilespmem:s29], [sflag:$0x2] =	stream.indirect.gather [hbm4b:s1+s28], $0x80, s7, s28, $0xb8;
	[tilespmem:$0x1D000] =	vst v63  }
0x1b6: {  	_ =	swait.ge [sflag:s30], $0x3E80  }
0x1b7: {  	[sflag:s30] =	ssyncset.done $0x0  }
0x1b8: {  	s21 =	rddreg [dreg:$0xa];
	[sflag:s30] =	ssyncadd.s32 $0xFFFFC180  }
0x1b9: {  	[spmem:s3] =	stream.indirect.scatter.add.f32 [tilespmem:s24], [sflag:$0x3], $0x80, s21, s28, $0xb8;
	[tilespmem:$0x1D000] =	vst v63  }
0x1ba: {  	_ =	swait.ge [sflag:s31], $0x3E80  }
0x1bb: {  	[sflag:s31] =	ssyncset.done $0x0  }
0x1bc: {  	s22 =	rddreg [dreg:$0xb];
	[sflag:s31] =	ssyncadd.s32 $0xFFFFC180  }
0x1bd: {  	[spmem:s3] =	stream.indirect.scatter.add.f32 [tilespmem:s29], [sflag:$0x4], $0x80, s22, s28, $0xb8;
	[tilespmem:$0x1D000] =	vst v63  }
0x1be: {  	_ =	swait.ge [sflag:s2], $0x3E80  }
0x1bf: {  	[sflag:s2] =	ssyncset.done $0x0  }
0x1c0: {  	[sflag:s2] =	ssyncadd.s32 $0xFFFFC180  }
0x1c1: {  	_ =	swait.ge [sflag:s0], $0x3E80  }
0x1c2: {  	[sflag:s0] =	ssyncset.done $0x0  }
0x1c3: {  	s7 =	rddreg [dreg:$0xc];
	[sflag:s0] =	ssyncadd.s32 $0xFFFFC180  }
0x1c4: {  	[tilespmem:s24], [sflag:$0x1] =	stream.indirect.gather [hbm4b:s1+s28], $0x80, s7, s28, $0xb8;
	[tilespmem:$0x1D000] =	vst v63  }
0x1c5: {  	s21 =	rddreg [dreg:$0xd]  }
0x1c6: {  	[tilespmem:s29], [sflag:$0x2] =	stream.indirect.gather [hbm4b:s1+s28], $0x80, s21, s28, $0xb8;
	[tilespmem:$0x1D000] =	vst v63  }
0x1c7: {  	_ =	swait.ge [sflag:s30], $0x3E80  }
0x1c8: {  	[sflag:s30] =	ssyncset.done $0x0  }
0x1c9: {  	s22 =	rddreg [dreg:$0xe];
	[sflag:s30] =	ssyncadd.s32 $0xFFFFC180  }
0x1ca: {  	[spmem:s3] =	stream.indirect.scatter.add.f32 [tilespmem:s24], [sflag:$0x3], $0x80, s22, s28, $0xb8;
	[tilespmem:$0x1D000] =	vst v63  }
0x1cb: {  	_ =	swait.ge [sflag:s31], $0x3E80  }
0x1cc: {  	[sflag:s31] =	ssyncset.done $0x0  }
0x1cd: {  	s7 =	rddreg [dreg:$0xf];
	[sflag:s31] =	ssyncadd.s32 $0xFFFFC180  }
0x1ce: {  	[spmem:s3] =	stream.indirect.scatter.add.f32 [tilespmem:s29], [sflag:$0x4], $0x80, s7, s28, $0xb8;
	[tilespmem:$0x1D000] =	vst v63  }
0x1cf: {  	_ =	swait.ge [sflag:s2], $0x3E80  }
0x1d0: {  	[sflag:s2] =	ssyncset.done $0x0  }
0x1d1: {  	[sflag:s2] =	ssyncadd.s32 $0xFFFFC180  }
0x1d2: {  	_ =	swait.ge [sflag:s0], $0x3E80  }
0x1d3: {  	[sflag:s0] =	ssyncset.done $0x0  }
0x1d4: {  	s21 =	rddreg [dreg:$0x10];
	[sflag:s0] =	ssyncadd.s32 $0xFFFFC180  }
0x1d5: {  	[tilespmem:s24], [sflag:$0x1] =	stream.indirect.gather [hbm4b:s1+s28], $0x80, s21, s28, $0xb8;
	[tilespmem:$0x1D000] =	vst v63  }
0x1d6: {  	s22 =	rddreg [dreg:$0x11]  }
0x1d7: {  	[tilespmem:s29], [sflag:$0x2] =	stream.indirect.gather [hbm4b:s1+s28], $0x80, s22, s28, $0xb8;
	[tilespmem:$0x1D000] =	vst v63  }
0x1d8: {  	_ =	swait.ge [sflag:s30], $0x3E80  }
0x1d9: {  	[sflag:s30] =	ssyncset.done $0x0  }
0x1da: {  	s21 =	rddreg [dreg:$0x12];
	[sflag:s30] =	ssyncadd.s32 $0xFFFFC180  }
0x1db: {  	[spmem:s3] =	stream.indirect.scatter.add.f32 [tilespmem:s24], [sflag:$0x3], $0x80, s21, s28, $0xb8;
	[tilespmem:$0x1D000] =	vst v63  }
0x1dc: {  	_ =	swait.ge [sflag:s31], $0x3E80  }
0x1dd: {  	[sflag:s31] =	ssyncset.done $0x0  }
0x1de: {  	s22 =	rddreg [dreg:$0x13];
	[sflag:s31] =	ssyncadd.s32 $0xFFFFC180  }
0x1df: {  	[spmem:s3] =	stream.indirect.scatter.add.f32 [tilespmem:s29], [sflag:$0x4], $0x80, s22, s28, $0xb8;
	[tilespmem:$0x1D000] =	vst v63  }
0x1e0: {  	_ =	swait.ge [sflag:s2], $0x3E80  }
0x1e1: {  	[sflag:s2] =	ssyncset.done $0x0  }
0x1e2: {  	[sflag:s2] =	ssyncadd.s32 $0xFFFFC180  }
0x1e3: {  	_ =	swait.ge [sflag:s0], $0x3E80  }
0x1e4: {  	[sflag:s0] =	ssyncset.done $0x0  }
0x1e5: {  	s7 =	rddreg [dreg:$0x14];
	[sflag:s0] =	ssyncadd.s32 $0xFFFFC180  }
0x1e6: {  	[tilespmem:s24], [sflag:$0x1] =	stream.indirect.gather [hbm4b:s1+s28], $0x80, s7, s28, $0xb8;
	[tilespmem:$0x1D000] =	vst v63  }
0x1e7: {  	_ = 	snop  }
0x1e8: {  	[tilespmem:s29], [sflag:$0x2] =	stream.indirect.gather [hbm4b:s1+s28], $0x80, s6, s28, $0xb8;
	[tilespmem:$0x1D000] =	vst v63  }
0x1e9: {  	_ =	swait.ge [sflag:s30], $0x3E80  }
0x1ea: {  	[sflag:s30] =	ssyncset.done $0x0  }
0x1eb: {  	[sflag:s30] =	ssyncadd.s32 $0xFFFFC180  }
0x1ec: {  	[spmem:s3] =	stream.indirect.scatter.add.f32 [tilespmem:s24], [sflag:$0x3], $0x80, s8, s28, $0xb8;
	[tilespmem:$0x1D000] =	vst v63  }
0x1ed: {  	_ =	swait.ge [sflag:s31], $0x3E80  }
0x1ee: {  	[sflag:s31] =	ssyncset.done $0x0  }
0x1ef: {  	[sflag:s31] =	ssyncadd.s32 $0xFFFFC180  }
0x1f0: {  	[spmem:s3] =	stream.indirect.scatter.add.f32 [tilespmem:s29], [sflag:$0x4], $0x80, s9, s28, $0xb8;
	[tilespmem:$0x1D000] =	vst v63  }
0x1f1: {  	_ =	swait.ge [sflag:s2], $0x3E80  }
0x1f2: {  	[sflag:s2] =	ssyncset.done $0x0  }
0x1f3: {  	[sflag:s2] =	ssyncadd.s32 $0xFFFFC180  }
0x1f4: {  	_ =	swait.ge [sflag:s0], $0x3E80  }
0x1f5: {  	[sflag:s0] =	ssyncset.done $0x0  }
0x1f6: {  	[sflag:s0] =	ssyncadd.s32 $0xFFFFC180  }
0x1f7: {  	[tilespmem:s24], [sflag:$0x1] =	stream.indirect.gather [hbm4b:s1+s28], $0x80, s10, s28, $0xb8;
	[tilespmem:$0x1D000] =	vst v63  }
0x1f8: {  	_ = 	snop  }
0x1f9: {  	[tilespmem:s29], [sflag:$0x2] =	stream.indirect.gather [hbm4b:s1+s28], $0x80, s11, s28, $0xb8;
	[tilespmem:$0x1D000] =	vst v63  }
0x1fa: {  	_ =	swait.ge [sflag:s30], $0x3E80  }
0x1fb: {  	[sflag:s30] =	ssyncset.done $0x0  }
0x1fc: {  	[sflag:s30] =	ssyncadd.s32 $0xFFFFC180  }
0x1fd: {  	[spmem:s3] =	stream.indirect.scatter.add.f32 [tilespmem:s24], [sflag:$0x3], $0x80, s12, s28, $0xb8;
	[tilespmem:$0x1D000] =	vst v63  }
0x1fe: {  	_ =	swait.ge [sflag:s31], $0x3E80  }
0x1ff: {  	[sflag:s31] =	ssyncset.done $0x0  }
0x200: {  	[sflag:s31] =	ssyncadd.s32 $0xFFFFC180  }
0x201: {  	[spmem:s3] =	stream.indirect.scatter.add.f32 [tilespmem:s29], [sflag:$0x4], $0x80, s13, s28, $0xb8;
	[tilespmem:$0x1D000] =	vst v63  }
0x202: {  	_ =	swait.ge [sflag:s2], $0x3E80  }
0x203: {  	[sflag:s2] =	ssyncset.done $0x0  }
0x204: {  	[sflag:s2] =	ssyncadd.s32 $0xFFFFC180  }
0x205: {  	_ =	swait.ge [sflag:s0], $0x3E80  }
0x206: {  	[sflag:s0] =	ssyncset.done $0x0  }
0x207: {  	[sflag:s0] =	ssyncadd.s32 $0xFFFFC180  }
0x208: {  	[tilespmem:s24], [sflag:$0x1] =	stream.indirect.gather [hbm4b:s1+s28], $0x80, s14, s28, $0xb8;
	[tilespmem:$0x1D000] =	vst v63  }
0x209: {  	_ = 	snop  }
0x20a: {  	[tilespmem:s29], [sflag:$0x2] =	stream.indirect.gather [hbm4b:s1+s28], $0x80, s15, s28, $0xb8;
	[tilespmem:$0x1D000] =	vst v63  }
0x20b: {  	_ =	swait.ge [sflag:s30], $0x3E80  }
0x20c: {  	[sflag:s30] =	ssyncset.done $0x0  }
0x20d: {  	[sflag:s30] =	ssyncadd.s32 $0xFFFFC180  }
0x20e: {  	[spmem:s3] =	stream.indirect.scatter.add.f32 [tilespmem:s24], [sflag:$0x3], $0x80, s16, s28, $0xb8;
	[tilespmem:$0x1D000] =	vst v63  }
0x20f: {  	_ =	swait.ge [sflag:s31], $0x3E80  }
0x210: {  	[sflag:s31] =	ssyncset.done $0x0  }
0x211: {  	[sflag:s31] =	ssyncadd.s32 $0xFFFFC180  }
0x212: {  	[spmem:s3] =	stream.indirect.scatter.add.f32 [tilespmem:s29], [sflag:$0x4], $0x80, s17, s28, $0xb8;
	[tilespmem:$0x1D000] =	vst v63  }
0x213: {  	_ =	swait.ge [sflag:s2], $0x3E80  }
0x214: {  	[sflag:s2] =	ssyncset.done $0x0  }
0x215: {  	[sflag:s2] =	ssyncadd.s32 $0xFFFFC180  }
0x216: {  	_ =	swait.ge [sflag:s0], $0x3E80  }
0x217: {  	[sflag:s0] =	ssyncset.done $0x0  }
0x218: {  	[sflag:s0] =	ssyncadd.s32 $0xFFFFC180  }
0x219: {  	[tilespmem:s24], [sflag:$0x1] =	stream.indirect.gather [hbm4b:s1+s28], $0x80, s18, s28, $0xb8;
	[tilespmem:$0x1D000] =	vst v63  }
0x21a: {  	_ = 	snop  }
0x21b: {  	[tilespmem:s29], [sflag:$0x2] =	stream.indirect.gather [hbm4b:s1+s28], $0x80, s19, s28, $0xb8;
	[tilespmem:$0x1D000] =	vst v63  }
0x21c: {  	_ =	swait.ge [sflag:s30], $0x3E80  }
0x21d: {  	[sflag:s30] =	ssyncset.done $0x0  }
0x21e: {  	[sflag:s30] =	ssyncadd.s32 $0xFFFFC180  }
0x21f: {  	[spmem:s3] =	stream.indirect.scatter.add.f32 [tilespmem:s24], [sflag:$0x3], $0x80, s20, s28, $0xb8;
	[tilespmem:$0x1D000] =	vst v63  }
0x220: {  	_ =	swait.ge [sflag:s31], $0x3E80  }
0x221: {  	[sflag:s31] =	ssyncset.done $0x0  }
0x222: {  	s21 =	simm.s32 $0xF80;
	[sflag:s31] =	ssyncadd.s32 $0xFFFFC180  }
0x223: {  	[spmem:s3] =	stream.indirect.scatter.add.f32 [tilespmem:s29], [sflag:$0x4], $0x80, s21, s28, $0xb8;
	[tilespmem:$0x1D000] =	vst v63  }
0x224: {  	_ =	swait.ge [sflag:s2], $0x3E80  }
0x225: {  	[sflag:s2] =	ssyncset.done $0x0  }
0x226: {  	[sflag:s2] =	ssyncadd.s32 $0xFFFFC180  }
0x227: {  	_ =	swait.ge [sflag:s0], $0x3E80  }
0x228: {  	[sflag:s0] =	ssyncset.done $0x0  }
0x229: {  	[sflag:s0] =	ssyncadd.s32 $0xFFFFC180  }
0x22a: {  	[bflag:$0x0] =	sbarrier.arrive $0xFFFF  }
0x22b: {  	s21 =	rddreg [dreg:$0x17]  }
0x22c: {  	[tilespmem:s24], [sflag:$0x5] =	stream.linear.gather [spmem:s21], $0x1400, $0x38;
	[tilespmem:$0x1D000] =	vst v63  }
0x22d: {  	_ =	swait.ge [sflag:s25], $0x1400  }
0x22e: {  	[sflag:s25] =	ssyncset.done $0x0  }
0x22f: {  	s22 =	sadd.s32 $0x0, s23;
	[sflag:s25] =	ssyncadd.s32 $0xFFFFEC00  }
0x230: {  	[hbm4b:s22+s4] =	stream.linear.scatter [tilespmem:s24], [sflag:$0x5], $0x1400, $0x38;
	[tilespmem:$0x1D000] =	vst v63  }
0x231: {  	_ =	swait.ge [sflag:s25], $0x1400  }
0x232: {  	s7 =	simm.s32 $0x280;
	s22 =	smov.u32 s21;
	[sflag:s25] =	ssyncset.done $0x0  }
.LBB2_4:
0x233: {  	p0 =	sne.s32 s7, $0x2580;
	[sflag:s25] =	ssyncadd.s32 $0xFFFFEC00;
	s22 =	sadd.s32 $0x1400, s22  }
0x234: {  	[tilespmem:s24], [sflag:$0x5] =	stream.linear.gather [spmem:s22], $0x1400, $0x38;
	[tilespmem:$0x1D000] =	vst v63  }
0x235: {  	s5 =	smov.u32 s7;
	s7 =	sadd.s32 $0x280, s7;
	_ =	swait.ge [sflag:s25], $0x1400  }
.Ltmp1:
0x236: {  	[sflag:s25] =	ssyncset.done $0x0;
	(pc) =	sbr.rel @p0 .LBB2_4-.Ltmp1, $4  }
0x237: {  	s5 =	sadd.s32 s5, s23;
	[sflag:s25] =	ssyncadd.s32 $0xFFFFEC00  }
0x238: {  	[hbm4b:s5+s4] =	stream.linear.scatter [tilespmem:s24], [sflag:$0x5], $0x1400, $0x38;
	[tilespmem:$0x1D000] =	vst v63  }
0x239: {  	_ =	swait.ge [sflag:s25], $0x1400  }
0x23a: {  	[sflag:s25] =	ssyncset.done $0x0  }
0x23b: {  	s7 =	sld [smem:$0x7F6];
	_ =	sdelay $0x2  }
0x23c: {  	s5 =	rddreg [dreg:$0x16];
	s7 =	sadd.s32 $0x1, s7  }
0x23d: {  	[sflag:s25] =	ssyncadd.s32 $0xFFFFEC00;
	s6 =	simm.s32 $0x480;
	p0 =	sne.s32 s7, s5  }
.Ltmp2:
0x23e: {  	s8 =	simm.s32 $0xC00;
	s9 =	simm.s32 $0xC80;
	(pc) =	sbr.rel @p0 .LBB2_1-.Ltmp2, $4  }
0x23f: {  	s10 =	simm.s32 $0x500;
	s11 =	simm.s32 $0x580;
	s12 =	simm.s32 $0xD00  }
0x240: {  	s13 =	simm.s32 $0xD80;
	s14 =	simm.s32 $0x600;
	s15 =	simm.s32 $0x680  }
0x241: {  	s16 =	simm.s32 $0xE00;
	s17 =	simm.s32 $0xE80;
	s18 =	simm.s32 $0x700  }
0x242: {  	s19 =	simm.s32 $0x780;
	s20 =	simm.s32 $0xF00;
	s22 =	simm.s32 $0xF80  }
0x243: {  	_ =	sfence.sel $0x180000  }
0x244: {  	[bflag:$0x0] =	sbarrier.arrive $0xFFFF  }
0x245: {  	_ =	strace $0x90000047  }
0x246: {  	s0 =	stileid.u32;
	[bflag:$0x2] =	sbarrier.arrive $0xFFFF  }
0x247: {  	p0 =	sne.s32 s0, $0x0;
	s0 =	rddreg [dreg:$0x3]  }
0x248: {  	s0 =	sadd.s32 @!p0 $0x100000, s0  }
0x249: {  	[sflag:s0] =	ssyncadd.tile.s32 @!p0 $0x1;
	_ =	shalt  }
.Lfunc_end2:
_tile_overlayer_lowered:
.L_overlay_start_2:
0x24a: {  	(tag) =	ssettag $0x2  }
0x24b: {  	s0 =	rddreg [dreg:$0x0];
	s2 =	stileid.u32  }
0x24c: {  	s1 =	rddreg [dreg:$0x1];
	p0 =	sne.s32 s2, $0x0  }
0x24d: {  	s3 =	rddreg [dreg:$0x2];
	[bflag:$0x3] =	sbarrier.arrive $0xFFFF;
	s2 =	simm.s32 @!p0 $0x1C05  }
0x24e: {  	[timem:s3], [sflag:s2] =	dma.local @!p0 [hbm:s0], s1  }
0x24f: {  	s0 =	simm.s32 @!p0 $0x5  }
0x250: {  	_ =	swait.ge @!p0 [sflag:s0], s1  }
0x251: {  	s1 =	ssub.s32 @!p0 $0x0, s1;
	[sflag:s0] =	ssyncset.done @!p0 $0x0  }
0x252: {  	[sflag:s0] =	ssyncadd.s32 @!p0 s1  }
0x253: {  	[bflag:$0x3] =	sbarrier.arrive $0xFFFF  }
0x254: {  	_ =	shalt  }

// kernel: kernel.16.cloned.1.call-start
scs
__scs_entry_jumppad:
0x0: {  	(pc) =	sbr.rel $0x88, $3  }
0x1: {  	(tag) =	ssettag $0x0;
	lr =	simm.s32 $0x1  }
0x2: {  	[smem:$0x3F93] =	sst lr;
	_ =	strace $0xD0000000  }
0x3: {  	_ = 	snop  }
0x4: {  	_ = 	snop  }
0x5: {  	_ = 	snop  }
0x6: {  	_ = 	snop  }
0x7: {  	_ = 	snop  }
__scs_overlays_trampoline_lowered:
0x8: {  	[smem:$0x3FA2] =	sst s0  }
0x9: {  	[smem:$0x3FA3] =	sst s1  }
0xa: {  	[smem:$0x3FA4] =	sst s2  }
0xb: {  	[smem:$0x3FA5] =	sst s3  }
0xc: {  	[smem:$0x3FA6] =	sst s4  }
0xd: {  	[smem:$0x3FA7] =	sst s5  }
0xe: {  	[smem:$0x3FA8] =	sst s6  }
0xf: {  	[smem:$0x3FA9] =	sst s7  }
0x10: {  	[smem:$0x3FAA] =	sst s8  }
0x11: {  	[smem:$0x3FAB] =	sst s9;
	s0 =	simm.s32 @!p0 $0x0  }
0x12: {  	s1 =	sld [smem:$0x3F91];
	s0 =	simm.s32 @p0 $0x1  }
0x13: {  	[smem:$0x3FAC] =	sst s0;
	s0 =	simm.s32 @!p1 $0x0  }
0x14: {  	s2 =	sld [smem:$0x3F90];
	s0 =	simm.s32 @p1 $0x1  }
0x15: {  	[smem:$0x3FAD] =	sst s0;
	s0 =	simm.s32 @!p2 $0x0  }
0x16: {  	s3 =	sld [smem:$0x3FDB];
	s0 =	simm.s32 @p2 $0x1  }
0x17: {  	s4 =	simm.s32 $0x1BF5;
	[smem:$0x3FAF] =	sst s0  }
0x18: {  	s0 =	sld [smem:$0x3F92];
	_ =	swait.ge [sflag:s4], $0x0  }
0x19: {  	s7 =	sld [smem:$0x3F93]  }
0x1a: {  	s8 =	sadd.s32 $0xFFFFE003, lr  }
0x1b: {  	s9 =	sadd.s32 $0xFFFFFEF7, lr;
	s5 =	simm.s32 $0xFFFFFFFF;
	p2 =	slt.u32 s8, $0xFFFFF086  }
0x1c: {  	p1 =	slt.u32 s9, $0xF7A;
	s5 =	simm.s32 @!p2 $0x0  }
0x1d: {  	s5 =	simm.s32 @p1 $0x1;
	p0 =	seq.s32 s7, s2  }
0x1e: {  	s7 =	smul.u32 @!p0 $0xF7A, s2;
	p2 =	seq.s32 @!p0 s5, $0x0  }
0x1f: {  	s9 =	smul.u32 $0xF7A, s1;
	s8 =	simm.s32 @!p0 $0x1BF5;
	p2 =	por !p2, p0  }
0x20: {  	[sflag:s8] =	ssyncset.s32 @!p0 $0xFFFFF086;
	s6 =	sadd.s32 @!p0 s3, s7;
	s7 =	simm.s32 @!p0 $0x108  }
0x21: {  	s3 =	sadd.s32 s3, s9;
	s6 =	sadd.s32 @!p0 $0x88, s6;
	s7 =	simm.s32 @p2 $0x1082  }
0x22: {  	[simem:s7], [sflag:s8] =	dma.local @!p0 [hbm:s6], $0xF7A  }
0x23: {  	s9 =	sor.u32 $0xD0000000, s2;
	s6 =	simm.s32 $0x108;
	_ =	swait.ge @!p0 [sflag:s8], $0x0  }
0x24: {  	s3 =	sadd.s32 $0x88, s3;
	s6 =	simm.s32 @!p1 $0x1082;
	[sflag:s4] =	ssyncset.s32 $0xFFFFF086  }
0x25: {  	[simem:s6], [sflag:s4] =	dma.local [hbm:s3], $0xF7A  }
0x26: {  	[smem:$0x3F93] =	sst s1;
	(tag) =	ssettag s2;
	_ =	strace s9  }
0x27: {  	s1 =	sld [smem:$0x3FA3]  }
0x28: {  	s2 =	sld [smem:$0x3FA4]  }
0x29: {  	s4 =	sld [smem:$0x3FA6]  }
0x2a: {  	p0 =	seq.s32 s5, $0x0;
	s5 =	sld [smem:$0x3FA7]  }
0x2b: {  	s6 =	sld [smem:$0x3FA8]  }
0x2c: {  	s7 =	sld [smem:$0x3FA9]  }
0x2d: {  	s3 =	simm.s32 $0x108;
	s8 =	sld [smem:$0x3FAA]  }
0x2e: {  	s3 =	simm.s32 @!p0 $0x1082;
	s9 =	sld [smem:$0x3FAB]  }
0x2f: {  	lr =	sadd.s32 s0, s3;
	s0 =	sld [smem:$0x3FA2]  }
0x30: {  	s3 =	sld [smem:$0x3FA5]  }
0x31: {  	[smem:$0x3FAE] =	sst s10  }
0x32: {  	s10 =	sld [smem:$0x3FAC];
	_ =	sdelay $0x3  }
0x33: {  	p0 =	seq.s32 s10, $0x1;
	s10 =	sld [smem:$0x3FAE];
	_ =	sdelay $0x3  }
0x34: {  	[smem:$0x3FAE] =	sst s10  }
0x35: {  	s10 =	sld [smem:$0x3FAD];
	_ =	sdelay $0x3  }
0x36: {  	p1 =	seq.s32 s10, $0x1;
	s10 =	sld [smem:$0x3FAE];
	_ =	sdelay $0x3  }
0x37: {  	[smem:$0x3FAE] =	sst s10  }
0x38: {  	s10 =	sld [smem:$0x3FAF]  }
0x39: {  	_ = 	snop;
	(pc) =	sbr.ind lr, $3  }
0x3a: {  	_ = 	snop  }
0x3b: {  	_ = 	snop  }
0x3c: {  	p2 =	seq.s32 s10, $0x1;
	s10 =	sld [smem:$0x3FAE]  }
0x3d: {  	_ =	shalt  }
0x3e: {  	_ =	shalt  }
0x3f: {  	_ =	shalt  }
0x40: {  	_ =	shalt  }
0x41: {  	_ =	shalt  }
0x42: {  	_ =	shalt  }
0x43: {  	_ =	shalt  }
0x44: {  	_ =	shalt  }
0x45: {  	_ =	shalt  }
0x46: {  	_ =	shalt  }
0x47: {  	_ =	shalt  }
0x48: {  	_ =	shalt  }
0x49: {  	_ =	shalt  }
0x4a: {  	_ =	shalt  }
0x4b: {  	_ =	shalt  }
0x4c: {  	_ =	shalt  }
0x4d: {  	_ =	shalt  }
0x4e: {  	_ =	shalt  }
0x4f: {  	_ =	shalt  }
0x50: {  	_ =	shalt  }
0x51: {  	_ =	shalt  }
0x52: {  	_ =	shalt  }
0x53: {  	_ =	shalt  }
0x54: {  	_ =	shalt  }
0x55: {  	_ =	shalt  }
0x56: {  	_ =	shalt  }
0x57: {  	_ =	shalt  }
0x58: {  	_ =	shalt  }
0x59: {  	_ =	shalt  }
0x5a: {  	_ =	shalt  }
0x5b: {  	_ =	shalt  }
0x5c: {  	_ =	shalt  }
0x5d: {  	_ =	shalt  }
0x5e: {  	_ =	shalt  }
0x5f: {  	_ =	shalt  }
0x60: {  	_ =	shalt  }
0x61: {  	_ =	shalt  }
0x62: {  	_ =	shalt  }
0x63: {  	_ =	shalt  }
0x64: {  	_ =	shalt  }
0x65: {  	_ =	shalt  }
0x66: {  	_ =	shalt  }
0x67: {  	_ =	shalt  }
0x68: {  	_ =	shalt  }
0x69: {  	_ =	shalt  }
0x6a: {  	_ =	shalt  }
0x6b: {  	_ =	shalt  }
0x6c: {  	_ =	shalt  }
0x6d: {  	_ =	shalt  }
0x6e: {  	_ =	shalt  }
0x6f: {  	_ =	shalt  }
0x70: {  	_ =	shalt  }
0x71: {  	_ =	shalt  }
0x72: {  	_ =	shalt  }
0x73: {  	_ =	shalt  }
0x74: {  	_ =	shalt  }
0x75: {  	_ =	shalt  }
0x76: {  	_ =	shalt  }
0x77: {  	_ =	shalt  }
0x78: {  	_ =	shalt  }
0x79: {  	_ =	shalt  }
0x7a: {  	_ =	shalt  }
0x7b: {  	_ =	shalt  }
0x7c: {  	_ =	shalt  }
0x7d: {  	_ =	shalt  }
0x7e: {  	_ =	shalt  }
0x7f: {  	_ =	shalt  }
0x80: {  	_ =	shalt  }
0x81: {  	_ =	shalt  }
0x82: {  	_ =	shalt  }
0x83: {  	_ =	shalt  }
0x84: {  	_ =	shalt  }
0x85: {  	_ =	shalt  }
0x86: {  	_ =	shalt  }
0x87: {  	_ =	shalt  }
.Lfunc_end0:
.L_simem_size_0:
called_computation.2_lowered:
.L_overlay_start_0:
0x88: {  	s2 =	sld [smem:$0x3FD9]  }
0x89: {  	s3 =	sld [smem:$0x3FFE];
	_ =	sdelay $0x1  }
0x8a: {  	s1 =	srdreg.scid  }
0x8b: {  	s0 =	sand.u32 $0x1, s1  }
0x8c: {  	s16 =	sshll.u32 s0, $0xA;
	s2 =	sadd.s32 s3, s2  }
0x8d: {  	s2 =	sadd.s32 s2, s16  }
0x8e: {  	[smem:$0x3FBA] =	sst s2  }
0x8f: {  	_ = 	snop  }
0x90: {  	(tm) =	ssettm $0x1  }
0x91: {  	s17 =	sld [smem:$0x3FFB];
	_ =	sdelay $0x3  }
0x92: {  	_ =	strace s17  }
0x93: {  	s2 =	sld [smem:$0x3FFC];
	_ =	sdelay $0x3  }
0x94: {  	_ =	strace s2  }
0x95: {  	s2 =	sld [smem:$0x3FFD];
	_ =	sdelay $0x3  }
0x96: {  	_ =	strace s2  }
0x97: {  	_ =	strace $0x8FFFFFFF  }
0x98: {  	s18 =	sld [smem:$0x3FDB];
	_ =	sdelay $0x1  }
0x99: {  	s19 =	simm.s32 $_scs_section_size  }
0x9a: {  	s4 =	simm.s32 $_size__tile_overlayer_lowered;
	s5 =	simm.s32 $_tile_overlayer_lowered  }
0x9b: {  	s22 =	simm.s32 $0x1BFF;
	s21 =	sshll.u32 s5, $0x1;
	s2 =	sadd.s32 s19, s18  }
0x9c: {  	s6 =	simm.s32 $0x0;
	s20 =	sshll.u32 s4, $0x1;
	s4 =	sadd.s32 s21, s2  }
0x9d: {  	[timem:s6], [sflag:s22] =	dma.local [hbm:s4], s20  }
0x9e: {  	_ =	swait.ge [sflag:s22], s20  }
0x9f: {  	s3 =	ssub.s32 $0x0, s20;
	[sflag:s22] =	ssyncset.done $0x0  }
0xa0: {  	[sflag:s22] =	ssyncadd.s32 s3;
	_ =	sdelay $0x1  }
0xa1: {  	s23 =	simm.s32 $0x1B8B  }
0xa2: {  	_ =	swait.ge [sflag:s23], $0x1  }
0xa3: {  	[sflag:s23] =	ssyncset.done $0x0  }
0xa4: {  	s25 =	simm.s32 $0x1B8E;
	s24 =	sld [smem:$0x3FFE];
	[sflag:s23] =	ssyncadd.s32 $0xFFFFFFFF  }
0xa5: {  	s26 =	simm.s32 $execute0_lowered;
	[smem:$0x3FD2] =	sst s25  }
0xa6: {  	s4 =	sshll.u32 s26, $0x1;
	_ =	strace $0x8000004C;
	[dreg:$0x1] =	wrdreg $0xFFFFFFFF  }
0xa7: {  	s28 =	simm.s32 $_size_execute0_lowered;
	s2 =	sadd.s32 s2, s4;
	[dreg:$0x0] =	wrdreg $0x0  }
0xa8: {  	s4 =	sshll.u32 s28, $0x1;
	[dreg:$0x2] =	wrdreg s2  }
0xa9: {  	[dreg:$0x3] =	wrdreg s4  }
0xaa: {  	[dreg:$0x4] =	wrdreg $0xC0  }
0xab: {  	_ =	task [dreg:s6], $0x5FFFF  }
0xac: {  	[dreg:$0x1] =	wrdreg $0xFFFFFFFF  }
0xad: {  	[dreg:$0x0] =	wrdreg $0x60  }
0xae: {  	[dreg:$0x2] =	wrdreg s24  }
0xaf: {  	[dreg:$0x3] =	wrdreg $0x90000  }
0xb0: {  	[dreg:$0x4] =	wrdreg $0x9  }
0xb1: {  	_ =	task.clear_ibuf [dreg:s6], $0x5FFFF;
	_ =	strace $0x9000004C  }
0xb2: {  	s29 =	simm.s32 $0x9;
	_ =	strace $0x8000004E  }
0xb3: {  	_ =	swait.ge [sflag:s29], $0x1  }
0xb4: {  	[sflag:s29] =	ssyncadd.s32 $0xFFFFFFFF  }
0xb5: {  	_ =	strace $0x9000004E  }
0xb6: {  	_ =	sfence  }
0xb7: {  	s30 =	sld [smem:$0x0];
	_ =	sdelay $0x2  }
0xb8: {  	s31 =	sshll.u32 s1, $0xD;
	s1 =	sshrl.u32 s1, $0x2  }
0xb9: {  	s3 =	sand.u32 $0x4000, s31;
	s1 =	sadd.s32 s1, s30  }
0xba: {  	s0 =	sor.u32 s3, s0;
	s1 =	sshll.u32 s1, $0x11  }
0xbb: {  	s0 =	sor.u32 s1, s0  }
0xbc: {  	s0 =	sadd.s32 $0x8F2B, s0  }
0xbd: {  	[sflag:s0] =	ssyncadd.remote.s32 $0x1  }
0xbe: {  	_ =	sfence.sel $0xFFFF  }
0xbf: {  	[dreg:$0x0] =	wrdreg $0xFFFFFFFF;
	(pc) =	sbr.abs _section_cstart, $3  }
0xc0: {  	[dreg:$0x1] =	wrdreg $0xFFFFFFFF  }
0xc1: {  	_ =	task.clear_ibuf [dreg:s6], $0x2FFFF;
	_ =	strace $0x9FFFFFFF  }
0xc2: {  	(tm) =	ssettm $0x7FFFFFFF  }
0xc3: {  	_ =	shalt  }
tec
execute0_lowered:
.L_overlay_start_1:
0x0: {  	(tag) =	ssettag $0x1  }
0x1: {  	s0 =	srdreg.scid  }
0x2: {  	s8 =	stileid.u32;
	s1 =	rddreg [dreg:$0x0]  }
0x3: {  	s2 =	rddreg [dreg:$0x1];
	s3 =	simm.s32 $0x0;
	s17 =	simm.s32 $0x80  }
0x4: {  	s19 =	simm.s32 $0x880;
	[smem:$0x7FF] =	sst s3;
	s9 =	sadd.s32 $0x16800, s1  }
0x5: {  	s22 =	simm.s32 $0x100;
	_ =	strace $0x8000004D;
	[dreg:$0x14] =	wrdreg s9  }
0x6: {  	s24 =	simm.s32 $0x180;
	s26 =	simm.s32 $0x900;
	[dreg:$0x5] =	wrdreg s17  }
0x7: {  	s11 =	simm.s32 $0x280;
	s28 =	simm.s32 $0x7D;
	[dreg:$0x6] =	wrdreg s19  }
0x8: {  	s29 =	simm.s32 $0x5000;
	s30 =	simm.s32 $0x1;
	[dreg:$0x7] =	wrdreg s22  }
0x9: {  	s31 =	simm.s32 $0x2;
	s4 =	smul.u32 $0x5000, s8;
	[dreg:$0x8] =	wrdreg s24  }
0xa: {  	s0 =	sand.u32 $0x1, s0;
	s7 =	smul.u32 $0x14000, s8;
	[dreg:$0x9] =	wrdreg s26  }
0xb: {  	s8 =	smul.u32 $0x50000, s8;
	s9 =	simm.s32 $0x200;
	[dreg:$0xc] =	wrdreg s11  }
0xc: {  	s5 =	smul.u32 $0x2800, s0;
	s17 =	simm.s32 $0x300;
	[dreg:$0xb] =	wrdreg s9  }
0xd: {  	s6 =	smul.u32 $0x140000, s0;
	s19 =	simm.s32 $0x380;
	[dreg:$0xf] =	wrdreg s17  }
0xe: {  	s0 =	ssub.s32 $0x2, s0;
	s22 =	simm.s32 $0xB00;
	[dreg:$0x10] =	wrdreg s19  }
0xf: {  	s24 =	simm.s32 $0xB80;
	s26 =	simm.s32 $0x400;
	[dreg:$0x11] =	wrdreg s22  }
0x10: {  	s11 =	simm.s32 $0x580;
	s12 =	sshrl.u32 s0, $0x1;
	[dreg:$0x12] =	wrdreg s24  }
0x11: {  	s13 =	sshrl.u32 s8, $0x2;
	s24 =	simm.s32 $0x1000;
	[dreg:$0x13] =	wrdreg s26  }
0x12: {  	s26 =	simm.s32 $0x800;
	s6 =	sadd.s32 s7, s6;
	s7 =	simm.s32 $0x980  }
0x13: {  	s21 =	sadd.s32 s13, s2;
	s13 =	simm.s32 $0xA00;
	[dreg:$0xa] =	wrdreg s7  }
0x14: {  	s9 =	simm.s32 $0xC80;
	s0 =	ssub.s32 s0, s12;
	[dreg:$0xd] =	wrdreg s13  }
0x15: {  	s17 =	simm.s32 $0xE80;
	s0 =	smax.u32 s0, $0x1;
	[dreg:$0x16] =	wrdreg s21  }
0x16: {  	s19 =	simm.s32 $0x780;
	s16 =	sadd.s32 $0x1400, s21;
	[dreg:$0x15] =	wrdreg s0  }
0x17: {  	s22 =	simm.s32 $0xF80;
	s18 =	sadd.s32 $0x2800, s21;
	[dreg:$0x17] =	wrdreg s16  }
0x18: {  	s5 =	sadd.s32 s5, s4;
	s20 =	sadd.s32 $0x3C00, s21;
	[dreg:$0x18] =	wrdreg s18  }
0x19: {  	s4 =	sadd.s32 $0x16C00, s1;
	s23 =	sadd.s32 $0x5000, s21;
	[dreg:$0x19] =	wrdreg s20  }
0x1a: {  	s5 =	sshrl.u32 s5, $0x3;
	s25 =	sadd.s32 $0x6400, s21;
	[dreg:$0x1a] =	wrdreg s23  }
0x1b: {  	s6 =	sshrl.u32 s6, $0x3;
	s8 =	sadd.s32 $0x8C00, s21;
	[dreg:$0x1b] =	wrdreg s25  }
0x1c: {  	s10 =	sadd.s32 $0xA000, s21;
	s12 =	sadd.s32 $0xB400, s21;
	[dreg:$0x1d] =	wrdreg s8  }
0x1d: {  	s13 =	simm.s32 $0xD80;
	s5 =	sadd.s32 s5, s1;
	[dreg:$0x1e] =	wrdreg s10  }
0x1e: {  	s1 =	sadd.s32 s6, s1;
	s6 =	sadd.s32 $0x7800, s21;
	[dreg:$0x1f] =	wrdreg s12  }
0x1f: {  	s7 =	simm.s32 $0x0;
	s16 =	sadd.s32 $0xDC00, s21;
	[dreg:$0x1c] =	wrdreg s6  }
0x20: {  	s18 =	sadd.s32 $0xF000, s21;
	s20 =	sadd.s32 $0x10400, s21;
	[smem:$0x7F9] =	sst s16  }
0x21: {  	s23 =	sadd.s32 $0x11800, s21;
	s25 =	sadd.s32 $0x12C00, s21;
	[smem:$0x7FA] =	sst s18  }
0x22: {  	s0 =	simm.s32 $0x4;
	s8 =	simm.s32 $0xC00;
	[smem:$0x7FB] =	sst s20  }
0x23: {  	s10 =	simm.s32 $0x500;
	s12 =	simm.s32 $0xD00;
	[smem:$0x7FC] =	sst s23  }
0x24: {  	s14 =	sadd.s32 $0x2800, s5;
	s15 =	sadd.s32 $0xC800, s5;
	[smem:$0x7FD] =	sst s25  }
0x25: {  	s23 =	sadd.s32 $0xB7400, s1;
	s25 =	simm.s32 $0x5;
	s1 =	simm.s32 $0x3  }
0x26: {  	s6 =	simm.s32 $0x480;
	s16 =	simm.s32 $0xE00;
	[dreg:$0x3] =	wrdreg s14  }
0x27: {  	s18 =	simm.s32 $0x700;
	[dreg:$0x4] =	wrdreg s15;
	s14 =	sadd.s32 $0xC800, s21  }
0x28: {  	s20 =	simm.s32 $0xF00;
	s15 =	simm.s32 $0xA80;
	[smem:$0x7F8] =	sst s14  }
0x29: {  	[dreg:$0xe] =	wrdreg s15;
	s14 =	simm.s32 $0x600;
	s15 =	simm.s32 $0x680  }
.LBB2_1:
0x2a: {  	[smem:$0x7F7] =	sst s7  }
0x2b: {  	s5 =	rddreg [dreg:$0x14]  }
0x2c: {  	[tilespmem:s24], [sflag:$0x5] =	stream.linear.gather [hbm4b:s5+s3], $0x1400, $0x38;
	[tilespmem:$0x1D000] =	vst v63  }
0x2d: {  	_ =	swait.ge [sflag:s25], $0x1400  }
0x2e: {  	[sflag:s25] =	ssyncset.done $0x0  }
0x2f: {  	[sflag:s25] =	ssyncadd.s32 $0xFFFFEC00  }
0x30: {  	[spmem:s21] =	stream.linear.scatter [tilespmem:s24], [sflag:$0x5], $0x1400, $0x38;
	[tilespmem:$0x1D000] =	vst v63  }
0x31: {  	_ =	swait.ge [sflag:s25], $0x1400  }
0x32: {  	[sflag:s25] =	ssyncset.done $0x0  }
0x33: {  	s7 =	rddreg [dreg:$0x17];
	[sflag:s25] =	ssyncadd.s32 $0xFFFFEC00  }
0x34: {  	[spmem:s7] =	stream.linear.scatter [tilespmem:s24], [sflag:$0x5], $0x1400, $0x38;
	[tilespmem:$0x1D000] =	vst v63  }
0x35: {  	_ =	swait.ge [sflag:s25], $0x1400  }
0x36: {  	[sflag:s25] =	ssyncset.done $0x0  }
0x37: {  	s21 =	rddreg [dreg:$0x18];
	[sflag:s25] =	ssyncadd.s32 $0xFFFFEC00  }
0x38: {  	[spmem:s21] =	stream.linear.scatter [tilespmem:s24], [sflag:$0x5], $0x1400, $0x38;
	[tilespmem:$0x1D000] =	vst v63  }
0x39: {  	_ =	swait.ge [sflag:s25], $0x1400  }
0x3a: {  	[sflag:s25] =	ssyncset.done $0x0  }
0x3b: {  	s7 =	rddreg [dreg:$0x19];
	[sflag:s25] =	ssyncadd.s32 $0xFFFFEC00  }
0x3c: {  	[spmem:s7] =	stream.linear.scatter [tilespmem:s24], [sflag:$0x5], $0x1400, $0x38;
	[tilespmem:$0x1D000] =	vst v63  }
0x3d: {  	_ =	swait.ge [sflag:s25], $0x1400  }
0x3e: {  	[sflag:s25] =	ssyncset.done $0x0  }
0x3f: {  	s21 =	rddreg [dreg:$0x1a];
	[sflag:s25] =	ssyncadd.s32 $0xFFFFEC00  }
0x40: {  	[spmem:s21] =	stream.linear.scatter [tilespmem:s24], [sflag:$0x5], $0x1400, $0x38;
	[tilespmem:$0x1D000] =	vst v63  }
0x41: {  	_ =	swait.ge [sflag:s25], $0x1400  }
0x42: {  	[sflag:s25] =	ssyncset.done $0x0  }
0x43: {  	s7 =	rddreg [dreg:$0x1b];
	[sflag:s25] =	ssyncadd.s32 $0xFFFFEC00  }
0x44: {  	[spmem:s7] =	stream.linear.scatter [tilespmem:s24], [sflag:$0x5], $0x1400, $0x38;
	[tilespmem:$0x1D000] =	vst v63  }
0x45: {  	_ =	swait.ge [sflag:s25], $0x1400  }
0x46: {  	[sflag:s25] =	ssyncset.done $0x0  }
0x47: {  	s21 =	rddreg [dreg:$0x1c];
	[sflag:s25] =	ssyncadd.s32 $0xFFFFEC00  }
0x48: {  	[spmem:s21] =	stream.linear.scatter [tilespmem:s24], [sflag:$0x5], $0x1400, $0x38;
	[tilespmem:$0x1D000] =	vst v63  }
0x49: {  	_ =	swait.ge [sflag:s25], $0x1400  }
0x4a: {  	[sflag:s25] =	ssyncset.done $0x0  }
0x4b: {  	s7 =	rddreg [dreg:$0x1d];
	[sflag:s25] =	ssyncadd.s32 $0xFFFFEC00  }
0x4c: {  	[spmem:s7] =	stream.linear.scatter [tilespmem:s24], [sflag:$0x5], $0x1400, $0x38;
	[tilespmem:$0x1D000] =	vst v63  }
0x4d: {  	_ =	swait.ge [sflag:s25], $0x1400  }
0x4e: {  	[sflag:s25] =	ssyncset.done $0x0  }
0x4f: {  	s21 =	rddreg [dreg:$0x1e];
	[sflag:s25] =	ssyncadd.s32 $0xFFFFEC00  }
0x50: {  	[spmem:s21] =	stream.linear.scatter [tilespmem:s24], [sflag:$0x5], $0x1400, $0x38;
	[tilespmem:$0x1D000] =	vst v63  }
0x51: {  	_ =	swait.ge [sflag:s25], $0x1400  }
0x52: {  	[sflag:s25] =	ssyncset.done $0x0  }
0x53: {  	s7 =	rddreg [dreg:$0x1f];
	[sflag:s25] =	ssyncadd.s32 $0xFFFFEC00  }
0x54: {  	[spmem:s7] =	stream.linear.scatter [tilespmem:s24], [sflag:$0x5], $0x1400, $0x38;
	[tilespmem:$0x1D000] =	vst v63  }
0x55: {  	_ =	swait.ge [sflag:s25], $0x1400  }
0x56: {  	s21 =	sld [smem:$0x7F8]  }
0x57: {  	[sflag:s25] =	ssyncset.done $0x0  }
0x58: {  	[sflag:s25] =	ssyncadd.s32 $0xFFFFEC00  }
0x59: {  	[spmem:s21] =	stream.linear.scatter [tilespmem:s24], [sflag:$0x5], $0x1400, $0x38;
	[tilespmem:$0x1D000] =	vst v63  }
0x5a: {  	_ =	swait.ge [sflag:s25], $0x1400  }
0x5b: {  	s7 =	sld [smem:$0x7F9]  }
0x5c: {  	[sflag:s25] =	ssyncset.done $0x0  }
0x5d: {  	[sflag:s25] =	ssyncadd.s32 $0xFFFFEC00  }
0x5e: {  	[spmem:s7] =	stream.linear.scatter [tilespmem:s24], [sflag:$0x5], $0x1400, $0x38;
	[tilespmem:$0x1D000] =	vst v63  }
0x5f: {  	_ =	swait.ge [sflag:s25], $0x1400  }
0x60: {  	s21 =	sld [smem:$0x7FA]  }
0x61: {  	[sflag:s25] =	ssyncset.done $0x0  }
0x62: {  	[sflag:s25] =	ssyncadd.s32 $0xFFFFEC00  }
0x63: {  	[spmem:s21] =	stream.linear.scatter [tilespmem:s24], [sflag:$0x5], $0x1400, $0x38;
	[tilespmem:$0x1D000] =	vst v63  }
0x64: {  	_ =	swait.ge [sflag:s25], $0x1400  }
0x65: {  	s7 =	sld [smem:$0x7FB]  }
0x66: {  	[sflag:s25] =	ssyncset.done $0x0  }
0x67: {  	[sflag:s25] =	ssyncadd.s32 $0xFFFFEC00  }
0x68: {  	[spmem:s7] =	stream.linear.scatter [tilespmem:s24], [sflag:$0x5], $0x1400, $0x38;
	[tilespmem:$0x1D000] =	vst v63  }
0x69: {  	_ =	swait.ge [sflag:s25], $0x1400  }
0x6a: {  	s21 =	sld [smem:$0x7FC]  }
0x6b: {  	[sflag:s25] =	ssyncset.done $0x0  }
0x6c: {  	[sflag:s25] =	ssyncadd.s32 $0xFFFFEC00  }
0x6d: {  	[spmem:s21] =	stream.linear.scatter [tilespmem:s24], [sflag:$0x5], $0x1400, $0x38;
	[tilespmem:$0x1D000] =	vst v63  }
0x6e: {  	_ =	swait.ge [sflag:s25], $0x1400  }
0x6f: {  	s7 =	sld [smem:$0x7FD]  }
0x70: {  	[sflag:s25] =	ssyncset.done $0x0  }
0x71: {  	[sflag:s25] =	ssyncadd.s32 $0xFFFFEC00  }
0x72: {  	[spmem:s7] =	stream.linear.scatter [tilespmem:s24], [sflag:$0x5], $0x1400, $0x38;
	[tilespmem:$0x1D000] =	vst v63  }
0x73: {  	_ =	swait.ge [sflag:s25], $0x1400  }
0x74: {  	[sflag:s25] =	ssyncset.done $0x0  }
0x75: {  	[sflag:s25] =	ssyncadd.s32 $0xFFFFEC00  }
0x76: {  	[bflag:$0x0] =	sbarrier.arrive $0xFFFF  }
0x77: {  	s21 =	rddreg [dreg:$0x4]  }
0x78: {  	s7 =	sadd.s32 $0x0, s21  }
0x79: {  	[tilespmem:s3], [sflag:$0x5] =	stream.linear.gather [hbm4b:s7+s3], $0x800, $0x38;
	[tilespmem:$0x1D000] =	vst v63  }
0x7a: {  	_ =	swait.ge [sflag:s25], $0x800  }
0x7b: {  	s5 =	rddreg [dreg:$0x3];
	[sflag:s25] =	ssyncset.done $0x0  }
0x7c: {  	[sflag:s25] =	ssyncadd.s32 $0xFFFFF800;
	s7 =	sadd.s32 $0x0, s5  }
0x7d: {  	[tilespmem:s26], [sflag:$0x5] =	stream.linear.gather [hbm4b:s7+s3], $0x800, $0x38;
	[tilespmem:$0x1D000] =	vst v63  }
0x7e: {  	_ =	swait.ge [sflag:s25], $0x800  }
0x7f: {  	[sflag:s25] =	ssyncset.done $0x0  }
0x80: {  	[sflag:s25] =	ssyncadd.s32 $0xFFFFF800  }
0x81: {  	[tilespmem:s24], [sflag:$0x1] =	stream.indirect.gather [hbm4b:s4+s28], $0x80, s3, s28, $0xb8;
	[tilespmem:$0x1D000] =	vst v63  }
0x82: {  	s21 =	rddreg [dreg:$0x5]  }
0x83: {  	[tilespmem:s29], [sflag:$0x2] =	stream.indirect.gather [hbm4b:s4+s28], $0x80, s21, s28, $0xb8;
	[tilespmem:$0x1D000] =	vst v63  }
0x84: {  	_ =	swait.ge [sflag:s30], $0x3E80  }
0x85: {  	[sflag:s30] =	ssyncset.done $0x0  }
0x86: {  	[sflag:s30] =	ssyncadd.s32 $0xFFFFC180  }
0x87: {  	[spmem:s2] =	stream.indirect.scatter.add.f32 [tilespmem:s24], [sflag:$0x3], $0x80, s26, s28, $0xb8;
	[tilespmem:$0x1D000] =	vst v63  }
0x88: {  	_ =	swait.ge [sflag:s31], $0x3E80  }
0x89: {  	[sflag:s31] =	ssyncset.done $0x0  }
0x8a: {  	s5 =	rddreg [dreg:$0x6];
	[sflag:s31] =	ssyncadd.s32 $0xFFFFC180  }
0x8b: {  	[spmem:s2] =	stream.indirect.scatter.add.f32 [tilespmem:s29], [sflag:$0x4], $0x80, s5, s28, $0xb8;
	[tilespmem:$0x1D000] =	vst v63  }
0x8c: {  	_ =	swait.ge [sflag:s1], $0x3E80  }
0x8d: {  	[sflag:s1] =	ssyncset.done $0x0  }
0x8e: {  	[sflag:s1] =	ssyncadd.s32 $0xFFFFC180  }
0x8f: {  	_ =	swait.ge [sflag:s0], $0x3E80  }
0x90: {  	[sflag:s0] =	ssyncset.done $0x0  }
0x91: {  	s21 =	rddreg [dreg:$0x7];
	[sflag:s0] =	ssyncadd.s32 $0xFFFFC180  }
0x92: {  	[tilespmem:s24], [sflag:$0x1] =	stream.indirect.gather [hbm4b:s4+s28], $0x80, s21, s28, $0xb8;
	[tilespmem:$0x1D000] =	vst v63  }
0x93: {  	s5 =	rddreg [dreg:$0x8]  }
0x94: {  	[tilespmem:s29], [sflag:$0x2] =	stream.indirect.gather [hbm4b:s4+s28], $0x80, s5, s28, $0xb8;
	[tilespmem:$0x1D000] =	vst v63  }
0x95: {  	_ =	swait.ge [sflag:s30], $0x3E80  }
0x96: {  	[sflag:s30] =	ssyncset.done $0x0  }
0x97: {  	s21 =	rddreg [dreg:$0x9];
	[sflag:s30] =	ssyncadd.s32 $0xFFFFC180  }
0x98: {  	[spmem:s2] =	stream.indirect.scatter.add.f32 [tilespmem:s24], [sflag:$0x3], $0x80, s21, s28, $0xb8;
	[tilespmem:$0x1D000] =	vst v63  }
0x99: {  	_ =	swait.ge [sflag:s31], $0x3E80  }
0x9a: {  	[sflag:s31] =	ssyncset.done $0x0  }
0x9b: {  	s5 =	rddreg [dreg:$0xa];
	[sflag:s31] =	ssyncadd.s32 $0xFFFFC180  }
0x9c: {  	[spmem:s2] =	stream.indirect.scatter.add.f32 [tilespmem:s29], [sflag:$0x4], $0x80, s5, s28, $0xb8;
	[tilespmem:$0x1D000] =	vst v63  }
0x9d: {  	_ =	swait.ge [sflag:s1], $0x3E80  }
0x9e: {  	[sflag:s1] =	ssyncset.done $0x0  }
0x9f: {  	[sflag:s1] =	ssyncadd.s32 $0xFFFFC180  }
0xa0: {  	_ =	swait.ge [sflag:s0], $0x3E80  }
0xa1: {  	[sflag:s0] =	ssyncset.done $0x0  }
0xa2: {  	s21 =	rddreg [dreg:$0xb];
	[sflag:s0] =	ssyncadd.s32 $0xFFFFC180  }
0xa3: {  	[tilespmem:s24], [sflag:$0x1] =	stream.indirect.gather [hbm4b:s4+s28], $0x80, s21, s28, $0xb8;
	[tilespmem:$0x1D000] =	vst v63  }
0xa4: {  	s5 =	rddreg [dreg:$0xc]  }
0xa5: {  	[tilespmem:s29], [sflag:$0x2] =	stream.indirect.gather [hbm4b:s4+s28], $0x80, s5, s28, $0xb8;
	[tilespmem:$0x1D000] =	vst v63  }
0xa6: {  	_ =	swait.ge [sflag:s30], $0x3E80  }
0xa7: {  	[sflag:s30] =	ssyncset.done $0x0  }
0xa8: {  	s21 =	rddreg [dreg:$0xd];
	[sflag:s30] =	ssyncadd.s32 $0xFFFFC180  }
0xa9: {  	[spmem:s2] =	stream.indirect.scatter.add.f32 [tilespmem:s24], [sflag:$0x3], $0x80, s21, s28, $0xb8;
	[tilespmem:$0x1D000] =	vst v63  }
0xaa: {  	_ =	swait.ge [sflag:s31], $0x3E80  }
0xab: {  	[sflag:s31] =	ssyncset.done $0x0  }
0xac: {  	s5 =	rddreg [dreg:$0xe];
	[sflag:s31] =	ssyncadd.s32 $0xFFFFC180  }
0xad: {  	[spmem:s2] =	stream.indirect.scatter.add.f32 [tilespmem:s29], [sflag:$0x4], $0x80, s5, s28, $0xb8;
	[tilespmem:$0x1D000] =	vst v63  }
0xae: {  	_ =	swait.ge [sflag:s1], $0x3E80  }
0xaf: {  	[sflag:s1] =	ssyncset.done $0x0  }
0xb0: {  	[sflag:s1] =	ssyncadd.s32 $0xFFFFC180  }
0xb1: {  	_ =	swait.ge [sflag:s0], $0x3E80  }
0xb2: {  	[sflag:s0] =	ssyncset.done $0x0  }
0xb3: {  	s21 =	rddreg [dreg:$0xf];
	[sflag:s0] =	ssyncadd.s32 $0xFFFFC180  }
0xb4: {  	[tilespmem:s24], [sflag:$0x1] =	stream.indirect.gather [hbm4b:s4+s28], $0x80, s21, s28, $0xb8;
	[tilespmem:$0x1D000] =	vst v63  }
0xb5: {  	s5 =	rddreg [dreg:$0x10]  }
0xb6: {  	[tilespmem:s29], [sflag:$0x2] =	stream.indirect.gather [hbm4b:s4+s28], $0x80, s5, s28, $0xb8;
	[tilespmem:$0x1D000] =	vst v63  }
0xb7: {  	_ =	swait.ge [sflag:s30], $0x3E80  }
0xb8: {  	[sflag:s30] =	ssyncset.done $0x0  }
0xb9: {  	s21 =	rddreg [dreg:$0x11];
	[sflag:s30] =	ssyncadd.s32 $0xFFFFC180  }
0xba: {  	[spmem:s2] =	stream.indirect.scatter.add.f32 [tilespmem:s24], [sflag:$0x3], $0x80, s21, s28, $0xb8;
	[tilespmem:$0x1D000] =	vst v63  }
0xbb: {  	_ =	swait.ge [sflag:s31], $0x3E80  }
0xbc: {  	[sflag:s31] =	ssyncset.done $0x0  }
0xbd: {  	s5 =	rddreg [dreg:$0x12];
	[sflag:s31] =	ssyncadd.s32 $0xFFFFC180  }
0xbe: {  	[spmem:s2] =	stream.indirect.scatter.add.f32 [tilespmem:s29], [sflag:$0x4], $0x80, s5, s28, $0xb8;
	[tilespmem:$0x1D000] =	vst v63  }
0xbf: {  	_ =	swait.ge [sflag:s1], $0x3E80  }
0xc0: {  	[sflag:s1] =	ssyncset.done $0x0  }
0xc1: {  	[sflag:s1] =	ssyncadd.s32 $0xFFFFC180  }
0xc2: {  	_ =	swait.ge [sflag:s0], $0x3E80  }
0xc3: {  	[sflag:s0] =	ssyncset.done $0x0  }
0xc4: {  	s21 =	rddreg [dreg:$0x13];
	[sflag:s0] =	ssyncadd.s32 $0xFFFFC180  }
0xc5: {  	[tilespmem:s24], [sflag:$0x1] =	stream.indirect.gather [hbm4b:s4+s28], $0x80, s21, s28, $0xb8;
	[tilespmem:$0x1D000] =	vst v63  }
0xc6: {  	_ = 	snop  }
0xc7: {  	[tilespmem:s29], [sflag:$0x2] =	stream.indirect.gather [hbm4b:s4+s28], $0x80, s6, s28, $0xb8;
	[tilespmem:$0x1D000] =	vst v63  }
0xc8: {  	_ =	swait.ge [sflag:s30], $0x3E80  }
0xc9: {  	[sflag:s30] =	ssyncset.done $0x0  }
0xca: {  	[sflag:s30] =	ssyncadd.s32 $0xFFFFC180  }
0xcb: {  	[spmem:s2] =	stream.indirect.scatter.add.f32 [tilespmem:s24], [sflag:$0x3], $0x80, s8, s28, $0xb8;
	[tilespmem:$0x1D000] =	vst v63  }
0xcc: {  	_ =	swait.ge [sflag:s31], $0x3E80  }
0xcd: {  	[sflag:s31] =	ssyncset.done $0x0  }
0xce: {  	[sflag:s31] =	ssyncadd.s32 $0xFFFFC180  }
0xcf: {  	[spmem:s2] =	stream.indirect.scatter.add.f32 [tilespmem:s29], [sflag:$0x4], $0x80, s9, s28, $0xb8;
	[tilespmem:$0x1D000] =	vst v63  }
0xd0: {  	_ =	swait.ge [sflag:s1], $0x3E80  }
0xd1: {  	[sflag:s1] =	ssyncset.done $0x0  }
0xd2: {  	[sflag:s1] =	ssyncadd.s32 $0xFFFFC180  }
0xd3: {  	_ =	swait.ge [sflag:s0], $0x3E80  }
0xd4: {  	[sflag:s0] =	ssyncset.done $0x0  }
0xd5: {  	[sflag:s0] =	ssyncadd.s32 $0xFFFFC180  }
0xd6: {  	[tilespmem:s24], [sflag:$0x1] =	stream.indirect.gather [hbm4b:s4+s28], $0x80, s10, s28, $0xb8;
	[tilespmem:$0x1D000] =	vst v63  }
0xd7: {  	_ = 	snop  }
0xd8: {  	[tilespmem:s29], [sflag:$0x2] =	stream.indirect.gather [hbm4b:s4+s28], $0x80, s11, s28, $0xb8;
	[tilespmem:$0x1D000] =	vst v63  }
0xd9: {  	_ =	swait.ge [sflag:s30], $0x3E80  }
0xda: {  	[sflag:s30] =	ssyncset.done $0x0  }
0xdb: {  	[sflag:s30] =	ssyncadd.s32 $0xFFFFC180  }
0xdc: {  	[spmem:s2] =	stream.indirect.scatter.add.f32 [tilespmem:s24], [sflag:$0x3], $0x80, s12, s28, $0xb8;
	[tilespmem:$0x1D000] =	vst v63  }
0xdd: {  	_ =	swait.ge [sflag:s31], $0x3E80  }
0xde: {  	[sflag:s31] =	ssyncset.done $0x0  }
0xdf: {  	[sflag:s31] =	ssyncadd.s32 $0xFFFFC180  }
0xe0: {  	[spmem:s2] =	stream.indirect.scatter.add.f32 [tilespmem:s29], [sflag:$0x4], $0x80, s13, s28, $0xb8;
	[tilespmem:$0x1D000] =	vst v63  }
0xe1: {  	_ =	swait.ge [sflag:s1], $0x3E80  }
0xe2: {  	[sflag:s1] =	ssyncset.done $0x0  }
0xe3: {  	[sflag:s1] =	ssyncadd.s32 $0xFFFFC180  }
0xe4: {  	_ =	swait.ge [sflag:s0], $0x3E80  }
0xe5: {  	[sflag:s0] =	ssyncset.done $0x0  }
0xe6: {  	[sflag:s0] =	ssyncadd.s32 $0xFFFFC180  }
0xe7: {  	[tilespmem:s24], [sflag:$0x1] =	stream.indirect.gather [hbm4b:s4+s28], $0x80, s14, s28, $0xb8;
	[tilespmem:$0x1D000] =	vst v63  }
0xe8: {  	_ = 	snop  }
0xe9: {  	[tilespmem:s29], [sflag:$0x2] =	stream.indirect.gather [hbm4b:s4+s28], $0x80, s15, s28, $0xb8;
	[tilespmem:$0x1D000] =	vst v63  }
0xea: {  	_ =	swait.ge [sflag:s30], $0x3E80  }
0xeb: {  	[sflag:s30] =	ssyncset.done $0x0  }
0xec: {  	[sflag:s30] =	ssyncadd.s32 $0xFFFFC180  }
0xed: {  	[spmem:s2] =	stream.indirect.scatter.add.f32 [tilespmem:s24], [sflag:$0x3], $0x80, s16, s28, $0xb8;
	[tilespmem:$0x1D000] =	vst v63  }
0xee: {  	_ =	swait.ge [sflag:s31], $0x3E80  }
0xef: {  	[sflag:s31] =	ssyncset.done $0x0  }
0xf0: {  	[sflag:s31] =	ssyncadd.s32 $0xFFFFC180  }
0xf1: {  	[spmem:s2] =	stream.indirect.scatter.add.f32 [tilespmem:s29], [sflag:$0x4], $0x80, s17, s28, $0xb8;
	[tilespmem:$0x1D000] =	vst v63  }
0xf2: {  	_ =	swait.ge [sflag:s1], $0x3E80  }
0xf3: {  	[sflag:s1] =	ssyncset.done $0x0  }
0xf4: {  	[sflag:s1] =	ssyncadd.s32 $0xFFFFC180  }
0xf5: {  	_ =	swait.ge [sflag:s0], $0x3E80  }
0xf6: {  	[sflag:s0] =	ssyncset.done $0x0  }
0xf7: {  	[sflag:s0] =	ssyncadd.s32 $0xFFFFC180  }
0xf8: {  	[tilespmem:s24], [sflag:$0x1] =	stream.indirect.gather [hbm4b:s4+s28], $0x80, s18, s28, $0xb8;
	[tilespmem:$0x1D000] =	vst v63  }
0xf9: {  	_ = 	snop  }
0xfa: {  	[tilespmem:s29], [sflag:$0x2] =	stream.indirect.gather [hbm4b:s4+s28], $0x80, s19, s28, $0xb8;
	[tilespmem:$0x1D000] =	vst v63  }
0xfb: {  	_ =	swait.ge [sflag:s30], $0x3E80  }
0xfc: {  	[sflag:s30] =	ssyncset.done $0x0  }
0xfd: {  	s7 =	simm.s32 $0x200;
	[sflag:s30] =	ssyncadd.s32 $0xFFFFC180  }
0xfe: {  	[spmem:s2] =	stream.indirect.scatter.add.f32 [tilespmem:s24], [sflag:$0x3], $0x80, s20, s28, $0xb8;
	[tilespmem:$0x1D000] =	vst v63  }
0xff: {  	s6 =	simm.s32 $0x480;
	s8 =	simm.s32 $0xC00;
	_ =	swait.ge [sflag:s31], $0x3E80  }
0x100: {  	s9 =	simm.s32 $0xC80;
	s10 =	simm.s32 $0x500;
	[sflag:s31] =	ssyncset.done $0x0  }
0x101: {  	s11 =	simm.s32 $0x580;
	s12 =	simm.s32 $0xD00;
	[sflag:s31] =	ssyncadd.s32 $0xFFFFC180  }
0x102: {  	[spmem:s2] =	stream.indirect.scatter.add.f32 [tilespmem:s29], [sflag:$0x4], $0x80, s22, s28, $0xb8;
	[tilespmem:$0x1D000] =	vst v63  }
0x103: {  	s13 =	simm.s32 $0xD80;
	s14 =	simm.s32 $0x600;
	_ =	swait.ge [sflag:s1], $0x3E80  }
0x104: {  	s15 =	simm.s32 $0x680;
	s16 =	simm.s32 $0xE00;
	[sflag:s1] =	ssyncset.done $0x0  }
0x105: {  	s17 =	simm.s32 $0xE80;
	s18 =	simm.s32 $0x700;
	[sflag:s1] =	ssyncadd.s32 $0xFFFFC180  }
0x106: {  	s19 =	simm.s32 $0x780;
	s20 =	simm.s32 $0xF00;
	_ =	swait.ge [sflag:s0], $0x3E80  }
0x107: {  	s22 =	simm.s32 $0x100;
	s21 =	rddreg [dreg:$0x4];
	[sflag:s0] =	ssyncset.done $0x0  }
.LBB2_2:
0x108: {  	[sflag:s0] =	ssyncadd.s32 $0xFFFFC180;
	s21 =	sadd.s32 s22, s21  }
0x109: {  	[tilespmem:s3], [sflag:$0x5] =	stream.linear.gather [hbm4b:s21+s3], $0x800, $0x38;
	[tilespmem:$0x1D000] =	vst v63  }
0x10a: {  	_ =	swait.ge [sflag:s25], $0x800  }
0x10b: {  	s21 =	rddreg [dreg:$0x3];
	[sflag:s25] =	ssyncset.done $0x0  }
0x10c: {  	[sflag:s25] =	ssyncadd.s32 $0xFFFFF800;
	s21 =	sadd.s32 s22, s21  }
0x10d: {  	[tilespmem:s26], [sflag:$0x5] =	stream.linear.gather [hbm4b:s21+s3], $0x800, $0x38;
	[tilespmem:$0x1D000] =	vst v63  }
0x10e: {  	_ =	swait.ge [sflag:s25], $0x800  }
0x10f: {  	[sflag:s25] =	ssyncset.done $0x0  }
0x110: {  	[sflag:s25] =	ssyncadd.s32 $0xFFFFF800  }
0x111: {  	[tilespmem:s24], [sflag:$0x1] =	stream.indirect.gather [hbm4b:s4+s28], $0x80, s3, s28, $0xb8;
	[tilespmem:$0x1D000] =	vst v63  }
0x112: {  	s21 =	rddreg [dreg:$0x5]  }
0x113: {  	[tilespmem:s29], [sflag:$0x2] =	stream.indirect.gather [hbm4b:s4+s28], $0x80, s21, s28, $0xb8;
	[tilespmem:$0x1D000] =	vst v63  }
0x114: {  	_ =	swait.ge [sflag:s30], $0x3E80  }
0x115: {  	[sflag:s30] =	ssyncset.done $0x0  }
0x116: {  	[sflag:s30] =	ssyncadd.s32 $0xFFFFC180  }
0x117: {  	[spmem:s2] =	stream.indirect.scatter.add.f32 [tilespmem:s24], [sflag:$0x3], $0x80, s26, s28, $0xb8;
	[tilespmem:$0x1D000] =	vst v63  }
0x118: {  	_ =	swait.ge [sflag:s31], $0x3E80  }
0x119: {  	[sflag:s31] =	ssyncset.done $0x0  }
0x11a: {  	s21 =	rddreg [dreg:$0x6];
	[sflag:s31] =	ssyncadd.s32 $0xFFFFC180  }
0x11b: {  	[spmem:s2] =	stream.indirect.scatter.add.f32 [tilespmem:s29], [sflag:$0x4], $0x80, s21, s28, $0xb8;
	[tilespmem:$0x1D000] =	vst v63  }
0x11c: {  	_ =	swait.ge [sflag:s1], $0x3E80  }
0x11d: {  	[sflag:s1] =	ssyncset.done $0x0  }
0x11e: {  	[sflag:s1] =	ssyncadd.s32 $0xFFFFC180  }
0x11f: {  	_ =	swait.ge [sflag:s0], $0x3E80  }
0x120: {  	s5 =	smov.u32 s7;
	[sflag:s0] =	ssyncset.done $0x0  }
0x121: {  	s22 =	smov.u32 s5;
	s5 =	rddreg [dreg:$0x7];
	[sflag:s0] =	ssyncadd.s32 $0xFFFFC180  }
0x122: {  	[tilespmem:s24], [sflag:$0x1] =	stream.indirect.gather [hbm4b:s4+s28], $0x80, s5, s28, $0xb8;
	[tilespmem:$0x1D000] =	vst v63  }
0x123: {  	s21 =	rddreg [dreg:$0x8]  }
0x124: {  	[tilespmem:s29], [sflag:$0x2] =	stream.indirect.gather [hbm4b:s4+s28], $0x80, s21, s28, $0xb8;
	[tilespmem:$0x1D000] =	vst v63  }
0x125: {  	_ =	swait.ge [sflag:s30], $0x3E80  }
0x126: {  	[sflag:s30] =	ssyncset.done $0x0  }
0x127: {  	s21 =	rddreg [dreg:$0x9];
	[sflag:s30] =	ssyncadd.s32 $0xFFFFC180  }
0x128: {  	[spmem:s2] =	stream.indirect.scatter.add.f32 [tilespmem:s24], [sflag:$0x3], $0x80, s21, s28, $0xb8;
	[tilespmem:$0x1D000] =	vst v63  }
0x129: {  	_ =	swait.ge [sflag:s31], $0x3E80  }
0x12a: {  	[sflag:s31] =	ssyncset.done $0x0  }
0x12b: {  	s21 =	rddreg [dreg:$0xa];
	[sflag:s31] =	ssyncadd.s32 $0xFFFFC180  }
0x12c: {  	[spmem:s2] =	stream.indirect.scatter.add.f32 [tilespmem:s29], [sflag:$0x4], $0x80, s21, s28, $0xb8;
	[tilespmem:$0x1D000] =	vst v63  }
0x12d: {  	_ =	swait.ge [sflag:s1], $0x3E80  }
0x12e: {  	[sflag:s1] =	ssyncset.done $0x0  }
0x12f: {  	[sflag:s1] =	ssyncadd.s32 $0xFFFFC180  }
0x130: {  	_ =	swait.ge [sflag:s0], $0x3E80  }
0x131: {  	[sflag:s0] =	ssyncset.done $0x0  }
0x132: {  	s5 =	rddreg [dreg:$0xb];
	[sflag:s0] =	ssyncadd.s32 $0xFFFFC180  }
0x133: {  	[tilespmem:s24], [sflag:$0x1] =	stream.indirect.gather [hbm4b:s4+s28], $0x80, s5, s28, $0xb8;
	[tilespmem:$0x1D000] =	vst v63  }
0x134: {  	s21 =	rddreg [dreg:$0xc]  }
0x135: {  	[tilespmem:s29], [sflag:$0x2] =	stream.indirect.gather [hbm4b:s4+s28], $0x80, s21, s28, $0xb8;
	[tilespmem:$0x1D000] =	vst v63  }
0x136: {  	_ =	swait.ge [sflag:s30], $0x3E80  }
0x137: {  	[sflag:s30] =	ssyncset.done $0x0  }
0x138: {  	s21 =	rddreg [dreg:$0xd];
	[sflag:s30] =	ssyncadd.s32 $0xFFFFC180  }
0x139: {  	[spmem:s2] =	stream.indirect.scatter.add.f32 [tilespmem:s24], [sflag:$0x3], $0x80, s21, s28, $0xb8;
	[tilespmem:$0x1D000] =	vst v63  }
0x13a: {  	_ =	swait.ge [sflag:s31], $0x3E80  }
0x13b: {  	[sflag:s31] =	ssyncset.done $0x0  }
0x13c: {  	s21 =	rddreg [dreg:$0xe];
	[sflag:s31] =	ssyncadd.s32 $0xFFFFC180  }
0x13d: {  	[spmem:s2] =	stream.indirect.scatter.add.f32 [tilespmem:s29], [sflag:$0x4], $0x80, s21, s28, $0xb8;
	[tilespmem:$0x1D000] =	vst v63  }
0x13e: {  	_ =	swait.ge [sflag:s1], $0x3E80  }
0x13f: {  	[sflag:s1] =	ssyncset.done $0x0  }
0x140: {  	[sflag:s1] =	ssyncadd.s32 $0xFFFFC180  }
0x141: {  	_ =	swait.ge [sflag:s0], $0x3E80  }
0x142: {  	[sflag:s0] =	ssyncset.done $0x0  }
0x143: {  	s5 =	rddreg [dreg:$0xf];
	[sflag:s0] =	ssyncadd.s32 $0xFFFFC180  }
0x144: {  	[tilespmem:s24], [sflag:$0x1] =	stream.indirect.gather [hbm4b:s4+s28], $0x80, s5, s28, $0xb8;
	[tilespmem:$0x1D000] =	vst v63  }
0x145: {  	s21 =	rddreg [dreg:$0x10]  }
0x146: {  	[tilespmem:s29], [sflag:$0x2] =	stream.indirect.gather [hbm4b:s4+s28], $0x80, s21, s28, $0xb8;
	[tilespmem:$0x1D000] =	vst v63  }
0x147: {  	_ =	swait.ge [sflag:s30], $0x3E80  }
0x148: {  	[sflag:s30] =	ssyncset.done $0x0  }
0x149: {  	s21 =	rddreg [dreg:$0x11];
	[sflag:s30] =	ssyncadd.s32 $0xFFFFC180  }
0x14a: {  	[spmem:s2] =	stream.indirect.scatter.add.f32 [tilespmem:s24], [sflag:$0x3], $0x80, s21, s28, $0xb8;
	[tilespmem:$0x1D000] =	vst v63  }
0x14b: {  	_ =	swait.ge [sflag:s31], $0x3E80  }
0x14c: {  	[sflag:s31] =	ssyncset.done $0x0  }
0x14d: {  	s21 =	rddreg [dreg:$0x12];
	[sflag:s31] =	ssyncadd.s32 $0xFFFFC180  }
0x14e: {  	[spmem:s2] =	stream.indirect.scatter.add.f32 [tilespmem:s29], [sflag:$0x4], $0x80, s21, s28, $0xb8;
	[tilespmem:$0x1D000] =	vst v63  }
0x14f: {  	_ =	swait.ge [sflag:s1], $0x3E80  }
0x150: {  	[sflag:s1] =	ssyncset.done $0x0  }
0x151: {  	[sflag:s1] =	ssyncadd.s32 $0xFFFFC180  }
0x152: {  	_ =	swait.ge [sflag:s0], $0x3E80  }
0x153: {  	[sflag:s0] =	ssyncset.done $0x0  }
0x154: {  	s21 =	rddreg [dreg:$0x13];
	[sflag:s0] =	ssyncadd.s32 $0xFFFFC180  }
0x155: {  	[tilespmem:s24], [sflag:$0x1] =	stream.indirect.gather [hbm4b:s4+s28], $0x80, s21, s28, $0xb8;
	[tilespmem:$0x1D000] =	vst v63  }
0x156: {  	_ = 	snop  }
0x157: {  	[tilespmem:s29], [sflag:$0x2] =	stream.indirect.gather [hbm4b:s4+s28], $0x80, s6, s28, $0xb8;
	[tilespmem:$0x1D000] =	vst v63  }
0x158: {  	_ =	swait.ge [sflag:s30], $0x3E80  }
0x159: {  	[sflag:s30] =	ssyncset.done $0x0  }
0x15a: {  	[sflag:s30] =	ssyncadd.s32 $0xFFFFC180  }
0x15b: {  	[spmem:s2] =	stream.indirect.scatter.add.f32 [tilespmem:s24], [sflag:$0x3], $0x80, s8, s28, $0xb8;
	[tilespmem:$0x1D000] =	vst v63  }
0x15c: {  	_ =	swait.ge [sflag:s31], $0x3E80  }
0x15d: {  	[sflag:s31] =	ssyncset.done $0x0  }
0x15e: {  	[sflag:s31] =	ssyncadd.s32 $0xFFFFC180  }
0x15f: {  	[spmem:s2] =	stream.indirect.scatter.add.f32 [tilespmem:s29], [sflag:$0x4], $0x80, s9, s28, $0xb8;
	[tilespmem:$0x1D000] =	vst v63  }
0x160: {  	_ =	swait.ge [sflag:s1], $0x3E80  }
0x161: {  	[sflag:s1] =	ssyncset.done $0x0  }
0x162: {  	[sflag:s1] =	ssyncadd.s32 $0xFFFFC180  }
0x163: {  	_ =	swait.ge [sflag:s0], $0x3E80  }
0x164: {  	[sflag:s0] =	ssyncset.done $0x0  }
0x165: {  	[sflag:s0] =	ssyncadd.s32 $0xFFFFC180  }
0x166: {  	[tilespmem:s24], [sflag:$0x1] =	stream.indirect.gather [hbm4b:s4+s28], $0x80, s10, s28, $0xb8;
	[tilespmem:$0x1D000] =	vst v63  }
0x167: {  	_ = 	snop  }
0x168: {  	[tilespmem:s29], [sflag:$0x2] =	stream.indirect.gather [hbm4b:s4+s28], $0x80, s11, s28, $0xb8;
	[tilespmem:$0x1D000] =	vst v63  }
0x169: {  	_ =	swait.ge [sflag:s30], $0x3E80  }
0x16a: {  	[sflag:s30] =	ssyncset.done $0x0  }
0x16b: {  	[sflag:s30] =	ssyncadd.s32 $0xFFFFC180  }
0x16c: {  	[spmem:s2] =	stream.indirect.scatter.add.f32 [tilespmem:s24], [sflag:$0x3], $0x80, s12, s28, $0xb8;
	[tilespmem:$0x1D000] =	vst v63  }
0x16d: {  	_ =	swait.ge [sflag:s31], $0x3E80  }
0x16e: {  	[sflag:s31] =	ssyncset.done $0x0  }
0x16f: {  	[sflag:s31] =	ssyncadd.s32 $0xFFFFC180  }
0x170: {  	[spmem:s2] =	stream.indirect.scatter.add.f32 [tilespmem:s29], [sflag:$0x4], $0x80, s13, s28, $0xb8;
	[tilespmem:$0x1D000] =	vst v63  }
0x171: {  	_ =	swait.ge [sflag:s1], $0x3E80  }
0x172: {  	[sflag:s1] =	ssyncset.done $0x0  }
0x173: {  	[sflag:s1] =	ssyncadd.s32 $0xFFFFC180  }
0x174: {  	_ =	swait.ge [sflag:s0], $0x3E80  }
0x175: {  	[sflag:s0] =	ssyncset.done $0x0  }
0x176: {  	[sflag:s0] =	ssyncadd.s32 $0xFFFFC180  }
0x177: {  	[tilespmem:s24], [sflag:$0x1] =	stream.indirect.gather [hbm4b:s4+s28], $0x80, s14, s28, $0xb8;
	[tilespmem:$0x1D000] =	vst v63  }
0x178: {  	_ = 	snop  }
0x179: {  	[tilespmem:s29], [sflag:$0x2] =	stream.indirect.gather [hbm4b:s4+s28], $0x80, s15, s28, $0xb8;
	[tilespmem:$0x1D000] =	vst v63  }
0x17a: {  	_ =	swait.ge [sflag:s30], $0x3E80  }
0x17b: {  	[sflag:s30] =	ssyncset.done $0x0  }
0x17c: {  	[sflag:s30] =	ssyncadd.s32 $0xFFFFC180  }
0x17d: {  	[spmem:s2] =	stream.indirect.scatter.add.f32 [tilespmem:s24], [sflag:$0x3], $0x80, s16, s28, $0xb8;
	[tilespmem:$0x1D000] =	vst v63  }
0x17e: {  	_ =	swait.ge [sflag:s31], $0x3E80  }
0x17f: {  	[sflag:s31] =	ssyncset.done $0x0  }
0x180: {  	[sflag:s31] =	ssyncadd.s32 $0xFFFFC180  }
0x181: {  	[spmem:s2] =	stream.indirect.scatter.add.f32 [tilespmem:s29], [sflag:$0x4], $0x80, s17, s28, $0xb8;
	[tilespmem:$0x1D000] =	vst v63  }
0x182: {  	_ =	swait.ge [sflag:s1], $0x3E80  }
0x183: {  	[sflag:s1] =	ssyncset.done $0x0  }
0x184: {  	[sflag:s1] =	ssyncadd.s32 $0xFFFFC180  }
0x185: {  	_ =	swait.ge [sflag:s0], $0x3E80  }
0x186: {  	[sflag:s0] =	ssyncset.done $0x0  }
0x187: {  	[sflag:s0] =	ssyncadd.s32 $0xFFFFC180  }
0x188: {  	[tilespmem:s24], [sflag:$0x1] =	stream.indirect.gather [hbm4b:s4+s28], $0x80, s18, s28, $0xb8;
	[tilespmem:$0x1D000] =	vst v63  }
0x189: {  	_ = 	snop  }
0x18a: {  	[tilespmem:s29], [sflag:$0x2] =	stream.indirect.gather [hbm4b:s4+s28], $0x80, s19, s28, $0xb8;
	[tilespmem:$0x1D000] =	vst v63  }
0x18b: {  	_ =	swait.ge [sflag:s30], $0x3E80  }
0x18c: {  	[sflag:s30] =	ssyncset.done $0x0  }
0x18d: {  	[sflag:s30] =	ssyncadd.s32 $0xFFFFC180  }
0x18e: {  	[spmem:s2] =	stream.indirect.scatter.add.f32 [tilespmem:s24], [sflag:$0x3], $0x80, s20, s28, $0xb8;
	[tilespmem:$0x1D000] =	vst v63  }
0x18f: {  	_ =	swait.ge [sflag:s31], $0x3E80  }
0x190: {  	[sflag:s31] =	ssyncset.done $0x0  }
0x191: {  	p0 =	sne.s32 s7, $0x400;
	s21 =	simm.s32 $0xF80;
	[sflag:s31] =	ssyncadd.s32 $0xFFFFC180  }
0x192: {  	[spmem:s2] =	stream.indirect.scatter.add.f32 [tilespmem:s29], [sflag:$0x4], $0x80, s21, s28, $0xb8;
	[tilespmem:$0x1D000] =	vst v63  }
.Ltmp0:
0x193: {  	_ =	swait.ge [sflag:s1], $0x3E80;
	(pc) =	sbr.rel @p0 .LBB2_2-.Ltmp0, $4  }
0x194: {  	[sflag:s1] =	ssyncset.done $0x0  }
0x195: {  	[sflag:s1] =	ssyncadd.s32 $0xFFFFC180  }
0x196: {  	_ =	swait.ge [sflag:s0], $0x3E80  }
0x197: {  	s7 =	sadd.s32 $0x100, s7;
	s21 =	rddreg [dreg:$0x4];
	[sflag:s0] =	ssyncset.done $0x0  }
0x198: {  	[sflag:s0] =	ssyncadd.s32 $0xFFFFC180;
	s5 =	sadd.s32 s22, s21  }
0x199: {  	[tilespmem:s3], [sflag:$0x5] =	stream.linear.gather [hbm4b:s5+s3], $0x800, $0x38;
	[tilespmem:$0x1D000] =	vst v63  }
0x19a: {  	_ =	swait.ge [sflag:s25], $0x800  }
0x19b: {  	s21 =	rddreg [dreg:$0x3];
	[sflag:s25] =	ssyncset.done $0x0  }
0x19c: {  	[sflag:s25] =	ssyncadd.s32 $0xFFFFF800;
	s5 =	sadd.s32 s22, s21  }
0x19d: {  	[tilespmem:s26], [sflag:$0x5] =	stream.linear.gather [hbm4b:s5+s3], $0x800, $0x38;
	[tilespmem:$0x1D000] =	vst v63  }
0x19e: {  	_ =	swait.ge [sflag:s25], $0x800  }
0x19f: {  	[sflag:s25] =	ssyncset.done $0x0  }
0x1a0: {  	[sflag:s25] =	ssyncadd.s32 $0xFFFFF800  }
0x1a1: {  	[tilespmem:s24], [sflag:$0x1] =	stream.indirect.gather [hbm4b:s4+s28], $0x80, s3, s28, $0xb8;
	[tilespmem:$0x1D000] =	vst v63  }
0x1a2: {  	s7 =	rddreg [dreg:$0x5]  }
0x1a3: {  	[tilespmem:s29], [sflag:$0x2] =	stream.indirect.gather [hbm4b:s4+s28], $0x80, s7, s28, $0xb8;
	[tilespmem:$0x1D000] =	vst v63  }
0x1a4: {  	_ =	swait.ge [sflag:s30], $0x3E80  }
0x1a5: {  	[sflag:s30] =	ssyncset.done $0x0  }
0x1a6: {  	[sflag:s30] =	ssyncadd.s32 $0xFFFFC180  }
0x1a7: {  	[spmem:s2] =	stream.indirect.scatter.add.f32 [tilespmem:s24], [sflag:$0x3], $0x80, s26, s28, $0xb8;
	[tilespmem:$0x1D000] =	vst v63  }
0x1a8: {  	_ =	swait.ge [sflag:s31], $0x3E80  }
0x1a9: {  	[sflag:s31] =	ssyncset.done $0x0  }
0x1aa: {  	s21 =	rddreg [dreg:$0x6];
	[sflag:s31] =	ssyncadd.s32 $0xFFFFC180  }
0x1ab: {  	[spmem:s2] =	stream.indirect.scatter.add.f32 [tilespmem:s29], [sflag:$0x4], $0x80, s21, s28, $0xb8;
	[tilespmem:$0x1D000] =	vst v63  }
0x1ac: {  	_ =	swait.ge [sflag:s1], $0x3E80  }
0x1ad: {  	[sflag:s1] =	ssyncset.done $0x0  }
0x1ae: {  	[sflag:s1] =	ssyncadd.s32 $0xFFFFC180  }
0x1af: {  	_ =	swait.ge [sflag:s0], $0x3E80  }
0x1b0: {  	[sflag:s0] =	ssyncset.done $0x0  }
0x1b1: {  	s22 =	rddreg [dreg:$0x7];
	[sflag:s0] =	ssyncadd.s32 $0xFFFFC180  }
0x1b2: {  	[tilespmem:s24], [sflag:$0x1] =	stream.indirect.gather [hbm4b:s4+s28], $0x80, s22, s28, $0xb8;
	[tilespmem:$0x1D000] =	vst v63  }
0x1b3: {  	s7 =	rddreg [dreg:$0x8]  }
0x1b4: {  	[tilespmem:s29], [sflag:$0x2] =	stream.indirect.gather [hbm4b:s4+s28], $0x80, s7, s28, $0xb8;
	[tilespmem:$0x1D000] =	vst v63  }
0x1b5: {  	_ =	swait.ge [sflag:s30], $0x3E80  }
0x1b6: {  	[sflag:s30] =	ssyncset.done $0x0  }
0x1b7: {  	s21 =	rddreg [dreg:$0x9];
	[sflag:s30] =	ssyncadd.s32 $0xFFFFC180  }
0x1b8: {  	[spmem:s2] =	stream.indirect.scatter.add.f32 [tilespmem:s24], [sflag:$0x3], $0x80, s21, s28, $0xb8;
	[tilespmem:$0x1D000] =	vst v63  }
0x1b9: {  	_ =	swait.ge [sflag:s31], $0x3E80  }
0x1ba: {  	[sflag:s31] =	ssyncset.done $0x0  }
0x1bb: {  	s22 =	rddreg [dreg:$0xa];
	[sflag:s31] =	ssyncadd.s32 $0xFFFFC180  }
0x1bc: {  	[spmem:s2] =	stream.indirect.scatter.add.f32 [tilespmem:s29], [sflag:$0x4], $0x80, s22, s28, $0xb8;
	[tilespmem:$0x1D000] =	vst v63  }
0x1bd: {  	_ =	swait.ge [sflag:s1], $0x3E80  }
0x1be: {  	[sflag:s1] =	ssyncset.done $0x0  }
0x1bf: {  	[sflag:s1] =	ssyncadd.s32 $0xFFFFC180  }
0x1c0: {  	_ =	swait.ge [sflag:s0], $0x3E80  }
0x1c1: {  	[sflag:s0] =	ssyncset.done $0x0  }
0x1c2: {  	s7 =	rddreg [dreg:$0xb];
	[sflag:s0] =	ssyncadd.s32 $0xFFFFC180  }
0x1c3: {  	[tilespmem:s24], [sflag:$0x1] =	stream.indirect.gather [hbm4b:s4+s28], $0x80, s7, s28, $0xb8;
	[tilespmem:$0x1D000] =	vst v63  }
0x1c4: {  	s21 =	rddreg [dreg:$0xc]  }
0x1c5: {  	[tilespmem:s29], [sflag:$0x2] =	stream.indirect.gather [hbm4b:s4+s28], $0x80, s21, s28, $0xb8;
	[tilespmem:$0x1D000] =	vst v63  }
0x1c6: {  	_ =	swait.ge [sflag:s30], $0x3E80  }
0x1c7: {  	[sflag:s30] =	ssyncset.done $0x0  }
0x1c8: {  	s22 =	rddreg [dreg:$0xd];
	[sflag:s30] =	ssyncadd.s32 $0xFFFFC180  }
0x1c9: {  	[spmem:s2] =	stream.indirect.scatter.add.f32 [tilespmem:s24], [sflag:$0x3], $0x80, s22, s28, $0xb8;
	[tilespmem:$0x1D000] =	vst v63  }
0x1ca: {  	_ =	swait.ge [sflag:s31], $0x3E80  }
0x1cb: {  	[sflag:s31] =	ssyncset.done $0x0  }
0x1cc: {  	s7 =	rddreg [dreg:$0xe];
	[sflag:s31] =	ssyncadd.s32 $0xFFFFC180  }
0x1cd: {  	[spmem:s2] =	stream.indirect.scatter.add.f32 [tilespmem:s29], [sflag:$0x4], $0x80, s7, s28, $0xb8;
	[tilespmem:$0x1D000] =	vst v63  }
0x1ce: {  	_ =	swait.ge [sflag:s1], $0x3E80  }
0x1cf: {  	[sflag:s1] =	ssyncset.done $0x0  }
0x1d0: {  	[sflag:s1] =	ssyncadd.s32 $0xFFFFC180  }
0x1d1: {  	_ =	swait.ge [sflag:s0], $0x3E80  }
0x1d2: {  	[sflag:s0] =	ssyncset.done $0x0  }
0x1d3: {  	s21 =	rddreg [dreg:$0xf];
	[sflag:s0] =	ssyncadd.s32 $0xFFFFC180  }
0x1d4: {  	[tilespmem:s24], [sflag:$0x1] =	stream.indirect.gather [hbm4b:s4+s28], $0x80, s21, s28, $0xb8;
	[tilespmem:$0x1D000] =	vst v63  }
0x1d5: {  	s22 =	rddreg [dreg:$0x10]  }
0x1d6: {  	[tilespmem:s29], [sflag:$0x2] =	stream.indirect.gather [hbm4b:s4+s28], $0x80, s22, s28, $0xb8;
	[tilespmem:$0x1D000] =	vst v63  }
0x1d7: {  	_ =	swait.ge [sflag:s30], $0x3E80  }
0x1d8: {  	[sflag:s30] =	ssyncset.done $0x0  }
0x1d9: {  	s21 =	rddreg [dreg:$0x11];
	[sflag:s30] =	ssyncadd.s32 $0xFFFFC180  }
0x1da: {  	[spmem:s2] =	stream.indirect.scatter.add.f32 [tilespmem:s24], [sflag:$0x3], $0x80, s21, s28, $0xb8;
	[tilespmem:$0x1D000] =	vst v63  }
0x1db: {  	_ =	swait.ge [sflag:s31], $0x3E80  }
0x1dc: {  	[sflag:s31] =	ssyncset.done $0x0  }
0x1dd: {  	s22 =	rddreg [dreg:$0x12];
	[sflag:s31] =	ssyncadd.s32 $0xFFFFC180  }
0x1de: {  	[spmem:s2] =	stream.indirect.scatter.add.f32 [tilespmem:s29], [sflag:$0x4], $0x80, s22, s28, $0xb8;
	[tilespmem:$0x1D000] =	vst v63  }
0x1df: {  	_ =	swait.ge [sflag:s1], $0x3E80  }
0x1e0: {  	[sflag:s1] =	ssyncset.done $0x0  }
0x1e1: {  	[sflag:s1] =	ssyncadd.s32 $0xFFFFC180  }
0x1e2: {  	_ =	swait.ge [sflag:s0], $0x3E80  }
0x1e3: {  	[sflag:s0] =	ssyncset.done $0x0  }
0x1e4: {  	s7 =	rddreg [dreg:$0x13];
	[sflag:s0] =	ssyncadd.s32 $0xFFFFC180  }
0x1e5: {  	[tilespmem:s24], [sflag:$0x1] =	stream.indirect.gather [hbm4b:s4+s28], $0x80, s7, s28, $0xb8;
	[tilespmem:$0x1D000] =	vst v63  }
0x1e6: {  	_ = 	snop  }
0x1e7: {  	[tilespmem:s29], [sflag:$0x2] =	stream.indirect.gather [hbm4b:s4+s28], $0x80, s6, s28, $0xb8;
	[tilespmem:$0x1D000] =	vst v63  }
0x1e8: {  	_ =	swait.ge [sflag:s30], $0x3E80  }
0x1e9: {  	[sflag:s30] =	ssyncset.done $0x0  }
0x1ea: {  	[sflag:s30] =	ssyncadd.s32 $0xFFFFC180  }
0x1eb: {  	[spmem:s2] =	stream.indirect.scatter.add.f32 [tilespmem:s24], [sflag:$0x3], $0x80, s8, s28, $0xb8;
	[tilespmem:$0x1D000] =	vst v63  }
0x1ec: {  	_ =	swait.ge [sflag:s31], $0x3E80  }
0x1ed: {  	[sflag:s31] =	ssyncset.done $0x0  }
0x1ee: {  	[sflag:s31] =	ssyncadd.s32 $0xFFFFC180  }
0x1ef: {  	[spmem:s2] =	stream.indirect.scatter.add.f32 [tilespmem:s29], [sflag:$0x4], $0x80, s9, s28, $0xb8;
	[tilespmem:$0x1D000] =	vst v63  }
0x1f0: {  	_ =	swait.ge [sflag:s1], $0x3E80  }
0x1f1: {  	[sflag:s1] =	ssyncset.done $0x0  }
0x1f2: {  	[sflag:s1] =	ssyncadd.s32 $0xFFFFC180  }
0x1f3: {  	_ =	swait.ge [sflag:s0], $0x3E80  }
0x1f4: {  	[sflag:s0] =	ssyncset.done $0x0  }
0x1f5: {  	[sflag:s0] =	ssyncadd.s32 $0xFFFFC180  }
0x1f6: {  	[tilespmem:s24], [sflag:$0x1] =	stream.indirect.gather [hbm4b:s4+s28], $0x80, s10, s28, $0xb8;
	[tilespmem:$0x1D000] =	vst v63  }
0x1f7: {  	_ = 	snop  }
0x1f8: {  	[tilespmem:s29], [sflag:$0x2] =	stream.indirect.gather [hbm4b:s4+s28], $0x80, s11, s28, $0xb8;
	[tilespmem:$0x1D000] =	vst v63  }
0x1f9: {  	_ =	swait.ge [sflag:s30], $0x3E80  }
0x1fa: {  	[sflag:s30] =	ssyncset.done $0x0  }
0x1fb: {  	[sflag:s30] =	ssyncadd.s32 $0xFFFFC180  }
0x1fc: {  	[spmem:s2] =	stream.indirect.scatter.add.f32 [tilespmem:s24], [sflag:$0x3], $0x80, s12, s28, $0xb8;
	[tilespmem:$0x1D000] =	vst v63  }
0x1fd: {  	_ =	swait.ge [sflag:s31], $0x3E80  }
0x1fe: {  	[sflag:s31] =	ssyncset.done $0x0  }
0x1ff: {  	[sflag:s31] =	ssyncadd.s32 $0xFFFFC180  }
0x200: {  	[spmem:s2] =	stream.indirect.scatter.add.f32 [tilespmem:s29], [sflag:$0x4], $0x80, s13, s28, $0xb8;
	[tilespmem:$0x1D000] =	vst v63  }
0x201: {  	_ =	swait.ge [sflag:s1], $0x3E80  }
0x202: {  	[sflag:s1] =	ssyncset.done $0x0  }
0x203: {  	[sflag:s1] =	ssyncadd.s32 $0xFFFFC180  }
0x204: {  	_ =	swait.ge [sflag:s0], $0x3E80  }
0x205: {  	[sflag:s0] =	ssyncset.done $0x0  }
0x206: {  	[sflag:s0] =	ssyncadd.s32 $0xFFFFC180  }
0x207: {  	[tilespmem:s24], [sflag:$0x1] =	stream.indirect.gather [hbm4b:s4+s28], $0x80, s14, s28, $0xb8;
	[tilespmem:$0x1D000] =	vst v63  }
0x208: {  	_ = 	snop  }
0x209: {  	[tilespmem:s29], [sflag:$0x2] =	stream.indirect.gather [hbm4b:s4+s28], $0x80, s15, s28, $0xb8;
	[tilespmem:$0x1D000] =	vst v63  }
0x20a: {  	_ =	swait.ge [sflag:s30], $0x3E80  }
0x20b: {  	[sflag:s30] =	ssyncset.done $0x0  }
0x20c: {  	[sflag:s30] =	ssyncadd.s32 $0xFFFFC180  }
0x20d: {  	[spmem:s2] =	stream.indirect.scatter.add.f32 [tilespmem:s24], [sflag:$0x3], $0x80, s16, s28, $0xb8;
	[tilespmem:$0x1D000] =	vst v63  }
0x20e: {  	_ =	swait.ge [sflag:s31], $0x3E80  }
0x20f: {  	[sflag:s31] =	ssyncset.done $0x0  }
0x210: {  	[sflag:s31] =	ssyncadd.s32 $0xFFFFC180  }
0x211: {  	[spmem:s2] =	stream.indirect.scatter.add.f32 [tilespmem:s29], [sflag:$0x4], $0x80, s17, s28, $0xb8;
	[tilespmem:$0x1D000] =	vst v63  }
0x212: {  	_ =	swait.ge [sflag:s1], $0x3E80  }
0x213: {  	[sflag:s1] =	ssyncset.done $0x0  }
0x214: {  	[sflag:s1] =	ssyncadd.s32 $0xFFFFC180  }
0x215: {  	_ =	swait.ge [sflag:s0], $0x3E80  }
0x216: {  	[sflag:s0] =	ssyncset.done $0x0  }
0x217: {  	[sflag:s0] =	ssyncadd.s32 $0xFFFFC180  }
0x218: {  	[tilespmem:s24], [sflag:$0x1] =	stream.indirect.gather [hbm4b:s4+s28], $0x80, s18, s28, $0xb8;
	[tilespmem:$0x1D000] =	vst v63  }
0x219: {  	_ = 	snop  }
0x21a: {  	[tilespmem:s29], [sflag:$0x2] =	stream.indirect.gather [hbm4b:s4+s28], $0x80, s19, s28, $0xb8;
	[tilespmem:$0x1D000] =	vst v63  }
0x21b: {  	_ =	swait.ge [sflag:s30], $0x3E80  }
0x21c: {  	[sflag:s30] =	ssyncset.done $0x0  }
0x21d: {  	[sflag:s30] =	ssyncadd.s32 $0xFFFFC180  }
0x21e: {  	[spmem:s2] =	stream.indirect.scatter.add.f32 [tilespmem:s24], [sflag:$0x3], $0x80, s20, s28, $0xb8;
	[tilespmem:$0x1D000] =	vst v63  }
0x21f: {  	_ =	swait.ge [sflag:s31], $0x3E80  }
0x220: {  	[sflag:s31] =	ssyncset.done $0x0  }
0x221: {  	s21 =	simm.s32 $0xF80;
	[sflag:s31] =	ssyncadd.s32 $0xFFFFC180  }
0x222: {  	[spmem:s2] =	stream.indirect.scatter.add.f32 [tilespmem:s29], [sflag:$0x4], $0x80, s21, s28, $0xb8;
	[tilespmem:$0x1D000] =	vst v63  }
0x223: {  	_ =	swait.ge [sflag:s1], $0x3E80  }
0x224: {  	[sflag:s1] =	ssyncset.done $0x0  }
0x225: {  	[sflag:s1] =	ssyncadd.s32 $0xFFFFC180  }
0x226: {  	_ =	swait.ge [sflag:s0], $0x3E80  }
0x227: {  	[sflag:s0] =	ssyncset.done $0x0  }
0x228: {  	[sflag:s0] =	ssyncadd.s32 $0xFFFFC180  }
0x229: {  	[bflag:$0x0] =	sbarrier.arrive $0xFFFF  }
0x22a: {  	s21 =	rddreg [dreg:$0x16]  }
0x22b: {  	[tilespmem:s24], [sflag:$0x5] =	stream.linear.gather [spmem:s21], $0x1400, $0x38;
	[tilespmem:$0x1D000] =	vst v63  }
0x22c: {  	_ =	swait.ge [sflag:s25], $0x1400  }
0x22d: {  	[sflag:s25] =	ssyncset.done $0x0  }
0x22e: {  	s22 =	sadd.s32 $0x0, s23;
	[sflag:s25] =	ssyncadd.s32 $0xFFFFEC00  }
0x22f: {  	[hbm4b:s22+s3] =	stream.linear.scatter [tilespmem:s24], [sflag:$0x5], $0x1400, $0x38;
	[tilespmem:$0x1D000] =	vst v63  }
0x230: {  	_ =	swait.ge [sflag:s25], $0x1400  }
0x231: {  	s7 =	simm.s32 $0x280;
	s22 =	smov.u32 s21;
	[sflag:s25] =	ssyncset.done $0x0  }
.LBB2_4:
0x232: {  	p0 =	sne.s32 s7, $0x2580;
	[sflag:s25] =	ssyncadd.s32 $0xFFFFEC00;
	s22 =	sadd.s32 $0x1400, s22  }
0x233: {  	[tilespmem:s24], [sflag:$0x5] =	stream.linear.gather [spmem:s22], $0x1400, $0x38;
	[tilespmem:$0x1D000] =	vst v63  }
0x234: {  	s5 =	smov.u32 s7;
	s7 =	sadd.s32 $0x280, s7;
	_ =	swait.ge [sflag:s25], $0x1400  }
.Ltmp1:
0x235: {  	[sflag:s25] =	ssyncset.done $0x0;
	(pc) =	sbr.rel @p0 .LBB2_4-.Ltmp1, $4  }
0x236: {  	s5 =	sadd.s32 s5, s23;
	[sflag:s25] =	ssyncadd.s32 $0xFFFFEC00  }
0x237: {  	[hbm4b:s5+s3] =	stream.linear.scatter [tilespmem:s24], [sflag:$0x5], $0x1400, $0x38;
	[tilespmem:$0x1D000] =	vst v63  }
0x238: {  	_ =	swait.ge [sflag:s25], $0x1400  }
0x239: {  	[sflag:s25] =	ssyncset.done $0x0  }
0x23a: {  	s7 =	sld [smem:$0x7F7];
	_ =	sdelay $0x2  }
0x23b: {  	s5 =	rddreg [dreg:$0x15];
	s7 =	sadd.s32 $0x1, s7  }
0x23c: {  	[sflag:s25] =	ssyncadd.s32 $0xFFFFEC00;
	s6 =	simm.s32 $0x480;
	p0 =	sne.s32 s7, s5  }
.Ltmp2:
0x23d: {  	s8 =	simm.s32 $0xC00;
	s9 =	simm.s32 $0xC80;
	(pc) =	sbr.rel @p0 .LBB2_1-.Ltmp2, $4  }
0x23e: {  	s10 =	simm.s32 $0x500;
	s11 =	simm.s32 $0x580;
	s12 =	simm.s32 $0xD00  }
0x23f: {  	s13 =	simm.s32 $0xD80;
	s14 =	simm.s32 $0x600;
	s15 =	simm.s32 $0x680  }
0x240: {  	s16 =	simm.s32 $0xE00;
	s17 =	simm.s32 $0xE80;
	s18 =	simm.s32 $0x700  }
0x241: {  	s19 =	simm.s32 $0x780;
	s20 =	simm.s32 $0xF00;
	s22 =	simm.s32 $0xF80  }
0x242: {  	_ =	sfence.sel $0x180000  }
0x243: {  	[bflag:$0x0] =	sbarrier.arrive $0xFFFF  }
0x244: {  	_ =	strace $0x9000004D  }
0x245: {  	s0 =	stileid.u32;
	[bflag:$0x2] =	sbarrier.arrive $0xFFFF  }
0x246: {  	p0 =	sne.s32 s0, $0x0;
	s0 =	rddreg [dreg:$0x2]  }
0x247: {  	s0 =	sadd.s32 @!p0 $0x100000, s0  }
0x248: {  	[sflag:s0] =	ssyncadd.tile.s32 @!p0 $0x1;
	_ =	shalt  }
.Lfunc_end2:
_tile_overlayer_lowered:
.L_overlay_start_2:
0x249: {  	(tag) =	ssettag $0x2  }
0x24a: {  	s0 =	rddreg [dreg:$0x0];
	s2 =	stileid.u32  }
0x24b: {  	s1 =	rddreg [dreg:$0x1];
	p0 =	sne.s32 s2, $0x0  }
0x24c: {  	s3 =	rddreg [dreg:$0x2];
	[bflag:$0x3] =	sbarrier.arrive $0xFFFF;
	s2 =	simm.s32 @!p0 $0x1C05  }
0x24d: {  	[timem:s3], [sflag:s2] =	dma.local @!p0 [hbm:s0], s1  }
0x24e: {  	s0 =	simm.s32 @!p0 $0x5  }
0x24f: {  	_ =	swait.ge @!p0 [sflag:s0], s1  }
0x250: {  	s1 =	ssub.s32 @!p0 $0x0, s1;
	[sflag:s0] =	ssyncset.done @!p0 $0x0  }
0x251: {  	[sflag:s0] =	ssyncadd.s32 @!p0 s1  }
0x252: {  	[bflag:$0x3] =	sbarrier.arrive $0xFFFF  }
0x253: {  	_ =	shalt  }

// kernel: kernel.19.cloned.1.call-start
scs
__scs_entry_jumppad:
0x0: {  	(pc) =	sbr.rel $0x88, $3  }
0x1: {  	(tag) =	ssettag $0x0;
	lr =	simm.s32 $0x1  }
0x2: {  	[smem:$0x3F93] =	sst lr;
	_ =	strace $0xD0000000  }
0x3: {  	_ = 	snop  }
0x4: {  	_ = 	snop  }
0x5: {  	_ = 	snop  }
0x6: {  	_ = 	snop  }
0x7: {  	_ = 	snop  }
__scs_overlays_trampoline_lowered:
0x8: {  	[smem:$0x3FA2] =	sst s0  }
0x9: {  	[smem:$0x3FA3] =	sst s1  }
0xa: {  	[smem:$0x3FA4] =	sst s2  }
0xb: {  	[smem:$0x3FA5] =	sst s3  }
0xc: {  	[smem:$0x3FA6] =	sst s4  }
0xd: {  	[smem:$0x3FA7] =	sst s5  }
0xe: {  	[smem:$0x3FA8] =	sst s6  }
0xf: {  	[smem:$0x3FA9] =	sst s7  }
0x10: {  	[smem:$0x3FAA] =	sst s8  }
0x11: {  	[smem:$0x3FAB] =	sst s9;
	s0 =	simm.s32 @!p0 $0x0  }
0x12: {  	s1 =	sld [smem:$0x3F91];
	s0 =	simm.s32 @p0 $0x1  }
0x13: {  	[smem:$0x3FAC] =	sst s0;
	s0 =	simm.s32 @!p1 $0x0  }
0x14: {  	s2 =	sld [smem:$0x3F90];
	s0 =	simm.s32 @p1 $0x1  }
0x15: {  	[smem:$0x3FAD] =	sst s0;
	s0 =	simm.s32 @!p2 $0x0  }
0x16: {  	s3 =	sld [smem:$0x3FDB];
	s0 =	simm.s32 @p2 $0x1  }
0x17: {  	s4 =	simm.s32 $0x1BF5;
	[smem:$0x3FAF] =	sst s0  }
0x18: {  	s0 =	sld [smem:$0x3F92];
	_ =	swait.ge [sflag:s4], $0x0  }
0x19: {  	s7 =	sld [smem:$0x3F93]  }
0x1a: {  	s8 =	sadd.s32 $0xFFFFE003, lr  }
0x1b: {  	s9 =	sadd.s32 $0xFFFFFEF7, lr;
	s5 =	simm.s32 $0xFFFFFFFF;
	p2 =	slt.u32 s8, $0xFFFFF086  }
0x1c: {  	p1 =	slt.u32 s9, $0xF7A;
	s5 =	simm.s32 @!p2 $0x0  }
0x1d: {  	s5 =	simm.s32 @p1 $0x1;
	p0 =	seq.s32 s7, s2  }
0x1e: {  	s7 =	smul.u32 @!p0 $0xF7A, s2;
	p2 =	seq.s32 @!p0 s5, $0x0  }
0x1f: {  	s9 =	smul.u32 $0xF7A, s1;
	s8 =	simm.s32 @!p0 $0x1BF5;
	p2 =	por !p2, p0  }
0x20: {  	[sflag:s8] =	ssyncset.s32 @!p0 $0xFFFFF086;
	s6 =	sadd.s32 @!p0 s3, s7;
	s7 =	simm.s32 @!p0 $0x108  }
0x21: {  	s3 =	sadd.s32 s3, s9;
	s6 =	sadd.s32 @!p0 $0x88, s6;
	s7 =	simm.s32 @p2 $0x1082  }
0x22: {  	[simem:s7], [sflag:s8] =	dma.local @!p0 [hbm:s6], $0xF7A  }
0x23: {  	s9 =	sor.u32 $0xD0000000, s2;
	s6 =	simm.s32 $0x108;
	_ =	swait.ge @!p0 [sflag:s8], $0x0  }
0x24: {  	s3 =	sadd.s32 $0x88, s3;
	s6 =	simm.s32 @!p1 $0x1082;
	[sflag:s4] =	ssyncset.s32 $0xFFFFF086  }
0x25: {  	[simem:s6], [sflag:s4] =	dma.local [hbm:s3], $0xF7A  }
0x26: {  	[smem:$0x3F93] =	sst s1;
	(tag) =	ssettag s2;
	_ =	strace s9  }
0x27: {  	s1 =	sld [smem:$0x3FA3]  }
0x28: {  	s2 =	sld [smem:$0x3FA4]  }
0x29: {  	s4 =	sld [smem:$0x3FA6]  }
0x2a: {  	p0 =	seq.s32 s5, $0x0;
	s5 =	sld [smem:$0x3FA7]  }
0x2b: {  	s6 =	sld [smem:$0x3FA8]  }
0x2c: {  	s7 =	sld [smem:$0x3FA9]  }
0x2d: {  	s3 =	simm.s32 $0x108;
	s8 =	sld [smem:$0x3FAA]  }
0x2e: {  	s3 =	simm.s32 @!p0 $0x1082;
	s9 =	sld [smem:$0x3FAB]  }
0x2f: {  	lr =	sadd.s32 s0, s3;
	s0 =	sld [smem:$0x3FA2]  }
0x30: {  	s3 =	sld [smem:$0x3FA5]  }
0x31: {  	[smem:$0x3FAE] =	sst s10  }
0x32: {  	s10 =	sld [smem:$0x3FAC];
	_ =	sdelay $0x3  }
0x33: {  	p0 =	seq.s32 s10, $0x1;
	s10 =	sld [smem:$0x3FAE];
	_ =	sdelay $0x3  }
0x34: {  	[smem:$0x3FAE] =	sst s10  }
0x35: {  	s10 =	sld [smem:$0x3FAD];
	_ =	sdelay $0x3  }
0x36: {  	p1 =	seq.s32 s10, $0x1;
	s10 =	sld [smem:$0x3FAE];
	_ =	sdelay $0x3  }
0x37: {  	[smem:$0x3FAE] =	sst s10  }
0x38: {  	s10 =	sld [smem:$0x3FAF]  }
0x39: {  	_ = 	snop;
	(pc) =	sbr.ind lr, $3  }
0x3a: {  	_ = 	snop  }
0x3b: {  	_ = 	snop  }
0x3c: {  	p2 =	seq.s32 s10, $0x1;
	s10 =	sld [smem:$0x3FAE]  }
0x3d: {  	_ =	shalt  }
0x3e: {  	_ =	shalt  }
0x3f: {  	_ =	shalt  }
0x40: {  	_ =	shalt  }
0x41: {  	_ =	shalt  }
0x42: {  	_ =	shalt  }
0x43: {  	_ =	shalt  }
0x44: {  	_ =	shalt  }
0x45: {  	_ =	shalt  }
0x46: {  	_ =	shalt  }
0x47: {  	_ =	shalt  }
0x48: {  	_ =	shalt  }
0x49: {  	_ =	shalt  }
0x4a: {  	_ =	shalt  }
0x4b: {  	_ =	shalt  }
0x4c: {  	_ =	shalt  }
0x4d: {  	_ =	shalt  }
0x4e: {  	_ =	shalt  }
0x4f: {  	_ =	shalt  }
0x50: {  	_ =	shalt  }
0x51: {  	_ =	shalt  }
0x52: {  	_ =	shalt  }
0x53: {  	_ =	shalt  }
0x54: {  	_ =	shalt  }
0x55: {  	_ =	shalt  }
0x56: {  	_ =	shalt  }
0x57: {  	_ =	shalt  }
0x58: {  	_ =	shalt  }
0x59: {  	_ =	shalt  }
0x5a: {  	_ =	shalt  }
0x5b: {  	_ =	shalt  }
0x5c: {  	_ =	shalt  }
0x5d: {  	_ =	shalt  }
0x5e: {  	_ =	shalt  }
0x5f: {  	_ =	shalt  }
0x60: {  	_ =	shalt  }
0x61: {  	_ =	shalt  }
0x62: {  	_ =	shalt  }
0x63: {  	_ =	shalt  }
0x64: {  	_ =	shalt  }
0x65: {  	_ =	shalt  }
0x66: {  	_ =	shalt  }
0x67: {  	_ =	shalt  }
0x68: {  	_ =	shalt  }
0x69: {  	_ =	shalt  }
0x6a: {  	_ =	shalt  }
0x6b: {  	_ =	shalt  }
0x6c: {  	_ =	shalt  }
0x6d: {  	_ =	shalt  }
0x6e: {  	_ =	shalt  }
0x6f: {  	_ =	shalt  }
0x70: {  	_ =	shalt  }
0x71: {  	_ =	shalt  }
0x72: {  	_ =	shalt  }
0x73: {  	_ =	shalt  }
0x74: {  	_ =	shalt  }
0x75: {  	_ =	shalt  }
0x76: {  	_ =	shalt  }
0x77: {  	_ =	shalt  }
0x78: {  	_ =	shalt  }
0x79: {  	_ =	shalt  }
0x7a: {  	_ =	shalt  }
0x7b: {  	_ =	shalt  }
0x7c: {  	_ =	shalt  }
0x7d: {  	_ =	shalt  }
0x7e: {  	_ =	shalt  }
0x7f: {  	_ =	shalt  }
0x80: {  	_ =	shalt  }
0x81: {  	_ =	shalt  }
0x82: {  	_ =	shalt  }
0x83: {  	_ =	shalt  }
0x84: {  	_ =	shalt  }
0x85: {  	_ =	shalt  }
0x86: {  	_ =	shalt  }
0x87: {  	_ =	shalt  }
.Lfunc_end0:
.L_simem_size_0:
called_computation.3_lowered:
.L_overlay_start_0:
0x88: {  	s2 =	sld [smem:$0x3FD9]  }
0x89: {  	s3 =	sld [smem:$0x3FFE];
	_ =	sdelay $0x1  }
0x8a: {  	s1 =	srdreg.scid  }
0x8b: {  	s0 =	sand.u32 $0x1, s1  }
0x8c: {  	s16 =	sshll.u32 s0, $0xA;
	s2 =	sadd.s32 s3, s2  }
0x8d: {  	s2 =	sadd.s32 s2, s16  }
0x8e: {  	[smem:$0x3FBA] =	sst s2  }
0x8f: {  	_ = 	snop  }
0x90: {  	(tm) =	ssettm $0x1  }
0x91: {  	s17 =	sld [smem:$0x3FFB];
	_ =	sdelay $0x3  }
0x92: {  	_ =	strace s17  }
0x93: {  	s2 =	sld [smem:$0x3FFC];
	_ =	sdelay $0x3  }
0x94: {  	_ =	strace s2  }
0x95: {  	s2 =	sld [smem:$0x3FFD];
	_ =	sdelay $0x3  }
0x96: {  	_ =	strace s2  }
0x97: {  	_ =	strace $0x8FFFFFFF  }
0x98: {  	s18 =	sld [smem:$0x3FDB];
	_ =	sdelay $0x1  }
0x99: {  	s19 =	simm.s32 $_scs_section_size  }
0x9a: {  	s4 =	simm.s32 $_size__tile_overlayer_lowered;
	s5 =	simm.s32 $_tile_overlayer_lowered  }
0x9b: {  	s22 =	simm.s32 $0x1BFF;
	s21 =	sshll.u32 s5, $0x1;
	s2 =	sadd.s32 s19, s18  }
0x9c: {  	s6 =	simm.s32 $0x0;
	s20 =	sshll.u32 s4, $0x1;
	s4 =	sadd.s32 s21, s2  }
0x9d: {  	[timem:s6], [sflag:s22] =	dma.local [hbm:s4], s20  }
0x9e: {  	_ =	swait.ge [sflag:s22], s20  }
0x9f: {  	s3 =	ssub.s32 $0x0, s20;
	[sflag:s22] =	ssyncset.done $0x0  }
0xa0: {  	[sflag:s22] =	ssyncadd.s32 s3;
	_ =	sdelay $0x1  }
0xa1: {  	s23 =	simm.s32 $0x1B8B  }
0xa2: {  	_ =	swait.ge [sflag:s23], $0x1  }
0xa3: {  	[sflag:s23] =	ssyncset.done $0x0  }
0xa4: {  	s25 =	simm.s32 $0x1B8E;
	s24 =	sld [smem:$0x3FFE];
	[sflag:s23] =	ssyncadd.s32 $0xFFFFFFFF  }
0xa5: {  	s26 =	simm.s32 $execute0_lowered;
	[smem:$0x3FD2] =	sst s25  }
0xa6: {  	s4 =	sshll.u32 s26, $0x1;
	_ =	strace $0x8000004F;
	[dreg:$0x1] =	wrdreg $0xFFFFFFFF  }
0xa7: {  	s28 =	simm.s32 $_size_execute0_lowered;
	s2 =	sadd.s32 s2, s4;
	[dreg:$0x0] =	wrdreg $0x0  }
0xa8: {  	s4 =	sshll.u32 s28, $0x1;
	[dreg:$0x2] =	wrdreg s2  }
0xa9: {  	[dreg:$0x3] =	wrdreg s4  }
0xaa: {  	[dreg:$0x4] =	wrdreg $0xC0  }
0xab: {  	_ =	task [dreg:s6], $0x5FFFF  }
0xac: {  	[dreg:$0x1] =	wrdreg $0xFFFFFFFF  }
0xad: {  	[dreg:$0x0] =	wrdreg $0x60  }
0xae: {  	[dreg:$0x2] =	wrdreg s24  }
0xaf: {  	[dreg:$0x3] =	wrdreg $0x90000  }
0xb0: {  	[dreg:$0x4] =	wrdreg $0x9  }
0xb1: {  	_ =	task.clear_ibuf [dreg:s6], $0x5FFFF;
	_ =	strace $0x9000004F  }
0xb2: {  	s29 =	simm.s32 $0x9;
	_ =	strace $0x80000051  }
0xb3: {  	_ =	swait.ge [sflag:s29], $0x1  }
0xb4: {  	[sflag:s29] =	ssyncadd.s32 $0xFFFFFFFF  }
0xb5: {  	_ =	strace $0x90000051  }
0xb6: {  	_ =	sfence  }
0xb7: {  	s30 =	sld [smem:$0x0];
	_ =	sdelay $0x2  }
0xb8: {  	s31 =	sshll.u32 s1, $0xD;
	s1 =	sshrl.u32 s1, $0x2  }
0xb9: {  	s3 =	sand.u32 $0x4000, s31;
	s1 =	sadd.s32 s1, s30  }
0xba: {  	s0 =	sor.u32 s3, s0;
	s1 =	sshll.u32 s1, $0x11  }
0xbb: {  	s0 =	sor.u32 s1, s0  }
0xbc: {  	s0 =	sadd.s32 $0x8F2B, s0  }
0xbd: {  	[sflag:s0] =	ssyncadd.remote.s32 $0x1  }
0xbe: {  	_ =	sfence.sel $0xFFFF  }
0xbf: {  	[dreg:$0x0] =	wrdreg $0xFFFFFFFF;
	(pc) =	sbr.abs _section_cstart, $3  }
0xc0: {  	[dreg:$0x1] =	wrdreg $0xFFFFFFFF  }
0xc1: {  	_ =	task.clear_ibuf [dreg:s6], $0x2FFFF;
	_ =	strace $0x9FFFFFFF  }
0xc2: {  	(tm) =	ssettm $0x7FFFFFFF  }
0xc3: {  	_ =	shalt  }
tec
execute0_lowered:
.L_overlay_start_1:
0x0: {  	(tag) =	ssettag $0x1  }
0x1: {  	s0 =	srdreg.scid  }
0x2: {  	s8 =	stileid.u32;
	s1 =	rddreg [dreg:$0x0]  }
0x3: {  	s2 =	rddreg [dreg:$0x1];
	s3 =	simm.s32 $0x0;
	s17 =	simm.s32 $0x80  }
0x4: {  	s19 =	simm.s32 $0x880;
	[smem:$0x7FF] =	sst s3;
	s9 =	sadd.s32 $0x16800, s1  }
0x5: {  	s22 =	simm.s32 $0x100;
	_ =	strace $0x80000050;
	[dreg:$0x14] =	wrdreg s9  }
0x6: {  	s24 =	simm.s32 $0x180;
	s26 =	simm.s32 $0x900;
	[dreg:$0x5] =	wrdreg s17  }
0x7: {  	s11 =	simm.s32 $0x280;
	s28 =	simm.s32 $0x7D;
	[dreg:$0x6] =	wrdreg s19  }
0x8: {  	s29 =	simm.s32 $0x5000;
	s30 =	simm.s32 $0x1;
	[dreg:$0x7] =	wrdreg s22  }
0x9: {  	s31 =	simm.s32 $0x2;
	s4 =	smul.u32 $0x5000, s8;
	[dreg:$0x8] =	wrdreg s24  }
0xa: {  	s0 =	sand.u32 $0x1, s0;
	s7 =	smul.u32 $0x14000, s8;
	[dreg:$0x9] =	wrdreg s26  }
0xb: {  	s8 =	smul.u32 $0x50000, s8;
	s9 =	simm.s32 $0x200;
	[dreg:$0xc] =	wrdreg s11  }
0xc: {  	s5 =	smul.u32 $0x2800, s0;
	s17 =	simm.s32 $0x300;
	[dreg:$0xb] =	wrdreg s9  }
0xd: {  	s6 =	smul.u32 $0x140000, s0;
	s19 =	simm.s32 $0x380;
	[dreg:$0xf] =	wrdreg s17  }
0xe: {  	s0 =	ssub.s32 $0x2, s0;
	s22 =	simm.s32 $0xB00;
	[dreg:$0x10] =	wrdreg s19  }
0xf: {  	s24 =	simm.s32 $0xB80;
	s26 =	simm.s32 $0x400;
	[dreg:$0x11] =	wrdreg s22  }
0x10: {  	s11 =	simm.s32 $0x580;
	s12 =	sshrl.u32 s0, $0x1;
	[dreg:$0x12] =	wrdreg s24  }
0x11: {  	s13 =	sshrl.u32 s8, $0x2;
	s24 =	simm.s32 $0x1000;
	[dreg:$0x13] =	wrdreg s26  }
0x12: {  	s26 =	simm.s32 $0x800;
	s6 =	sadd.s32 s7, s6;
	s7 =	simm.s32 $0x980  }
0x13: {  	s21 =	sadd.s32 s13, s2;
	s13 =	simm.s32 $0xA00;
	[dreg:$0xa] =	wrdreg s7  }
0x14: {  	s9 =	simm.s32 $0xC80;
	s0 =	ssub.s32 s0, s12;
	[dreg:$0xd] =	wrdreg s13  }
0x15: {  	s17 =	simm.s32 $0xE80;
	s0 =	smax.u32 s0, $0x1;
	[dreg:$0x16] =	wrdreg s21  }
0x16: {  	s19 =	simm.s32 $0x780;
	s16 =	sadd.s32 $0x1400, s21;
	[dreg:$0x15] =	wrdreg s0  }
0x17: {  	s22 =	simm.s32 $0xF80;
	s18 =	sadd.s32 $0x2800, s21;
	[dreg:$0x17] =	wrdreg s16  }
0x18: {  	s5 =	sadd.s32 s5, s4;
	s20 =	sadd.s32 $0x3C00, s21;
	[dreg:$0x18] =	wrdreg s18  }
0x19: {  	s4 =	sadd.s32 $0x16C00, s1;
	s23 =	sadd.s32 $0x5000, s21;
	[dreg:$0x19] =	wrdreg s20  }
0x1a: {  	s5 =	sshrl.u32 s5, $0x3;
	s25 =	sadd.s32 $0x6400, s21;
	[dreg:$0x1a] =	wrdreg s23  }
0x1b: {  	s6 =	sshrl.u32 s6, $0x3;
	s8 =	sadd.s32 $0x8C00, s21;
	[dreg:$0x1b] =	wrdreg s25  }
0x1c: {  	s10 =	sadd.s32 $0xA000, s21;
	s12 =	sadd.s32 $0xB400, s21;
	[dreg:$0x1d] =	wrdreg s8  }
0x1d: {  	s13 =	simm.s32 $0xD80;
	s5 =	sadd.s32 s5, s1;
	[dreg:$0x1e] =	wrdreg s10  }
0x1e: {  	s1 =	sadd.s32 s6, s1;
	s6 =	sadd.s32 $0x7800, s21;
	[dreg:$0x1f] =	wrdreg s12  }
0x1f: {  	s7 =	simm.s32 $0x0;
	s16 =	sadd.s32 $0xDC00, s21;
	[dreg:$0x1c] =	wrdreg s6  }
0x20: {  	s18 =	sadd.s32 $0xF000, s21;
	s20 =	sadd.s32 $0x10400, s21;
	[smem:$0x7F9] =	sst s16  }
0x21: {  	s23 =	sadd.s32 $0x11800, s21;
	s25 =	sadd.s32 $0x12C00, s21;
	[smem:$0x7FA] =	sst s18  }
0x22: {  	s0 =	simm.s32 $0x4;
	s8 =	simm.s32 $0xC00;
	[smem:$0x7FB] =	sst s20  }
0x23: {  	s10 =	simm.s32 $0x500;
	s12 =	simm.s32 $0xD00;
	[smem:$0x7FC] =	sst s23  }
0x24: {  	s14 =	sadd.s32 $0x2800, s5;
	s15 =	sadd.s32 $0xC800, s5;
	[smem:$0x7FD] =	sst s25  }
0x25: {  	s23 =	sadd.s32 $0xB7400, s1;
	s25 =	simm.s32 $0x5;
	s1 =	simm.s32 $0x3  }
0x26: {  	s6 =	simm.s32 $0x480;
	s16 =	simm.s32 $0xE00;
	[dreg:$0x3] =	wrdreg s14  }
0x27: {  	s18 =	simm.s32 $0x700;
	[dreg:$0x4] =	wrdreg s15;
	s14 =	sadd.s32 $0xC800, s21  }
0x28: {  	s20 =	simm.s32 $0xF00;
	s15 =	simm.s32 $0xA80;
	[smem:$0x7F8] =	sst s14  }
0x29: {  	[dreg:$0xe] =	wrdreg s15;
	s14 =	simm.s32 $0x600;
	s15 =	simm.s32 $0x680  }
.LBB2_1:
0x2a: {  	[smem:$0x7F7] =	sst s7  }
0x2b: {  	s5 =	rddreg [dreg:$0x14]  }
0x2c: {  	[tilespmem:s24], [sflag:$0x5] =	stream.linear.gather [hbm4b:s5+s3], $0x1400, $0x38;
	[tilespmem:$0x1D000] =	vst v63  }
0x2d: {  	_ =	swait.ge [sflag:s25], $0x1400  }
0x2e: {  	[sflag:s25] =	ssyncset.done $0x0  }
0x2f: {  	[sflag:s25] =	ssyncadd.s32 $0xFFFFEC00  }
0x30: {  	[spmem:s21] =	stream.linear.scatter [tilespmem:s24], [sflag:$0x5], $0x1400, $0x38;
	[tilespmem:$0x1D000] =	vst v63  }
0x31: {  	_ =	swait.ge [sflag:s25], $0x1400  }
0x32: {  	[sflag:s25] =	ssyncset.done $0x0  }
0x33: {  	s7 =	rddreg [dreg:$0x17];
	[sflag:s25] =	ssyncadd.s32 $0xFFFFEC00  }
0x34: {  	[spmem:s7] =	stream.linear.scatter [tilespmem:s24], [sflag:$0x5], $0x1400, $0x38;
	[tilespmem:$0x1D000] =	vst v63  }
0x35: {  	_ =	swait.ge [sflag:s25], $0x1400  }
0x36: {  	[sflag:s25] =	ssyncset.done $0x0  }
0x37: {  	s21 =	rddreg [dreg:$0x18];
	[sflag:s25] =	ssyncadd.s32 $0xFFFFEC00  }
0x38: {  	[spmem:s21] =	stream.linear.scatter [tilespmem:s24], [sflag:$0x5], $0x1400, $0x38;
	[tilespmem:$0x1D000] =	vst v63  }
0x39: {  	_ =	swait.ge [sflag:s25], $0x1400  }
0x3a: {  	[sflag:s25] =	ssyncset.done $0x0  }
0x3b: {  	s7 =	rddreg [dreg:$0x19];
	[sflag:s25] =	ssyncadd.s32 $0xFFFFEC00  }
0x3c: {  	[spmem:s7] =	stream.linear.scatter [tilespmem:s24], [sflag:$0x5], $0x1400, $0x38;
	[tilespmem:$0x1D000] =	vst v63  }
0x3d: {  	_ =	swait.ge [sflag:s25], $0x1400  }
0x3e: {  	[sflag:s25] =	ssyncset.done $0x0  }
0x3f: {  	s21 =	rddreg [dreg:$0x1a];
	[sflag:s25] =	ssyncadd.s32 $0xFFFFEC00  }
0x40: {  	[spmem:s21] =	stream.linear.scatter [tilespmem:s24], [sflag:$0x5], $0x1400, $0x38;
	[tilespmem:$0x1D000] =	vst v63  }
0x41: {  	_ =	swait.ge [sflag:s25], $0x1400  }
0x42: {  	[sflag:s25] =	ssyncset.done $0x0  }
0x43: {  	s7 =	rddreg [dreg:$0x1b];
	[sflag:s25] =	ssyncadd.s32 $0xFFFFEC00  }
0x44: {  	[spmem:s7] =	stream.linear.scatter [tilespmem:s24], [sflag:$0x5], $0x1400, $0x38;
	[tilespmem:$0x1D000] =	vst v63  }
0x45: {  	_ =	swait.ge [sflag:s25], $0x1400  }
0x46: {  	[sflag:s25] =	ssyncset.done $0x0  }
0x47: {  	s21 =	rddreg [dreg:$0x1c];
	[sflag:s25] =	ssyncadd.s32 $0xFFFFEC00  }
0x48: {  	[spmem:s21] =	stream.linear.scatter [tilespmem:s24], [sflag:$0x5], $0x1400, $0x38;
	[tilespmem:$0x1D000] =	vst v63  }
0x49: {  	_ =	swait.ge [sflag:s25], $0x1400  }
0x4a: {  	[sflag:s25] =	ssyncset.done $0x0  }
0x4b: {  	s7 =	rddreg [dreg:$0x1d];
	[sflag:s25] =	ssyncadd.s32 $0xFFFFEC00  }
0x4c: {  	[spmem:s7] =	stream.linear.scatter [tilespmem:s24], [sflag:$0x5], $0x1400, $0x38;
	[tilespmem:$0x1D000] =	vst v63  }
0x4d: {  	_ =	swait.ge [sflag:s25], $0x1400  }
0x4e: {  	[sflag:s25] =	ssyncset.done $0x0  }
0x4f: {  	s21 =	rddreg [dreg:$0x1e];
	[sflag:s25] =	ssyncadd.s32 $0xFFFFEC00  }
0x50: {  	[spmem:s21] =	stream.linear.scatter [tilespmem:s24], [sflag:$0x5], $0x1400, $0x38;
	[tilespmem:$0x1D000] =	vst v63  }
0x51: {  	_ =	swait.ge [sflag:s25], $0x1400  }
0x52: {  	[sflag:s25] =	ssyncset.done $0x0  }
0x53: {  	s7 =	rddreg [dreg:$0x1f];
	[sflag:s25] =	ssyncadd.s32 $0xFFFFEC00  }
0x54: {  	[spmem:s7] =	stream.linear.scatter [tilespmem:s24], [sflag:$0x5], $0x1400, $0x38;
	[tilespmem:$0x1D000] =	vst v63  }
0x55: {  	_ =	swait.ge [sflag:s25], $0x1400  }
0x56: {  	s21 =	sld [smem:$0x7F8]  }
0x57: {  	[sflag:s25] =	ssyncset.done $0x0  }
0x58: {  	[sflag:s25] =	ssyncadd.s32 $0xFFFFEC00  }
0x59: {  	[spmem:s21] =	stream.linear.scatter [tilespmem:s24], [sflag:$0x5], $0x1400, $0x38;
	[tilespmem:$0x1D000] =	vst v63  }
0x5a: {  	_ =	swait.ge [sflag:s25], $0x1400  }
0x5b: {  	s7 =	sld [smem:$0x7F9]  }
0x5c: {  	[sflag:s25] =	ssyncset.done $0x0  }
0x5d: {  	[sflag:s25] =	ssyncadd.s32 $0xFFFFEC00  }
0x5e: {  	[spmem:s7] =	stream.linear.scatter [tilespmem:s24], [sflag:$0x5], $0x1400, $0x38;
	[tilespmem:$0x1D000] =	vst v63  }
0x5f: {  	_ =	swait.ge [sflag:s25], $0x1400  }
0x60: {  	s21 =	sld [smem:$0x7FA]  }
0x61: {  	[sflag:s25] =	ssyncset.done $0x0  }
0x62: {  	[sflag:s25] =	ssyncadd.s32 $0xFFFFEC00  }
0x63: {  	[spmem:s21] =	stream.linear.scatter [tilespmem:s24], [sflag:$0x5], $0x1400, $0x38;
	[tilespmem:$0x1D000] =	vst v63  }
0x64: {  	_ =	swait.ge [sflag:s25], $0x1400  }
0x65: {  	s7 =	sld [smem:$0x7FB]  }
0x66: {  	[sflag:s25] =	ssyncset.done $0x0  }
0x67: {  	[sflag:s25] =	ssyncadd.s32 $0xFFFFEC00  }
0x68: {  	[spmem:s7] =	stream.linear.scatter [tilespmem:s24], [sflag:$0x5], $0x1400, $0x38;
	[tilespmem:$0x1D000] =	vst v63  }
0x69: {  	_ =	swait.ge [sflag:s25], $0x1400  }
0x6a: {  	s21 =	sld [smem:$0x7FC]  }
0x6b: {  	[sflag:s25] =	ssyncset.done $0x0  }
0x6c: {  	[sflag:s25] =	ssyncadd.s32 $0xFFFFEC00  }
0x6d: {  	[spmem:s21] =	stream.linear.scatter [tilespmem:s24], [sflag:$0x5], $0x1400, $0x38;
	[tilespmem:$0x1D000] =	vst v63  }
0x6e: {  	_ =	swait.ge [sflag:s25], $0x1400  }
0x6f: {  	s7 =	sld [smem:$0x7FD]  }
0x70: {  	[sflag:s25] =	ssyncset.done $0x0  }
0x71: {  	[sflag:s25] =	ssyncadd.s32 $0xFFFFEC00  }
0x72: {  	[spmem:s7] =	stream.linear.scatter [tilespmem:s24], [sflag:$0x5], $0x1400, $0x38;
	[tilespmem:$0x1D000] =	vst v63  }
0x73: {  	_ =	swait.ge [sflag:s25], $0x1400  }
0x74: {  	[sflag:s25] =	ssyncset.done $0x0  }
0x75: {  	[sflag:s25] =	ssyncadd.s32 $0xFFFFEC00  }
0x76: {  	[bflag:$0x0] =	sbarrier.arrive $0xFFFF  }
0x77: {  	s21 =	rddreg [dreg:$0x4]  }
0x78: {  	s7 =	sadd.s32 $0x0, s21  }
0x79: {  	[tilespmem:s3], [sflag:$0x5] =	stream.linear.gather [hbm4b:s7+s3], $0x800, $0x38;
	[tilespmem:$0x1D000] =	vst v63  }
0x7a: {  	_ =	swait.ge [sflag:s25], $0x800  }
0x7b: {  	s5 =	rddreg [dreg:$0x3];
	[sflag:s25] =	ssyncset.done $0x0  }
0x7c: {  	[sflag:s25] =	ssyncadd.s32 $0xFFFFF800;
	s7 =	sadd.s32 $0x0, s5  }
0x7d: {  	[tilespmem:s26], [sflag:$0x5] =	stream.linear.gather [hbm4b:s7+s3], $0x800, $0x38;
	[tilespmem:$0x1D000] =	vst v63  }
0x7e: {  	_ =	swait.ge [sflag:s25], $0x800  }
0x7f: {  	[sflag:s25] =	ssyncset.done $0x0  }
0x80: {  	[sflag:s25] =	ssyncadd.s32 $0xFFFFF800  }
0x81: {  	[tilespmem:s24], [sflag:$0x1] =	stream.indirect.gather [hbm4b:s4+s28], $0x80, s3, s28, $0xb8;
	[tilespmem:$0x1D000] =	vst v63  }
0x82: {  	s21 =	rddreg [dreg:$0x5]  }
0x83: {  	[tilespmem:s29], [sflag:$0x2] =	stream.indirect.gather [hbm4b:s4+s28], $0x80, s21, s28, $0xb8;
	[tilespmem:$0x1D000] =	vst v63  }
0x84: {  	_ =	swait.ge [sflag:s30], $0x3E80  }
0x85: {  	[sflag:s30] =	ssyncset.done $0x0  }
0x86: {  	[sflag:s30] =	ssyncadd.s32 $0xFFFFC180  }
0x87: {  	[spmem:s2] =	stream.indirect.scatter.add.f32 [tilespmem:s24], [sflag:$0x3], $0x80, s26, s28, $0xb8;
	[tilespmem:$0x1D000] =	vst v63  }
0x88: {  	_ =	swait.ge [sflag:s31], $0x3E80  }
0x89: {  	[sflag:s31] =	ssyncset.done $0x0  }
0x8a: {  	s5 =	rddreg [dreg:$0x6];
	[sflag:s31] =	ssyncadd.s32 $0xFFFFC180  }
0x8b: {  	[spmem:s2] =	stream.indirect.scatter.add.f32 [tilespmem:s29], [sflag:$0x4], $0x80, s5, s28, $0xb8;
	[tilespmem:$0x1D000] =	vst v63  }
0x8c: {  	_ =	swait.ge [sflag:s1], $0x3E80  }
0x8d: {  	[sflag:s1] =	ssyncset.done $0x0  }
0x8e: {  	[sflag:s1] =	ssyncadd.s32 $0xFFFFC180  }
0x8f: {  	_ =	swait.ge [sflag:s0], $0x3E80  }
0x90: {  	[sflag:s0] =	ssyncset.done $0x0  }
0x91: {  	s21 =	rddreg [dreg:$0x7];
	[sflag:s0] =	ssyncadd.s32 $0xFFFFC180  }
0x92: {  	[tilespmem:s24], [sflag:$0x1] =	stream.indirect.gather [hbm4b:s4+s28], $0x80, s21, s28, $0xb8;
	[tilespmem:$0x1D000] =	vst v63  }
0x93: {  	s5 =	rddreg [dreg:$0x8]  }
0x94: {  	[tilespmem:s29], [sflag:$0x2] =	stream.indirect.gather [hbm4b:s4+s28], $0x80, s5, s28, $0xb8;
	[tilespmem:$0x1D000] =	vst v63  }
0x95: {  	_ =	swait.ge [sflag:s30], $0x3E80  }
0x96: {  	[sflag:s30] =	ssyncset.done $0x0  }
0x97: {  	s21 =	rddreg [dreg:$0x9];
	[sflag:s30] =	ssyncadd.s32 $0xFFFFC180  }
0x98: {  	[spmem:s2] =	stream.indirect.scatter.add.f32 [tilespmem:s24], [sflag:$0x3], $0x80, s21, s28, $0xb8;
	[tilespmem:$0x1D000] =	vst v63  }
0x99: {  	_ =	swait.ge [sflag:s31], $0x3E80  }
0x9a: {  	[sflag:s31] =	ssyncset.done $0x0  }
0x9b: {  	s5 =	rddreg [dreg:$0xa];
	[sflag:s31] =	ssyncadd.s32 $0xFFFFC180  }
0x9c: {  	[spmem:s2] =	stream.indirect.scatter.add.f32 [tilespmem:s29], [sflag:$0x4], $0x80, s5, s28, $0xb8;
	[tilespmem:$0x1D000] =	vst v63  }
0x9d: {  	_ =	swait.ge [sflag:s1], $0x3E80  }
0x9e: {  	[sflag:s1] =	ssyncset.done $0x0  }
0x9f: {  	[sflag:s1] =	ssyncadd.s32 $0xFFFFC180  }
0xa0: {  	_ =	swait.ge [sflag:s0], $0x3E80  }
0xa1: {  	[sflag:s0] =	ssyncset.done $0x0  }
0xa2: {  	s21 =	rddreg [dreg:$0xb];
	[sflag:s0] =	ssyncadd.s32 $0xFFFFC180  }
0xa3: {  	[tilespmem:s24], [sflag:$0x1] =	stream.indirect.gather [hbm4b:s4+s28], $0x80, s21, s28, $0xb8;
	[tilespmem:$0x1D000] =	vst v63  }
0xa4: {  	s5 =	rddreg [dreg:$0xc]  }
0xa5: {  	[tilespmem:s29], [sflag:$0x2] =	stream.indirect.gather [hbm4b:s4+s28], $0x80, s5, s28, $0xb8;
	[tilespmem:$0x1D000] =	vst v63  }
0xa6: {  	_ =	swait.ge [sflag:s30], $0x3E80  }
0xa7: {  	[sflag:s30] =	ssyncset.done $0x0  }
0xa8: {  	s21 =	rddreg [dreg:$0xd];
	[sflag:s30] =	ssyncadd.s32 $0xFFFFC180  }
0xa9: {  	[spmem:s2] =	stream.indirect.scatter.add.f32 [tilespmem:s24], [sflag:$0x3], $0x80, s21, s28, $0xb8;
	[tilespmem:$0x1D000] =	vst v63  }
0xaa: {  	_ =	swait.ge [sflag:s31], $0x3E80  }
0xab: {  	[sflag:s31] =	ssyncset.done $0x0  }
0xac: {  	s5 =	rddreg [dreg:$0xe];
	[sflag:s31] =	ssyncadd.s32 $0xFFFFC180  }
0xad: {  	[spmem:s2] =	stream.indirect.scatter.add.f32 [tilespmem:s29], [sflag:$0x4], $0x80, s5, s28, $0xb8;
	[tilespmem:$0x1D000] =	vst v63  }
0xae: {  	_ =	swait.ge [sflag:s1], $0x3E80  }
0xaf: {  	[sflag:s1] =	ssyncset.done $0x0  }
0xb0: {  	[sflag:s1] =	ssyncadd.s32 $0xFFFFC180  }
0xb1: {  	_ =	swait.ge [sflag:s0], $0x3E80  }
0xb2: {  	[sflag:s0] =	ssyncset.done $0x0  }
0xb3: {  	s21 =	rddreg [dreg:$0xf];
	[sflag:s0] =	ssyncadd.s32 $0xFFFFC180  }
0xb4: {  	[tilespmem:s24], [sflag:$0x1] =	stream.indirect.gather [hbm4b:s4+s28], $0x80, s21, s28, $0xb8;
	[tilespmem:$0x1D000] =	vst v63  }
0xb5: {  	s5 =	rddreg [dreg:$0x10]  }
0xb6: {  	[tilespmem:s29], [sflag:$0x2] =	stream.indirect.gather [hbm4b:s4+s28], $0x80, s5, s28, $0xb8;
	[tilespmem:$0x1D000] =	vst v63  }
0xb7: {  	_ =	swait.ge [sflag:s30], $0x3E80  }
0xb8: {  	[sflag:s30] =	ssyncset.done $0x0  }
0xb9: {  	s21 =	rddreg [dreg:$0x11];
	[sflag:s30] =	ssyncadd.s32 $0xFFFFC180  }
0xba: {  	[spmem:s2] =	stream.indirect.scatter.add.f32 [tilespmem:s24], [sflag:$0x3], $0x80, s21, s28, $0xb8;
	[tilespmem:$0x1D000] =	vst v63  }
0xbb: {  	_ =	swait.ge [sflag:s31], $0x3E80  }
0xbc: {  	[sflag:s31] =	ssyncset.done $0x0  }
0xbd: {  	s5 =	rddreg [dreg:$0x12];
	[sflag:s31] =	ssyncadd.s32 $0xFFFFC180  }
0xbe: {  	[spmem:s2] =	stream.indirect.scatter.add.f32 [tilespmem:s29], [sflag:$0x4], $0x80, s5, s28, $0xb8;
	[tilespmem:$0x1D000] =	vst v63  }
0xbf: {  	_ =	swait.ge [sflag:s1], $0x3E80  }
0xc0: {  	[sflag:s1] =	ssyncset.done $0x0  }
0xc1: {  	[sflag:s1] =	ssyncadd.s32 $0xFFFFC180  }
0xc2: {  	_ =	swait.ge [sflag:s0], $0x3E80  }
0xc3: {  	[sflag:s0] =	ssyncset.done $0x0  }
0xc4: {  	s21 =	rddreg [dreg:$0x13];
	[sflag:s0] =	ssyncadd.s32 $0xFFFFC180  }
0xc5: {  	[tilespmem:s24], [sflag:$0x1] =	stream.indirect.gather [hbm4b:s4+s28], $0x80, s21, s28, $0xb8;
	[tilespmem:$0x1D000] =	vst v63  }
0xc6: {  	_ = 	snop  }
0xc7: {  	[tilespmem:s29], [sflag:$0x2] =	stream.indirect.gather [hbm4b:s4+s28], $0x80, s6, s28, $0xb8;
	[tilespmem:$0x1D000] =	vst v63  }
0xc8: {  	_ =	swait.ge [sflag:s30], $0x3E80  }
0xc9: {  	[sflag:s30] =	ssyncset.done $0x0  }
0xca: {  	[sflag:s30] =	ssyncadd.s32 $0xFFFFC180  }
0xcb: {  	[spmem:s2] =	stream.indirect.scatter.add.f32 [tilespmem:s24], [sflag:$0x3], $0x80, s8, s28, $0xb8;
	[tilespmem:$0x1D000] =	vst v63  }
0xcc: {  	_ =	swait.ge [sflag:s31], $0x3E80  }
0xcd: {  	[sflag:s31] =	ssyncset.done $0x0  }
0xce: {  	[sflag:s31] =	ssyncadd.s32 $0xFFFFC180  }
0xcf: {  	[spmem:s2] =	stream.indirect.scatter.add.f32 [tilespmem:s29], [sflag:$0x4], $0x80, s9, s28, $0xb8;
	[tilespmem:$0x1D000] =	vst v63  }
0xd0: {  	_ =	swait.ge [sflag:s1], $0x3E80  }
0xd1: {  	[sflag:s1] =	ssyncset.done $0x0  }
0xd2: {  	[sflag:s1] =	ssyncadd.s32 $0xFFFFC180  }
0xd3: {  	_ =	swait.ge [sflag:s0], $0x3E80  }
0xd4: {  	[sflag:s0] =	ssyncset.done $0x0  }
0xd5: {  	[sflag:s0] =	ssyncadd.s32 $0xFFFFC180  }
0xd6: {  	[tilespmem:s24], [sflag:$0x1] =	stream.indirect.gather [hbm4b:s4+s28], $0x80, s10, s28, $0xb8;
	[tilespmem:$0x1D000] =	vst v63  }
0xd7: {  	_ = 	snop  }
0xd8: {  	[tilespmem:s29], [sflag:$0x2] =	stream.indirect.gather [hbm4b:s4+s28], $0x80, s11, s28, $0xb8;
	[tilespmem:$0x1D000] =	vst v63  }
0xd9: {  	_ =	swait.ge [sflag:s30], $0x3E80  }
0xda: {  	[sflag:s30] =	ssyncset.done $0x0  }
0xdb: {  	[sflag:s30] =	ssyncadd.s32 $0xFFFFC180  }
0xdc: {  	[spmem:s2] =	stream.indirect.scatter.add.f32 [tilespmem:s24], [sflag:$0x3], $0x80, s12, s28, $0xb8;
	[tilespmem:$0x1D000] =	vst v63  }
0xdd: {  	_ =	swait.ge [sflag:s31], $0x3E80  }
0xde: {  	[sflag:s31] =	ssyncset.done $0x0  }
0xdf: {  	[sflag:s31] =	ssyncadd.s32 $0xFFFFC180  }
0xe0: {  	[spmem:s2] =	stream.indirect.scatter.add.f32 [tilespmem:s29], [sflag:$0x4], $0x80, s13, s28, $0xb8;
	[tilespmem:$0x1D000] =	vst v63  }
0xe1: {  	_ =	swait.ge [sflag:s1], $0x3E80  }
0xe2: {  	[sflag:s1] =	ssyncset.done $0x0  }
0xe3: {  	[sflag:s1] =	ssyncadd.s32 $0xFFFFC180  }
0xe4: {  	_ =	swait.ge [sflag:s0], $0x3E80  }
0xe5: {  	[sflag:s0] =	ssyncset.done $0x0  }
0xe6: {  	[sflag:s0] =	ssyncadd.s32 $0xFFFFC180  }
0xe7: {  	[tilespmem:s24], [sflag:$0x1] =	stream.indirect.gather [hbm4b:s4+s28], $0x80, s14, s28, $0xb8;
	[tilespmem:$0x1D000] =	vst v63  }
0xe8: {  	_ = 	snop  }
0xe9: {  	[tilespmem:s29], [sflag:$0x2] =	stream.indirect.gather [hbm4b:s4+s28], $0x80, s15, s28, $0xb8;
	[tilespmem:$0x1D000] =	vst v63  }
0xea: {  	_ =	swait.ge [sflag:s30], $0x3E80  }
0xeb: {  	[sflag:s30] =	ssyncset.done $0x0  }
0xec: {  	[sflag:s30] =	ssyncadd.s32 $0xFFFFC180  }
0xed: {  	[spmem:s2] =	stream.indirect.scatter.add.f32 [tilespmem:s24], [sflag:$0x3], $0x80, s16, s28, $0xb8;
	[tilespmem:$0x1D000] =	vst v63  }
0xee: {  	_ =	swait.ge [sflag:s31], $0x3E80  }
0xef: {  	[sflag:s31] =	ssyncset.done $0x0  }
0xf0: {  	[sflag:s31] =	ssyncadd.s32 $0xFFFFC180  }
0xf1: {  	[spmem:s2] =	stream.indirect.scatter.add.f32 [tilespmem:s29], [sflag:$0x4], $0x80, s17, s28, $0xb8;
	[tilespmem:$0x1D000] =	vst v63  }
0xf2: {  	_ =	swait.ge [sflag:s1], $0x3E80  }
0xf3: {  	[sflag:s1] =	ssyncset.done $0x0  }
0xf4: {  	[sflag:s1] =	ssyncadd.s32 $0xFFFFC180  }
0xf5: {  	_ =	swait.ge [sflag:s0], $0x3E80  }
0xf6: {  	[sflag:s0] =	ssyncset.done $0x0  }
0xf7: {  	[sflag:s0] =	ssyncadd.s32 $0xFFFFC180  }
0xf8: {  	[tilespmem:s24], [sflag:$0x1] =	stream.indirect.gather [hbm4b:s4+s28], $0x80, s18, s28, $0xb8;
	[tilespmem:$0x1D000] =	vst v63  }
0xf9: {  	_ = 	snop  }
0xfa: {  	[tilespmem:s29], [sflag:$0x2] =	stream.indirect.gather [hbm4b:s4+s28], $0x80, s19, s28, $0xb8;
	[tilespmem:$0x1D000] =	vst v63  }
0xfb: {  	_ =	swait.ge [sflag:s30], $0x3E80  }
0xfc: {  	[sflag:s30] =	ssyncset.done $0x0  }
0xfd: {  	s7 =	simm.s32 $0x200;
	[sflag:s30] =	ssyncadd.s32 $0xFFFFC180  }
0xfe: {  	[spmem:s2] =	stream.indirect.scatter.add.f32 [tilespmem:s24], [sflag:$0x3], $0x80, s20, s28, $0xb8;
	[tilespmem:$0x1D000] =	vst v63  }
0xff: {  	s6 =	simm.s32 $0x480;
	s8 =	simm.s32 $0xC00;
	_ =	swait.ge [sflag:s31], $0x3E80  }
0x100: {  	s9 =	simm.s32 $0xC80;
	s10 =	simm.s32 $0x500;
	[sflag:s31] =	ssyncset.done $0x0  }
0x101: {  	s11 =	simm.s32 $0x580;
	s12 =	simm.s32 $0xD00;
	[sflag:s31] =	ssyncadd.s32 $0xFFFFC180  }
0x102: {  	[spmem:s2] =	stream.indirect.scatter.add.f32 [tilespmem:s29], [sflag:$0x4], $0x80, s22, s28, $0xb8;
	[tilespmem:$0x1D000] =	vst v63  }
0x103: {  	s13 =	simm.s32 $0xD80;
	s14 =	simm.s32 $0x600;
	_ =	swait.ge [sflag:s1], $0x3E80  }
0x104: {  	s15 =	simm.s32 $0x680;
	s16 =	simm.s32 $0xE00;
	[sflag:s1] =	ssyncset.done $0x0  }
0x105: {  	s17 =	simm.s32 $0xE80;
	s18 =	simm.s32 $0x700;
	[sflag:s1] =	ssyncadd.s32 $0xFFFFC180  }
0x106: {  	s19 =	simm.s32 $0x780;
	s20 =	simm.s32 $0xF00;
	_ =	swait.ge [sflag:s0], $0x3E80  }
0x107: {  	s22 =	simm.s32 $0x100;
	s21 =	rddreg [dreg:$0x4];
	[sflag:s0] =	ssyncset.done $0x0  }
.LBB2_2:
0x108: {  	[sflag:s0] =	ssyncadd.s32 $0xFFFFC180;
	s21 =	sadd.s32 s22, s21  }
0x109: {  	[tilespmem:s3], [sflag:$0x5] =	stream.linear.gather [hbm4b:s21+s3], $0x800, $0x38;
	[tilespmem:$0x1D000] =	vst v63  }
0x10a: {  	_ =	swait.ge [sflag:s25], $0x800  }
0x10b: {  	s21 =	rddreg [dreg:$0x3];
	[sflag:s25] =	ssyncset.done $0x0  }
0x10c: {  	[sflag:s25] =	ssyncadd.s32 $0xFFFFF800;
	s21 =	sadd.s32 s22, s21  }
0x10d: {  	[tilespmem:s26], [sflag:$0x5] =	stream.linear.gather [hbm4b:s21+s3], $0x800, $0x38;
	[tilespmem:$0x1D000] =	vst v63  }
0x10e: {  	_ =	swait.ge [sflag:s25], $0x800  }
0x10f: {  	[sflag:s25] =	ssyncset.done $0x0  }
0x110: {  	[sflag:s25] =	ssyncadd.s32 $0xFFFFF800  }
0x111: {  	[tilespmem:s24], [sflag:$0x1] =	stream.indirect.gather [hbm4b:s4+s28], $0x80, s3, s28, $0xb8;
	[tilespmem:$0x1D000] =	vst v63  }
0x112: {  	s21 =	rddreg [dreg:$0x5]  }
0x113: {  	[tilespmem:s29], [sflag:$0x2] =	stream.indirect.gather [hbm4b:s4+s28], $0x80, s21, s28, $0xb8;
	[tilespmem:$0x1D000] =	vst v63  }
0x114: {  	_ =	swait.ge [sflag:s30], $0x3E80  }
0x115: {  	[sflag:s30] =	ssyncset.done $0x0  }
0x116: {  	[sflag:s30] =	ssyncadd.s32 $0xFFFFC180  }
0x117: {  	[spmem:s2] =	stream.indirect.scatter.add.f32 [tilespmem:s24], [sflag:$0x3], $0x80, s26, s28, $0xb8;
	[tilespmem:$0x1D000] =	vst v63  }
0x118: {  	_ =	swait.ge [sflag:s31], $0x3E80  }
0x119: {  	[sflag:s31] =	ssyncset.done $0x0  }
0x11a: {  	s21 =	rddreg [dreg:$0x6];
	[sflag:s31] =	ssyncadd.s32 $0xFFFFC180  }
0x11b: {  	[spmem:s2] =	stream.indirect.scatter.add.f32 [tilespmem:s29], [sflag:$0x4], $0x80, s21, s28, $0xb8;
	[tilespmem:$0x1D000] =	vst v63  }
0x11c: {  	_ =	swait.ge [sflag:s1], $0x3E80  }
0x11d: {  	[sflag:s1] =	ssyncset.done $0x0  }
0x11e: {  	[sflag:s1] =	ssyncadd.s32 $0xFFFFC180  }
0x11f: {  	_ =	swait.ge [sflag:s0], $0x3E80  }
0x120: {  	s5 =	smov.u32 s7;
	[sflag:s0] =	ssyncset.done $0x0  }
0x121: {  	s22 =	smov.u32 s5;
	s5 =	rddreg [dreg:$0x7];
	[sflag:s0] =	ssyncadd.s32 $0xFFFFC180  }
0x122: {  	[tilespmem:s24], [sflag:$0x1] =	stream.indirect.gather [hbm4b:s4+s28], $0x80, s5, s28, $0xb8;
	[tilespmem:$0x1D000] =	vst v63  }
0x123: {  	s21 =	rddreg [dreg:$0x8]  }
0x124: {  	[tilespmem:s29], [sflag:$0x2] =	stream.indirect.gather [hbm4b:s4+s28], $0x80, s21, s28, $0xb8;
	[tilespmem:$0x1D000] =	vst v63  }
0x125: {  	_ =	swait.ge [sflag:s30], $0x3E80  }
0x126: {  	[sflag:s30] =	ssyncset.done $0x0  }
0x127: {  	s21 =	rddreg [dreg:$0x9];
	[sflag:s30] =	ssyncadd.s32 $0xFFFFC180  }
0x128: {  	[spmem:s2] =	stream.indirect.scatter.add.f32 [tilespmem:s24], [sflag:$0x3], $0x80, s21, s28, $0xb8;
	[tilespmem:$0x1D000] =	vst v63  }
0x129: {  	_ =	swait.ge [sflag:s31], $0x3E80  }
0x12a: {  	[sflag:s31] =	ssyncset.done $0x0  }
0x12b: {  	s21 =	rddreg [dreg:$0xa];
	[sflag:s31] =	ssyncadd.s32 $0xFFFFC180  }
0x12c: {  	[spmem:s2] =	stream.indirect.scatter.add.f32 [tilespmem:s29], [sflag:$0x4], $0x80, s21, s28, $0xb8;
	[tilespmem:$0x1D000] =	vst v63  }
0x12d: {  	_ =	swait.ge [sflag:s1], $0x3E80  }
0x12e: {  	[sflag:s1] =	ssyncset.done $0x0  }
0x12f: {  	[sflag:s1] =	ssyncadd.s32 $0xFFFFC180  }
0x130: {  	_ =	swait.ge [sflag:s0], $0x3E80  }
0x131: {  	[sflag:s0] =	ssyncset.done $0x0  }
0x132: {  	s5 =	rddreg [dreg:$0xb];
	[sflag:s0] =	ssyncadd.s32 $0xFFFFC180  }
0x133: {  	[tilespmem:s24], [sflag:$0x1] =	stream.indirect.gather [hbm4b:s4+s28], $0x80, s5, s28, $0xb8;
	[tilespmem:$0x1D000] =	vst v63  }
0x134: {  	s21 =	rddreg [dreg:$0xc]  }
0x135: {  	[tilespmem:s29], [sflag:$0x2] =	stream.indirect.gather [hbm4b:s4+s28], $0x80, s21, s28, $0xb8;
	[tilespmem:$0x1D000] =	vst v63  }
0x136: {  	_ =	swait.ge [sflag:s30], $0x3E80  }
0x137: {  	[sflag:s30] =	ssyncset.done $0x0  }
0x138: {  	s21 =	rddreg [dreg:$0xd];
	[sflag:s30] =	ssyncadd.s32 $0xFFFFC180  }
0x139: {  	[spmem:s2] =	stream.indirect.scatter.add.f32 [tilespmem:s24], [sflag:$0x3], $0x80, s21, s28, $0xb8;
	[tilespmem:$0x1D000] =	vst v63  }
0x13a: {  	_ =	swait.ge [sflag:s31], $0x3E80  }
0x13b: {  	[sflag:s31] =	ssyncset.done $0x0  }
0x13c: {  	s21 =	rddreg [dreg:$0xe];
	[sflag:s31] =	ssyncadd.s32 $0xFFFFC180  }
0x13d: {  	[spmem:s2] =	stream.indirect.scatter.add.f32 [tilespmem:s29], [sflag:$0x4], $0x80, s21, s28, $0xb8;
	[tilespmem:$0x1D000] =	vst v63  }
0x13e: {  	_ =	swait.ge [sflag:s1], $0x3E80  }
0x13f: {  	[sflag:s1] =	ssyncset.done $0x0  }
0x140: {  	[sflag:s1] =	ssyncadd.s32 $0xFFFFC180  }
0x141: {  	_ =	swait.ge [sflag:s0], $0x3E80  }
0x142: {  	[sflag:s0] =	ssyncset.done $0x0  }
0x143: {  	s5 =	rddreg [dreg:$0xf];
	[sflag:s0] =	ssyncadd.s32 $0xFFFFC180  }
0x144: {  	[tilespmem:s24], [sflag:$0x1] =	stream.indirect.gather [hbm4b:s4+s28], $0x80, s5, s28, $0xb8;
	[tilespmem:$0x1D000] =	vst v63  }
0x145: {  	s21 =	rddreg [dreg:$0x10]  }
0x146: {  	[tilespmem:s29], [sflag:$0x2] =	stream.indirect.gather [hbm4b:s4+s28], $0x80, s21, s28, $0xb8;
	[tilespmem:$0x1D000] =	vst v63  }
0x147: {  	_ =	swait.ge [sflag:s30], $0x3E80  }
0x148: {  	[sflag:s30] =	ssyncset.done $0x0  }
0x149: {  	s21 =	rddreg [dreg:$0x11];
	[sflag:s30] =	ssyncadd.s32 $0xFFFFC180  }
0x14a: {  	[spmem:s2] =	stream.indirect.scatter.add.f32 [tilespmem:s24], [sflag:$0x3], $0x80, s21, s28, $0xb8;
	[tilespmem:$0x1D000] =	vst v63  }
0x14b: {  	_ =	swait.ge [sflag:s31], $0x3E80  }
0x14c: {  	[sflag:s31] =	ssyncset.done $0x0  }
0x14d: {  	s21 =	rddreg [dreg:$0x12];
	[sflag:s31] =	ssyncadd.s32 $0xFFFFC180  }
0x14e: {  	[spmem:s2] =	stream.indirect.scatter.add.f32 [tilespmem:s29], [sflag:$0x4], $0x80, s21, s28, $0xb8;
	[tilespmem:$0x1D000] =	vst v63  }
0x14f: {  	_ =	swait.ge [sflag:s1], $0x3E80  }
0x150: {  	[sflag:s1] =	ssyncset.done $0x0  }
0x151: {  	[sflag:s1] =	ssyncadd.s32 $0xFFFFC180  }
0x152: {  	_ =	swait.ge [sflag:s0], $0x3E80  }
0x153: {  	[sflag:s0] =	ssyncset.done $0x0  }
0x154: {  	s21 =	rddreg [dreg:$0x13];
	[sflag:s0] =	ssyncadd.s32 $0xFFFFC180  }
0x155: {  	[tilespmem:s24], [sflag:$0x1] =	stream.indirect.gather [hbm4b:s4+s28], $0x80, s21, s28, $0xb8;
	[tilespmem:$0x1D000] =	vst v63  }
0x156: {  	_ = 	snop  }
0x157: {  	[tilespmem:s29], [sflag:$0x2] =	stream.indirect.gather [hbm4b:s4+s28], $0x80, s6, s28, $0xb8;
	[tilespmem:$0x1D000] =	vst v63  }
0x158: {  	_ =	swait.ge [sflag:s30], $0x3E80  }
0x159: {  	[sflag:s30] =	ssyncset.done $0x0  }
0x15a: {  	[sflag:s30] =	ssyncadd.s32 $0xFFFFC180  }
0x15b: {  	[spmem:s2] =	stream.indirect.scatter.add.f32 [tilespmem:s24], [sflag:$0x3], $0x80, s8, s28, $0xb8;
	[tilespmem:$0x1D000] =	vst v63  }
0x15c: {  	_ =	swait.ge [sflag:s31], $0x3E80  }
0x15d: {  	[sflag:s31] =	ssyncset.done $0x0  }
0x15e: {  	[sflag:s31] =	ssyncadd.s32 $0xFFFFC180  }
0x15f: {  	[spmem:s2] =	stream.indirect.scatter.add.f32 [tilespmem:s29], [sflag:$0x4], $0x80, s9, s28, $0xb8;
	[tilespmem:$0x1D000] =	vst v63  }
0x160: {  	_ =	swait.ge [sflag:s1], $0x3E80  }
0x161: {  	[sflag:s1] =	ssyncset.done $0x0  }
0x162: {  	[sflag:s1] =	ssyncadd.s32 $0xFFFFC180  }
0x163: {  	_ =	swait.ge [sflag:s0], $0x3E80  }
0x164: {  	[sflag:s0] =	ssyncset.done $0x0  }
0x165: {  	[sflag:s0] =	ssyncadd.s32 $0xFFFFC180  }
0x166: {  	[tilespmem:s24], [sflag:$0x1] =	stream.indirect.gather [hbm4b:s4+s28], $0x80, s10, s28, $0xb8;
	[tilespmem:$0x1D000] =	vst v63  }
0x167: {  	_ = 	snop  }
0x168: {  	[tilespmem:s29], [sflag:$0x2] =	stream.indirect.gather [hbm4b:s4+s28], $0x80, s11, s28, $0xb8;
	[tilespmem:$0x1D000] =	vst v63  }
0x169: {  	_ =	swait.ge [sflag:s30], $0x3E80  }
0x16a: {  	[sflag:s30] =	ssyncset.done $0x0  }
0x16b: {  	[sflag:s30] =	ssyncadd.s32 $0xFFFFC180  }
0x16c: {  	[spmem:s2] =	stream.indirect.scatter.add.f32 [tilespmem:s24], [sflag:$0x3], $0x80, s12, s28, $0xb8;
	[tilespmem:$0x1D000] =	vst v63  }
0x16d: {  	_ =	swait.ge [sflag:s31], $0x3E80  }
0x16e: {  	[sflag:s31] =	ssyncset.done $0x0  }
0x16f: {  	[sflag:s31] =	ssyncadd.s32 $0xFFFFC180  }
0x170: {  	[spmem:s2] =	stream.indirect.scatter.add.f32 [tilespmem:s29], [sflag:$0x4], $0x80, s13, s28, $0xb8;
	[tilespmem:$0x1D000] =	vst v63  }
0x171: {  	_ =	swait.ge [sflag:s1], $0x3E80  }
0x172: {  	[sflag:s1] =	ssyncset.done $0x0  }
0x173: {  	[sflag:s1] =	ssyncadd.s32 $0xFFFFC180  }
0x174: {  	_ =	swait.ge [sflag:s0], $0x3E80  }
0x175: {  	[sflag:s0] =	ssyncset.done $0x0  }
0x176: {  	[sflag:s0] =	ssyncadd.s32 $0xFFFFC180  }
0x177: {  	[tilespmem:s24], [sflag:$0x1] =	stream.indirect.gather [hbm4b:s4+s28], $0x80, s14, s28, $0xb8;
	[tilespmem:$0x1D000] =	vst v63  }
0x178: {  	_ = 	snop  }
0x179: {  	[tilespmem:s29], [sflag:$0x2] =	stream.indirect.gather [hbm4b:s4+s28], $0x80, s15, s28, $0xb8;
	[tilespmem:$0x1D000] =	vst v63  }
0x17a: {  	_ =	swait.ge [sflag:s30], $0x3E80  }
0x17b: {  	[sflag:s30] =	ssyncset.done $0x0  }
0x17c: {  	[sflag:s30] =	ssyncadd.s32 $0xFFFFC180  }
0x17d: {  	[spmem:s2] =	stream.indirect.scatter.add.f32 [tilespmem:s24], [sflag:$0x3], $0x80, s16, s28, $0xb8;
	[tilespmem:$0x1D000] =	vst v63  }
0x17e: {  	_ =	swait.ge [sflag:s31], $0x3E80  }
0x17f: {  	[sflag:s31] =	ssyncset.done $0x0  }
0x180: {  	[sflag:s31] =	ssyncadd.s32 $0xFFFFC180  }
0x181: {  	[spmem:s2] =	stream.indirect.scatter.add.f32 [tilespmem:s29], [sflag:$0x4], $0x80, s17, s28, $0xb8;
	[tilespmem:$0x1D000] =	vst v63  }
0x182: {  	_ =	swait.ge [sflag:s1], $0x3E80  }
0x183: {  	[sflag:s1] =	ssyncset.done $0x0  }
0x184: {  	[sflag:s1] =	ssyncadd.s32 $0xFFFFC180  }
0x185: {  	_ =	swait.ge [sflag:s0], $0x3E80  }
0x186: {  	[sflag:s0] =	ssyncset.done $0x0  }
0x187: {  	[sflag:s0] =	ssyncadd.s32 $0xFFFFC180  }
0x188: {  	[tilespmem:s24], [sflag:$0x1] =	stream.indirect.gather [hbm4b:s4+s28], $0x80, s18, s28, $0xb8;
	[tilespmem:$0x1D000] =	vst v63  }
0x189: {  	_ = 	snop  }
0x18a: {  	[tilespmem:s29], [sflag:$0x2] =	stream.indirect.gather [hbm4b:s4+s28], $0x80, s19, s28, $0xb8;
	[tilespmem:$0x1D000] =	vst v63  }
0x18b: {  	_ =	swait.ge [sflag:s30], $0x3E80  }
0x18c: {  	[sflag:s30] =	ssyncset.done $0x0  }
0x18d: {  	[sflag:s30] =	ssyncadd.s32 $0xFFFFC180  }
0x18e: {  	[spmem:s2] =	stream.indirect.scatter.add.f32 [tilespmem:s24], [sflag:$0x3], $0x80, s20, s28, $0xb8;
	[tilespmem:$0x1D000] =	vst v63  }
0x18f: {  	_ =	swait.ge [sflag:s31], $0x3E80  }
0x190: {  	[sflag:s31] =	ssyncset.done $0x0  }
0x191: {  	p0 =	sne.s32 s7, $0x400;
	s21 =	simm.s32 $0xF80;
	[sflag:s31] =	ssyncadd.s32 $0xFFFFC180  }
0x192: {  	[spmem:s2] =	stream.indirect.scatter.add.f32 [tilespmem:s29], [sflag:$0x4], $0x80, s21, s28, $0xb8;
	[tilespmem:$0x1D000] =	vst v63  }
.Ltmp0:
0x193: {  	_ =	swait.ge [sflag:s1], $0x3E80;
	(pc) =	sbr.rel @p0 .LBB2_2-.Ltmp0, $4  }
0x194: {  	[sflag:s1] =	ssyncset.done $0x0  }
0x195: {  	[sflag:s1] =	ssyncadd.s32 $0xFFFFC180  }
0x196: {  	_ =	swait.ge [sflag:s0], $0x3E80  }
0x197: {  	s7 =	sadd.s32 $0x100, s7;
	s21 =	rddreg [dreg:$0x4];
	[sflag:s0] =	ssyncset.done $0x0  }
0x198: {  	[sflag:s0] =	ssyncadd.s32 $0xFFFFC180;
	s5 =	sadd.s32 s22, s21  }
0x199: {  	[tilespmem:s3], [sflag:$0x5] =	stream.linear.gather [hbm4b:s5+s3], $0x800, $0x38;
	[tilespmem:$0x1D000] =	vst v63  }
0x19a: {  	_ =	swait.ge [sflag:s25], $0x800  }
0x19b: {  	s21 =	rddreg [dreg:$0x3];
	[sflag:s25] =	ssyncset.done $0x0  }
0x19c: {  	[sflag:s25] =	ssyncadd.s32 $0xFFFFF800;
	s5 =	sadd.s32 s22, s21  }
0x19d: {  	[tilespmem:s26], [sflag:$0x5] =	stream.linear.gather [hbm4b:s5+s3], $0x800, $0x38;
	[tilespmem:$0x1D000] =	vst v63  }
0x19e: {  	_ =	swait.ge [sflag:s25], $0x800  }
0x19f: {  	[sflag:s25] =	ssyncset.done $0x0  }
0x1a0: {  	[sflag:s25] =	ssyncadd.s32 $0xFFFFF800  }
0x1a1: {  	[tilespmem:s24], [sflag:$0x1] =	stream.indirect.gather [hbm4b:s4+s28], $0x80, s3, s28, $0xb8;
	[tilespmem:$0x1D000] =	vst v63  }
0x1a2: {  	s7 =	rddreg [dreg:$0x5]  }
0x1a3: {  	[tilespmem:s29], [sflag:$0x2] =	stream.indirect.gather [hbm4b:s4+s28], $0x80, s7, s28, $0xb8;
	[tilespmem:$0x1D000] =	vst v63  }
0x1a4: {  	_ =	swait.ge [sflag:s30], $0x3E80  }
0x1a5: {  	[sflag:s30] =	ssyncset.done $0x0  }
0x1a6: {  	[sflag:s30] =	ssyncadd.s32 $0xFFFFC180  }
0x1a7: {  	[spmem:s2] =	stream.indirect.scatter.add.f32 [tilespmem:s24], [sflag:$0x3], $0x80, s26, s28, $0xb8;
	[tilespmem:$0x1D000] =	vst v63  }
0x1a8: {  	_ =	swait.ge [sflag:s31], $0x3E80  }
0x1a9: {  	[sflag:s31] =	ssyncset.done $0x0  }
0x1aa: {  	s21 =	rddreg [dreg:$0x6];
	[sflag:s31] =	ssyncadd.s32 $0xFFFFC180  }
0x1ab: {  	[spmem:s2] =	stream.indirect.scatter.add.f32 [tilespmem:s29], [sflag:$0x4], $0x80, s21, s28, $0xb8;
	[tilespmem:$0x1D000] =	vst v63  }
0x1ac: {  	_ =	swait.ge [sflag:s1], $0x3E80  }
0x1ad: {  	[sflag:s1] =	ssyncset.done $0x0  }
0x1ae: {  	[sflag:s1] =	ssyncadd.s32 $0xFFFFC180  }
0x1af: {  	_ =	swait.ge [sflag:s0], $0x3E80  }
0x1b0: {  	[sflag:s0] =	ssyncset.done $0x0  }
0x1b1: {  	s22 =	rddreg [dreg:$0x7];
	[sflag:s0] =	ssyncadd.s32 $0xFFFFC180  }
0x1b2: {  	[tilespmem:s24], [sflag:$0x1] =	stream.indirect.gather [hbm4b:s4+s28], $0x80, s22, s28, $0xb8;
	[tilespmem:$0x1D000] =	vst v63  }
0x1b3: {  	s7 =	rddreg [dreg:$0x8]  }
0x1b4: {  	[tilespmem:s29], [sflag:$0x2] =	stream.indirect.gather [hbm4b:s4+s28], $0x80, s7, s28, $0xb8;
	[tilespmem:$0x1D000] =	vst v63  }
0x1b5: {  	_ =	swait.ge [sflag:s30], $0x3E80  }
0x1b6: {  	[sflag:s30] =	ssyncset.done $0x0  }
0x1b7: {  	s21 =	rddreg [dreg:$0x9];
	[sflag:s30] =	ssyncadd.s32 $0xFFFFC180  }
0x1b8: {  	[spmem:s2] =	stream.indirect.scatter.add.f32 [tilespmem:s24], [sflag:$0x3], $0x80, s21, s28, $0xb8;
	[tilespmem:$0x1D000] =	vst v63  }
0x1b9: {  	_ =	swait.ge [sflag:s31], $0x3E80  }
0x1ba: {  	[sflag:s31] =	ssyncset.done $0x0  }
0x1bb: {  	s22 =	rddreg [dreg:$0xa];
	[sflag:s31] =	ssyncadd.s32 $0xFFFFC180  }
0x1bc: {  	[spmem:s2] =	stream.indirect.scatter.add.f32 [tilespmem:s29], [sflag:$0x4], $0x80, s22, s28, $0xb8;
	[tilespmem:$0x1D000] =	vst v63  }
0x1bd: {  	_ =	swait.ge [sflag:s1], $0x3E80  }
0x1be: {  	[sflag:s1] =	ssyncset.done $0x0  }
0x1bf: {  	[sflag:s1] =	ssyncadd.s32 $0xFFFFC180  }
0x1c0: {  	_ =	swait.ge [sflag:s0], $0x3E80  }
0x1c1: {  	[sflag:s0] =	ssyncset.done $0x0  }
0x1c2: {  	s7 =	rddreg [dreg:$0xb];
	[sflag:s0] =	ssyncadd.s32 $0xFFFFC180  }
0x1c3: {  	[tilespmem:s24], [sflag:$0x1] =	stream.indirect.gather [hbm4b:s4+s28], $0x80, s7, s28, $0xb8;
	[tilespmem:$0x1D000] =	vst v63  }
0x1c4: {  	s21 =	rddreg [dreg:$0xc]  }
0x1c5: {  	[tilespmem:s29], [sflag:$0x2] =	stream.indirect.gather [hbm4b:s4+s28], $0x80, s21, s28, $0xb8;
	[tilespmem:$0x1D000] =	vst v63  }
0x1c6: {  	_ =	swait.ge [sflag:s30], $0x3E80  }
0x1c7: {  	[sflag:s30] =	ssyncset.done $0x0  }
0x1c8: {  	s22 =	rddreg [dreg:$0xd];
	[sflag:s30] =	ssyncadd.s32 $0xFFFFC180  }
0x1c9: {  	[spmem:s2] =	stream.indirect.scatter.add.f32 [tilespmem:s24], [sflag:$0x3], $0x80, s22, s28, $0xb8;
	[tilespmem:$0x1D000] =	vst v63  }
0x1ca: {  	_ =	swait.ge [sflag:s31], $0x3E80  }
0x1cb: {  	[sflag:s31] =	ssyncset.done $0x0  }
0x1cc: {  	s7 =	rddreg [dreg:$0xe];
	[sflag:s31] =	ssyncadd.s32 $0xFFFFC180  }
0x1cd: {  	[spmem:s2] =	stream.indirect.scatter.add.f32 [tilespmem:s29], [sflag:$0x4], $0x80, s7, s28, $0xb8;
	[tilespmem:$0x1D000] =	vst v63  }
0x1ce: {  	_ =	swait.ge [sflag:s1], $0x3E80  }
0x1cf: {  	[sflag:s1] =	ssyncset.done $0x0  }
0x1d0: {  	[sflag:s1] =	ssyncadd.s32 $0xFFFFC180  }
0x1d1: {  	_ =	swait.ge [sflag:s0], $0x3E80  }
0x1d2: {  	[sflag:s0] =	ssyncset.done $0x0  }
0x1d3: {  	s21 =	rddreg [dreg:$0xf];
	[sflag:s0] =	ssyncadd.s32 $0xFFFFC180  }
0x1d4: {  	[tilespmem:s24], [sflag:$0x1] =	stream.indirect.gather [hbm4b:s4+s28], $0x80, s21, s28, $0xb8;
	[tilespmem:$0x1D000] =	vst v63  }
0x1d5: {  	s22 =	rddreg [dreg:$0x10]  }
0x1d6: {  	[tilespmem:s29], [sflag:$0x2] =	stream.indirect.gather [hbm4b:s4+s28], $0x80, s22, s28, $0xb8;
	[tilespmem:$0x1D000] =	vst v63  }
0x1d7: {  	_ =	swait.ge [sflag:s30], $0x3E80  }
0x1d8: {  	[sflag:s30] =	ssyncset.done $0x0  }
0x1d9: {  	s21 =	rddreg [dreg:$0x11];
	[sflag:s30] =	ssyncadd.s32 $0xFFFFC180  }
0x1da: {  	[spmem:s2] =	stream.indirect.scatter.add.f32 [tilespmem:s24], [sflag:$0x3], $0x80, s21, s28, $0xb8;
	[tilespmem:$0x1D000] =	vst v63  }
0x1db: {  	_ =	swait.ge [sflag:s31], $0x3E80  }
0x1dc: {  	[sflag:s31] =	ssyncset.done $0x0  }
0x1dd: {  	s22 =	rddreg [dreg:$0x12];
	[sflag:s31] =	ssyncadd.s32 $0xFFFFC180  }
0x1de: {  	[spmem:s2] =	stream.indirect.scatter.add.f32 [tilespmem:s29], [sflag:$0x4], $0x80, s22, s28, $0xb8;
	[tilespmem:$0x1D000] =	vst v63  }
0x1df: {  	_ =	swait.ge [sflag:s1], $0x3E80  }
0x1e0: {  	[sflag:s1] =	ssyncset.done $0x0  }
0x1e1: {  	[sflag:s1] =	ssyncadd.s32 $0xFFFFC180  }
0x1e2: {  	_ =	swait.ge [sflag:s0], $0x3E80  }
0x1e3: {  	[sflag:s0] =	ssyncset.done $0x0  }
0x1e4: {  	s7 =	rddreg [dreg:$0x13];
	[sflag:s0] =	ssyncadd.s32 $0xFFFFC180  }
0x1e5: {  	[tilespmem:s24], [sflag:$0x1] =	stream.indirect.gather [hbm4b:s4+s28], $0x80, s7, s28, $0xb8;
	[tilespmem:$0x1D000] =	vst v63  }
0x1e6: {  	_ = 	snop  }
0x1e7: {  	[tilespmem:s29], [sflag:$0x2] =	stream.indirect.gather [hbm4b:s4+s28], $0x80, s6, s28, $0xb8;
	[tilespmem:$0x1D000] =	vst v63  }
0x1e8: {  	_ =	swait.ge [sflag:s30], $0x3E80  }
0x1e9: {  	[sflag:s30] =	ssyncset.done $0x0  }
0x1ea: {  	[sflag:s30] =	ssyncadd.s32 $0xFFFFC180  }
0x1eb: {  	[spmem:s2] =	stream.indirect.scatter.add.f32 [tilespmem:s24], [sflag:$0x3], $0x80, s8, s28, $0xb8;
	[tilespmem:$0x1D000] =	vst v63  }
0x1ec: {  	_ =	swait.ge [sflag:s31], $0x3E80  }
0x1ed: {  	[sflag:s31] =	ssyncset.done $0x0  }
0x1ee: {  	[sflag:s31] =	ssyncadd.s32 $0xFFFFC180  }
0x1ef: {  	[spmem:s2] =	stream.indirect.scatter.add.f32 [tilespmem:s29], [sflag:$0x4], $0x80, s9, s28, $0xb8;
	[tilespmem:$0x1D000] =	vst v63  }
0x1f0: {  	_ =	swait.ge [sflag:s1], $0x3E80  }
0x1f1: {  	[sflag:s1] =	ssyncset.done $0x0  }
0x1f2: {  	[sflag:s1] =	ssyncadd.s32 $0xFFFFC180  }
0x1f3: {  	_ =	swait.ge [sflag:s0], $0x3E80  }
0x1f4: {  	[sflag:s0] =	ssyncset.done $0x0  }
0x1f5: {  	[sflag:s0] =	ssyncadd.s32 $0xFFFFC180  }
0x1f6: {  	[tilespmem:s24], [sflag:$0x1] =	stream.indirect.gather [hbm4b:s4+s28], $0x80, s10, s28, $0xb8;
	[tilespmem:$0x1D000] =	vst v63  }
0x1f7: {  	_ = 	snop  }
0x1f8: {  	[tilespmem:s29], [sflag:$0x2] =	stream.indirect.gather [hbm4b:s4+s28], $0x80, s11, s28, $0xb8;
	[tilespmem:$0x1D000] =	vst v63  }
0x1f9: {  	_ =	swait.ge [sflag:s30], $0x3E80  }
0x1fa: {  	[sflag:s30] =	ssyncset.done $0x0  }
0x1fb: {  	[sflag:s30] =	ssyncadd.s32 $0xFFFFC180  }
0x1fc: {  	[spmem:s2] =	stream.indirect.scatter.add.f32 [tilespmem:s24], [sflag:$0x3], $0x80, s12, s28, $0xb8;
	[tilespmem:$0x1D000] =	vst v63  }
0x1fd: {  	_ =	swait.ge [sflag:s31], $0x3E80  }
0x1fe: {  	[sflag:s31] =	ssyncset.done $0x0  }
0x1ff: {  	[sflag:s31] =	ssyncadd.s32 $0xFFFFC180  }
0x200: {  	[spmem:s2] =	stream.indirect.scatter.add.f32 [tilespmem:s29], [sflag:$0x4], $0x80, s13, s28, $0xb8;
	[tilespmem:$0x1D000] =	vst v63  }
0x201: {  	_ =	swait.ge [sflag:s1], $0x3E80  }
0x202: {  	[sflag:s1] =	ssyncset.done $0x0  }
0x203: {  	[sflag:s1] =	ssyncadd.s32 $0xFFFFC180  }
0x204: {  	_ =	swait.ge [sflag:s0], $0x3E80  }
0x205: {  	[sflag:s0] =	ssyncset.done $0x0  }
0x206: {  	[sflag:s0] =	ssyncadd.s32 $0xFFFFC180  }
0x207: {  	[tilespmem:s24], [sflag:$0x1] =	stream.indirect.gather [hbm4b:s4+s28], $0x80, s14, s28, $0xb8;
	[tilespmem:$0x1D000] =	vst v63  }
0x208: {  	_ = 	snop  }
0x209: {  	[tilespmem:s29], [sflag:$0x2] =	stream.indirect.gather [hbm4b:s4+s28], $0x80, s15, s28, $0xb8;
	[tilespmem:$0x1D000] =	vst v63  }
0x20a: {  	_ =	swait.ge [sflag:s30], $0x3E80  }
0x20b: {  	[sflag:s30] =	ssyncset.done $0x0  }
0x20c: {  	[sflag:s30] =	ssyncadd.s32 $0xFFFFC180  }
0x20d: {  	[spmem:s2] =	stream.indirect.scatter.add.f32 [tilespmem:s24], [sflag:$0x3], $0x80, s16, s28, $0xb8;
	[tilespmem:$0x1D000] =	vst v63  }
0x20e: {  	_ =	swait.ge [sflag:s31], $0x3E80  }
0x20f: {  	[sflag:s31] =	ssyncset.done $0x0  }
0x210: {  	[sflag:s31] =	ssyncadd.s32 $0xFFFFC180  }
0x211: {  	[spmem:s2] =	stream.indirect.scatter.add.f32 [tilespmem:s29], [sflag:$0x4], $0x80, s17, s28, $0xb8;
	[tilespmem:$0x1D000] =	vst v63  }
0x212: {  	_ =	swait.ge [sflag:s1], $0x3E80  }
0x213: {  	[sflag:s1] =	ssyncset.done $0x0  }
0x214: {  	[sflag:s1] =	ssyncadd.s32 $0xFFFFC180  }
0x215: {  	_ =	swait.ge [sflag:s0], $0x3E80  }
0x216: {  	[sflag:s0] =	ssyncset.done $0x0  }
0x217: {  	[sflag:s0] =	ssyncadd.s32 $0xFFFFC180  }
0x218: {  	[tilespmem:s24], [sflag:$0x1] =	stream.indirect.gather [hbm4b:s4+s28], $0x80, s18, s28, $0xb8;
	[tilespmem:$0x1D000] =	vst v63  }
0x219: {  	_ = 	snop  }
0x21a: {  	[tilespmem:s29], [sflag:$0x2] =	stream.indirect.gather [hbm4b:s4+s28], $0x80, s19, s28, $0xb8;
	[tilespmem:$0x1D000] =	vst v63  }
0x21b: {  	_ =	swait.ge [sflag:s30], $0x3E80  }
0x21c: {  	[sflag:s30] =	ssyncset.done $0x0  }
0x21d: {  	[sflag:s30] =	ssyncadd.s32 $0xFFFFC180  }
0x21e: {  	[spmem:s2] =	stream.indirect.scatter.add.f32 [tilespmem:s24], [sflag:$0x3], $0x80, s20, s28, $0xb8;
	[tilespmem:$0x1D000] =	vst v63  }
0x21f: {  	_ =	swait.ge [sflag:s31], $0x3E80  }
0x220: {  	[sflag:s31] =	ssyncset.done $0x0  }
0x221: {  	s21 =	simm.s32 $0xF80;
	[sflag:s31] =	ssyncadd.s32 $0xFFFFC180  }
0x222: {  	[spmem:s2] =	stream.indirect.scatter.add.f32 [tilespmem:s29], [sflag:$0x4], $0x80, s21, s28, $0xb8;
	[tilespmem:$0x1D000] =	vst v63  }
0x223: {  	_ =	swait.ge [sflag:s1], $0x3E80  }
0x224: {  	[sflag:s1] =	ssyncset.done $0x0  }
0x225: {  	[sflag:s1] =	ssyncadd.s32 $0xFFFFC180  }
0x226: {  	_ =	swait.ge [sflag:s0], $0x3E80  }
0x227: {  	[sflag:s0] =	ssyncset.done $0x0  }
0x228: {  	[sflag:s0] =	ssyncadd.s32 $0xFFFFC180  }
0x229: {  	[bflag:$0x0] =	sbarrier.arrive $0xFFFF  }
0x22a: {  	s21 =	rddreg [dreg:$0x16]  }
0x22b: {  	[tilespmem:s24], [sflag:$0x5] =	stream.linear.gather [spmem:s21], $0x1400, $0x38;
	[tilespmem:$0x1D000] =	vst v63  }
0x22c: {  	_ =	swait.ge [sflag:s25], $0x1400  }
0x22d: {  	[sflag:s25] =	ssyncset.done $0x0  }
0x22e: {  	s22 =	sadd.s32 $0x0, s23;
	[sflag:s25] =	ssyncadd.s32 $0xFFFFEC00  }
0x22f: {  	[hbm4b:s22+s3] =	stream.linear.scatter [tilespmem:s24], [sflag:$0x5], $0x1400, $0x38;
	[tilespmem:$0x1D000] =	vst v63  }
0x230: {  	_ =	swait.ge [sflag:s25], $0x1400  }
0x231: {  	s7 =	simm.s32 $0x280;
	s22 =	smov.u32 s21;
	[sflag:s25] =	ssyncset.done $0x0  }
.LBB2_4:
0x232: {  	p0 =	sne.s32 s7, $0x2580;
	[sflag:s25] =	ssyncadd.s32 $0xFFFFEC00;
	s22 =	sadd.s32 $0x1400, s22  }
0x233: {  	[tilespmem:s24], [sflag:$0x5] =	stream.linear.gather [spmem:s22], $0x1400, $0x38;
	[tilespmem:$0x1D000] =	vst v63  }
0x234: {  	s5 =	smov.u32 s7;
	s7 =	sadd.s32 $0x280, s7;
	_ =	swait.ge [sflag:s25], $0x1400  }
.Ltmp1:
0x235: {  	[sflag:s25] =	ssyncset.done $0x0;
	(pc) =	sbr.rel @p0 .LBB2_4-.Ltmp1, $4  }
0x236: {  	s5 =	sadd.s32 s5, s23;
	[sflag:s25] =	ssyncadd.s32 $0xFFFFEC00  }
0x237: {  	[hbm4b:s5+s3] =	stream.linear.scatter [tilespmem:s24], [sflag:$0x5], $0x1400, $0x38;
	[tilespmem:$0x1D000] =	vst v63  }
0x238: {  	_ =	swait.ge [sflag:s25], $0x1400  }
0x239: {  	[sflag:s25] =	ssyncset.done $0x0  }
0x23a: {  	s7 =	sld [smem:$0x7F7];
	_ =	sdelay $0x2  }
0x23b: {  	s5 =	rddreg [dreg:$0x15];
	s7 =	sadd.s32 $0x1, s7  }
0x23c: {  	[sflag:s25] =	ssyncadd.s32 $0xFFFFEC00;
	s6 =	simm.s32 $0x480;
	p0 =	sne.s32 s7, s5  }
.Ltmp2:
0x23d: {  	s8 =	simm.s32 $0xC00;
	s9 =	simm.s32 $0xC80;
	(pc) =	sbr.rel @p0 .LBB2_1-.Ltmp2, $4  }
0x23e: {  	s10 =	simm.s32 $0x500;
	s11 =	simm.s32 $0x580;
	s12 =	simm.s32 $0xD00  }
0x23f: {  	s13 =	simm.s32 $0xD80;
	s14 =	simm.s32 $0x600;
	s15 =	simm.s32 $0x680  }
0x240: {  	s16 =	simm.s32 $0xE00;
	s17 =	simm.s32 $0xE80;
	s18 =	simm.s32 $0x700  }
0x241: {  	s19 =	simm.s32 $0x780;
	s20 =	simm.s32 $0xF00;
	s22 =	simm.s32 $0xF80  }
0x242: {  	_ =	sfence.sel $0x180000  }
0x243: {  	[bflag:$0x0] =	sbarrier.arrive $0xFFFF  }
0x244: {  	_ =	strace $0x90000050  }
0x245: {  	s0 =	stileid.u32;
	[bflag:$0x2] =	sbarrier.arrive $0xFFFF  }
0x246: {  	p0 =	sne.s32 s0, $0x0;
	s0 =	rddreg [dreg:$0x2]  }
0x247: {  	s0 =	sadd.s32 @!p0 $0x100000, s0  }
0x248: {  	[sflag:s0] =	ssyncadd.tile.s32 @!p0 $0x1;
	_ =	shalt  }
.Lfunc_end2:
_tile_overlayer_lowered:
.L_overlay_start_2:
0x249: {  	(tag) =	ssettag $0x2  }
0x24a: {  	s0 =	rddreg [dreg:$0x0];
	s2 =	stileid.u32  }
0x24b: {  	s1 =	rddreg [dreg:$0x1];
	p0 =	sne.s32 s2, $0x0  }
0x24c: {  	s3 =	rddreg [dreg:$0x2];
	[bflag:$0x3] =	sbarrier.arrive $0xFFFF;
	s2 =	simm.s32 @!p0 $0x1C05  }
0x24d: {  	[timem:s3], [sflag:s2] =	dma.local @!p0 [hbm:s0], s1  }
0x24e: {  	s0 =	simm.s32 @!p0 $0x5  }
0x24f: {  	_ =	swait.ge @!p0 [sflag:s0], s1  }
0x250: {  	s1 =	ssub.s32 @!p0 $0x0, s1;
	[sflag:s0] =	ssyncset.done @!p0 $0x0  }
0x251: {  	[sflag:s0] =	ssyncadd.s32 @!p0 s1  }
0x252: {  	[bflag:$0x3] =	sbarrier.arrive $0xFFFF  }
0x253: {  	_ =	shalt  }

</sc_bundles>
